<compile_context>
chip_gen: v7x
topology: tpu7x:2x2x1
jax: 0.10.2.dev20260603
libtpu: 0.0.44.dev20260713+nightly
codegen_flags: <defaults>
</compile_context>

<pallas_src>
import functools

import jax
import jax.numpy as jnp
from jax import lax
from jax.experimental import pallas as pl
from jax.experimental.pallas import tpu as pltpu
from jax.experimental.pallas import tpu_sc as plsc

N = 10000
E = 320000
DIM = 128
H = 8
HID = 2 * DIM

_BLK = 1000
_NC, _NS = 2, 16
_CHUNK = 40
_CPT = E // (_NC * _NS * _CHUNK)
_NPAD = 10240
_STRIPE = _NPAD // _NS


def _proj_body(x_ref, fcw_ref, fcb_ref, w24_ref, b24_ref, chaos_ref,
               xfc_ref, tsl_ref, tsv_ref):
    xfc = jnp.dot(x_ref[...], fcw_ref[...],
                  preferred_element_type=jnp.float32) + fcb_ref[...]
    xfc_ref[...] = xfc
    hv = jnp.dot(xfc, w24_ref[...],
                 preferred_element_type=jnp.float32) + b24_ref[...]
    su = hv[:, 0:8]
    sv = hv[:, 8:16]
    lap = hv[:, 16:24] + chaos_ref[...]
    zeros = jnp.zeros_like(su)
    tsl_ref[...] = jnp.concatenate([su, su, zeros, lap], axis=1)
    tsv_ref[...] = jnp.concatenate([sv, sv], axis=1)


def _project(x, fc_w, fc_b, w24, b24, chaos):
    return pl.pallas_call(
        _proj_body,
        grid=(N // _BLK,),
        in_specs=[
            pl.BlockSpec((_BLK, DIM), lambda i: (i, 0)),
            pl.BlockSpec((DIM, DIM), lambda i: (0, 0)),
            pl.BlockSpec((DIM,), lambda i: (0,)),
            pl.BlockSpec((DIM, 24), lambda i: (0, 0)),
            pl.BlockSpec((24,), lambda i: (0,)),
            pl.BlockSpec((_BLK, H), lambda i: (i, 0)),
        ],
        out_specs=[
            pl.BlockSpec((_BLK, DIM), lambda i: (i, 0)),
            pl.BlockSpec((_BLK, 32), lambda i: (i, 0)),
            pl.BlockSpec((_BLK, 16), lambda i: (i, 0)),
        ],
        out_shape=[
            jax.ShapeDtypeStruct((N, DIM), jnp.float32),
            jax.ShapeDtypeStruct((N, 32), jnp.float32),
            jax.ShapeDtypeStruct((N, 16), jnp.float32),
        ],
    )(x, fc_w, fc_b, w24, b24, chaos)


def _sc_pass1(tsl, tsv, src3d, dst3d, z32):
    mesh = plsc.VectorSubcoreMesh(core_axis_name="c", subcore_axis_name="s")

    @functools.partial(
        pl.kernel,
        mesh=mesh,
        compiler_params=pltpu.CompilerParams(use_tc_tiling_on_sc=False),
        out_type=[
            jax.ShapeDtypeStruct((_NC, _NPAD, 32), jnp.float32),
            jax.ShapeDtypeStruct((E, 16), jnp.float32),
        ],
        scratch_types=[
            pltpu.VMEM((_CPT, _CHUNK), jnp.int32),
            pltpu.VMEM((_CPT, _CHUNK), jnp.int32),
            pltpu.VMEM((_CHUNK, 32), jnp.float32),
            pltpu.VMEM((_CHUNK, 32), jnp.float32),
            pltpu.VMEM((_CHUNK, 16), jnp.float32),
            pltpu.VMEM((_CHUNK, 16), jnp.float32),
            pltpu.VMEM((_CHUNK, 32), jnp.float32),
            pltpu.VMEM((_CHUNK, 32), jnp.float32),
            pltpu.VMEM((_CHUNK, 16), jnp.float32),
            pltpu.VMEM((_CHUNK, 16), jnp.float32),
            pltpu.VMEM_SHARED((_NPAD, 32), jnp.float32),
            pltpu.SemaphoreType.DMA,
            pltpu.SemaphoreType.DMA,
            pltpu.SemaphoreType.DMA,
            pltpu.SemaphoreType.DMA,
            pltpu.SemaphoreType.DMA,
            pltpu.SemaphoreType.DMA,
        ],
    )
    def kern(tsl_hbm, tsv_hbm, src_hbm, dst_hbm, z32_hbm, accp_hbm, pb_hbm,
             sidx_all, didx_all, tslg0, tslg1, tsvg0, tsvg1, sb0, sb1,
             pbuf0, pbuf1, acc_sh, gsem0, gsem1, osem0, osem1, psem0, psem1):
        c = lax.axis_index("c")
        s = lax.axis_index("s")
        tile = c * _NS + s
        tslg = (tslg0, tslg1)
        tsvg = (tsvg0, tsvg1)
        sb = (sb0, sb1)
        pbuf = (pbuf0, pbuf1)
        gsem = (gsem0, gsem1)
        osem = (osem0, osem1)
        psem = (psem0, psem1)

        pltpu.sync_copy(src_hbm.at[tile], sidx_all)
        pltpu.sync_copy(dst_hbm.at[tile], didx_all)
        pltpu.sync_copy(z32_hbm, acc_sh.at[pl.ds(s * _STRIPE, _STRIPE)])
        lane = lax.iota(jnp.int32, 16)
        one0 = jnp.where(lane < 1, 1.0, 0.0).astype(jnp.float32)
        mask8 = lane < 8

        @pl.loop(0, _CHUNK)
        def _(r):
            sb0[r, pl.ds(16, 16)] = one0
            sb1[r, pl.ds(16, 16)] = one0

        plsc.subcore_barrier()

        def issue_in(jj, b):
            h1 = pltpu.async_copy(tsl_hbm.at[sidx_all.at[jj]], tslg[b],
                                  gsem[b])
            h2 = pltpu.async_copy(tsv_hbm.at[didx_all.at[jj]], tsvg[b],
                                  gsem[b])
            return (h1, h2)

        def issue_out(jj, b):
            row = tile * _CPT + jj
            h1 = pltpu.async_copy(sb[b], acc_sh.at[didx_all.at[jj]], osem[b],
                                  add=True)
            h2 = pltpu.async_copy(pbuf[b],
                                  pb_hbm.at[pl.ds(row * _CHUNK, _CHUNK)],
                                  psem[b])
            return (h1, h2)

        def compute(b):
            @pl.loop(0, _CHUNK, step=8)
            def _(r0):
                a = [None] * 8
                t = [None] * 8
                for u in range(8):
                    r = r0 + u
                    a0 = tslg[b][r, pl.ds(0, 16)]
                    a[u] = tslg[b][r, pl.ds(16, 16)]
                    b0 = tsvg[b][r, pl.ds(0, 16)]
                    t[u] = a0 + b0
                for u in range(8):
                    r = r0 + u
                    tt = jnp.maximum(t[u], 0.2 * t[u])
                    p = jnp.exp(tt)
                    sb[b][r, pl.ds(0, 16)] = jnp.where(mask8, p, a[u])
                    pbuf[b][r, pl.ds(0, 16)] = p

        @pl.loop(0, _CPT, step=2)
        def _(j):
            hins = [issue_in(j, 0), issue_in(j + 1, 1)]
            houts = []
            for b in range(2):
                for h in hins[b]:
                    h.wait()
                compute(b)
                houts.append(issue_out(j + b, b))
            for hs in houts:
                for h in hs:
                    h.wait()

        plsc.subcore_barrier()
        pltpu.sync_copy(acc_sh.at[pl.ds(s * _STRIPE, _STRIPE)],
                        accp_hbm.at[c].at[pl.ds(s * _STRIPE, _STRIPE)])

    return kern(tsl, tsv, src3d, dst3d, z32)


def _energy_body(a0_ref, a1_ref, tsl_ref, tde_ref):
    acc = a0_ref[...] + a1_ref[...]
    denom = acc[:, 0:8]
    nbr = acc[:, 8:16]
    indeg = acc[:, 16:17]
    lap = tsl_ref[:, 24:32]
    energy = lap - nbr / jnp.maximum(indeg, 1.0)
    rden = 1.0 / denom
    tde_ref[...] = jnp.concatenate([rden, rden, energy, energy], axis=1)


def _energy(accp, tsl):
    return pl.pallas_call(
        _energy_body,
        grid=(N // _BLK,),
        in_specs=[
            pl.BlockSpec((_BLK, 32), lambda i: (i, 0)),
            pl.BlockSpec((_BLK, 32), lambda i: (i, 0)),
            pl.BlockSpec((_BLK, 32), lambda i: (i, 0)),
        ],
        out_specs=pl.BlockSpec((_BLK, 32), lambda i: (i, 0)),
        out_shape=jax.ShapeDtypeStruct((_NPAD, 32), jnp.float32),
    )(accp[0], accp[1], tsl)


def _sc_pass2(tde, xfc, pb, src3d, dst3d, z128):
    mesh = plsc.VectorSubcoreMesh(core_axis_name="c", subcore_axis_name="s")

    @functools.partial(
        pl.kernel,
        mesh=mesh,
        compiler_params=pltpu.CompilerParams(use_tc_tiling_on_sc=False),
        out_type=jax.ShapeDtypeStruct((_NC, _NPAD, DIM), jnp.float32),
        scratch_types=[
            pltpu.VMEM((_CPT, _CHUNK), jnp.int32),
            pltpu.VMEM((_CPT, _CHUNK), jnp.int32),
            pltpu.VMEM((_CHUNK, 32), jnp.float32),
            pltpu.VMEM((_CHUNK, 32), jnp.float32),
            pltpu.VMEM((_CHUNK, 32), jnp.float32),
            pltpu.VMEM((_CHUNK, 32), jnp.float32),
            pltpu.VMEM((_CHUNK, DIM), jnp.float32),
            pltpu.VMEM((_CHUNK, DIM), jnp.float32),
            pltpu.VMEM((_CHUNK, 16), jnp.float32),
            pltpu.VMEM((_CHUNK, 16), jnp.float32),
            pltpu.VMEM_SHARED((_NPAD, DIM), jnp.float32),
            pltpu.SemaphoreType.DMA,
            pltpu.SemaphoreType.DMA,
            pltpu.SemaphoreType.DMA,
            pltpu.SemaphoreType.DMA,
            pltpu.SemaphoreType.DMA,
            pltpu.SemaphoreType.DMA,
        ],
    )
    def kern(tde_hbm, xfc_hbm, pb_hbm, src_hbm, dst_hbm, z128_hbm, msgp_hbm,
             didx_all, sidx_all, gd0, gd1, gs0, gs1, xb0, xb1,
             pbuf0, pbuf1, msg_sh, gsem0, gsem1, osem0, osem1,
             psem0, psem1):
        c = lax.axis_index("c")
        s = lax.axis_index("s")
        tile = c * _NS + s
        gd = (gd0, gd1)
        gs = (gs0, gs1)
        xb = (xb0, xb1)
        pbuf = (pbuf0, pbuf1)
        gsem = (gsem0, gsem1)
        osem = (osem0, osem1)
        psem = (psem0, psem1)

        pltpu.sync_copy(dst_hbm.at[tile], didx_all)
        pltpu.sync_copy(src_hbm.at[tile], sidx_all)
        pltpu.sync_copy(z128_hbm, msg_sh.at[pl.ds(s * _STRIPE, _STRIPE)])
        plsc.subcore_barrier()

        def issue_in(jj, b):
            row = tile * _CPT + jj
            h1 = pltpu.async_copy(tde_hbm.at[didx_all.at[jj]], gd[b], gsem[b])
            h2 = pltpu.async_copy(tde_hbm.at[sidx_all.at[jj]], gs[b], gsem[b])
            h3 = pltpu.async_copy(xfc_hbm.at[sidx_all.at[jj]], xb[b], gsem[b])
            h4 = pltpu.async_copy(pb_hbm.at[pl.ds(row * _CHUNK, _CHUNK)],
                                  pbuf[b], psem[b])
            return (h1, h2, h3, h4)

        def issue_out(jj, b):
            h = pltpu.async_copy(xb[b], msg_sh.at[didx_all.at[jj]], osem[b],
                                 add=True)
            return (h,)

        def compute(b):
            @pl.loop(0, _CHUNK, step=8)
            def _(r0):
                z = [None] * 8
                for u in range(8):
                    r = r0 + u
                    z[u] = (gd[b][r, pl.ds(16, 16)]
                            - gs[b][r, pl.ds(16, 16)])
                ms = [None] * 8
                for u in range(8):
                    r = r0 + u
                    sig = 1.0 / (1.0 + jnp.exp(-z[u]))
                    q = pbuf[b][r, pl.ds(0, 16)] * gd[b][r, pl.ds(0, 16)]
                    ms[u] = q * sig
                for kk in range(DIM // 16):
                    for u in range(8):
                        xb[b][r0 + u, pl.ds(kk * 16, 16)] = (
                            xb[b][r0 + u, pl.ds(kk * 16, 16)] * ms[u])

        @pl.loop(0, _CPT, step=2)
        def _(j):
            hins = [issue_in(j, 0), issue_in(j + 1, 1)]
            houts = []
            for b in range(2):
                for h in hins[b]:
                    h.wait()
                compute(b)
                houts.append(issue_out(j + b, b))
            for hs in houts:
                for h in hs:
                    h.wait()

        plsc.subcore_barrier()
        pltpu.sync_copy(msg_sh.at[pl.ds(s * _STRIPE, _STRIPE)],
                        msgp_hbm.at[c].at[pl.ds(s * _STRIPE, _STRIPE)])

    return kern(tde, xfc, pb, src3d, dst3d, z128)


def _ffn_body(xfc_ref, m0_ref, m1_ref, w1a_ref, w1b_ref, b1_ref, w2_ref,
              b2_ref, out_ref):
    msg = m0_ref[...] + m1_ref[...]
    h = (jnp.dot(xfc_ref[...], w1a_ref[...], preferred_element_type=jnp.float32)
         + jnp.dot(msg, w1b_ref[...], preferred_element_type=jnp.float32)
         + b1_ref[...])
    h = 0.5 * h * (1.0 + jax.lax.erf(h * 0.7071067811865476))
    out_ref[...] = jnp.dot(h, w2_ref[...],
                           preferred_element_type=jnp.float32) + b2_ref[...]


def _ffn(xfc, m0, m1, ff1_w, ff1_b, ff2_w, ff2_b):
    return pl.pallas_call(
        _ffn_body,
        grid=(N // _BLK,),
        in_specs=[
            pl.BlockSpec((_BLK, DIM), lambda i: (i, 0)),
            pl.BlockSpec((_BLK, DIM), lambda i: (i, 0)),
            pl.BlockSpec((_BLK, DIM), lambda i: (i, 0)),
            pl.BlockSpec((DIM, HID), lambda i: (0, 0)),
            pl.BlockSpec((DIM, HID), lambda i: (0, 0)),
            pl.BlockSpec((HID,), lambda i: (0,)),
            pl.BlockSpec((HID, DIM), lambda i: (0, 0)),
            pl.BlockSpec((DIM,), lambda i: (0,)),
        ],
        out_specs=pl.BlockSpec((_BLK, DIM), lambda i: (i, 0)),
        out_shape=jax.ShapeDtypeStruct((N, DIM), jnp.float32),
    )(xfc, m0, m1, ff1_w[:DIM], ff1_w[DIM:], ff1_b, ff2_w, ff2_b)


def kernel(x, edge_index, fc_w, fc_b, au_w, au_b, av_w, gl_w, gl_b,
           chaos_factor, ff1_w, ff1_b, ff2_w, ff2_b):
    src3d = edge_index[0].reshape(_NC * _NS, _CPT, _CHUNK)
    dst3d = edge_index[1].reshape(_NC * _NS, _CPT, _CHUNK)

    w24 = jnp.concatenate([au_w, av_w, gl_w], axis=1)
    b24 = jnp.concatenate([au_b, jnp.zeros((H,), jnp.float32), gl_b])
    chaos = (jax.random.normal(jax.random.key(42), (N, H), dtype=jnp.float32)
             * chaos_factor)
    z32 = jnp.zeros((_STRIPE, 32), jnp.float32)
    z128 = jnp.zeros((_STRIPE, DIM), jnp.float32)

    xfc, tsl, tsv = _project(x, fc_w, fc_b, w24, b24, chaos)
    accp, pb = _sc_pass1(tsl, tsv, src3d, dst3d, z32)
    tde = _energy(accp, tsl)
    msgp = _sc_pass2(tde, xfc, pb, src3d, dst3d, z128)
    return _ffn(xfc, msgp[0], msgp[1], ff1_w, ff1_b, ff2_w, ff2_b)

# --- scband reference (transcript-rebuilt; emitter-appended) ---
"""Pipeline reference for scband-maxwell-demon-filter-87402584473613 (READ-ONLY COPY).

The authoritative reference and input builder live on the scoring server;
editing this copy changes nothing except your own understanding.
"""

import jax, jax.numpy as jnp
import numpy as np

N = 10000
E = 320000
DIM = 128
H = 8
HD = DIM // H
HID = 2 * DIM
IN_FF = 2 * DIM  # use_combinations=False -> input_dim_multiplier=2


def setup_inputs(seed: int = 0) -> dict:
    key = jax.random.key(seed)
    ks = jax.random.split(key, 16)
    x = jax.random.normal(ks[0], (N, DIM), dtype=jnp.float32)
    edge_index = jax.random.randint(ks[1], (2, E), 0, N, dtype=jnp.int32)
    s = 1.0 / np.sqrt(DIM)
    fc_w = jax.random.normal(ks[2], (DIM, DIM), dtype=jnp.float32) * s
    fc_b = jax.random.normal(ks[3], (DIM,), dtype=jnp.float32) * s
    au_w = jax.random.normal(ks[4], (DIM, H), dtype=jnp.float32) * s
    au_b = jax.random.normal(ks[5], (H,), dtype=jnp.float32) * s
    av_w = jax.random.normal(ks[6], (DIM, H), dtype=jnp.float32) * s
    gl_w = jax.random.normal(ks[7], (DIM, H), dtype=jnp.float32) * s
    gl_b = jax.random.normal(ks[8], (H,), dtype=jnp.float32) * s
    chaos_factor = jax.random.normal(ks[9], (1,), dtype=jnp.float32) * 0.1
    s2 = 1.0 / np.sqrt(IN_FF)
    ff1_w = jax.random.normal(ks[10], (IN_FF, HID), dtype=jnp.float32) * s2
    ff1_b = jax.random.normal(ks[11], (HID,), dtype=jnp.float32) * s2
    s3 = 1.0 / np.sqrt(HID)
    ff2_w = jax.random.normal(ks[12], (HID, DIM), dtype=jnp.float32) * s3
    ff2_b = jax.random.normal(ks[13], (DIM,), dtype=jnp.float32) * s3
    return {
        'x': x, 'edge_index': edge_index,
        'fc_w': fc_w, 'fc_b': fc_b,
        'au_w': au_w, 'au_b': au_b, 'av_w': av_w,
        'gl_w': gl_w, 'gl_b': gl_b, 'chaos_factor': chaos_factor,
        'ff1_w': ff1_w, 'ff1_b': ff1_b, 'ff2_w': ff2_w, 'ff2_b': ff2_b,
    }


def reference(x, edge_index, fc_w, fc_b, au_w, au_b, av_w, gl_w, gl_b,
              chaos_factor, ff1_w, ff1_b, ff2_w, ff2_b):
    src = edge_index[0]
    dst = edge_index[1]
    n = x.shape[0]

    # x = self.fc(x)
    x = x @ fc_w + fc_b

    # attention scores: u_add_v then LeakyReLU, then edge_softmax over dst
    su = x @ au_w + au_b            # [N, H]
    sv = x @ av_w                   # [N, H] (no bias)
    scores = su[src] + sv[dst]      # [E, H]
    scores = jax.nn.leaky_relu(scores, negative_slope=0.2)
    smax = jax.ops.segment_max(scores, dst, num_segments=n)
    shifted = scores - smax[dst]
    unnorm = jnp.exp(shifted)
    denom = jax.ops.segment_sum(unnorm, dst, num_segments=n)
    attn_probs = unnorm / denom[dst]

    # use_filters == True: Maxwell demon energy filter
    laplace = x @ gl_w + gl_b       # [N, H]
    chaos = jax.random.normal(jax.random.key(42), laplace.shape, dtype=laplace.dtype) * chaos_factor
    laplace = laplace + chaos
    nbr_sum = jax.ops.segment_sum(laplace[src], dst, num_segments=n)
    indeg = jax.ops.segment_sum(jnp.ones((src.shape[0],), dtype=laplace.dtype), dst, num_segments=n)
    nbr_avg = nbr_sum / jnp.maximum(indeg, 1.0)[:, None]   # copy_u_mean
    energy = laplace - nbr_avg
    filt = jax.nn.sigmoid(energy[dst] - energy[src])        # [E, H]
    attn_probs = attn_probs * filt

    # message = u_mul_e_sum(graph, x.reshape(-1, head_dim, num_heads), attn_probs)
    xr = x.reshape(-1, HD, H)
    message = jax.ops.segment_sum(xr[src] * attn_probs[:, None, :], dst, num_segments=n)

    # use_combinations == False
    x2 = xr.reshape(-1, DIM)
    message = message.reshape(-1, DIM)
    h = jnp.concatenate([x2, message], axis=1)  # [N, 2*DIM]

    # FeedForwardModule (dropout p=0 -> identity)
    h = h @ ff1_w + ff1_b
    h = jax.nn.gelu(h, approximate=False)
    h = h @ ff2_w + ff2_b
    return h

if __name__ == "__main__":
    import jax
    _d = setup_inputs()
    print(jax.jit(kernel)(*tuple(_d.values())))

</pallas_src>

<mosaic_0001>
#map = affine_map<(d0, d1) -> (0, 0)>
#map1 = affine_map<(d0, d1) -> (0, 0, 0)>
module attributes {stable_mosaic.version = 14 : i64} {
  func.func @kern(%arg0: i32, %arg1: i32, %arg2: memref<10240x32xf32, #tpu.memory_space<hbm>>, %arg3: memref<10000x128xf32, #tpu.memory_space<hbm>>, %arg4: memref<320000x16xf32, #tpu.memory_space<hbm>>, %arg5: memref<32x250x40xi32, #tpu.memory_space<hbm>>, %arg6: memref<32x250x40xi32, #tpu.memory_space<hbm>>, %arg7: memref<640x128xf32, #tpu.memory_space<hbm>>, %arg8: memref<2x10240x128xf32, #tpu.memory_space<hbm>>, %arg9: memref<250x40xi32, #tpu.memory_space<vmem>>, %arg10: memref<250x40xi32, #tpu.memory_space<vmem>>, %arg11: memref<40x32xf32, #tpu.memory_space<vmem>>, %arg12: memref<40x32xf32, #tpu.memory_space<vmem>>, %arg13: memref<40x32xf32, #tpu.memory_space<vmem>>, %arg14: memref<40x32xf32, #tpu.memory_space<vmem>>, %arg15: memref<40x128xf32, #tpu.memory_space<vmem>>, %arg16: memref<40x128xf32, #tpu.memory_space<vmem>>, %arg17: memref<40x16xf32, #tpu.memory_space<vmem>>, %arg18: memref<40x16xf32, #tpu.memory_space<vmem>>, %arg19: memref<10240x128xf32, #tpu.memory_space<vmem_shared>>, %arg20: memref<!tpu.dma_semaphore, #tpu.memory_space<semaphore_mem>>, %arg21: memref<!tpu.dma_semaphore, #tpu.memory_space<semaphore_mem>>, %arg22: memref<!tpu.dma_semaphore, #tpu.memory_space<semaphore_mem>>, %arg23: memref<!tpu.dma_semaphore, #tpu.memory_space<semaphore_mem>>, %arg24: memref<!tpu.dma_semaphore, #tpu.memory_space<semaphore_mem>>, %arg25: memref<!tpu.dma_semaphore, #tpu.memory_space<semaphore_mem>>) attributes {dimension_semantics = [#tpu.dimension_semantics<core_parallel>, #tpu.dimension_semantics<subcore_parallel>], iteration_bounds = array<i64: 2, 16>, scalar_prefetch = 0 : i64, scratch_operands = 17 : i64, tpu.core_type = #tpu.core_type<sc_vector_subcore>, window_params = [{transform_indices = #map}, {transform_indices = #map}, {transform_indices = #map}, {transform_indices = #map1}, {transform_indices = #map1}, {transform_indices = #map}, {transform_indices = #map1}]} {
    %mul3A = arith.constant 16 : i32
    %mul3A_0 = arith.muli %arg0, %mul3A : i32
    %add3A = arith.addi %mul3A_0, %arg1 : i32
    "tpu.region"() ({
      %run_scoped3A = tpu.sem_alloc : memref<!tpu.dma_semaphore, #tpu.memory_space<semaphore_mem>>
      %dma_start3A = arith.constant 0 : i32
      %dma_start3A_12 = arith.constant 0 : i32
      %dma_start3A_13 = tpu.memref_slice %arg6[%add3A, %dma_start3A, %dma_start3A_12] : memref<32x250x40xi32, #tpu.memory_space<hbm>> -> memref<1x250x40xi32, #tpu.memory_space<hbm>>
      %dma_start3A_14 = tpu.memref_squeeze %dma_start3A_13 : memref<1x250x40xi32, #tpu.memory_space<hbm>> -> memref<250x40xi32, #tpu.memory_space<hbm>>
      %dma_start3A_15 = arith.constant 0 : i32
      %dma_start3A_16 = arith.constant 0 : i32
      %dma_start3A_17 = tpu.memref_slice %arg6[%add3A, %dma_start3A_15, %dma_start3A_16] : memref<32x250x40xi32, #tpu.memory_space<hbm>> -> memref<1x250x40xi32, #tpu.memory_space<hbm>>
      %dma_start3A_18 = tpu.memref_squeeze %dma_start3A_17 : memref<1x250x40xi32, #tpu.memory_space<hbm>> -> memref<250x40xi32, #tpu.memory_space<hbm>>
      tpu.enqueue_dma source(%dma_start3A_18 : memref<250x40xi32, #tpu.memory_space<hbm>>) target(%arg9 : memref<250x40xi32, #tpu.memory_space<vmem>>) target_semaphore(%run_scoped3A : memref<!tpu.dma_semaphore, #tpu.memory_space<semaphore_mem>>)
      %dma_wait3A = arith.constant 0 : i32
      %dma_wait3A_19 = arith.constant 0 : i32
      %dma_wait3A_20 = tpu.memref_slice %arg6[%add3A, %dma_wait3A, %dma_wait3A_19] : memref<32x250x40xi32, #tpu.memory_space<hbm>> -> memref<1x250x40xi32, #tpu.memory_space<hbm>>
      %dma_wait3A_21 = tpu.memref_squeeze %dma_wait3A_20 : memref<1x250x40xi32, #tpu.memory_space<hbm>> -> memref<250x40xi32, #tpu.memory_space<hbm>>
      %dma_wait3A_22 = arith.constant 0 : i32
      %dma_wait3A_23 = arith.constant 0 : i32
      %dma_wait3A_24 = tpu.memref_slice %arg6[%add3A, %dma_wait3A_22, %dma_wait3A_23] : memref<32x250x40xi32, #tpu.memory_space<hbm>> -> memref<1x250x40xi32, #tpu.memory_space<hbm>>
      %dma_wait3A_25 = tpu.memref_squeeze %dma_wait3A_24 : memref<1x250x40xi32, #tpu.memory_space<hbm>> -> memref<250x40xi32, #tpu.memory_space<hbm>>
      tpu.wait_dma2 semaphore(%run_scoped3A : memref<!tpu.dma_semaphore, #tpu.memory_space<semaphore_mem>>) src(%dma_wait3A_25 : memref<250x40xi32, #tpu.memory_space<hbm>>) dst(%arg9 : memref<250x40xi32, #tpu.memory_space<vmem>>)
      tpu.yield
    }) : () -> ()
    "tpu.region"() ({
      %run_scoped3A = tpu.sem_alloc : memref<!tpu.dma_semaphore, #tpu.memory_space<semaphore_mem>>
      %dma_start3A = arith.constant 0 : i32
      %dma_start3A_12 = arith.constant 0 : i32
      %dma_start3A_13 = tpu.memref_slice %arg5[%add3A, %dma_start3A, %dma_start3A_12] : memref<32x250x40xi32, #tpu.memory_space<hbm>> -> memref<1x250x40xi32, #tpu.memory_space<hbm>>
      %dma_start3A_14 = tpu.memref_squeeze %dma_start3A_13 : memref<1x250x40xi32, #tpu.memory_space<hbm>> -> memref<250x40xi32, #tpu.memory_space<hbm>>
      %dma_start3A_15 = arith.constant 0 : i32
      %dma_start3A_16 = arith.constant 0 : i32
      %dma_start3A_17 = tpu.memref_slice %arg5[%add3A, %dma_start3A_15, %dma_start3A_16] : memref<32x250x40xi32, #tpu.memory_space<hbm>> -> memref<1x250x40xi32, #tpu.memory_space<hbm>>
      %dma_start3A_18 = tpu.memref_squeeze %dma_start3A_17 : memref<1x250x40xi32, #tpu.memory_space<hbm>> -> memref<250x40xi32, #tpu.memory_space<hbm>>
      tpu.enqueue_dma source(%dma_start3A_18 : memref<250x40xi32, #tpu.memory_space<hbm>>) target(%arg10 : memref<250x40xi32, #tpu.memory_space<vmem>>) target_semaphore(%run_scoped3A : memref<!tpu.dma_semaphore, #tpu.memory_space<semaphore_mem>>)
      %dma_wait3A = arith.constant 0 : i32
      %dma_wait3A_19 = arith.constant 0 : i32
      %dma_wait3A_20 = tpu.memref_slice %arg5[%add3A, %dma_wait3A, %dma_wait3A_19] : memref<32x250x40xi32, #tpu.memory_space<hbm>> -> memref<1x250x40xi32, #tpu.memory_space<hbm>>
      %dma_wait3A_21 = tpu.memref_squeeze %dma_wait3A_20 : memref<1x250x40xi32, #tpu.memory_space<hbm>> -> memref<250x40xi32, #tpu.memory_space<hbm>>
      %dma_wait3A_22 = arith.constant 0 : i32
      %dma_wait3A_23 = arith.constant 0 : i32
      %dma_wait3A_24 = tpu.memref_slice %arg5[%add3A, %dma_wait3A_22, %dma_wait3A_23] : memref<32x250x40xi32, #tpu.memory_space<hbm>> -> memref<1x250x40xi32, #tpu.memory_space<hbm>>
      %dma_wait3A_25 = tpu.memref_squeeze %dma_wait3A_24 : memref<1x250x40xi32, #tpu.memory_space<hbm>> -> memref<250x40xi32, #tpu.memory_space<hbm>>
      tpu.wait_dma2 semaphore(%run_scoped3A : memref<!tpu.dma_semaphore, #tpu.memory_space<semaphore_mem>>) src(%dma_wait3A_25 : memref<250x40xi32, #tpu.memory_space<hbm>>) dst(%arg10 : memref<250x40xi32, #tpu.memory_space<vmem>>)
      tpu.yield
    }) : () -> ()
    %mul3A_1 = arith.constant 640 : i32
    %mul3A_2 = arith.muli %arg1, %mul3A_1 : i32
    "tpu.region"() ({
      %run_scoped3A = tpu.sem_alloc : memref<!tpu.dma_semaphore, #tpu.memory_space<semaphore_mem>>
      %dma_start3A = arith.constant 0 : i32
      %dma_start3A_12 = tpu.memref_slice %arg19[%mul3A_2, %dma_start3A] : memref<10240x128xf32, #tpu.memory_space<vmem_shared>> -> memref<640x128xf32, #tpu.memory_space<vmem_shared>>
      tpu.enqueue_dma source(%arg7 : memref<640x128xf32, #tpu.memory_space<hbm>>) target(%dma_start3A_12 : memref<640x128xf32, #tpu.memory_space<vmem_shared>>) target_semaphore(%run_scoped3A : memref<!tpu.dma_semaphore, #tpu.memory_space<semaphore_mem>>)
      %dma_wait3A = arith.constant 0 : i32
      %dma_wait3A_13 = tpu.memref_slice %arg19[%mul3A_2, %dma_wait3A] : memref<10240x128xf32, #tpu.memory_space<vmem_shared>> -> memref<640x128xf32, #tpu.memory_space<vmem_shared>>
      tpu.wait_dma2 semaphore(%run_scoped3A : memref<!tpu.dma_semaphore, #tpu.memory_space<semaphore_mem>>) src(%arg7 : memref<640x128xf32, #tpu.memory_space<hbm>>) dst(%dma_wait3A_13 : memref<640x128xf32, #tpu.memory_space<vmem_shared>>)
      tpu.yield
    }) : () -> ()
    %barrier3A = arith.constant 0 : index
    tpu.barrier barrier_id(%barrier3A)
    %scan3A = arith.constant 0 : i32
    %scan3A_3 = arith.constant 125 : i32
    %scan3A_4 = arith.addi %scan3A, %scan3A_3 : i32
    %scan3A_5 = arith.constant 1 : i32
    scf.for %scan3A_12 = %scan3A to %scan3A_4 step %scan3A_5  : i32 {
      %mul3A_13 = arith.constant 2 : i32
      %mul3A_14 = arith.muli %scan3A_12, %mul3A_13 : i32
      %add3A_15 = arith.constant 0 : i32
      %add3A_16 = arith.addi %add3A_15, %mul3A_14 : i32
      %mul3A_17 = arith.constant 250 : i32
      %mul3A_18 = arith.muli %add3A, %mul3A_17 : i32
      %add3A_19 = arith.addi %mul3A_18, %add3A_16 : i32
      %dma_start3A = arith.constant 0 : i32
      %dma_start3A_20 = tpu.memref_slice %arg9[%add3A_16, %dma_start3A] : memref<250x40xi32, #tpu.memory_space<vmem>> -> memref<1x40xi32, #tpu.memory_space<vmem>>
      %dma_start3A_21 = tpu.memref_squeeze %dma_start3A_20 : memref<1x40xi32, #tpu.memory_space<vmem>> -> memref<40xi32, #tpu.memory_space<vmem>>
      %dma_start3A_22 = arith.constant 0 : i32
      %dma_start3A_23 = arith.constant 0 : i32
      %dma_start3A_24 = tpu.memref_slice %arg2[%dma_start3A_22, %dma_start3A_23] : memref<10240x32xf32, #tpu.memory_space<hbm>> -> memref<10240x32xf32, #tpu.memory_space<hbm>>
      tpu.enqueue_indirect_dma source(%dma_start3A_24 : memref<10240x32xf32, #tpu.memory_space<hbm>>) target(%arg11 : memref<40x32xf32, #tpu.memory_space<vmem>>) offsets(%dma_start3A_21 : memref<40xi32, #tpu.memory_space<vmem>>) semaphore(%arg20 : memref<!tpu.dma_semaphore, #tpu.memory_space<semaphore_mem>>)
      %dma_start3A_25 = arith.constant 0 : i32
      %dma_start3A_26 = tpu.memref_slice %arg10[%add3A_16, %dma_start3A_25] : memref<250x40xi32, #tpu.memory_space<vmem>> -> memref<1x40xi32, #tpu.memory_space<vmem>>
      %dma_start3A_27 = tpu.memref_squeeze %dma_start3A_26 : memref<1x40xi32, #tpu.memory_space<vmem>> -> memref<40xi32, #tpu.memory_space<vmem>>
      %dma_start3A_28 = arith.constant 0 : i32
      %dma_start3A_29 = arith.constant 0 : i32
      %dma_start3A_30 = tpu.memref_slice %arg2[%dma_start3A_28, %dma_start3A_29] : memref<10240x32xf32, #tpu.memory_space<hbm>> -> memref<10240x32xf32, #tpu.memory_space<hbm>>
      tpu.enqueue_indirect_dma source(%dma_start3A_30 : memref<10240x32xf32, #tpu.memory_space<hbm>>) target(%arg13 : memref<40x32xf32, #tpu.memory_space<vmem>>) offsets(%dma_start3A_27 : memref<40xi32, #tpu.memory_space<vmem>>) semaphore(%arg20 : memref<!tpu.dma_semaphore, #tpu.memory_space<semaphore_mem>>)
      %dma_start3A_31 = arith.constant 0 : i32
      %dma_start3A_32 = tpu.memref_slice %arg10[%add3A_16, %dma_start3A_31] : memref<250x40xi32, #tpu.memory_space<vmem>> -> memref<1x40xi32, #tpu.memory_space<vmem>>
      %dma_start3A_33 = tpu.memref_squeeze %dma_start3A_32 : memref<1x40xi32, #tpu.memory_space<vmem>> -> memref<40xi32, #tpu.memory_space<vmem>>
      %dma_start3A_34 = arith.constant 0 : i32
      %dma_start3A_35 = arith.constant 0 : i32
      %dma_start3A_36 = tpu.memref_slice %arg3[%dma_start3A_34, %dma_start3A_35] : memref<10000x128xf32, #tpu.memory_space<hbm>> -> memref<10000x128xf32, #tpu.memory_space<hbm>>
      tpu.enqueue_indirect_dma source(%dma_start3A_36 : memref<10000x128xf32, #tpu.memory_space<hbm>>) target(%arg15 : memref<40x128xf32, #tpu.memory_space<vmem>>) offsets(%dma_start3A_33 : memref<40xi32, #tpu.memory_space<vmem>>) semaphore(%arg20 : memref<!tpu.dma_semaphore, #tpu.memory_space<semaphore_mem>>)
      %mul3A_37 = arith.constant 40 : i32
      %mul3A_38 = arith.muli %add3A_19, %mul3A_37 : i32
      %dma_start3A_39 = arith.constant 0 : i32
      %dma_start3A_40 = tpu.memref_slice %arg4[%mul3A_38, %dma_start3A_39] : memref<320000x16xf32, #tpu.memory_space<hbm>> -> memref<40x16xf32, #tpu.memory_space<hbm>>
      %dma_start3A_41 = arith.constant 0 : i32
      %dma_start3A_42 = tpu.memref_slice %arg4[%mul3A_38, %dma_start3A_41] : memref<320000x16xf32, #tpu.memory_space<hbm>> -> memref<40x16xf32, #tpu.memory_space<hbm>>
      tpu.enqueue_dma source(%dma_start3A_42 : memref<40x16xf32, #tpu.memory_space<hbm>>) target(%arg17 : memref<40x16xf32, #tpu.memory_space<vmem>>) target_semaphore(%arg24 : memref<!tpu.dma_semaphore, #tpu.memory_space<semaphore_mem>>)
      %add3A_43 = arith.constant 1 : i32
      %add3A_44 = arith.addi %add3A_16, %add3A_43 : i32
      %mul3A_45 = arith.constant 250 : i32
      %mul3A_46 = arith.muli %add3A, %mul3A_45 : i32
      %add3A_47 = arith.addi %mul3A_46, %add3A_44 : i32
      %dma_start3A_48 = arith.constant 0 : i32
      %dma_start3A_49 = tpu.memref_slice %arg9[%add3A_44, %dma_start3A_48] : memref<250x40xi32, #tpu.memory_space<vmem>> -> memref<1x40xi32, #tpu.memory_space<vmem>>
      %dma_start3A_50 = tpu.memref_squeeze %dma_start3A_49 : memref<1x40xi32, #tpu.memory_space<vmem>> -> memref<40xi32, #tpu.memory_space<vmem>>
      %dma_start3A_51 = arith.constant 0 : i32
      %dma_start3A_52 = arith.constant 0 : i32
      %dma_start3A_53 = tpu.memref_slice %arg2[%dma_start3A_51, %dma_start3A_52] : memref<10240x32xf32, #tpu.memory_space<hbm>> -> memref<10240x32xf32, #tpu.memory_space<hbm>>
      tpu.enqueue_indirect_dma source(%dma_start3A_53 : memref<10240x32xf32, #tpu.memory_space<hbm>>) target(%arg12 : memref<40x32xf32, #tpu.memory_space<vmem>>) offsets(%dma_start3A_50 : memref<40xi32, #tpu.memory_space<vmem>>) semaphore(%arg21 : memref<!tpu.dma_semaphore, #tpu.memory_space<semaphore_mem>>)
      %dma_start3A_54 = arith.constant 0 : i32
      %dma_start3A_55 = tpu.memref_slice %arg10[%add3A_44, %dma_start3A_54] : memref<250x40xi32, #tpu.memory_space<vmem>> -> memref<1x40xi32, #tpu.memory_space<vmem>>
      %dma_start3A_56 = tpu.memref_squeeze %dma_start3A_55 : memref<1x40xi32, #tpu.memory_space<vmem>> -> memref<40xi32, #tpu.memory_space<vmem>>
      %dma_start3A_57 = arith.constant 0 : i32
      %dma_start3A_58 = arith.constant 0 : i32
      %dma_start3A_59 = tpu.memref_slice %arg2[%dma_start3A_57, %dma_start3A_58] : memref<10240x32xf32, #tpu.memory_space<hbm>> -> memref<10240x32xf32, #tpu.memory_space<hbm>>
      tpu.enqueue_indirect_dma source(%dma_start3A_59 : memref<10240x32xf32, #tpu.memory_space<hbm>>) target(%arg14 : memref<40x32xf32, #tpu.memory_space<vmem>>) offsets(%dma_start3A_56 : memref<40xi32, #tpu.memory_space<vmem>>) semaphore(%arg21 : memref<!tpu.dma_semaphore, #tpu.memory_space<semaphore_mem>>)
      %dma_start3A_60 = arith.constant 0 : i32
      %dma_start3A_61 = tpu.memref_slice %arg10[%add3A_44, %dma_start3A_60] : memref<250x40xi32, #tpu.memory_space<vmem>> -> memref<1x40xi32, #tpu.memory_space<vmem>>
      %dma_start3A_62 = tpu.memref_squeeze %dma_start3A_61 : memref<1x40xi32, #tpu.memory_space<vmem>> -> memref<40xi32, #tpu.memory_space<vmem>>
      %dma_start3A_63 = arith.constant 0 : i32
      %dma_start3A_64 = arith.constant 0 : i32
      %dma_start3A_65 = tpu.memref_slice %arg3[%dma_start3A_63, %dma_start3A_64] : memref<10000x128xf32, #tpu.memory_space<hbm>> -> memref<10000x128xf32, #tpu.memory_space<hbm>>
      tpu.enqueue_indirect_dma source(%dma_start3A_65 : memref<10000x128xf32, #tpu.memory_space<hbm>>) target(%arg16 : memref<40x128xf32, #tpu.memory_space<vmem>>) offsets(%dma_start3A_62 : memref<40xi32, #tpu.memory_space<vmem>>) semaphore(%arg21 : memref<!tpu.dma_semaphore, #tpu.memory_space<semaphore_mem>>)
      %mul3A_66 = arith.constant 40 : i32
      %mul3A_67 = arith.muli %add3A_47, %mul3A_66 : i32
      %dma_start3A_68 = arith.constant 0 : i32
      %dma_start3A_69 = tpu.memref_slice %arg4[%mul3A_67, %dma_start3A_68] : memref<320000x16xf32, #tpu.memory_space<hbm>> -> memref<40x16xf32, #tpu.memory_space<hbm>>
      %dma_start3A_70 = arith.constant 0 : i32
      %dma_start3A_71 = tpu.memref_slice %arg4[%mul3A_67, %dma_start3A_70] : memref<320000x16xf32, #tpu.memory_space<hbm>> -> memref<40x16xf32, #tpu.memory_space<hbm>>
      tpu.enqueue_dma source(%dma_start3A_71 : memref<40x16xf32, #tpu.memory_space<hbm>>) target(%arg18 : memref<40x16xf32, #tpu.memory_space<vmem>>) target_semaphore(%arg25 : memref<!tpu.dma_semaphore, #tpu.memory_space<semaphore_mem>>)
      %dma_wait3A = arith.constant 0 : i32
      %dma_wait3A_72 = tpu.memref_slice %arg9[%add3A_16, %dma_wait3A] : memref<250x40xi32, #tpu.memory_space<vmem>> -> memref<1x40xi32, #tpu.memory_space<vmem>>
      %dma_wait3A_73 = tpu.memref_squeeze %dma_wait3A_72 : memref<1x40xi32, #tpu.memory_space<vmem>> -> memref<40xi32, #tpu.memory_space<vmem>>
      %dma_wait3A_74 = arith.constant 0 : i32
      %dma_wait3A_75 = arith.constant 0 : i32
      %dma_wait3A_76 = tpu.memref_slice %arg2[%dma_wait3A_74, %dma_wait3A_75] : memref<10240x32xf32, #tpu.memory_space<hbm>> -> memref<10240x32xf32, #tpu.memory_space<hbm>>
      tpu.wait_indirect_dma semaphore(%arg20 : memref<!tpu.dma_semaphore, #tpu.memory_space<semaphore_mem>>) src(%dma_wait3A_76 : memref<10240x32xf32, #tpu.memory_space<hbm>>) dst(%arg11 : memref<40x32xf32, #tpu.memory_space<vmem>>)
      %dma_wait3A_77 = arith.constant 0 : i32
      %dma_wait3A_78 = tpu.memref_slice %arg10[%add3A_16, %dma_wait3A_77] : memref<250x40xi32, #tpu.memory_space<vmem>> -> memref<1x40xi32, #tpu.memory_space<vmem>>
      %dma_wait3A_79 = tpu.memref_squeeze %dma_wait3A_78 : memref<1x40xi32, #tpu.memory_space<vmem>> -> memref<40xi32, #tpu.memory_space<vmem>>
      %dma_wait3A_80 = arith.constant 0 : i32
      %dma_wait3A_81 = arith.constant 0 : i32
      %dma_wait3A_82 = tpu.memref_slice %arg2[%dma_wait3A_80, %dma_wait3A_81] : memref<10240x32xf32, #tpu.memory_space<hbm>> -> memref<10240x32xf32, #tpu.memory_space<hbm>>
      tpu.wait_indirect_dma semaphore(%arg20 : memref<!tpu.dma_semaphore, #tpu.memory_space<semaphore_mem>>) src(%dma_wait3A_82 : memref<10240x32xf32, #tpu.memory_space<hbm>>) dst(%arg13 : memref<40x32xf32, #tpu.memory_space<vmem>>)
      %dma_wait3A_83 = arith.constant 0 : i32
      %dma_wait3A_84 = tpu.memref_slice %arg10[%add3A_16, %dma_wait3A_83] : memref<250x40xi32, #tpu.memory_space<vmem>> -> memref<1x40xi32, #tpu.memory_space<vmem>>
      %dma_wait3A_85 = tpu.memref_squeeze %dma_wait3A_84 : memref<1x40xi32, #tpu.memory_space<vmem>> -> memref<40xi32, #tpu.memory_space<vmem>>
      %dma_wait3A_86 = arith.constant 0 : i32
      %dma_wait3A_87 = arith.constant 0 : i32
      %dma_wait3A_88 = tpu.memref_slice %arg3[%dma_wait3A_86, %dma_wait3A_87] : memref<10000x128xf32, #tpu.memory_space<hbm>> -> memref<10000x128xf32, #tpu.memory_space<hbm>>
      tpu.wait_indirect_dma semaphore(%arg20 : memref<!tpu.dma_semaphore, #tpu.memory_space<semaphore_mem>>) src(%dma_wait3A_88 : memref<10000x128xf32, #tpu.memory_space<hbm>>) dst(%arg15 : memref<40x128xf32, #tpu.memory_space<vmem>>)
      %dma_wait3A_89 = arith.constant 0 : i32
      %dma_wait3A_90 = tpu.memref_slice %arg4[%mul3A_38, %dma_wait3A_89] : memref<320000x16xf32, #tpu.memory_space<hbm>> -> memref<40x16xf32, #tpu.memory_space<hbm>>
      %dma_wait3A_91 = arith.constant 0 : i32
      %dma_wait3A_92 = tpu.memref_slice %arg4[%mul3A_38, %dma_wait3A_91] : memref<320000x16xf32, #tpu.memory_space<hbm>> -> memref<40x16xf32, #tpu.memory_space<hbm>>
      tpu.wait_dma2 semaphore(%arg24 : memref<!tpu.dma_semaphore, #tpu.memory_space<semaphore_mem>>) src(%dma_wait3A_92 : memref<40x16xf32, #tpu.memory_space<hbm>>) dst(%arg17 : memref<40x16xf32, #tpu.memory_space<vmem>>)
      %scan3A_93 = arith.constant 0 : i32
      %scan3A_94 = arith.constant 5 : i32
      %scan3A_95 = arith.addi %scan3A_93, %scan3A_94 : i32
      %scan3A_96 = arith.constant 1 : i32
      scf.for %scan3A_153 = %scan3A_93 to %scan3A_95 step %scan3A_96  : i32 {
        %mul3A_154 = arith.constant 8 : i32
        %mul3A_155 = arith.muli %scan3A_153, %mul3A_154 : i32
        %add3A_156 = arith.constant 0 : i32
        %add3A_157 = arith.addi %add3A_156, %mul3A_155 : i32
        %add3A_158 = arith.constant 0 : i32
        %add3A_159 = arith.addi %add3A_157, %add3A_158 : i32
        %get3A = arith.index_cast %add3A_159 : i32 to index
        %get3A_160 = arith.constant 16 : index
        %get3A_161 = tpu.vector_load %arg11[%get3A, %get3A_160] {strides = array<i32>} : memref<40x32xf32, #tpu.memory_space<vmem>>, vector<1x16xf32>,
        %get3A_162 = vector.shape_cast %get3A_161 : vector<1x16xf32> to vector<16xf32>
        %get3A_163 = arith.index_cast %add3A_159 : i32 to index
        %get3A_164 = arith.constant 16 : index
        %get3A_165 = tpu.vector_load %arg13[%get3A_163, %get3A_164] {strides = array<i32>} : memref<40x32xf32, #tpu.memory_space<vmem>>, vector<1x16xf32>,
        %get3A_166 = vector.shape_cast %get3A_165 : vector<1x16xf32> to vector<16xf32>
        %sub3A = arith.subf %get3A_162, %get3A_166 : vector<16xf32>
        %add3A_167 = arith.constant 1 : i32
        %add3A_168 = arith.addi %add3A_157, %add3A_167 : i32
        %get3A_169 = arith.index_cast %add3A_168 : i32 to index
        %get3A_170 = arith.constant 16 : index
        %get3A_171 = tpu.vector_load %arg11[%get3A_169, %get3A_170] {strides = array<i32>} : memref<40x32xf32, #tpu.memory_space<vmem>>, vector<1x16xf32>,
        %get3A_172 = vector.shape_cast %get3A_171 : vector<1x16xf32> to vector<16xf32>
        %get3A_173 = arith.index_cast %add3A_168 : i32 to index
        %get3A_174 = arith.constant 16 : index
        %get3A_175 = tpu.vector_load %arg13[%get3A_173, %get3A_174] {strides = array<i32>} : memref<40x32xf32, #tpu.memory_space<vmem>>, vector<1x16xf32>,
        %get3A_176 = vector.shape_cast %get3A_175 : vector<1x16xf32> to vector<16xf32>
        %sub3A_177 = arith.subf %get3A_172, %get3A_176 : vector<16xf32>
        %add3A_178 = arith.constant 2 : i32
        %add3A_179 = arith.addi %add3A_157, %add3A_178 : i32
        %get3A_180 = arith.index_cast %add3A_179 : i32 to index
        %get3A_181 = arith.constant 16 : index
        %get3A_182 = tpu.vector_load %arg11[%get3A_180, %get3A_181] {strides = array<i32>} : memref<40x32xf32, #tpu.memory_space<vmem>>, vector<1x16xf32>,
        %get3A_183 = vector.shape_cast %get3A_182 : vector<1x16xf32> to vector<16xf32>
        %get3A_184 = arith.index_cast %add3A_179 : i32 to index
        %get3A_185 = arith.constant 16 : index
        %get3A_186 = tpu.vector_load %arg13[%get3A_184, %get3A_185] {strides = array<i32>} : memref<40x32xf32, #tpu.memory_space<vmem>>, vector<1x16xf32>,
        %get3A_187 = vector.shape_cast %get3A_186 : vector<1x16xf32> to vector<16xf32>
        %sub3A_188 = arith.subf %get3A_183, %get3A_187 : vector<16xf32>
        %add3A_189 = arith.constant 3 : i32
        %add3A_190 = arith.addi %add3A_157, %add3A_189 : i32
        %get3A_191 = arith.index_cast %add3A_190 : i32 to index
        %get3A_192 = arith.constant 16 : index
        %get3A_193 = tpu.vector_load %arg11[%get3A_191, %get3A_192] {strides = array<i32>} : memref<40x32xf32, #tpu.memory_space<vmem>>, vector<1x16xf32>,
        %get3A_194 = vector.shape_cast %get3A_193 : vector<1x16xf32> to vector<16xf32>
        %get3A_195 = arith.index_cast %add3A_190 : i32 to index
        %get3A_196 = arith.constant 16 : index
        %get3A_197 = tpu.vector_load %arg13[%get3A_195, %get3A_196] {strides = array<i32>} : memref<40x32xf32, #tpu.memory_space<vmem>>, vector<1x16xf32>,
        %get3A_198 = vector.shape_cast %get3A_197 : vector<1x16xf32> to vector<16xf32>
        %sub3A_199 = arith.subf %get3A_194, %get3A_198 : vector<16xf32>
        %add3A_200 = arith.constant 4 : i32
        %add3A_201 = arith.addi %add3A_157, %add3A_200 : i32
        %get3A_202 = arith.index_cast %add3A_201 : i32 to index
        %get3A_203 = arith.constant 16 : index
        %get3A_204 = tpu.vector_load %arg11[%get3A_202, %get3A_203] {strides = array<i32>} : memref<40x32xf32, #tpu.memory_space<vmem>>, vector<1x16xf32>,
        %get3A_205 = vector.shape_cast %get3A_204 : vector<1x16xf32> to vector<16xf32>
        %get3A_206 = arith.index_cast %add3A_201 : i32 to index
        %get3A_207 = arith.constant 16 : index
        %get3A_208 = tpu.vector_load %arg13[%get3A_206, %get3A_207] {strides = array<i32>} : memref<40x32xf32, #tpu.memory_space<vmem>>, vector<1x16xf32>,
        %get3A_209 = vector.shape_cast %get3A_208 : vector<1x16xf32> to vector<16xf32>
        %sub3A_210 = arith.subf %get3A_205, %get3A_209 : vector<16xf32>
        %add3A_211 = arith.constant 5 : i32
        %add3A_212 = arith.addi %add3A_157, %add3A_211 : i32
        %get3A_213 = arith.index_cast %add3A_212 : i32 to index
        %get3A_214 = arith.constant 16 : index
        %get3A_215 = tpu.vector_load %arg11[%get3A_213, %get3A_214] {strides = array<i32>} : memref<40x32xf32, #tpu.memory_space<vmem>>, vector<1x16xf32>,
        %get3A_216 = vector.shape_cast %get3A_215 : vector<1x16xf32> to vector<16xf32>
        %get3A_217 = arith.index_cast %add3A_212 : i32 to index
        %get3A_218 = arith.constant 16 : index
        %get3A_219 = tpu.vector_load %arg13[%get3A_217, %get3A_218] {strides = array<i32>} : memref<40x32xf32, #tpu.memory_space<vmem>>, vector<1x16xf32>,
        %get3A_220 = vector.shape_cast %get3A_219 : vector<1x16xf32> to vector<16xf32>
        %sub3A_221 = arith.subf %get3A_216, %get3A_220 : vector<16xf32>
        %add3A_222 = arith.constant 6 : i32
        %add3A_223 = arith.addi %add3A_157, %add3A_222 : i32
        %get3A_224 = arith.index_cast %add3A_223 : i32 to index
        %get3A_225 = arith.constant 16 : index
        %get3A_226 = tpu.vector_load %arg11[%get3A_224, %get3A_225] {strides = array<i32>} : memref<40x32xf32, #tpu.memory_space<vmem>>, vector<1x16xf32>,
        %get3A_227 = vector.shape_cast %get3A_226 : vector<1x16xf32> to vector<16xf32>
        %get3A_228 = arith.index_cast %add3A_223 : i32 to index
        %get3A_229 = arith.constant 16 : index
        %get3A_230 = tpu.vector_load %arg13[%get3A_228, %get3A_229] {strides = array<i32>} : memref<40x32xf32, #tpu.memory_space<vmem>>, vector<1x16xf32>,
        %get3A_231 = vector.shape_cast %get3A_230 : vector<1x16xf32> to vector<16xf32>
        %sub3A_232 = arith.subf %get3A_227, %get3A_231 : vector<16xf32>
        %add3A_233 = arith.constant 7 : i32
        %add3A_234 = arith.addi %add3A_157, %add3A_233 : i32
        %get3A_235 = arith.index_cast %add3A_234 : i32 to index
        %get3A_236 = arith.constant 16 : index
        %get3A_237 = tpu.vector_load %arg11[%get3A_235, %get3A_236] {strides = array<i32>} : memref<40x32xf32, #tpu.memory_space<vmem>>, vector<1x16xf32>,
        %get3A_238 = vector.shape_cast %get3A_237 : vector<1x16xf32> to vector<16xf32>
        %get3A_239 = arith.index_cast %add3A_234 : i32 to index
        %get3A_240 = arith.constant 16 : index
        %get3A_241 = tpu.vector_load %arg13[%get3A_239, %get3A_240] {strides = array<i32>} : memref<40x32xf32, #tpu.memory_space<vmem>>, vector<1x16xf32>,
        %get3A_242 = vector.shape_cast %get3A_241 : vector<1x16xf32> to vector<16xf32>
        %sub3A_243 = arith.subf %get3A_238, %get3A_242 : vector<16xf32>
        %add3A_244 = arith.constant 0 : i32
        %add3A_245 = arith.addi %add3A_157, %add3A_244 : i32
        %neg3A = arith.constant 0.000000e+00 : f32
        %neg3A_246 = vector.broadcast %neg3A : f32 to vector<16xf32>
        %neg3A_247 = arith.subf %neg3A_246, %sub3A : vector<16xf32>
        %exp3A = math.exp %neg3A_247 : vector<16xf32>
        %add3A_248 = arith.constant 1.000000e+00 : f32
        %add3A_249 = vector.broadcast %add3A_248 : f32 to vector<16xf32>
        %add3A_250 = arith.addf %add3A_249, %exp3A : vector<16xf32>
        %div3A = arith.constant 1.000000e+00 : f32
        %div3A_251 = vector.broadcast %div3A : f32 to vector<16xf32>
        %div3A_252 = arith.divf %div3A_251, %add3A_250 : vector<16xf32>
        %get3A_253 = arith.index_cast %add3A_245 : i32 to index
        %get3A_254 = arith.constant 0 : index
        %get3A_255 = tpu.vector_load %arg17[%get3A_253, %get3A_254] {strides = array<i32>} : memref<40x16xf32, #tpu.memory_space<vmem>>, vector<1x16xf32>,
        %get3A_256 = vector.shape_cast %get3A_255 : vector<1x16xf32> to vector<16xf32>
        %get3A_257 = arith.index_cast %add3A_245 : i32 to index
        %get3A_258 = arith.constant 0 : index
        %get3A_259 = tpu.vector_load %arg11[%get3A_257, %get3A_258] {strides = array<i32>} : memref<40x32xf32, #tpu.memory_space<vmem>>, vector<1x16xf32>,
        %get3A_260 = vector.shape_cast %get3A_259 : vector<1x16xf32> to vector<16xf32>
        %mul3A_261 = arith.mulf %get3A_256, %get3A_260 : vector<16xf32>
        %mul3A_262 = arith.mulf %mul3A_261, %div3A_252 : vector<16xf32>
        %add3A_263 = arith.constant 1 : i32
        %add3A_264 = arith.addi %add3A_157, %add3A_263 : i32
        %neg3A_265 = arith.constant 0.000000e+00 : f32
        %neg3A_266 = vector.broadcast %neg3A_265 : f32 to vector<16xf32>
        %neg3A_267 = arith.subf %neg3A_266, %sub3A_177 : vector<16xf32>
        %exp3A_268 = math.exp %neg3A_267 : vector<16xf32>
        %add3A_269 = arith.constant 1.000000e+00 : f32
        %add3A_270 = vector.broadcast %add3A_269 : f32 to vector<16xf32>
        %add3A_271 = arith.addf %add3A_270, %exp3A_268 : vector<16xf32>
        %div3A_272 = arith.constant 1.000000e+00 : f32
        %div3A_273 = vector.broadcast %div3A_272 : f32 to vector<16xf32>
        %div3A_274 = arith.divf %div3A_273, %add3A_271 : vector<16xf32>
        %get3A_275 = arith.index_cast %add3A_264 : i32 to index
        %get3A_276 = arith.constant 0 : index
        %get3A_277 = tpu.vector_load %arg17[%get3A_275, %get3A_276] {strides = array<i32>} : memref<40x16xf32, #tpu.memory_space<vmem>>, vector<1x16xf32>,
        %get3A_278 = vector.shape_cast %get3A_277 : vector<1x16xf32> to vector<16xf32>
        %get3A_279 = arith.index_cast %add3A_264 : i32 to index
        %get3A_280 = arith.constant 0 : index
        %get3A_281 = tpu.vector_load %arg11[%get3A_279, %get3A_280] {strides = array<i32>} : memref<40x32xf32, #tpu.memory_space<vmem>>, vector<1x16xf32>,
        %get3A_282 = vector.shape_cast %get3A_281 : vector<1x16xf32> to vector<16xf32>
        %mul3A_283 = arith.mulf %get3A_278, %get3A_282 : vector<16xf32>
        %mul3A_284 = arith.mulf %mul3A_283, %div3A_274 : vector<16xf32>
        %add3A_285 = arith.constant 2 : i32
        %add3A_286 = arith.addi %add3A_157, %add3A_285 : i32
        %neg3A_287 = arith.constant 0.000000e+00 : f32
        %neg3A_288 = vector.broadcast %neg3A_287 : f32 to vector<16xf32>
        %neg3A_289 = arith.subf %neg3A_288, %sub3A_188 : vector<16xf32>
        %exp3A_290 = math.exp %neg3A_289 : vector<16xf32>
        %add3A_291 = arith.constant 1.000000e+00 : f32
        %add3A_292 = vector.broadcast %add3A_291 : f32 to vector<16xf32>
        %add3A_293 = arith.addf %add3A_292, %exp3A_290 : vector<16xf32>
        %div3A_294 = arith.constant 1.000000e+00 : f32
        %div3A_295 = vector.broadcast %div3A_294 : f32 to vector<16xf32>
        %div3A_296 = arith.divf %div3A_295, %add3A_293 : vector<16xf32>
        %get3A_297 = arith.index_cast %add3A_286 : i32 to index
        %get3A_298 = arith.constant 0 : index
        %get3A_299 = tpu.vector_load %arg17[%get3A_297, %get3A_298] {strides = array<i32>} : memref<40x16xf32, #tpu.memory_space<vmem>>, vector<1x16xf32>,
        %get3A_300 = vector.shape_cast %get3A_299 : vector<1x16xf32> to vector<16xf32>
        %get3A_301 = arith.index_cast %add3A_286 : i32 to index
        %get3A_302 = arith.constant 0 : index
        %get3A_303 = tpu.vector_load %arg11[%get3A_301, %get3A_302] {strides = array<i32>} : memref<40x32xf32, #tpu.memory_space<vmem>>, vector<1x16xf32>,
        %get3A_304 = vector.shape_cast %get3A_303 : vector<1x16xf32> to vector<16xf32>
        %mul3A_305 = arith.mulf %get3A_300, %get3A_304 : vector<16xf32>
        %mul3A_306 = arith.mulf %mul3A_305, %div3A_296 : vector<16xf32>
        %add3A_307 = arith.constant 3 : i32
        %add3A_308 = arith.addi %add3A_157, %add3A_307 : i32
        %neg3A_309 = arith.constant 0.000000e+00 : f32
        %neg3A_310 = vector.broadcast %neg3A_309 : f32 to vector<16xf32>
        %neg3A_311 = arith.subf %neg3A_310, %sub3A_199 : vector<16xf32>
        %exp3A_312 = math.exp %neg3A_311 : vector<16xf32>
        %add3A_313 = arith.constant 1.000000e+00 : f32
        %add3A_314 = vector.broadcast %add3A_313 : f32 to vector<16xf32>
        %add3A_315 = arith.addf %add3A_314, %exp3A_312 : vector<16xf32>
        %div3A_316 = arith.constant 1.000000e+00 : f32
        %div3A_317 = vector.broadcast %div3A_316 : f32 to vector<16xf32>
        %div3A_318 = arith.divf %div3A_317, %add3A_315 : vector<16xf32>
        %get3A_319 = arith.index_cast %add3A_308 : i32 to index
        %get3A_320 = arith.constant 0 : index
        %get3A_321 = tpu.vector_load %arg17[%get3A_319, %get3A_320] {strides = array<i32>} : memref<40x16xf32, #tpu.memory_space<vmem>>, vector<1x16xf32>,
        %get3A_322 = vector.shape_cast %get3A_321 : vector<1x16xf32> to vector<16xf32>
        %get3A_323 = arith.index_cast %add3A_308 : i32 to index
        %get3A_324 = arith.constant 0 : index
        %get3A_325 = tpu.vector_load %arg11[%get3A_323, %get3A_324] {strides = array<i32>} : memref<40x32xf32, #tpu.memory_space<vmem>>, vector<1x16xf32>,
        %get3A_326 = vector.shape_cast %get3A_325 : vector<1x16xf32> to vector<16xf32>
        %mul3A_327 = arith.mulf %get3A_322, %get3A_326 : vector<16xf32>
        %mul3A_328 = arith.mulf %mul3A_327, %div3A_318 : vector<16xf32>
        %add3A_329 = arith.constant 4 : i32
        %add3A_330 = arith.addi %add3A_157, %add3A_329 : i32
        %neg3A_331 = arith.constant 0.000000e+00 : f32
        %neg3A_332 = vector.broadcast %neg3A_331 : f32 to vector<16xf32>
        %neg3A_333 = arith.subf %neg3A_332, %sub3A_210 : vector<16xf32>
        %exp3A_334 = math.exp %neg3A_333 : vector<16xf32>
        %add3A_335 = arith.constant 1.000000e+00 : f32
        %add3A_336 = vector.broadcast %add3A_335 : f32 to vector<16xf32>
        %add3A_337 = arith.addf %add3A_336, %exp3A_334 : vector<16xf32>
        %div3A_338 = arith.constant 1.000000e+00 : f32
        %div3A_339 = vector.broadcast %div3A_338 : f32 to vector<16xf32>
        %div3A_340 = arith.divf %div3A_339, %add3A_337 : vector<16xf32>
        %get3A_341 = arith.index_cast %add3A_330 : i32 to index
        %get3A_342 = arith.constant 0 : index
        %get3A_343 = tpu.vector_load %arg17[%get3A_341, %get3A_342] {strides = array<i32>} : memref<40x16xf32, #tpu.memory_space<vmem>>, vector<1x16xf32>,
        %get3A_344 = vector.shape_cast %get3A_343 : vector<1x16xf32> to vector<16xf32>
        %get3A_345 = arith.index_cast %add3A_330 : i32 to index
        %get3A_346 = arith.constant 0 : index
        %get3A_347 = tpu.vector_load %arg11[%get3A_345, %get3A_346] {strides = array<i32>} : memref<40x32xf32, #tpu.memory_space<vmem>>, vector<1x16xf32>,
        %get3A_348 = vector.shape_cast %get3A_347 : vector<1x16xf32> to vector<16xf32>
        %mul3A_349 = arith.mulf %get3A_344, %get3A_348 : vector<16xf32>
        %mul3A_350 = arith.mulf %mul3A_349, %div3A_340 : vector<16xf32>
        %add3A_351 = arith.constant 5 : i32
        %add3A_352 = arith.addi %add3A_157, %add3A_351 : i32
        %neg3A_353 = arith.constant 0.000000e+00 : f32
        %neg3A_354 = vector.broadcast %neg3A_353 : f32 to vector<16xf32>
        %neg3A_355 = arith.subf %neg3A_354, %sub3A_221 : vector<16xf32>
        %exp3A_356 = math.exp %neg3A_355 : vector<16xf32>
        %add3A_357 = arith.constant 1.000000e+00 : f32
        %add3A_358 = vector.broadcast %add3A_357 : f32 to vector<16xf32>
        %add3A_359 = arith.addf %add3A_358, %exp3A_356 : vector<16xf32>
        %div3A_360 = arith.constant 1.000000e+00 : f32
        %div3A_361 = vector.broadcast %div3A_360 : f32 to vector<16xf32>
        %div3A_362 = arith.divf %div3A_361, %add3A_359 : vector<16xf32>
        %get3A_363 = arith.index_cast %add3A_352 : i32 to index
        %get3A_364 = arith.constant 0 : index
        %get3A_365 = tpu.vector_load %arg17[%get3A_363, %get3A_364] {strides = array<i32>} : memref<40x16xf32, #tpu.memory_space<vmem>>, vector<1x16xf32>,
        %get3A_366 = vector.shape_cast %get3A_365 : vector<1x16xf32> to vector<16xf32>
        %get3A_367 = arith.index_cast %add3A_352 : i32 to index
        %get3A_368 = arith.constant 0 : index
        %get3A_369 = tpu.vector_load %arg11[%get3A_367, %get3A_368] {strides = array<i32>} : memref<40x32xf32, #tpu.memory_space<vmem>>, vector<1x16xf32>,
        %get3A_370 = vector.shape_cast %get3A_369 : vector<1x16xf32> to vector<16xf32>
        %mul3A_371 = arith.mulf %get3A_366, %get3A_370 : vector<16xf32>
        %mul3A_372 = arith.mulf %mul3A_371, %div3A_362 : vector<16xf32>
        %add3A_373 = arith.constant 6 : i32
        %add3A_374 = arith.addi %add3A_157, %add3A_373 : i32
        %neg3A_375 = arith.constant 0.000000e+00 : f32
        %neg3A_376 = vector.broadcast %neg3A_375 : f32 to vector<16xf32>
        %neg3A_377 = arith.subf %neg3A_376, %sub3A_232 : vector<16xf32>
        %exp3A_378 = math.exp %neg3A_377 : vector<16xf32>
        %add3A_379 = arith.constant 1.000000e+00 : f32
        %add3A_380 = vector.broadcast %add3A_379 : f32 to vector<16xf32>
        %add3A_381 = arith.addf %add3A_380, %exp3A_378 : vector<16xf32>
        %div3A_382 = arith.constant 1.000000e+00 : f32
        %div3A_383 = vector.broadcast %div3A_382 : f32 to vector<16xf32>
        %div3A_384 = arith.divf %div3A_383, %add3A_381 : vector<16xf32>
        %get3A_385 = arith.index_cast %add3A_374 : i32 to index
        %get3A_386 = arith.constant 0 : index
        %get3A_387 = tpu.vector_load %arg17[%get3A_385, %get3A_386] {strides = array<i32>} : memref<40x16xf32, #tpu.memory_space<vmem>>, vector<1x16xf32>,
        %get3A_388 = vector.shape_cast %get3A_387 : vector<1x16xf32> to vector<16xf32>
        %get3A_389 = arith.index_cast %add3A_374 : i32 to index
        %get3A_390 = arith.constant 0 : index
        %get3A_391 = tpu.vector_load %arg11[%get3A_389, %get3A_390] {strides = array<i32>} : memref<40x32xf32, #tpu.memory_space<vmem>>, vector<1x16xf32>,
        %get3A_392 = vector.shape_cast %get3A_391 : vector<1x16xf32> to vector<16xf32>
        %mul3A_393 = arith.mulf %get3A_388, %get3A_392 : vector<16xf32>
        %mul3A_394 = arith.mulf %mul3A_393, %div3A_384 : vector<16xf32>
        %add3A_395 = arith.constant 7 : i32
        %add3A_396 = arith.addi %add3A_157, %add3A_395 : i32
        %neg3A_397 = arith.constant 0.000000e+00 : f32
        %neg3A_398 = vector.broadcast %neg3A_397 : f32 to vector<16xf32>
        %neg3A_399 = arith.subf %neg3A_398, %sub3A_243 : vector<16xf32>
        %exp3A_400 = math.exp %neg3A_399 : vector<16xf32>
        %add3A_401 = arith.constant 1.000000e+00 : f32
        %add3A_402 = vector.broadcast %add3A_401 : f32 to vector<16xf32>
        %add3A_403 = arith.addf %add3A_402, %exp3A_400 : vector<16xf32>
        %div3A_404 = arith.constant 1.000000e+00 : f32
        %div3A_405 = vector.broadcast %div3A_404 : f32 to vector<16xf32>
        %div3A_406 = arith.divf %div3A_405, %add3A_403 : vector<16xf32>
        %get3A_407 = arith.index_cast %add3A_396 : i32 to index
        %get3A_408 = arith.constant 0 : index
        %get3A_409 = tpu.vector_load %arg17[%get3A_407, %get3A_408] {strides = array<i32>} : memref<40x16xf32, #tpu.memory_space<vmem>>, vector<1x16xf32>,
        %get3A_410 = vector.shape_cast %get3A_409 : vector<1x16xf32> to vector<16xf32>
        %get3A_411 = arith.index_cast %add3A_396 : i32 to index
        %get3A_412 = arith.constant 0 : index
        %get3A_413 = tpu.vector_load %arg11[%get3A_411, %get3A_412] {strides = array<i32>} : memref<40x32xf32, #tpu.memory_space<vmem>>, vector<1x16xf32>,
        %get3A_414 = vector.shape_cast %get3A_413 : vector<1x16xf32> to vector<16xf32>
        %mul3A_415 = arith.mulf %get3A_410, %get3A_414 : vector<16xf32>
        %mul3A_416 = arith.mulf %mul3A_415, %div3A_406 : vector<16xf32>
        %add3A_417 = arith.constant 0 : i32
        %add3A_418 = arith.addi %add3A_157, %add3A_417 : i32
        %get3A_419 = arith.index_cast %add3A_418 : i32 to index
        %get3A_420 = arith.constant 0 : index
        %get3A_421 = tpu.vector_load %arg15[%get3A_419, %get3A_420] {strides = array<i32>} : memref<40x128xf32, #tpu.memory_space<vmem>>, vector<1x16xf32>,
        %get3A_422 = vector.shape_cast %get3A_421 : vector<1x16xf32> to vector<16xf32>
        %mul3A_423 = arith.mulf %get3A_422, %mul3A_262 : vector<16xf32>
        %add3A_424 = arith.constant 0 : i32
        %add3A_425 = arith.addi %add3A_157, %add3A_424 : i32
        %swap3A = arith.index_cast %add3A_425 : i32 to index
        %swap3A_426 = arith.constant 0 : index
        %swap3A_427 = tpu.vector_load %arg15[%swap3A, %swap3A_426] {strides = array<i32>} : memref<40x128xf32, #tpu.memory_space<vmem>>, vector<1x16xf32>,
        %swap3A_428 = vector.shape_cast %swap3A_427 : vector<1x16xf32> to vector<16xf32>
        %swap3A_429 = vector.shape_cast %mul3A_423 : vector<16xf32> to vector<1x16xf32>
        tpu.vector_store %arg15[%swap3A, %swap3A_426], %swap3A_429 {strides = array<i32>} : memref<40x128xf32, #tpu.memory_space<vmem>>, vector<1x16xf32>,
        %add3A_430 = arith.constant 1 : i32
        %add3A_431 = arith.addi %add3A_157, %add3A_430 : i32
        %get3A_432 = arith.index_cast %add3A_431 : i32 to index
        %get3A_433 = arith.constant 0 : index
        %get3A_434 = tpu.vector_load %arg15[%get3A_432, %get3A_433] {strides = array<i32>} : memref<40x128xf32, #tpu.memory_space<vmem>>, vector<1x16xf32>,
        %get3A_435 = vector.shape_cast %get3A_434 : vector<1x16xf32> to vector<16xf32>
        %mul3A_436 = arith.mulf %get3A_435, %mul3A_284 : vector<16xf32>
        %add3A_437 = arith.constant 1 : i32
        %add3A_438 = arith.addi %add3A_157, %add3A_437 : i32
        %swap3A_439 = arith.index_cast %add3A_438 : i32 to index
        %swap3A_440 = arith.constant 0 : index
        %swap3A_441 = tpu.vector_load %arg15[%swap3A_439, %swap3A_440] {strides = array<i32>} : memref<40x128xf32, #tpu.memory_space<vmem>>, vector<1x16xf32>,
        %swap3A_442 = vector.shape_cast %swap3A_441 : vector<1x16xf32> to vector<16xf32>
        %swap3A_443 = vector.shape_cast %mul3A_436 : vector<16xf32> to vector<1x16xf32>
        tpu.vector_store %arg15[%swap3A_439, %swap3A_440], %swap3A_443 {strides = array<i32>} : memref<40x128xf32, #tpu.memory_space<vmem>>, vector<1x16xf32>,
        %add3A_444 = arith.constant 2 : i32
        %add3A_445 = arith.addi %add3A_157, %add3A_444 : i32
        %get3A_446 = arith.index_cast %add3A_445 : i32 to index
        %get3A_447 = arith.constant 0 : index
        %get3A_448 = tpu.vector_load %arg15[%get3A_446, %get3A_447] {strides = array<i32>} : memref<40x128xf32, #tpu.memory_space<vmem>>, vector<1x16xf32>,
        %get3A_449 = vector.shape_cast %get3A_448 : vector<1x16xf32> to vector<16xf32>
        %mul3A_450 = arith.mulf %get3A_449, %mul3A_306 : vector<16xf32>
        %add3A_451 = arith.constant 2 : i32
        %add3A_452 = arith.addi %add3A_157, %add3A_451 : i32
        %swap3A_453 = arith.index_cast %add3A_452 : i32 to index
        %swap3A_454 = arith.constant 0 : index
        %swap3A_455 = tpu.vector_load %arg15[%swap3A_453, %swap3A_454] {strides = array<i32>} : memref<40x128xf32, #tpu.memory_space<vmem>>, vector<1x16xf32>,
        %swap3A_456 = vector.shape_cast %swap3A_455 : vector<1x16xf32> to vector<16xf32>
        %swap3A_457 = vector.shape_cast %mul3A_450 : vector<16xf32> to vector<1x16xf32>
        tpu.vector_store %arg15[%swap3A_453, %swap3A_454], %swap3A_457 {strides = array<i32>} : memref<40x128xf32, #tpu.memory_space<vmem>>, vector<1x16xf32>,
        %add3A_458 = arith.constant 3 : i32
        %add3A_459 = arith.addi %add3A_157, %add3A_458 : i32
        %get3A_460 = arith.index_cast %add3A_459 : i32 to index
        %get3A_461 = arith.constant 0 : index
        %get3A_462 = tpu.vector_load %arg15[%get3A_460, %get3A_461] {strides = array<i32>} : memref<40x128xf32, #tpu.memory_space<vmem>>, vector<1x16xf32>,
        %get3A_463 = vector.shape_cast %get3A_462 : vector<1x16xf32> to vector<16xf32>
        %mul3A_464 = arith.mulf %get3A_463, %mul3A_328 : vector<16xf32>
        %add3A_465 = arith.constant 3 : i32
        %add3A_466 = arith.addi %add3A_157, %add3A_465 : i32
        %swap3A_467 = arith.index_cast %add3A_466 : i32 to index
        %swap3A_468 = arith.constant 0 : index
        %swap3A_469 = tpu.vector_load %arg15[%swap3A_467, %swap3A_468] {strides = array<i32>} : memref<40x128xf32, #tpu.memory_space<vmem>>, vector<1x16xf32>,
        %swap3A_470 = vector.shape_cast %swap3A_469 : vector<1x16xf32> to vector<16xf32>
        %swap3A_471 = vector.shape_cast %mul3A_464 : vector<16xf32> to vector<1x16xf32>
        tpu.vector_store %arg15[%swap3A_467, %swap3A_468], %swap3A_471 {strides = array<i32>} : memref<40x128xf32, #tpu.memory_space<vmem>>, vector<1x16xf32>,
        %add3A_472 = arith.constant 4 : i32
        %add3A_473 = arith.addi %add3A_157, %add3A_472 : i32
        %get3A_474 = arith.index_cast %add3A_473 : i32 to index
        %get3A_475 = arith.constant 0 : index
        %get3A_476 = tpu.vector_load %arg15[%get3A_474, %get3A_475] {strides = array<i32>} : memref<40x128xf32, #tpu.memory_space<vmem>>, vector<1x16xf32>,
        %get3A_477 = vector.shape_cast %get3A_476 : vector<1x16xf32> to vector<16xf32>
        %mul3A_478 = arith.mulf %get3A_477, %mul3A_350 : vector<16xf32>
        %add3A_479 = arith.constant 4 : i32
        %add3A_480 = arith.addi %add3A_157, %add3A_479 : i32
        %swap3A_481 = arith.index_cast %add3A_480 : i32 to index
        %swap3A_482 = arith.constant 0 : index
        %swap3A_483 = tpu.vector_load %arg15[%swap3A_481, %swap3A_482] {strides = array<i32>} : memref<40x128xf32, #tpu.memory_space<vmem>>, vector<1x16xf32>,
        %swap3A_484 = vector.shape_cast %swap3A_483 : vector<1x16xf32> to vector<16xf32>
        %swap3A_485 = vector.shape_cast %mul3A_478 : vector<16xf32> to vector<1x16xf32>
        tpu.vector_store %arg15[%swap3A_481, %swap3A_482], %swap3A_485 {strides = array<i32>} : memref<40x128xf32, #tpu.memory_space<vmem>>, vector<1x16xf32>,
        %add3A_486 = arith.constant 5 : i32
        %add3A_487 = arith.addi %add3A_157, %add3A_486 : i32
        %get3A_488 = arith.index_cast %add3A_487 : i32 to index
        %get3A_489 = arith.constant 0 : index
        %get3A_490 = tpu.vector_load %arg15[%get3A_488, %get3A_489] {strides = array<i32>} : memref<40x128xf32, #tpu.memory_space<vmem>>, vector<1x16xf32>,
        %get3A_491 = vector.shape_cast %get3A_490 : vector<1x16xf32> to vector<16xf32>
        %mul3A_492 = arith.mulf %get3A_491, %mul3A_372 : vector<16xf32>
        %add3A_493 = arith.constant 5 : i32
        %add3A_494 = arith.addi %add3A_157, %add3A_493 : i32
        %swap3A_495 = arith.index_cast %add3A_494 : i32 to index
        %swap3A_496 = arith.constant 0 : index
        %swap3A_497 = tpu.vector_load %arg15[%swap3A_495, %swap3A_496] {strides = array<i32>} : memref<40x128xf32, #tpu.memory_space<vmem>>, vector<1x16xf32>,
        %swap3A_498 = vector.shape_cast %swap3A_497 : vector<1x16xf32> to vector<16xf32>
        %swap3A_499 = vector.shape_cast %mul3A_492 : vector<16xf32> to vector<1x16xf32>
        tpu.vector_store %arg15[%swap3A_495, %swap3A_496], %swap3A_499 {strides = array<i32>} : memref<40x128xf32, #tpu.memory_space<vmem>>, vector<1x16xf32>,
        %add3A_500 = arith.constant 6 : i32
        %add3A_501 = arith.addi %add3A_157, %add3A_500 : i32
        %get3A_502 = arith.index_cast %add3A_501 : i32 to index
        %get3A_503 = arith.constant 0 : index
        %get3A_504 = tpu.vector_load %arg15[%get3A_502, %get3A_503] {strides = array<i32>} : memref<40x128xf32, #tpu.memory_space<vmem>>, vector<1x16xf32>,
        %get3A_505 = vector.shape_cast %get3A_504 : vector<1x16xf32> to vector<16xf32>
        %mul3A_506 = arith.mulf %get3A_505, %mul3A_394 : vector<16xf32>
        %add3A_507 = arith.constant 6 : i32
        %add3A_508 = arith.addi %add3A_157, %add3A_507 : i32
        %swap3A_509 = arith.index_cast %add3A_508 : i32 to index
        %swap3A_510 = arith.constant 0 : index
        %swap3A_511 = tpu.vector_load %arg15[%swap3A_509, %swap3A_510] {strides = array<i32>} : memref<40x128xf32, #tpu.memory_space<vmem>>, vector<1x16xf32>,
        %swap3A_512 = vector.shape_cast %swap3A_511 : vector<1x16xf32> to vector<16xf32>
        %swap3A_513 = vector.shape_cast %mul3A_506 : vector<16xf32> to vector<1x16xf32>
        tpu.vector_store %arg15[%swap3A_509, %swap3A_510], %swap3A_513 {strides = array<i32>} : memref<40x128xf32, #tpu.memory_space<vmem>>, vector<1x16xf32>,
        %add3A_514 = arith.constant 7 : i32
        %add3A_515 = arith.addi %add3A_157, %add3A_514 : i32
        %get3A_516 = arith.index_cast %add3A_515 : i32 to index
        %get3A_517 = arith.constant 0 : index
        %get3A_518 = tpu.vector_load %arg15[%get3A_516, %get3A_517] {strides = array<i32>} : memref<40x128xf32, #tpu.memory_space<vmem>>, vector<1x16xf32>,
        %get3A_519 = vector.shape_cast %get3A_518 : vector<1x16xf32> to vector<16xf32>
        %mul3A_520 = arith.mulf %get3A_519, %mul3A_416 : vector<16xf32>
        %add3A_521 = arith.constant 7 : i32
        %add3A_522 = arith.addi %add3A_157, %add3A_521 : i32
        %swap3A_523 = arith.index_cast %add3A_522 : i32 to index
        %swap3A_524 = arith.constant 0 : index
        %swap3A_525 = tpu.vector_load %arg15[%swap3A_523, %swap3A_524] {strides = array<i32>} : memref<40x128xf32, #tpu.memory_space<vmem>>, vector<1x16xf32>,
        %swap3A_526 = vector.shape_cast %swap3A_525 : vector<1x16xf32> to vector<16xf32>
        %swap3A_527 = vector.shape_cast %mul3A_520 : vector<16xf32> to vector<1x16xf32>
        tpu.vector_store %arg15[%swap3A_523, %swap3A_524], %swap3A_527 {strides = array<i32>} : memref<40x128xf32, #tpu.memory_space<vmem>>, vector<1x16xf32>,
        %add3A_528 = arith.constant 0 : i32
        %add3A_529 = arith.addi %add3A_157, %add3A_528 : i32
        %get3A_530 = arith.index_cast %add3A_529 : i32 to index
        %get3A_531 = arith.constant 16 : index
        %get3A_532 = tpu.vector_load %arg15[%get3A_530, %get3A_531] {strides = array<i32>} : memref<40x128xf32, #tpu.memory_space<vmem>>, vector<1x16xf32>,
        %get3A_533 = vector.shape_cast %get3A_532 : vector<1x16xf32> to vector<16xf32>
        %mul3A_534 = arith.mulf %get3A_533, %mul3A_262 : vector<16xf32>
        %add3A_535 = arith.constant 0 : i32
        %add3A_536 = arith.addi %add3A_157, %add3A_535 : i32
        %swap3A_537 = arith.index_cast %add3A_536 : i32 to index
        %swap3A_538 = arith.constant 16 : index
        %swap3A_539 = tpu.vector_load %arg15[%swap3A_537, %swap3A_538] {strides = array<i32>} : memref<40x128xf32, #tpu.memory_space<vmem>>, vector<1x16xf32>,
        %swap3A_540 = vector.shape_cast %swap3A_539 : vector<1x16xf32> to vector<16xf32>
        %swap3A_541 = vector.shape_cast %mul3A_534 : vector<16xf32> to vector<1x16xf32>
        tpu.vector_store %arg15[%swap3A_537, %swap3A_538], %swap3A_541 {strides = array<i32>} : memref<40x128xf32, #tpu.memory_space<vmem>>, vector<1x16xf32>,
        %add3A_542 = arith.constant 1 : i32
        %add3A_543 = arith.addi %add3A_157, %add3A_542 : i32
        %get3A_544 = arith.index_cast %add3A_543 : i32 to index
        %get3A_545 = arith.constant 16 : index
        %get3A_546 = tpu.vector_load %arg15[%get3A_544, %get3A_545] {strides = array<i32>} : memref<40x128xf32, #tpu.memory_space<vmem>>, vector<1x16xf32>,
        %get3A_547 = vector.shape_cast %get3A_546 : vector<1x16xf32> to vector<16xf32>
        %mul3A_548 = arith.mulf %get3A_547, %mul3A_284 : vector<16xf32>
        %add3A_549 = arith.constant 1 : i32
        %add3A_550 = arith.addi %add3A_157, %add3A_549 : i32
        %swap3A_551 = arith.index_cast %add3A_550 : i32 to index
        %swap3A_552 = arith.constant 16 : index
        %swap3A_553 = tpu.vector_load %arg15[%swap3A_551, %swap3A_552] {strides = array<i32>} : memref<40x128xf32, #tpu.memory_space<vmem>>, vector<1x16xf32>,
        %swap3A_554 = vector.shape_cast %swap3A_553 : vector<1x16xf32> to vector<16xf32>
        %swap3A_555 = vector.shape_cast %mul3A_548 : vector<16xf32> to vector<1x16xf32>
        tpu.vector_store %arg15[%swap3A_551, %swap3A_552], %swap3A_555 {strides = array<i32>} : memref<40x128xf32, #tpu.memory_space<vmem>>, vector<1x16xf32>,
        %add3A_556 = arith.constant 2 : i32
        %add3A_557 = arith.addi %add3A_157, %add3A_556 : i32
        %get3A_558 = arith.index_cast %add3A_557 : i32 to index
        %get3A_559 = arith.constant 16 : index
        %get3A_560 = tpu.vector_load %arg15[%get3A_558, %get3A_559] {strides = array<i32>} : memref<40x128xf32, #tpu.memory_space<vmem>>, vector<1x16xf32>,
        %get3A_561 = vector.shape_cast %get3A_560 : vector<1x16xf32> to vector<16xf32>
        %mul3A_562 = arith.mulf %get3A_561, %mul3A_306 : vector<16xf32>
        %add3A_563 = arith.constant 2 : i32
        %add3A_564 = arith.addi %add3A_157, %add3A_563 : i32
        %swap3A_565 = arith.index_cast %add3A_564 : i32 to index
        %swap3A_566 = arith.constant 16 : index
        %swap3A_567 = tpu.vector_load %arg15[%swap3A_565, %swap3A_566] {strides = array<i32>} : memref<40x128xf32, #tpu.memory_space<vmem>>, vector<1x16xf32>,
        %swap3A_568 = vector.shape_cast %swap3A_567 : vector<1x16xf32> to vector<16xf32>
        %swap3A_569 = vector.shape_cast %mul3A_562 : vector<16xf32> to vector<1x16xf32>
        tpu.vector_store %arg15[%swap3A_565, %swap3A_566], %swap3A_569 {strides = array<i32>} : memref<40x128xf32, #tpu.memory_space<vmem>>, vector<1x16xf32>,
        %add3A_570 = arith.constant 3 : i32
        %add3A_571 = arith.addi %add3A_157, %add3A_570 : i32
        %get3A_572 = arith.index_cast %add3A_571 : i32 to index
        %get3A_573 = arith.constant 16 : index
        %get3A_574 = tpu.vector_load %arg15[%get3A_572, %get3A_573] {strides = array<i32>} : memref<40x128xf32, #tpu.memory_space<vmem>>, vector<1x16xf32>,
        %get3A_575 = vector.shape_cast %get3A_574 : vector<1x16xf32> to vector<16xf32>
        %mul3A_576 = arith.mulf %get3A_575, %mul3A_328 : vector<16xf32>
        %add3A_577 = arith.constant 3 : i32
        %add3A_578 = arith.addi %add3A_157, %add3A_577 : i32
        %swap3A_579 = arith.index_cast %add3A_578 : i32 to index
        %swap3A_580 = arith.constant 16 : index
        %swap3A_581 = tpu.vector_load %arg15[%swap3A_579, %swap3A_580] {strides = array<i32>} : memref<40x128xf32, #tpu.memory_space<vmem>>, vector<1x16xf32>,
        %swap3A_582 = vector.shape_cast %swap3A_581 : vector<1x16xf32> to vector<16xf32>
        %swap3A_583 = vector.shape_cast %mul3A_576 : vector<16xf32> to vector<1x16xf32>
        tpu.vector_store %arg15[%swap3A_579, %swap3A_580], %swap3A_583 {strides = array<i32>} : memref<40x128xf32, #tpu.memory_space<vmem>>, vector<1x16xf32>,
        %add3A_584 = arith.constant 4 : i32
        %add3A_585 = arith.addi %add3A_157, %add3A_584 : i32
        %get3A_586 = arith.index_cast %add3A_585 : i32 to index
        %get3A_587 = arith.constant 16 : index
        %get3A_588 = tpu.vector_load %arg15[%get3A_586, %get3A_587] {strides = array<i32>} : memref<40x128xf32, #tpu.memory_space<vmem>>, vector<1x16xf32>,
        %get3A_589 = vector.shape_cast %get3A_588 : vector<1x16xf32> to vector<16xf32>
        %mul3A_590 = arith.mulf %get3A_589, %mul3A_350 : vector<16xf32>
        %add3A_591 = arith.constant 4 : i32
        %add3A_592 = arith.addi %add3A_157, %add3A_591 : i32
        %swap3A_593 = arith.index_cast %add3A_592 : i32 to index
        %swap3A_594 = arith.constant 16 : index
        %swap3A_595 = tpu.vector_load %arg15[%swap3A_593, %swap3A_594] {strides = array<i32>} : memref<40x128xf32, #tpu.memory_space<vmem>>, vector<1x16xf32>,
        %swap3A_596 = vector.shape_cast %swap3A_595 : vector<1x16xf32> to vector<16xf32>
        %swap3A_597 = vector.shape_cast %mul3A_590 : vector<16xf32> to vector<1x16xf32>
        tpu.vector_store %arg15[%swap3A_593, %swap3A_594], %swap3A_597 {strides = array<i32>} : memref<40x128xf32, #tpu.memory_space<vmem>>, vector<1x16xf32>,
        %add3A_598 = arith.constant 5 : i32
        %add3A_599 = arith.addi %add3A_157, %add3A_598 : i32
        %get3A_600 = arith.index_cast %add3A_599 : i32 to index
        %get3A_601 = arith.constant 16 : index
        %get3A_602 = tpu.vector_load %arg15[%get3A_600, %get3A_601] {strides = array<i32>} : memref<40x128xf32, #tpu.memory_space<vmem>>, vector<1x16xf32>,
        %get3A_603 = vector.shape_cast %get3A_602 : vector<1x16xf32> to vector<16xf32>
        %mul3A_604 = arith.mulf %get3A_603, %mul3A_372 : vector<16xf32>
        %add3A_605 = arith.constant 5 : i32
        %add3A_606 = arith.addi %add3A_157, %add3A_605 : i32
        %swap3A_607 = arith.index_cast %add3A_606 : i32 to index
        %swap3A_608 = arith.constant 16 : index
        %swap3A_609 = tpu.vector_load %arg15[%swap3A_607, %swap3A_608] {strides = array<i32>} : memref<40x128xf32, #tpu.memory_space<vmem>>, vector<1x16xf32>,
        %swap3A_610 = vector.shape_cast %swap3A_609 : vector<1x16xf32> to vector<16xf32>
        %swap3A_611 = vector.shape_cast %mul3A_604 : vector<16xf32> to vector<1x16xf32>
        tpu.vector_store %arg15[%swap3A_607, %swap3A_608], %swap3A_611 {strides = array<i32>} : memref<40x128xf32, #tpu.memory_space<vmem>>, vector<1x16xf32>,
        %add3A_612 = arith.constant 6 : i32
        %add3A_613 = arith.addi %add3A_157, %add3A_612 : i32
        %get3A_614 = arith.index_cast %add3A_613 : i32 to index
        %get3A_615 = arith.constant 16 : index
        %get3A_616 = tpu.vector_load %arg15[%get3A_614, %get3A_615] {strides = array<i32>} : memref<40x128xf32, #tpu.memory_space<vmem>>, vector<1x16xf32>,
        %get3A_617 = vector.shape_cast %get3A_616 : vector<1x16xf32> to vector<16xf32>
        %mul3A_618 = arith.mulf %get3A_617, %mul3A_394 : vector<16xf32>
        %add3A_619 = arith.constant 6 : i32
        %add3A_620 = arith.addi %add3A_157, %add3A_619 : i32
        %swap3A_621 = arith.index_cast %add3A_620 : i32 to index
        %swap3A_622 = arith.constant 16 : index
        %swap3A_623 = tpu.vector_load %arg15[%swap3A_621, %swap3A_622] {strides = array<i32>} : memref<40x128xf32, #tpu.memory_space<vmem>>, vector<1x16xf32>,
        %swap3A_624 = vector.shape_cast %swap3A_623 : vector<1x16xf32> to vector<16xf32>
        %swap3A_625 = vector.shape_cast %mul3A_618 : vector<16xf32> to vector<1x16xf32>
        tpu.vector_store %arg15[%swap3A_621, %swap3A_622], %swap3A_625 {strides = array<i32>} : memref<40x128xf32, #tpu.memory_space<vmem>>, vector<1x16xf32>,
        %add3A_626 = arith.constant 7 : i32
        %add3A_627 = arith.addi %add3A_157, %add3A_626 : i32
        %get3A_628 = arith.index_cast %add3A_627 : i32 to index
        %get3A_629 = arith.constant 16 : index
        %get3A_630 = tpu.vector_load %arg15[%get3A_628, %get3A_629] {strides = array<i32>} : memref<40x128xf32, #tpu.memory_space<vmem>>, vector<1x16xf32>,
        %get3A_631 = vector.shape_cast %get3A_630 : vector<1x16xf32> to vector<16xf32>
        %mul3A_632 = arith.mulf %get3A_631, %mul3A_416 : vector<16xf32>
        %add3A_633 = arith.constant 7 : i32
        %add3A_634 = arith.addi %add3A_157, %add3A_633 : i32
        %swap3A_635 = arith.index_cast %add3A_634 : i32 to index
        %swap3A_636 = arith.constant 16 : index
        %swap3A_637 = tpu.vector_load %arg15[%swap3A_635, %swap3A_636] {strides = array<i32>} : memref<40x128xf32, #tpu.memory_space<vmem>>, vector<1x16xf32>,
        %swap3A_638 = vector.shape_cast %swap3A_637 : vector<1x16xf32> to vector<16xf32>
        %swap3A_639 = vector.shape_cast %mul3A_632 : vector<16xf32> to vector<1x16xf32>
        tpu.vector_store %arg15[%swap3A_635, %swap3A_636], %swap3A_639 {strides = array<i32>} : memref<40x128xf32, #tpu.memory_space<vmem>>, vector<1x16xf32>,
        %add3A_640 = arith.constant 0 : i32
        %add3A_641 = arith.addi %add3A_157, %add3A_640 : i32
        %get3A_642 = arith.index_cast %add3A_641 : i32 to index
        %get3A_643 = arith.constant 32 : index
        %get3A_644 = tpu.vector_load %arg15[%get3A_642, %get3A_643] {strides = array<i32>} : memref<40x128xf32, #tpu.memory_space<vmem>>, vector<1x16xf32>,
        %get3A_645 = vector.shape_cast %get3A_644 : vector<1x16xf32> to vector<16xf32>
        %mul3A_646 = arith.mulf %get3A_645, %mul3A_262 : vector<16xf32>
        %add3A_647 = arith.constant 0 : i32
        %add3A_648 = arith.addi %add3A_157, %add3A_647 : i32
        %swap3A_649 = arith.index_cast %add3A_648 : i32 to index
        %swap3A_650 = arith.constant 32 : index
        %swap3A_651 = tpu.vector_load %arg15[%swap3A_649, %swap3A_650] {strides = array<i32>} : memref<40x128xf32, #tpu.memory_space<vmem>>, vector<1x16xf32>,
        %swap3A_652 = vector.shape_cast %swap3A_651 : vector<1x16xf32> to vector<16xf32>
        %swap3A_653 = vector.shape_cast %mul3A_646 : vector<16xf32> to vector<1x16xf32>
        tpu.vector_store %arg15[%swap3A_649, %swap3A_650], %swap3A_653 {strides = array<i32>} : memref<40x128xf32, #tpu.memory_space<vmem>>, vector<1x16xf32>,
        %add3A_654 = arith.constant 1 : i32
        %add3A_655 = arith.addi %add3A_157, %add3A_654 : i32
        %get3A_656 = arith.index_cast %add3A_655 : i32 to index
        %get3A_657 = arith.constant 32 : index
        %get3A_658 = tpu.vector_load %arg15[%get3A_656, %get3A_657] {strides = array<i32>} : memref<40x128xf32, #tpu.memory_space<vmem>>, vector<1x16xf32>,
        %get3A_659 = vector.shape_cast %get3A_658 : vector<1x16xf32> to vector<16xf32>
        %mul3A_660 = arith.mulf %get3A_659, %mul3A_284 : vector<16xf32>
        %add3A_661 = arith.constant 1 : i32
        %add3A_662 = arith.addi %add3A_157, %add3A_661 : i32
        %swap3A_663 = arith.index_cast %add3A_662 : i32 to index
        %swap3A_664 = arith.constant 32 : index
        %swap3A_665 = tpu.vector_load %arg15[%swap3A_663, %swap3A_664] {strides = array<i32>} : memref<40x128xf32, #tpu.memory_space<vmem>>, vector<1x16xf32>,
        %swap3A_666 = vector.shape_cast %swap3A_665 : vector<1x16xf32> to vector<16xf32>
        %swap3A_667 = vector.shape_cast %mul3A_660 : vector<16xf32> to vector<1x16xf32>
        tpu.vector_store %arg15[%swap3A_663, %swap3A_664], %swap3A_667 {strides = array<i32>} : memref<40x128xf32, #tpu.memory_space<vmem>>, vector<1x16xf32>,
        %add3A_668 = arith.constant 2 : i32
        %add3A_669 = arith.addi %add3A_157, %add3A_668 : i32
        %get3A_670 = arith.index_cast %add3A_669 : i32 to index
        %get3A_671 = arith.constant 32 : index
        %get3A_672 = tpu.vector_load %arg15[%get3A_670, %get3A_671] {strides = array<i32>} : memref<40x128xf32, #tpu.memory_space<vmem>>, vector<1x16xf32>,
        %get3A_673 = vector.shape_cast %get3A_672 : vector<1x16xf32> to vector<16xf32>
        %mul3A_674 = arith.mulf %get3A_673, %mul3A_306 : vector<16xf32>
        %add3A_675 = arith.constant 2 : i32
        %add3A_676 = arith.addi %add3A_157, %add3A_675 : i32
        %swap3A_677 = arith.index_cast %add3A_676 : i32 to index
        %swap3A_678 = arith.constant 32 : index
        %swap3A_679 = tpu.vector_load %arg15[%swap3A_677, %swap3A_678] {strides = array<i32>} : memref<40x128xf32, #tpu.memory_space<vmem>>, vector<1x16xf32>,
        %swap3A_680 = vector.shape_cast %swap3A_679 : vector<1x16xf32> to vector<16xf32>
        %swap3A_681 = vector.shape_cast %mul3A_674 : vector<16xf32> to vector<1x16xf32>
        tpu.vector_store %arg15[%swap3A_677, %swap3A_678], %swap3A_681 {strides = array<i32>} : memref<40x128xf32, #tpu.memory_space<vmem>>, vector<1x16xf32>,
        %add3A_682 = arith.constant 3 : i32
        %add3A_683 = arith.addi %add3A_157, %add3A_682 : i32
        %get3A_684 = arith.index_cast %add3A_683 : i32 to index
        %get3A_685 = arith.constant 32 : index
        %get3A_686 = tpu.vector_load %arg15[%get3A_684, %get3A_685] {strides = array<i32>} : memref<40x128xf32, #tpu.memory_space<vmem>>, vector<1x16xf32>,
        %get3A_687 = vector.shape_cast %get3A_686 : vector<1x16xf32> to vector<16xf32>
        %mul3A_688 = arith.mulf %get3A_687, %mul3A_328 : vector<16xf32>
        %add3A_689 = arith.constant 3 : i32
        %add3A_690 = arith.addi %add3A_157, %add3A_689 : i32
        %swap3A_691 = arith.index_cast %add3A_690 : i32 to index
        %swap3A_692 = arith.constant 32 : index
        %swap3A_693 = tpu.vector_load %arg15[%swap3A_691, %swap3A_692] {strides = array<i32>} : memref<40x128xf32, #tpu.memory_space<vmem>>, vector<1x16xf32>,
        %swap3A_694 = vector.shape_cast %swap3A_693 : vector<1x16xf32> to vector<16xf32>
        %swap3A_695 = vector.shape_cast %mul3A_688 : vector<16xf32> to vector<1x16xf32>
        tpu.vector_store %arg15[%swap3A_691, %swap3A_692], %swap3A_695 {strides = array<i32>} : memref<40x128xf32, #tpu.memory_space<vmem>>, vector<1x16xf32>,
        %add3A_696 = arith.constant 4 : i32
        %add3A_697 = arith.addi %add3A_157, %add3A_696 : i32
        %get3A_698 = arith.index_cast %add3A_697 : i32 to index
        %get3A_699 = arith.constant 32 : index
        %get3A_700 = tpu.vector_load %arg15[%get3A_698, %get3A_699] {strides = array<i32>} : memref<40x128xf32, #tpu.memory_space<vmem>>, vector<1x16xf32>,
        %get3A_701 = vector.shape_cast %get3A_700 : vector<1x16xf32> to vector<16xf32>
        %mul3A_702 = arith.mulf %get3A_701, %mul3A_350 : vector<16xf32>
        %add3A_703 = arith.constant 4 : i32
        %add3A_704 = arith.addi %add3A_157, %add3A_703 : i32
        %swap3A_705 = arith.index_cast %add3A_704 : i32 to index
        %swap3A_706 = arith.constant 32 : index
        %swap3A_707 = tpu.vector_load %arg15[%swap3A_705, %swap3A_706] {strides = array<i32>} : memref<40x128xf32, #tpu.memory_space<vmem>>, vector<1x16xf32>,
        %swap3A_708 = vector.shape_cast %swap3A_707 : vector<1x16xf32> to vector<16xf32>
        %swap3A_709 = vector.shape_cast %mul3A_702 : vector<16xf32> to vector<1x16xf32>
        tpu.vector_store %arg15[%swap3A_705, %swap3A_706], %swap3A_709 {strides = array<i32>} : memref<40x128xf32, #tpu.memory_space<vmem>>, vector<1x16xf32>,
        %add3A_710 = arith.constant 5 : i32
        %add3A_711 = arith.addi %add3A_157, %add3A_710 : i32
        %get3A_712 = arith.index_cast %add3A_711 : i32 to index
        %get3A_713 = arith.constant 32 : index
        %get3A_714 = tpu.vector_load %arg15[%get3A_712, %get3A_713] {strides = array<i32>} : memref<40x128xf32, #tpu.memory_space<vmem>>, vector<1x16xf32>,
        %get3A_715 = vector.shape_cast %get3A_714 : vector<1x16xf32> to vector<16xf32>
        %mul3A_716 = arith.mulf %get3A_715, %mul3A_372 : vector<16xf32>
        %add3A_717 = arith.constant 5 : i32
        %add3A_718 = arith.addi %add3A_157, %add3A_717 : i32
        %swap3A_719 = arith.index_cast %add3A_718 : i32 to index
        %swap3A_720 = arith.constant 32 : index
        %swap3A_721 = tpu.vector_load %arg15[%swap3A_719, %swap3A_720] {strides = array<i32>} : memref<40x128xf32, #tpu.memory_space<vmem>>, vector<1x16xf32>,
        %swap3A_722 = vector.shape_cast %swap3A_721 : vector<1x16xf32> to vector<16xf32>
        %swap3A_723 = vector.shape_cast %mul3A_716 : vector<16xf32> to vector<1x16xf32>
        tpu.vector_store %arg15[%swap3A_719, %swap3A_720], %swap3A_723 {strides = array<i32>} : memref<40x128xf32, #tpu.memory_space<vmem>>, vector<1x16xf32>,
        %add3A_724 = arith.constant 6 : i32
        %add3A_725 = arith.addi %add3A_157, %add3A_724 : i32
        %get3A_726 = arith.index_cast %add3A_725 : i32 to index
        %get3A_727 = arith.constant 32 : index
        %get3A_728 = tpu.vector_load %arg15[%get3A_726, %get3A_727] {strides = array<i32>} : memref<40x128xf32, #tpu.memory_space<vmem>>, vector<1x16xf32>,
        %get3A_729 = vector.shape_cast %get3A_728 : vector<1x16xf32> to vector<16xf32>
        %mul3A_730 = arith.mulf %get3A_729, %mul3A_394 : vector<16xf32>
        %add3A_731 = arith.constant 6 : i32
        %add3A_732 = arith.addi %add3A_157, %add3A_731 : i32
        %swap3A_733 = arith.index_cast %add3A_732 : i32 to index
        %swap3A_734 = arith.constant 32 : index
        %swap3A_735 = tpu.vector_load %arg15[%swap3A_733, %swap3A_734] {strides = array<i32>} : memref<40x128xf32, #tpu.memory_space<vmem>>, vector<1x16xf32>,
        %swap3A_736 = vector.shape_cast %swap3A_735 : vector<1x16xf32> to vector<16xf32>
        %swap3A_737 = vector.shape_cast %mul3A_730 : vector<16xf32> to vector<1x16xf32>
        tpu.vector_store %arg15[%swap3A_733, %swap3A_734], %swap3A_737 {strides = array<i32>} : memref<40x128xf32, #tpu.memory_space<vmem>>, vector<1x16xf32>,
        %add3A_738 = arith.constant 7 : i32
        %add3A_739 = arith.addi %add3A_157, %add3A_738 : i32
        %get3A_740 = arith.index_cast %add3A_739 : i32 to index
        %get3A_741 = arith.constant 32 : index
        %get3A_742 = tpu.vector_load %arg15[%get3A_740, %get3A_741] {strides = array<i32>} : memref<40x128xf32, #tpu.memory_space<vmem>>, vector<1x16xf32>,
        %get3A_743 = vector.shape_cast %get3A_742 : vector<1x16xf32> to vector<16xf32>
        %mul3A_744 = arith.mulf %get3A_743, %mul3A_416 : vector<16xf32>
        %add3A_745 = arith.constant 7 : i32
        %add3A_746 = arith.addi %add3A_157, %add3A_745 : i32
        %swap3A_747 = arith.index_cast %add3A_746 : i32 to index
        %swap3A_748 = arith.constant 32 : index
        %swap3A_749 = tpu.vector_load %arg15[%swap3A_747, %swap3A_748] {strides = array<i32>} : memref<40x128xf32, #tpu.memory_space<vmem>>, vector<1x16xf32>,
        %swap3A_750 = vector.shape_cast %swap3A_749 : vector<1x16xf32> to vector<16xf32>
        %swap3A_751 = vector.shape_cast %mul3A_744 : vector<16xf32> to vector<1x16xf32>
        tpu.vector_store %arg15[%swap3A_747, %swap3A_748], %swap3A_751 {strides = array<i32>} : memref<40x128xf32, #tpu.memory_space<vmem>>, vector<1x16xf32>,
        %add3A_752 = arith.constant 0 : i32
        %add3A_753 = arith.addi %add3A_157, %add3A_752 : i32
        %get3A_754 = arith.index_cast %add3A_753 : i32 to index
        %get3A_755 = arith.constant 48 : index
        %get3A_756 = tpu.vector_load %arg15[%get3A_754, %get3A_755] {strides = array<i32>} : memref<40x128xf32, #tpu.memory_space<vmem>>, vector<1x16xf32>,
        %get3A_757 = vector.shape_cast %get3A_756 : vector<1x16xf32> to vector<16xf32>
        %mul3A_758 = arith.mulf %get3A_757, %mul3A_262 : vector<16xf32>
        %add3A_759 = arith.constant 0 : i32
        %add3A_760 = arith.addi %add3A_157, %add3A_759 : i32
        %swap3A_761 = arith.index_cast %add3A_760 : i32 to index
        %swap3A_762 = arith.constant 48 : index
        %swap3A_763 = tpu.vector_load %arg15[%swap3A_761, %swap3A_762] {strides = array<i32>} : memref<40x128xf32, #tpu.memory_space<vmem>>, vector<1x16xf32>,
        %swap3A_764 = vector.shape_cast %swap3A_763 : vector<1x16xf32> to vector<16xf32>
        %swap3A_765 = vector.shape_cast %mul3A_758 : vector<16xf32> to vector<1x16xf32>
        tpu.vector_store %arg15[%swap3A_761, %swap3A_762], %swap3A_765 {strides = array<i32>} : memref<40x128xf32, #tpu.memory_space<vmem>>, vector<1x16xf32>,
        %add3A_766 = arith.constant 1 : i32
        %add3A_767 = arith.addi %add3A_157, %add3A_766 : i32
        %get3A_768 = arith.index_cast %add3A_767 : i32 to index
        %get3A_769 = arith.constant 48 : index
        %get3A_770 = tpu.vector_load %arg15[%get3A_768, %get3A_769] {strides = array<i32>} : memref<40x128xf32, #tpu.memory_space<vmem>>, vector<1x16xf32>,
        %get3A_771 = vector.shape_cast %get3A_770 : vector<1x16xf32> to vector<16xf32>
        %mul3A_772 = arith.mulf %get3A_771, %mul3A_284 : vector<16xf32>
        %add3A_773 = arith.constant 1 : i32
        %add3A_774 = arith.addi %add3A_157, %add3A_773 : i32
        %swap3A_775 = arith.index_cast %add3A_774 : i32 to index
        %swap3A_776 = arith.constant 48 : index
        %swap3A_777 = tpu.vector_load %arg15[%swap3A_775, %swap3A_776] {strides = array<i32>} : memref<40x128xf32, #tpu.memory_space<vmem>>, vector<1x16xf32>,
        %swap3A_778 = vector.shape_cast %swap3A_777 : vector<1x16xf32> to vector<16xf32>
        %swap3A_779 = vector.shape_cast %mul3A_772 : vector<16xf32> to vector<1x16xf32>
        tpu.vector_store %arg15[%swap3A_775, %swap3A_776], %swap3A_779 {strides = array<i32>} : memref<40x128xf32, #tpu.memory_space<vmem>>, vector<1x16xf32>,
        %add3A_780 = arith.constant 2 : i32
        %add3A_781 = arith.addi %add3A_157, %add3A_780 : i32
        %get3A_782 = arith.index_cast %add3A_781 : i32 to index
        %get3A_783 = arith.constant 48 : index
        %get3A_784 = tpu.vector_load %arg15[%get3A_782, %get3A_783] {strides = array<i32>} : memref<40x128xf32, #tpu.memory_space<vmem>>, vector<1x16xf32>,
        %get3A_785 = vector.shape_cast %get3A_784 : vector<1x16xf32> to vector<16xf32>
        %mul3A_786 = arith.mulf %get3A_785, %mul3A_306 : vector<16xf32>
        %add3A_787 = arith.constant 2 : i32
        %add3A_788 = arith.addi %add3A_157, %add3A_787 : i32
        %swap3A_789 = arith.index_cast %add3A_788 : i32 to index
        %swap3A_790 = arith.constant 48 : index
        %swap3A_791 = tpu.vector_load %arg15[%swap3A_789, %swap3A_790] {strides = array<i32>} : memref<40x128xf32, #tpu.memory_space<vmem>>, vector<1x16xf32>,
        %swap3A_792 = vector.shape_cast %swap3A_791 : vector<1x16xf32> to vector<16xf32>
        %swap3A_793 = vector.shape_cast %mul3A_786 : vector<16xf32> to vector<1x16xf32>
        tpu.vector_store %arg15[%swap3A_789, %swap3A_790], %swap3A_793 {strides = array<i32>} : memref<40x128xf32, #tpu.memory_space<vmem>>, vector<1x16xf32>,
        %add3A_794 = arith.constant 3 : i32
        %add3A_795 = arith.addi %add3A_157, %add3A_794 : i32
        %get3A_796 = arith.index_cast %add3A_795 : i32 to index
        %get3A_797 = arith.constant 48 : index
        %get3A_798 = tpu.vector_load %arg15[%get3A_796, %get3A_797] {strides = array<i32>} : memref<40x128xf32, #tpu.memory_space<vmem>>, vector<1x16xf32>,
        %get3A_799 = vector.shape_cast %get3A_798 : vector<1x16xf32> to vector<16xf32>
        %mul3A_800 = arith.mulf %get3A_799, %mul3A_328 : vector<16xf32>
        %add3A_801 = arith.constant 3 : i32
        %add3A_802 = arith.addi %add3A_157, %add3A_801 : i32
        %swap3A_803 = arith.index_cast %add3A_802 : i32 to index
        %swap3A_804 = arith.constant 48 : index
        %swap3A_805 = tpu.vector_load %arg15[%swap3A_803, %swap3A_804] {strides = array<i32>} : memref<40x128xf32, #tpu.memory_space<vmem>>, vector<1x16xf32>,
        %swap3A_806 = vector.shape_cast %swap3A_805 : vector<1x16xf32> to vector<16xf32>
        %swap3A_807 = vector.shape_cast %mul3A_800 : vector<16xf32> to vector<1x16xf32>
        tpu.vector_store %arg15[%swap3A_803, %swap3A_804], %swap3A_807 {strides = array<i32>} : memref<40x128xf32, #tpu.memory_space<vmem>>, vector<1x16xf32>,
        %add3A_808 = arith.constant 4 : i32
        %add3A_809 = arith.addi %add3A_157, %add3A_808 : i32
        %get3A_810 = arith.index_cast %add3A_809 : i32 to index
        %get3A_811 = arith.constant 48 : index
        %get3A_812 = tpu.vector_load %arg15[%get3A_810, %get3A_811] {strides = array<i32>} : memref<40x128xf32, #tpu.memory_space<vmem>>, vector<1x16xf32>,
        %get3A_813 = vector.shape_cast %get3A_812 : vector<1x16xf32> to vector<16xf32>
        %mul3A_814 = arith.mulf %get3A_813, %mul3A_350 : vector<16xf32>
        %add3A_815 = arith.constant 4 : i32
        %add3A_816 = arith.addi %add3A_157, %add3A_815 : i32
        %swap3A_817 = arith.index_cast %add3A_816 : i32 to index
        %swap3A_818 = arith.constant 48 : index
        %swap3A_819 = tpu.vector_load %arg15[%swap3A_817, %swap3A_818] {strides = array<i32>} : memref<40x128xf32, #tpu.memory_space<vmem>>, vector<1x16xf32>,
        %swap3A_820 = vector.shape_cast %swap3A_819 : vector<1x16xf32> to vector<16xf32>
        %swap3A_821 = vector.shape_cast %mul3A_814 : vector<16xf32> to vector<1x16xf32>
        tpu.vector_store %arg15[%swap3A_817, %swap3A_818], %swap3A_821 {strides = array<i32>} : memref<40x128xf32, #tpu.memory_space<vmem>>, vector<1x16xf32>,
        %add3A_822 = arith.constant 5 : i32
        %add3A_823 = arith.addi %add3A_157, %add3A_822 : i32
        %get3A_824 = arith.index_cast %add3A_823 : i32 to index
        %get3A_825 = arith.constant 48 : index
        %get3A_826 = tpu.vector_load %arg15[%get3A_824, %get3A_825] {strides = array<i32>} : memref<40x128xf32, #tpu.memory_space<vmem>>, vector<1x16xf32>,
        %get3A_827 = vector.shape_cast %get3A_826 : vector<1x16xf32> to vector<16xf32>
        %mul3A_828 = arith.mulf %get3A_827, %mul3A_372 : vector<16xf32>
        %add3A_829 = arith.constant 5 : i32
        %add3A_830 = arith.addi %add3A_157, %add3A_829 : i32
        %swap3A_831 = arith.index_cast %add3A_830 : i32 to index
        %swap3A_832 = arith.constant 48 : index
        %swap3A_833 = tpu.vector_load %arg15[%swap3A_831, %swap3A_832] {strides = array<i32>} : memref<40x128xf32, #tpu.memory_space<vmem>>, vector<1x16xf32>,
        %swap3A_834 = vector.shape_cast %swap3A_833 : vector<1x16xf32> to vector<16xf32>
        %swap3A_835 = vector.shape_cast %mul3A_828 : vector<16xf32> to vector<1x16xf32>
        tpu.vector_store %arg15[%swap3A_831, %swap3A_832], %swap3A_835 {strides = array<i32>} : memref<40x128xf32, #tpu.memory_space<vmem>>, vector<1x16xf32>,
        %add3A_836 = arith.constant 6 : i32
        %add3A_837 = arith.addi %add3A_157, %add3A_836 : i32
        %get3A_838 = arith.index_cast %add3A_837 : i32 to index
        %get3A_839 = arith.constant 48 : index
        %get3A_840 = tpu.vector_load %arg15[%get3A_838, %get3A_839] {strides = array<i32>} : memref<40x128xf32, #tpu.memory_space<vmem>>, vector<1x16xf32>,
        %get3A_841 = vector.shape_cast %get3A_840 : vector<1x16xf32> to vector<16xf32>
        %mul3A_842 = arith.mulf %get3A_841, %mul3A_394 : vector<16xf32>
        %add3A_843 = arith.constant 6 : i32
        %add3A_844 = arith.addi %add3A_157, %add3A_843 : i32
        %swap3A_845 = arith.index_cast %add3A_844 : i32 to index
        %swap3A_846 = arith.constant 48 : index
        %swap3A_847 = tpu.vector_load %arg15[%swap3A_845, %swap3A_846] {strides = array<i32>} : memref<40x128xf32, #tpu.memory_space<vmem>>, vector<1x16xf32>,
        %swap3A_848 = vector.shape_cast %swap3A_847 : vector<1x16xf32> to vector<16xf32>
        %swap3A_849 = vector.shape_cast %mul3A_842 : vector<16xf32> to vector<1x16xf32>
        tpu.vector_store %arg15[%swap3A_845, %swap3A_846], %swap3A_849 {strides = array<i32>} : memref<40x128xf32, #tpu.memory_space<vmem>>, vector<1x16xf32>,
        %add3A_850 = arith.constant 7 : i32
        %add3A_851 = arith.addi %add3A_157, %add3A_850 : i32
        %get3A_852 = arith.index_cast %add3A_851 : i32 to index
        %get3A_853 = arith.constant 48 : index
        %get3A_854 = tpu.vector_load %arg15[%get3A_852, %get3A_853] {strides = array<i32>} : memref<40x128xf32, #tpu.memory_space<vmem>>, vector<1x16xf32>,
        %get3A_855 = vector.shape_cast %get3A_854 : vector<1x16xf32> to vector<16xf32>
        %mul3A_856 = arith.mulf %get3A_855, %mul3A_416 : vector<16xf32>
        %add3A_857 = arith.constant 7 : i32
        %add3A_858 = arith.addi %add3A_157, %add3A_857 : i32
        %swap3A_859 = arith.index_cast %add3A_858 : i32 to index
        %swap3A_860 = arith.constant 48 : index
        %swap3A_861 = tpu.vector_load %arg15[%swap3A_859, %swap3A_860] {strides = array<i32>} : memref<40x128xf32, #tpu.memory_space<vmem>>, vector<1x16xf32>,
        %swap3A_862 = vector.shape_cast %swap3A_861 : vector<1x16xf32> to vector<16xf32>
        %swap3A_863 = vector.shape_cast %mul3A_856 : vector<16xf32> to vector<1x16xf32>
        tpu.vector_store %arg15[%swap3A_859, %swap3A_860], %swap3A_863 {strides = array<i32>} : memref<40x128xf32, #tpu.memory_space<vmem>>, vector<1x16xf32>,
        %add3A_864 = arith.constant 0 : i32
        %add3A_865 = arith.addi %add3A_157, %add3A_864 : i32
        %get3A_866 = arith.index_cast %add3A_865 : i32 to index
        %get3A_867 = arith.constant 64 : index
        %get3A_868 = tpu.vector_load %arg15[%get3A_866, %get3A_867] {strides = array<i32>} : memref<40x128xf32, #tpu.memory_space<vmem>>, vector<1x16xf32>,
        %get3A_869 = vector.shape_cast %get3A_868 : vector<1x16xf32> to vector<16xf32>
        %mul3A_870 = arith.mulf %get3A_869, %mul3A_262 : vector<16xf32>
        %add3A_871 = arith.constant 0 : i32
        %add3A_872 = arith.addi %add3A_157, %add3A_871 : i32
        %swap3A_873 = arith.index_cast %add3A_872 : i32 to index
        %swap3A_874 = arith.constant 64 : index
        %swap3A_875 = tpu.vector_load %arg15[%swap3A_873, %swap3A_874] {strides = array<i32>} : memref<40x128xf32, #tpu.memory_space<vmem>>, vector<1x16xf32>,
        %swap3A_876 = vector.shape_cast %swap3A_875 : vector<1x16xf32> to vector<16xf32>
        %swap3A_877 = vector.shape_cast %mul3A_870 : vector<16xf32> to vector<1x16xf32>
        tpu.vector_store %arg15[%swap3A_873, %swap3A_874], %swap3A_877 {strides = array<i32>} : memref<40x128xf32, #tpu.memory_space<vmem>>, vector<1x16xf32>,
        %add3A_878 = arith.constant 1 : i32
        %add3A_879 = arith.addi %add3A_157, %add3A_878 : i32
        %get3A_880 = arith.index_cast %add3A_879 : i32 to index
        %get3A_881 = arith.constant 64 : index
        %get3A_882 = tpu.vector_load %arg15[%get3A_880, %get3A_881] {strides = array<i32>} : memref<40x128xf32, #tpu.memory_space<vmem>>, vector<1x16xf32>,
        %get3A_883 = vector.shape_cast %get3A_882 : vector<1x16xf32> to vector<16xf32>
        %mul3A_884 = arith.mulf %get3A_883, %mul3A_284 : vector<16xf32>
        %add3A_885 = arith.constant 1 : i32
        %add3A_886 = arith.addi %add3A_157, %add3A_885 : i32
        %swap3A_887 = arith.index_cast %add3A_886 : i32 to index
        %swap3A_888 = arith.constant 64 : index
        %swap3A_889 = tpu.vector_load %arg15[%swap3A_887, %swap3A_888] {strides = array<i32>} : memref<40x128xf32, #tpu.memory_space<vmem>>, vector<1x16xf32>,
        %swap3A_890 = vector.shape_cast %swap3A_889 : vector<1x16xf32> to vector<16xf32>
        %swap3A_891 = vector.shape_cast %mul3A_884 : vector<16xf32> to vector<1x16xf32>
        tpu.vector_store %arg15[%swap3A_887, %swap3A_888], %swap3A_891 {strides = array<i32>} : memref<40x128xf32, #tpu.memory_space<vmem>>, vector<1x16xf32>,
        %add3A_892 = arith.constant 2 : i32
        %add3A_893 = arith.addi %add3A_157, %add3A_892 : i32
        %get3A_894 = arith.index_cast %add3A_893 : i32 to index
        %get3A_895 = arith.constant 64 : index
        %get3A_896 = tpu.vector_load %arg15[%get3A_894, %get3A_895] {strides = array<i32>} : memref<40x128xf32, #tpu.memory_space<vmem>>, vector<1x16xf32>,
        %get3A_897 = vector.shape_cast %get3A_896 : vector<1x16xf32> to vector<16xf32>
        %mul3A_898 = arith.mulf %get3A_897, %mul3A_306 : vector<16xf32>
        %add3A_899 = arith.constant 2 : i32
        %add3A_900 = arith.addi %add3A_157, %add3A_899 : i32
        %swap3A_901 = arith.index_cast %add3A_900 : i32 to index
        %swap3A_902 = arith.constant 64 : index
        %swap3A_903 = tpu.vector_load %arg15[%swap3A_901, %swap3A_902] {strides = array<i32>} : memref<40x128xf32, #tpu.memory_space<vmem>>, vector<1x16xf32>,
        %swap3A_904 = vector.shape_cast %swap3A_903 : vector<1x16xf32> to vector<16xf32>
        %swap3A_905 = vector.shape_cast %mul3A_898 : vector<16xf32> to vector<1x16xf32>
        tpu.vector_store %arg15[%swap3A_901, %swap3A_902], %swap3A_905 {strides = array<i32>} : memref<40x128xf32, #tpu.memory_space<vmem>>, vector<1x16xf32>,
        %add3A_906 = arith.constant 3 : i32
        %add3A_907 = arith.addi %add3A_157, %add3A_906 : i32
        %get3A_908 = arith.index_cast %add3A_907 : i32 to index
        %get3A_909 = arith.constant 64 : index
        %get3A_910 = tpu.vector_load %arg15[%get3A_908, %get3A_909] {strides = array<i32>} : memref<40x128xf32, #tpu.memory_space<vmem>>, vector<1x16xf32>,
        %get3A_911 = vector.shape_cast %get3A_910 : vector<1x16xf32> to vector<16xf32>
        %mul3A_912 = arith.mulf %get3A_911, %mul3A_328 : vector<16xf32>
        %add3A_913 = arith.constant 3 : i32
        %add3A_914 = arith.addi %add3A_157, %add3A_913 : i32
        %swap3A_915 = arith.index_cast %add3A_914 : i32 to index
        %swap3A_916 = arith.constant 64 : index
        %swap3A_917 = tpu.vector_load %arg15[%swap3A_915, %swap3A_916] {strides = array<i32>} : memref<40x128xf32, #tpu.memory_space<vmem>>, vector<1x16xf32>,
        %swap3A_918 = vector.shape_cast %swap3A_917 : vector<1x16xf32> to vector<16xf32>
        %swap3A_919 = vector.shape_cast %mul3A_912 : vector<16xf32> to vector<1x16xf32>
        tpu.vector_store %arg15[%swap3A_915, %swap3A_916], %swap3A_919 {strides = array<i32>} : memref<40x128xf32, #tpu.memory_space<vmem>>, vector<1x16xf32>,
        %add3A_920 = arith.constant 4 : i32
        %add3A_921 = arith.addi %add3A_157, %add3A_920 : i32
        %get3A_922 = arith.index_cast %add3A_921 : i32 to index
        %get3A_923 = arith.constant 64 : index
        %get3A_924 = tpu.vector_load %arg15[%get3A_922, %get3A_923] {strides = array<i32>} : memref<40x128xf32, #tpu.memory_space<vmem>>, vector<1x16xf32>,
        %get3A_925 = vector.shape_cast %get3A_924 : vector<1x16xf32> to vector<16xf32>
        %mul3A_926 = arith.mulf %get3A_925, %mul3A_350 : vector<16xf32>
        %add3A_927 = arith.constant 4 : i32
        %add3A_928 = arith.addi %add3A_157, %add3A_927 : i32
        %swap3A_929 = arith.index_cast %add3A_928 : i32 to index
        %swap3A_930 = arith.constant 64 : index
        %swap3A_931 = tpu.vector_load %arg15[%swap3A_929, %swap3A_930] {strides = array<i32>} : memref<40x128xf32, #tpu.memory_space<vmem>>, vector<1x16xf32>,
        %swap3A_932 = vector.shape_cast %swap3A_931 : vector<1x16xf32> to vector<16xf32>
        %swap3A_933 = vector.shape_cast %mul3A_926 : vector<16xf32> to vector<1x16xf32>
        tpu.vector_store %arg15[%swap3A_929, %swap3A_930], %swap3A_933 {strides = array<i32>} : memref<40x128xf32, #tpu.memory_space<vmem>>, vector<1x16xf32>,
        %add3A_934 = arith.constant 5 : i32
        %add3A_935 = arith.addi %add3A_157, %add3A_934 : i32
        %get3A_936 = arith.index_cast %add3A_935 : i32 to index
        %get3A_937 = arith.constant 64 : index
        %get3A_938 = tpu.vector_load %arg15[%get3A_936, %get3A_937] {strides = array<i32>} : memref<40x128xf32, #tpu.memory_space<vmem>>, vector<1x16xf32>,
        %get3A_939 = vector.shape_cast %get3A_938 : vector<1x16xf32> to vector<16xf32>
        %mul3A_940 = arith.mulf %get3A_939, %mul3A_372 : vector<16xf32>
        %add3A_941 = arith.constant 5 : i32
        %add3A_942 = arith.addi %add3A_157, %add3A_941 : i32
        %swap3A_943 = arith.index_cast %add3A_942 : i32 to index
        %swap3A_944 = arith.constant 64 : index
        %swap3A_945 = tpu.vector_load %arg15[%swap3A_943, %swap3A_944] {strides = array<i32>} : memref<40x128xf32, #tpu.memory_space<vmem>>, vector<1x16xf32>,
        %swap3A_946 = vector.shape_cast %swap3A_945 : vector<1x16xf32> to vector<16xf32>
        %swap3A_947 = vector.shape_cast %mul3A_940 : vector<16xf32> to vector<1x16xf32>
        tpu.vector_store %arg15[%swap3A_943, %swap3A_944], %swap3A_947 {strides = array<i32>} : memref<40x128xf32, #tpu.memory_space<vmem>>, vector<1x16xf32>,
        %add3A_948 = arith.constant 6 : i32
        %add3A_949 = arith.addi %add3A_157, %add3A_948 : i32
        %get3A_950 = arith.index_cast %add3A_949 : i32 to index
        %get3A_951 = arith.constant 64 : index
        %get3A_952 = tpu.vector_load %arg15[%get3A_950, %get3A_951] {strides = array<i32>} : memref<40x128xf32, #tpu.memory_space<vmem>>, vector<1x16xf32>,
        %get3A_953 = vector.shape_cast %get3A_952 : vector<1x16xf32> to vector<16xf32>
        %mul3A_954 = arith.mulf %get3A_953, %mul3A_394 : vector<16xf32>
        %add3A_955 = arith.constant 6 : i32
        %add3A_956 = arith.addi %add3A_157, %add3A_955 : i32
        %swap3A_957 = arith.index_cast %add3A_956 : i32 to index
        %swap3A_958 = arith.constant 64 : index
        %swap3A_959 = tpu.vector_load %arg15[%swap3A_957, %swap3A_958] {strides = array<i32>} : memref<40x128xf32, #tpu.memory_space<vmem>>, vector<1x16xf32>,
        %swap3A_960 = vector.shape_cast %swap3A_959 : vector<1x16xf32> to vector<16xf32>
        %swap3A_961 = vector.shape_cast %mul3A_954 : vector<16xf32> to vector<1x16xf32>
        tpu.vector_store %arg15[%swap3A_957, %swap3A_958], %swap3A_961 {strides = array<i32>} : memref<40x128xf32, #tpu.memory_space<vmem>>, vector<1x16xf32>,
        %add3A_962 = arith.constant 7 : i32
        %add3A_963 = arith.addi %add3A_157, %add3A_962 : i32
        %get3A_964 = arith.index_cast %add3A_963 : i32 to index
        %get3A_965 = arith.constant 64 : index
        %get3A_966 = tpu.vector_load %arg15[%get3A_964, %get3A_965] {strides = array<i32>} : memref<40x128xf32, #tpu.memory_space<vmem>>, vector<1x16xf32>,
        %get3A_967 = vector.shape_cast %get3A_966 : vector<1x16xf32> to vector<16xf32>
        %mul3A_968 = arith.mulf %get3A_967, %mul3A_416 : vector<16xf32>
        %add3A_969 = arith.constant 7 : i32
        %add3A_970 = arith.addi %add3A_157, %add3A_969 : i32
        %swap3A_971 = arith.index_cast %add3A_970 : i32 to index
        %swap3A_972 = arith.constant 64 : index
        %swap3A_973 = tpu.vector_load %arg15[%swap3A_971, %swap3A_972] {strides = array<i32>} : memref<40x128xf32, #tpu.memory_space<vmem>>, vector<1x16xf32>,
        %swap3A_974 = vector.shape_cast %swap3A_973 : vector<1x16xf32> to vector<16xf32>
        %swap3A_975 = vector.shape_cast %mul3A_968 : vector<16xf32> to vector<1x16xf32>
        tpu.vector_store %arg15[%swap3A_971, %swap3A_972], %swap3A_975 {strides = array<i32>} : memref<40x128xf32, #tpu.memory_space<vmem>>, vector<1x16xf32>,
        %add3A_976 = arith.constant 0 : i32
        %add3A_977 = arith.addi %add3A_157, %add3A_976 : i32
        %get3A_978 = arith.index_cast %add3A_977 : i32 to index
        %get3A_979 = arith.constant 80 : index
        %get3A_980 = tpu.vector_load %arg15[%get3A_978, %get3A_979] {strides = array<i32>} : memref<40x128xf32, #tpu.memory_space<vmem>>, vector<1x16xf32>,
        %get3A_981 = vector.shape_cast %get3A_980 : vector<1x16xf32> to vector<16xf32>
        %mul3A_982 = arith.mulf %get3A_981, %mul3A_262 : vector<16xf32>
        %add3A_983 = arith.constant 0 : i32
        %add3A_984 = arith.addi %add3A_157, %add3A_983 : i32
        %swap3A_985 = arith.index_cast %add3A_984 : i32 to index
        %swap3A_986 = arith.constant 80 : index
        %swap3A_987 = tpu.vector_load %arg15[%swap3A_985, %swap3A_986] {strides = array<i32>} : memref<40x128xf32, #tpu.memory_space<vmem>>, vector<1x16xf32>,
        %swap3A_988 = vector.shape_cast %swap3A_987 : vector<1x16xf32> to vector<16xf32>
        %swap3A_989 = vector.shape_cast %mul3A_982 : vector<16xf32> to vector<1x16xf32>
        tpu.vector_store %arg15[%swap3A_985, %swap3A_986], %swap3A_989 {strides = array<i32>} : memref<40x128xf32, #tpu.memory_space<vmem>>, vector<1x16xf32>,
        %add3A_990 = arith.constant 1 : i32
        %add3A_991 = arith.addi %add3A_157, %add3A_990 : i32
        %get3A_992 = arith.index_cast %add3A_991 : i32 to index
        %get3A_993 = arith.constant 80 : index
        %get3A_994 = tpu.vector_load %arg15[%get3A_992, %get3A_993] {strides = array<i32>} : memref<40x128xf32, #tpu.memory_space<vmem>>, vector<1x16xf32>,
        %get3A_995 = vector.shape_cast %get3A_994 : vector<1x16xf32> to vector<16xf32>
        %mul3A_996 = arith.mulf %get3A_995, %mul3A_284 : vector<16xf32>
        %add3A_997 = arith.constant 1 : i32
        %add3A_998 = arith.addi %add3A_157, %add3A_997 : i32
        %swap3A_999 = arith.index_cast %add3A_998 : i32 to index
        %swap3A_1000 = arith.constant 80 : index
        %swap3A_1001 = tpu.vector_load %arg15[%swap3A_999, %swap3A_1000] {strides = array<i32>} : memref<40x128xf32, #tpu.memory_space<vmem>>, vector<1x16xf32>,
        %swap3A_1002 = vector.shape_cast %swap3A_1001 : vector<1x16xf32> to vector<16xf32>
        %swap3A_1003 = vector.shape_cast %mul3A_996 : vector<16xf32> to vector<1x16xf32>
        tpu.vector_store %arg15[%swap3A_999, %swap3A_1000], %swap3A_1003 {strides = array<i32>} : memref<40x128xf32, #tpu.memory_space<vmem>>, vector<1x16xf32>,
        %add3A_1004 = arith.constant 2 : i32
        %add3A_1005 = arith.addi %add3A_157, %add3A_1004 : i32
        %get3A_1006 = arith.index_cast %add3A_1005 : i32 to index
        %get3A_1007 = arith.constant 80 : index
        %get3A_1008 = tpu.vector_load %arg15[%get3A_1006, %get3A_1007] {strides = array<i32>} : memref<40x128xf32, #tpu.memory_space<vmem>>, vector<1x16xf32>,
        %get3A_1009 = vector.shape_cast %get3A_1008 : vector<1x16xf32> to vector<16xf32>
        %mul3A_1010 = arith.mulf %get3A_1009, %mul3A_306 : vector<16xf32>
        %add3A_1011 = arith.constant 2 : i32
        %add3A_1012 = arith.addi %add3A_157, %add3A_1011 : i32
        %swap3A_1013 = arith.index_cast %add3A_1012 : i32 to index
        %swap3A_1014 = arith.constant 80 : index
        %swap3A_1015 = tpu.vector_load %arg15[%swap3A_1013, %swap3A_1014] {strides = array<i32>} : memref<40x128xf32, #tpu.memory_space<vmem>>, vector<1x16xf32>,
        %swap3A_1016 = vector.shape_cast %swap3A_1015 : vector<1x16xf32> to vector<16xf32>
        %swap3A_1017 = vector.shape_cast %mul3A_1010 : vector<16xf32> to vector<1x16xf32>
        tpu.vector_store %arg15[%swap3A_1013, %swap3A_1014], %swap3A_1017 {strides = array<i32>} : memref<40x128xf32, #tpu.memory_space<vmem>>, vector<1x16xf32>,
        %add3A_1018 = arith.constant 3 : i32
        %add3A_1019 = arith.addi %add3A_157, %add3A_1018 : i32
        %get3A_1020 = arith.index_cast %add3A_1019 : i32 to index
        %get3A_1021 = arith.constant 80 : index
        %get3A_1022 = tpu.vector_load %arg15[%get3A_1020, %get3A_1021] {strides = array<i32>} : memref<40x128xf32, #tpu.memory_space<vmem>>, vector<1x16xf32>,
        %get3A_1023 = vector.shape_cast %get3A_1022 : vector<1x16xf32> to vector<16xf32>
        %mul3A_1024 = arith.mulf %get3A_1023, %mul3A_328 : vector<16xf32>
        %add3A_1025 = arith.constant 3 : i32
        %add3A_1026 = arith.addi %add3A_157, %add3A_1025 : i32
        %swap3A_1027 = arith.index_cast %add3A_1026 : i32 to index
        %swap3A_1028 = arith.constant 80 : index
        %swap3A_1029 = tpu.vector_load %arg15[%swap3A_1027, %swap3A_1028] {strides = array<i32>} : memref<40x128xf32, #tpu.memory_space<vmem>>, vector<1x16xf32>,
        %swap3A_1030 = vector.shape_cast %swap3A_1029 : vector<1x16xf32> to vector<16xf32>
        %swap3A_1031 = vector.shape_cast %mul3A_1024 : vector<16xf32> to vector<1x16xf32>
        tpu.vector_store %arg15[%swap3A_1027, %swap3A_1028], %swap3A_1031 {strides = array<i32>} : memref<40x128xf32, #tpu.memory_space<vmem>>, vector<1x16xf32>,
        %add3A_1032 = arith.constant 4 : i32
        %add3A_1033 = arith.addi %add3A_157, %add3A_1032 : i32
        %get3A_1034 = arith.index_cast %add3A_1033 : i32 to index
        %get3A_1035 = arith.constant 80 : index
        %get3A_1036 = tpu.vector_load %arg15[%get3A_1034, %get3A_1035] {strides = array<i32>} : memref<40x128xf32, #tpu.memory_space<vmem>>, vector<1x16xf32>,
        %get3A_1037 = vector.shape_cast %get3A_1036 : vector<1x16xf32> to vector<16xf32>
        %mul3A_1038 = arith.mulf %get3A_1037, %mul3A_350 : vector<16xf32>
        %add3A_1039 = arith.constant 4 : i32
        %add3A_1040 = arith.addi %add3A_157, %add3A_1039 : i32
        %swap3A_1041 = arith.index_cast %add3A_1040 : i32 to index
        %swap3A_1042 = arith.constant 80 : index
        %swap3A_1043 = tpu.vector_load %arg15[%swap3A_1041, %swap3A_1042] {strides = array<i32>} : memref<40x128xf32, #tpu.memory_space<vmem>>, vector<1x16xf32>,
        %swap3A_1044 = vector.shape_cast %swap3A_1043 : vector<1x16xf32> to vector<16xf32>
        %swap3A_1045 = vector.shape_cast %mul3A_1038 : vector<16xf32> to vector<1x16xf32>
        tpu.vector_store %arg15[%swap3A_1041, %swap3A_1042], %swap3A_1045 {strides = array<i32>} : memref<40x128xf32, #tpu.memory_space<vmem>>, vector<1x16xf32>,
        %add3A_1046 = arith.constant 5 : i32
        %add3A_1047 = arith.addi %add3A_157, %add3A_1046 : i32
        %get3A_1048 = arith.index_cast %add3A_1047 : i32 to index
        %get3A_1049 = arith.constant 80 : index
        %get3A_1050 = tpu.vector_load %arg15[%get3A_1048, %get3A_1049] {strides = array<i32>} : memref<40x128xf32, #tpu.memory_space<vmem>>, vector<1x16xf32>,
        %get3A_1051 = vector.shape_cast %get3A_1050 : vector<1x16xf32> to vector<16xf32>
        %mul3A_1052 = arith.mulf %get3A_1051, %mul3A_372 : vector<16xf32>
        %add3A_1053 = arith.constant 5 : i32
        %add3A_1054 = arith.addi %add3A_157, %add3A_1053 : i32
        %swap3A_1055 = arith.index_cast %add3A_1054 : i32 to index
        %swap3A_1056 = arith.constant 80 : index
        %swap3A_1057 = tpu.vector_load %arg15[%swap3A_1055, %swap3A_1056] {strides = array<i32>} : memref<40x128xf32, #tpu.memory_space<vmem>>, vector<1x16xf32>,
        %swap3A_1058 = vector.shape_cast %swap3A_1057 : vector<1x16xf32> to vector<16xf32>
        %swap3A_1059 = vector.shape_cast %mul3A_1052 : vector<16xf32> to vector<1x16xf32>
        tpu.vector_store %arg15[%swap3A_1055, %swap3A_1056], %swap3A_1059 {strides = array<i32>} : memref<40x128xf32, #tpu.memory_space<vmem>>, vector<1x16xf32>,
        %add3A_1060 = arith.constant 6 : i32
        %add3A_1061 = arith.addi %add3A_157, %add3A_1060 : i32
        %get3A_1062 = arith.index_cast %add3A_1061 : i32 to index
        %get3A_1063 = arith.constant 80 : index
        %get3A_1064 = tpu.vector_load %arg15[%get3A_1062, %get3A_1063] {strides = array<i32>} : memref<40x128xf32, #tpu.memory_space<vmem>>, vector<1x16xf32>,
        %get3A_1065 = vector.shape_cast %get3A_1064 : vector<1x16xf32> to vector<16xf32>
        %mul3A_1066 = arith.mulf %get3A_1065, %mul3A_394 : vector<16xf32>
        %add3A_1067 = arith.constant 6 : i32
        %add3A_1068 = arith.addi %add3A_157, %add3A_1067 : i32
        %swap3A_1069 = arith.index_cast %add3A_1068 : i32 to index
        %swap3A_1070 = arith.constant 80 : index
        %swap3A_1071 = tpu.vector_load %arg15[%swap3A_1069, %swap3A_1070] {strides = array<i32>} : memref<40x128xf32, #tpu.memory_space<vmem>>, vector<1x16xf32>,
        %swap3A_1072 = vector.shape_cast %swap3A_1071 : vector<1x16xf32> to vector<16xf32>
        %swap3A_1073 = vector.shape_cast %mul3A_1066 : vector<16xf32> to vector<1x16xf32>
        tpu.vector_store %arg15[%swap3A_1069, %swap3A_1070], %swap3A_1073 {strides = array<i32>} : memref<40x128xf32, #tpu.memory_space<vmem>>, vector<1x16xf32>,
        %add3A_1074 = arith.constant 7 : i32
        %add3A_1075 = arith.addi %add3A_157, %add3A_1074 : i32
        %get3A_1076 = arith.index_cast %add3A_1075 : i32 to index
        %get3A_1077 = arith.constant 80 : index
        %get3A_1078 = tpu.vector_load %arg15[%get3A_1076, %get3A_1077] {strides = array<i32>} : memref<40x128xf32, #tpu.memory_space<vmem>>, vector<1x16xf32>,
        %get3A_1079 = vector.shape_cast %get3A_1078 : vector<1x16xf32> to vector<16xf32>
        %mul3A_1080 = arith.mulf %get3A_1079, %mul3A_416 : vector<16xf32>
        %add3A_1081 = arith.constant 7 : i32
        %add3A_1082 = arith.addi %add3A_157, %add3A_1081 : i32
        %swap3A_1083 = arith.index_cast %add3A_1082 : i32 to index
        %swap3A_1084 = arith.constant 80 : index
        %swap3A_1085 = tpu.vector_load %arg15[%swap3A_1083, %swap3A_1084] {strides = array<i32>} : memref<40x128xf32, #tpu.memory_space<vmem>>, vector<1x16xf32>,
        %swap3A_1086 = vector.shape_cast %swap3A_1085 : vector<1x16xf32> to vector<16xf32>
        %swap3A_1087 = vector.shape_cast %mul3A_1080 : vector<16xf32> to vector<1x16xf32>
        tpu.vector_store %arg15[%swap3A_1083, %swap3A_1084], %swap3A_1087 {strides = array<i32>} : memref<40x128xf32, #tpu.memory_space<vmem>>, vector<1x16xf32>,
        %add3A_1088 = arith.constant 0 : i32
        %add3A_1089 = arith.addi %add3A_157, %add3A_1088 : i32
        %get3A_1090 = arith.index_cast %add3A_1089 : i32 to index
        %get3A_1091 = arith.constant 96 : index
        %get3A_1092 = tpu.vector_load %arg15[%get3A_1090, %get3A_1091] {strides = array<i32>} : memref<40x128xf32, #tpu.memory_space<vmem>>, vector<1x16xf32>,
        %get3A_1093 = vector.shape_cast %get3A_1092 : vector<1x16xf32> to vector<16xf32>
        %mul3A_1094 = arith.mulf %get3A_1093, %mul3A_262 : vector<16xf32>
        %add3A_1095 = arith.constant 0 : i32
        %add3A_1096 = arith.addi %add3A_157, %add3A_1095 : i32
        %swap3A_1097 = arith.index_cast %add3A_1096 : i32 to index
        %swap3A_1098 = arith.constant 96 : index
        %swap3A_1099 = tpu.vector_load %arg15[%swap3A_1097, %swap3A_1098] {strides = array<i32>} : memref<40x128xf32, #tpu.memory_space<vmem>>, vector<1x16xf32>,
        %swap3A_1100 = vector.shape_cast %swap3A_1099 : vector<1x16xf32> to vector<16xf32>
        %swap3A_1101 = vector.shape_cast %mul3A_1094 : vector<16xf32> to vector<1x16xf32>
        tpu.vector_store %arg15[%swap3A_1097, %swap3A_1098], %swap3A_1101 {strides = array<i32>} : memref<40x128xf32, #tpu.memory_space<vmem>>, vector<1x16xf32>,
        %add3A_1102 = arith.constant 1 : i32
        %add3A_1103 = arith.addi %add3A_157, %add3A_1102 : i32
        %get3A_1104 = arith.index_cast %add3A_1103 : i32 to index
        %get3A_1105 = arith.constant 96 : index
        %get3A_1106 = tpu.vector_load %arg15[%get3A_1104, %get3A_1105] {strides = array<i32>} : memref<40x128xf32, #tpu.memory_space<vmem>>, vector<1x16xf32>,
        %get3A_1107 = vector.shape_cast %get3A_1106 : vector<1x16xf32> to vector<16xf32>
        %mul3A_1108 = arith.mulf %get3A_1107, %mul3A_284 : vector<16xf32>
        %add3A_1109 = arith.constant 1 : i32
        %add3A_1110 = arith.addi %add3A_157, %add3A_1109 : i32
        %swap3A_1111 = arith.index_cast %add3A_1110 : i32 to index
        %swap3A_1112 = arith.constant 96 : index
        %swap3A_1113 = tpu.vector_load %arg15[%swap3A_1111, %swap3A_1112] {strides = array<i32>} : memref<40x128xf32, #tpu.memory_space<vmem>>, vector<1x16xf32>,
        %swap3A_1114 = vector.shape_cast %swap3A_1113 : vector<1x16xf32> to vector<16xf32>
        %swap3A_1115 = vector.shape_cast %mul3A_1108 : vector<16xf32> to vector<1x16xf32>
        tpu.vector_store %arg15[%swap3A_1111, %swap3A_1112], %swap3A_1115 {strides = array<i32>} : memref<40x128xf32, #tpu.memory_space<vmem>>, vector<1x16xf32>,
        %add3A_1116 = arith.constant 2 : i32
        %add3A_1117 = arith.addi %add3A_157, %add3A_1116 : i32
        %get3A_1118 = arith.index_cast %add3A_1117 : i32 to index
        %get3A_1119 = arith.constant 96 : index
        %get3A_1120 = tpu.vector_load %arg15[%get3A_1118, %get3A_1119] {strides = array<i32>} : memref<40x128xf32, #tpu.memory_space<vmem>>, vector<1x16xf32>,
        %get3A_1121 = vector.shape_cast %get3A_1120 : vector<1x16xf32> to vector<16xf32>
        %mul3A_1122 = arith.mulf %get3A_1121, %mul3A_306 : vector<16xf32>
        %add3A_1123 = arith.constant 2 : i32
        %add3A_1124 = arith.addi %add3A_157, %add3A_1123 : i32
        %swap3A_1125 = arith.index_cast %add3A_1124 : i32 to index
        %swap3A_1126 = arith.constant 96 : index
        %swap3A_1127 = tpu.vector_load %arg15[%swap3A_1125, %swap3A_1126] {strides = array<i32>} : memref<40x128xf32, #tpu.memory_space<vmem>>, vector<1x16xf32>,
        %swap3A_1128 = vector.shape_cast %swap3A_1127 : vector<1x16xf32> to vector<16xf32>
        %swap3A_1129 = vector.shape_cast %mul3A_1122 : vector<16xf32> to vector<1x16xf32>
        tpu.vector_store %arg15[%swap3A_1125, %swap3A_1126], %swap3A_1129 {strides = array<i32>} : memref<40x128xf32, #tpu.memory_space<vmem>>, vector<1x16xf32>,
        %add3A_1130 = arith.constant 3 : i32
        %add3A_1131 = arith.addi %add3A_157, %add3A_1130 : i32
        %get3A_1132 = arith.index_cast %add3A_1131 : i32 to index
        %get3A_1133 = arith.constant 96 : index
        %get3A_1134 = tpu.vector_load %arg15[%get3A_1132, %get3A_1133] {strides = array<i32>} : memref<40x128xf32, #tpu.memory_space<vmem>>, vector<1x16xf32>,
        %get3A_1135 = vector.shape_cast %get3A_1134 : vector<1x16xf32> to vector<16xf32>
        %mul3A_1136 = arith.mulf %get3A_1135, %mul3A_328 : vector<16xf32>
        %add3A_1137 = arith.constant 3 : i32
        %add3A_1138 = arith.addi %add3A_157, %add3A_1137 : i32
        %swap3A_1139 = arith.index_cast %add3A_1138 : i32 to index
        %swap3A_1140 = arith.constant 96 : index
        %swap3A_1141 = tpu.vector_load %arg15[%swap3A_1139, %swap3A_1140] {strides = array<i32>} : memref<40x128xf32, #tpu.memory_space<vmem>>, vector<1x16xf32>,
        %swap3A_1142 = vector.shape_cast %swap3A_1141 : vector<1x16xf32> to vector<16xf32>
        %swap3A_1143 = vector.shape_cast %mul3A_1136 : vector<16xf32> to vector<1x16xf32>
        tpu.vector_store %arg15[%swap3A_1139, %swap3A_1140], %swap3A_1143 {strides = array<i32>} : memref<40x128xf32, #tpu.memory_space<vmem>>, vector<1x16xf32>,
        %add3A_1144 = arith.constant 4 : i32
        %add3A_1145 = arith.addi %add3A_157, %add3A_1144 : i32
        %get3A_1146 = arith.index_cast %add3A_1145 : i32 to index
        %get3A_1147 = arith.constant 96 : index
        %get3A_1148 = tpu.vector_load %arg15[%get3A_1146, %get3A_1147] {strides = array<i32>} : memref<40x128xf32, #tpu.memory_space<vmem>>, vector<1x16xf32>,
        %get3A_1149 = vector.shape_cast %get3A_1148 : vector<1x16xf32> to vector<16xf32>
        %mul3A_1150 = arith.mulf %get3A_1149, %mul3A_350 : vector<16xf32>
        %add3A_1151 = arith.constant 4 : i32
        %add3A_1152 = arith.addi %add3A_157, %add3A_1151 : i32
        %swap3A_1153 = arith.index_cast %add3A_1152 : i32 to index
        %swap3A_1154 = arith.constant 96 : index
        %swap3A_1155 = tpu.vector_load %arg15[%swap3A_1153, %swap3A_1154] {strides = array<i32>} : memref<40x128xf32, #tpu.memory_space<vmem>>, vector<1x16xf32>,
        %swap3A_1156 = vector.shape_cast %swap3A_1155 : vector<1x16xf32> to vector<16xf32>
        %swap3A_1157 = vector.shape_cast %mul3A_1150 : vector<16xf32> to vector<1x16xf32>
        tpu.vector_store %arg15[%swap3A_1153, %swap3A_1154], %swap3A_1157 {strides = array<i32>} : memref<40x128xf32, #tpu.memory_space<vmem>>, vector<1x16xf32>,
        %add3A_1158 = arith.constant 5 : i32
        %add3A_1159 = arith.addi %add3A_157, %add3A_1158 : i32
        %get3A_1160 = arith.index_cast %add3A_1159 : i32 to index
        %get3A_1161 = arith.constant 96 : index
        %get3A_1162 = tpu.vector_load %arg15[%get3A_1160, %get3A_1161] {strides = array<i32>} : memref<40x128xf32, #tpu.memory_space<vmem>>, vector<1x16xf32>,
        %get3A_1163 = vector.shape_cast %get3A_1162 : vector<1x16xf32> to vector<16xf32>
        %mul3A_1164 = arith.mulf %get3A_1163, %mul3A_372 : vector<16xf32>
        %add3A_1165 = arith.constant 5 : i32
        %add3A_1166 = arith.addi %add3A_157, %add3A_1165 : i32
        %swap3A_1167 = arith.index_cast %add3A_1166 : i32 to index
        %swap3A_1168 = arith.constant 96 : index
        %swap3A_1169 = tpu.vector_load %arg15[%swap3A_1167, %swap3A_1168] {strides = array<i32>} : memref<40x128xf32, #tpu.memory_space<vmem>>, vector<1x16xf32>,
        %swap3A_1170 = vector.shape_cast %swap3A_1169 : vector<1x16xf32> to vector<16xf32>
        %swap3A_1171 = vector.shape_cast %mul3A_1164 : vector<16xf32> to vector<1x16xf32>
        tpu.vector_store %arg15[%swap3A_1167, %swap3A_1168], %swap3A_1171 {strides = array<i32>} : memref<40x128xf32, #tpu.memory_space<vmem>>, vector<1x16xf32>,
        %add3A_1172 = arith.constant 6 : i32
        %add3A_1173 = arith.addi %add3A_157, %add3A_1172 : i32
        %get3A_1174 = arith.index_cast %add3A_1173 : i32 to index
        %get3A_1175 = arith.constant 96 : index
        %get3A_1176 = tpu.vector_load %arg15[%get3A_1174, %get3A_1175] {strides = array<i32>} : memref<40x128xf32, #tpu.memory_space<vmem>>, vector<1x16xf32>,
        %get3A_1177 = vector.shape_cast %get3A_1176 : vector<1x16xf32> to vector<16xf32>
        %mul3A_1178 = arith.mulf %get3A_1177, %mul3A_394 : vector<16xf32>
        %add3A_1179 = arith.constant 6 : i32
        %add3A_1180 = arith.addi %add3A_157, %add3A_1179 : i32
        %swap3A_1181 = arith.index_cast %add3A_1180 : i32 to index
        %swap3A_1182 = arith.constant 96 : index
        %swap3A_1183 = tpu.vector_load %arg15[%swap3A_1181, %swap3A_1182] {strides = array<i32>} : memref<40x128xf32, #tpu.memory_space<vmem>>, vector<1x16xf32>,
        %swap3A_1184 = vector.shape_cast %swap3A_1183 : vector<1x16xf32> to vector<16xf32>
        %swap3A_1185 = vector.shape_cast %mul3A_1178 : vector<16xf32> to vector<1x16xf32>
        tpu.vector_store %arg15[%swap3A_1181, %swap3A_1182], %swap3A_1185 {strides = array<i32>} : memref<40x128xf32, #tpu.memory_space<vmem>>, vector<1x16xf32>,
        %add3A_1186 = arith.constant 7 : i32
        %add3A_1187 = arith.addi %add3A_157, %add3A_1186 : i32
        %get3A_1188 = arith.index_cast %add3A_1187 : i32 to index
        %get3A_1189 = arith.constant 96 : index
        %get3A_1190 = tpu.vector_load %arg15[%get3A_1188, %get3A_1189] {strides = array<i32>} : memref<40x128xf32, #tpu.memory_space<vmem>>, vector<1x16xf32>,
        %get3A_1191 = vector.shape_cast %get3A_1190 : vector<1x16xf32> to vector<16xf32>
        %mul3A_1192 = arith.mulf %get3A_1191, %mul3A_416 : vector<16xf32>
        %add3A_1193 = arith.constant 7 : i32
        %add3A_1194 = arith.addi %add3A_157, %add3A_1193 : i32
        %swap3A_1195 = arith.index_cast %add3A_1194 : i32 to index
        %swap3A_1196 = arith.constant 96 : index
        %swap3A_1197 = tpu.vector_load %arg15[%swap3A_1195, %swap3A_1196] {strides = array<i32>} : memref<40x128xf32, #tpu.memory_space<vmem>>, vector<1x16xf32>,
        %swap3A_1198 = vector.shape_cast %swap3A_1197 : vector<1x16xf32> to vector<16xf32>
        %swap3A_1199 = vector.shape_cast %mul3A_1192 : vector<16xf32> to vector<1x16xf32>
        tpu.vector_store %arg15[%swap3A_1195, %swap3A_1196], %swap3A_1199 {strides = array<i32>} : memref<40x128xf32, #tpu.memory_space<vmem>>, vector<1x16xf32>,
        %add3A_1200 = arith.constant 0 : i32
        %add3A_1201 = arith.addi %add3A_157, %add3A_1200 : i32
        %get3A_1202 = arith.index_cast %add3A_1201 : i32 to index
        %get3A_1203 = arith.constant 112 : index
        %get3A_1204 = tpu.vector_load %arg15[%get3A_1202, %get3A_1203] {strides = array<i32>} : memref<40x128xf32, #tpu.memory_space<vmem>>, vector<1x16xf32>,
        %get3A_1205 = vector.shape_cast %get3A_1204 : vector<1x16xf32> to vector<16xf32>
        %mul3A_1206 = arith.mulf %get3A_1205, %mul3A_262 : vector<16xf32>
        %add3A_1207 = arith.constant 0 : i32
        %add3A_1208 = arith.addi %add3A_157, %add3A_1207 : i32
        %swap3A_1209 = arith.index_cast %add3A_1208 : i32 to index
        %swap3A_1210 = arith.constant 112 : index
        %swap3A_1211 = tpu.vector_load %arg15[%swap3A_1209, %swap3A_1210] {strides = array<i32>} : memref<40x128xf32, #tpu.memory_space<vmem>>, vector<1x16xf32>,
        %swap3A_1212 = vector.shape_cast %swap3A_1211 : vector<1x16xf32> to vector<16xf32>
        %swap3A_1213 = vector.shape_cast %mul3A_1206 : vector<16xf32> to vector<1x16xf32>
        tpu.vector_store %arg15[%swap3A_1209, %swap3A_1210], %swap3A_1213 {strides = array<i32>} : memref<40x128xf32, #tpu.memory_space<vmem>>, vector<1x16xf32>,
        %add3A_1214 = arith.constant 1 : i32
        %add3A_1215 = arith.addi %add3A_157, %add3A_1214 : i32
        %get3A_1216 = arith.index_cast %add3A_1215 : i32 to index
        %get3A_1217 = arith.constant 112 : index
        %get3A_1218 = tpu.vector_load %arg15[%get3A_1216, %get3A_1217] {strides = array<i32>} : memref<40x128xf32, #tpu.memory_space<vmem>>, vector<1x16xf32>,
        %get3A_1219 = vector.shape_cast %get3A_1218 : vector<1x16xf32> to vector<16xf32>
        %mul3A_1220 = arith.mulf %get3A_1219, %mul3A_284 : vector<16xf32>
        %add3A_1221 = arith.constant 1 : i32
        %add3A_1222 = arith.addi %add3A_157, %add3A_1221 : i32
        %swap3A_1223 = arith.index_cast %add3A_1222 : i32 to index
        %swap3A_1224 = arith.constant 112 : index
        %swap3A_1225 = tpu.vector_load %arg15[%swap3A_1223, %swap3A_1224] {strides = array<i32>} : memref<40x128xf32, #tpu.memory_space<vmem>>, vector<1x16xf32>,
        %swap3A_1226 = vector.shape_cast %swap3A_1225 : vector<1x16xf32> to vector<16xf32>
        %swap3A_1227 = vector.shape_cast %mul3A_1220 : vector<16xf32> to vector<1x16xf32>
        tpu.vector_store %arg15[%swap3A_1223, %swap3A_1224], %swap3A_1227 {strides = array<i32>} : memref<40x128xf32, #tpu.memory_space<vmem>>, vector<1x16xf32>,
        %add3A_1228 = arith.constant 2 : i32
        %add3A_1229 = arith.addi %add3A_157, %add3A_1228 : i32
        %get3A_1230 = arith.index_cast %add3A_1229 : i32 to index
        %get3A_1231 = arith.constant 112 : index
        %get3A_1232 = tpu.vector_load %arg15[%get3A_1230, %get3A_1231] {strides = array<i32>} : memref<40x128xf32, #tpu.memory_space<vmem>>, vector<1x16xf32>,
        %get3A_1233 = vector.shape_cast %get3A_1232 : vector<1x16xf32> to vector<16xf32>
        %mul3A_1234 = arith.mulf %get3A_1233, %mul3A_306 : vector<16xf32>
        %add3A_1235 = arith.constant 2 : i32
        %add3A_1236 = arith.addi %add3A_157, %add3A_1235 : i32
        %swap3A_1237 = arith.index_cast %add3A_1236 : i32 to index
        %swap3A_1238 = arith.constant 112 : index
        %swap3A_1239 = tpu.vector_load %arg15[%swap3A_1237, %swap3A_1238] {strides = array<i32>} : memref<40x128xf32, #tpu.memory_space<vmem>>, vector<1x16xf32>,
        %swap3A_1240 = vector.shape_cast %swap3A_1239 : vector<1x16xf32> to vector<16xf32>
        %swap3A_1241 = vector.shape_cast %mul3A_1234 : vector<16xf32> to vector<1x16xf32>
        tpu.vector_store %arg15[%swap3A_1237, %swap3A_1238], %swap3A_1241 {strides = array<i32>} : memref<40x128xf32, #tpu.memory_space<vmem>>, vector<1x16xf32>,
        %add3A_1242 = arith.constant 3 : i32
        %add3A_1243 = arith.addi %add3A_157, %add3A_1242 : i32
        %get3A_1244 = arith.index_cast %add3A_1243 : i32 to index
        %get3A_1245 = arith.constant 112 : index
        %get3A_1246 = tpu.vector_load %arg15[%get3A_1244, %get3A_1245] {strides = array<i32>} : memref<40x128xf32, #tpu.memory_space<vmem>>, vector<1x16xf32>,
        %get3A_1247 = vector.shape_cast %get3A_1246 : vector<1x16xf32> to vector<16xf32>
        %mul3A_1248 = arith.mulf %get3A_1247, %mul3A_328 : vector<16xf32>
        %add3A_1249 = arith.constant 3 : i32
        %add3A_1250 = arith.addi %add3A_157, %add3A_1249 : i32
        %swap3A_1251 = arith.index_cast %add3A_1250 : i32 to index
        %swap3A_1252 = arith.constant 112 : index
        %swap3A_1253 = tpu.vector_load %arg15[%swap3A_1251, %swap3A_1252] {strides = array<i32>} : memref<40x128xf32, #tpu.memory_space<vmem>>, vector<1x16xf32>,
        %swap3A_1254 = vector.shape_cast %swap3A_1253 : vector<1x16xf32> to vector<16xf32>
        %swap3A_1255 = vector.shape_cast %mul3A_1248 : vector<16xf32> to vector<1x16xf32>
        tpu.vector_store %arg15[%swap3A_1251, %swap3A_1252], %swap3A_1255 {strides = array<i32>} : memref<40x128xf32, #tpu.memory_space<vmem>>, vector<1x16xf32>,
        %add3A_1256 = arith.constant 4 : i32
        %add3A_1257 = arith.addi %add3A_157, %add3A_1256 : i32
        %get3A_1258 = arith.index_cast %add3A_1257 : i32 to index
        %get3A_1259 = arith.constant 112 : index
        %get3A_1260 = tpu.vector_load %arg15[%get3A_1258, %get3A_1259] {strides = array<i32>} : memref<40x128xf32, #tpu.memory_space<vmem>>, vector<1x16xf32>,
        %get3A_1261 = vector.shape_cast %get3A_1260 : vector<1x16xf32> to vector<16xf32>
        %mul3A_1262 = arith.mulf %get3A_1261, %mul3A_350 : vector<16xf32>
        %add3A_1263 = arith.constant 4 : i32
        %add3A_1264 = arith.addi %add3A_157, %add3A_1263 : i32
        %swap3A_1265 = arith.index_cast %add3A_1264 : i32 to index
        %swap3A_1266 = arith.constant 112 : index
        %swap3A_1267 = tpu.vector_load %arg15[%swap3A_1265, %swap3A_1266] {strides = array<i32>} : memref<40x128xf32, #tpu.memory_space<vmem>>, vector<1x16xf32>,
        %swap3A_1268 = vector.shape_cast %swap3A_1267 : vector<1x16xf32> to vector<16xf32>
        %swap3A_1269 = vector.shape_cast %mul3A_1262 : vector<16xf32> to vector<1x16xf32>
        tpu.vector_store %arg15[%swap3A_1265, %swap3A_1266], %swap3A_1269 {strides = array<i32>} : memref<40x128xf32, #tpu.memory_space<vmem>>, vector<1x16xf32>,
        %add3A_1270 = arith.constant 5 : i32
        %add3A_1271 = arith.addi %add3A_157, %add3A_1270 : i32
        %get3A_1272 = arith.index_cast %add3A_1271 : i32 to index
        %get3A_1273 = arith.constant 112 : index
        %get3A_1274 = tpu.vector_load %arg15[%get3A_1272, %get3A_1273] {strides = array<i32>} : memref<40x128xf32, #tpu.memory_space<vmem>>, vector<1x16xf32>,
        %get3A_1275 = vector.shape_cast %get3A_1274 : vector<1x16xf32> to vector<16xf32>
        %mul3A_1276 = arith.mulf %get3A_1275, %mul3A_372 : vector<16xf32>
        %add3A_1277 = arith.constant 5 : i32
        %add3A_1278 = arith.addi %add3A_157, %add3A_1277 : i32
        %swap3A_1279 = arith.index_cast %add3A_1278 : i32 to index
        %swap3A_1280 = arith.constant 112 : index
        %swap3A_1281 = tpu.vector_load %arg15[%swap3A_1279, %swap3A_1280] {strides = array<i32>} : memref<40x128xf32, #tpu.memory_space<vmem>>, vector<1x16xf32>,
        %swap3A_1282 = vector.shape_cast %swap3A_1281 : vector<1x16xf32> to vector<16xf32>
        %swap3A_1283 = vector.shape_cast %mul3A_1276 : vector<16xf32> to vector<1x16xf32>
        tpu.vector_store %arg15[%swap3A_1279, %swap3A_1280], %swap3A_1283 {strides = array<i32>} : memref<40x128xf32, #tpu.memory_space<vmem>>, vector<1x16xf32>,
        %add3A_1284 = arith.constant 6 : i32
        %add3A_1285 = arith.addi %add3A_157, %add3A_1284 : i32
        %get3A_1286 = arith.index_cast %add3A_1285 : i32 to index
        %get3A_1287 = arith.constant 112 : index
        %get3A_1288 = tpu.vector_load %arg15[%get3A_1286, %get3A_1287] {strides = array<i32>} : memref<40x128xf32, #tpu.memory_space<vmem>>, vector<1x16xf32>,
        %get3A_1289 = vector.shape_cast %get3A_1288 : vector<1x16xf32> to vector<16xf32>
        %mul3A_1290 = arith.mulf %get3A_1289, %mul3A_394 : vector<16xf32>
        %add3A_1291 = arith.constant 6 : i32
        %add3A_1292 = arith.addi %add3A_157, %add3A_1291 : i32
        %swap3A_1293 = arith.index_cast %add3A_1292 : i32 to index
        %swap3A_1294 = arith.constant 112 : index
        %swap3A_1295 = tpu.vector_load %arg15[%swap3A_1293, %swap3A_1294] {strides = array<i32>} : memref<40x128xf32, #tpu.memory_space<vmem>>, vector<1x16xf32>,
        %swap3A_1296 = vector.shape_cast %swap3A_1295 : vector<1x16xf32> to vector<16xf32>
        %swap3A_1297 = vector.shape_cast %mul3A_1290 : vector<16xf32> to vector<1x16xf32>
        tpu.vector_store %arg15[%swap3A_1293, %swap3A_1294], %swap3A_1297 {strides = array<i32>} : memref<40x128xf32, #tpu.memory_space<vmem>>, vector<1x16xf32>,
        %add3A_1298 = arith.constant 7 : i32
        %add3A_1299 = arith.addi %add3A_157, %add3A_1298 : i32
        %get3A_1300 = arith.index_cast %add3A_1299 : i32 to index
        %get3A_1301 = arith.constant 112 : index
        %get3A_1302 = tpu.vector_load %arg15[%get3A_1300, %get3A_1301] {strides = array<i32>} : memref<40x128xf32, #tpu.memory_space<vmem>>, vector<1x16xf32>,
        %get3A_1303 = vector.shape_cast %get3A_1302 : vector<1x16xf32> to vector<16xf32>
        %mul3A_1304 = arith.mulf %get3A_1303, %mul3A_416 : vector<16xf32>
        %add3A_1305 = arith.constant 7 : i32
        %add3A_1306 = arith.addi %add3A_157, %add3A_1305 : i32
        %swap3A_1307 = arith.index_cast %add3A_1306 : i32 to index
        %swap3A_1308 = arith.constant 112 : index
        %swap3A_1309 = tpu.vector_load %arg15[%swap3A_1307, %swap3A_1308] {strides = array<i32>} : memref<40x128xf32, #tpu.memory_space<vmem>>, vector<1x16xf32>,
        %swap3A_1310 = vector.shape_cast %swap3A_1309 : vector<1x16xf32> to vector<16xf32>
        %swap3A_1311 = vector.shape_cast %mul3A_1304 : vector<16xf32> to vector<1x16xf32>
        tpu.vector_store %arg15[%swap3A_1307, %swap3A_1308], %swap3A_1311 {strides = array<i32>} : memref<40x128xf32, #tpu.memory_space<vmem>>, vector<1x16xf32>,
      }
      %scan3A_97 = arith.constant 5 : i32
      %add3A_98 = arith.constant 0 : i32
      %add3A_99 = arith.addi %add3A_16, %add3A_98 : i32
      %dma_start3A_100 = arith.constant 0 : i32
      %dma_start3A_101 = tpu.memref_slice %arg9[%add3A_99, %dma_start3A_100] : memref<250x40xi32, #tpu.memory_space<vmem>> -> memref<1x40xi32, #tpu.memory_space<vmem>>
      %dma_start3A_102 = tpu.memref_squeeze %dma_start3A_101 : memref<1x40xi32, #tpu.memory_space<vmem>> -> memref<40xi32, #tpu.memory_space<vmem>>
      %dma_start3A_103 = arith.constant 0 : i32
      %dma_start3A_104 = arith.constant 0 : i32
      %dma_start3A_105 = tpu.memref_slice %arg19[%dma_start3A_103, %dma_start3A_104] : memref<10240x128xf32, #tpu.memory_space<vmem_shared>> -> memref<10240x128xf32, #tpu.memory_space<vmem_shared>>
      tpu.enqueue_indirect_dma source(%arg15 : memref<40x128xf32, #tpu.memory_space<vmem>>) target(%dma_start3A_105 : memref<10240x128xf32, #tpu.memory_space<vmem_shared>>) offsets(%dma_start3A_102 : memref<40xi32, #tpu.memory_space<vmem>>) semaphore(%arg22 : memref<!tpu.dma_semaphore, #tpu.memory_space<semaphore_mem>>) {add = true}
      %dma_wait3A_106 = arith.constant 0 : i32
      %dma_wait3A_107 = tpu.memref_slice %arg9[%add3A_44, %dma_wait3A_106] : memref<250x40xi32, #tpu.memory_space<vmem>> -> memref<1x40xi32, #tpu.memory_space<vmem>>
      %dma_wait3A_108 = tpu.memref_squeeze %dma_wait3A_107 : memref<1x40xi32, #tpu.memory_space<vmem>> -> memref<40xi32, #tpu.memory_space<vmem>>
      %dma_wait3A_109 = arith.constant 0 : i32
      %dma_wait3A_110 = arith.constant 0 : i32
      %dma_wait3A_111 = tpu.memref_slice %arg2[%dma_wait3A_109, %dma_wait3A_110] : memref<10240x32xf32, #tpu.memory_space<hbm>> -> memref<10240x32xf32, #tpu.memory_space<hbm>>
      tpu.wait_indirect_dma semaphore(%arg21 : memref<!tpu.dma_semaphore, #tpu.memory_space<semaphore_mem>>) src(%dma_wait3A_111 : memref<10240x32xf32, #tpu.memory_space<hbm>>) dst(%arg12 : memref<40x32xf32, #tpu.memory_space<vmem>>)
      %dma_wait3A_112 = arith.constant 0 : i32
      %dma_wait3A_113 = tpu.memref_slice %arg10[%add3A_44, %dma_wait3A_112] : memref<250x40xi32, #tpu.memory_space<vmem>> -> memref<1x40xi32, #tpu.memory_space<vmem>>
      %dma_wait3A_114 = tpu.memref_squeeze %dma_wait3A_113 : memref<1x40xi32, #tpu.memory_space<vmem>> -> memref<40xi32, #tpu.memory_space<vmem>>
      %dma_wait3A_115 = arith.constant 0 : i32
      %dma_wait3A_116 = arith.constant 0 : i32
      %dma_wait3A_117 = tpu.memref_slice %arg2[%dma_wait3A_115, %dma_wait3A_116] : memref<10240x32xf32, #tpu.memory_space<hbm>> -> memref<10240x32xf32, #tpu.memory_space<hbm>>
      tpu.wait_indirect_dma semaphore(%arg21 : memref<!tpu.dma_semaphore, #tpu.memory_space<semaphore_mem>>) src(%dma_wait3A_117 : memref<10240x32xf32, #tpu.memory_space<hbm>>) dst(%arg14 : memref<40x32xf32, #tpu.memory_space<vmem>>)
      %dma_wait3A_118 = arith.constant 0 : i32
      %dma_wait3A_119 = tpu.memref_slice %arg10[%add3A_44, %dma_wait3A_118] : memref<250x40xi32, #tpu.memory_space<vmem>> -> memref<1x40xi32, #tpu.memory_space<vmem>>
      %dma_wait3A_120 = tpu.memref_squeeze %dma_wait3A_119 : memref<1x40xi32, #tpu.memory_space<vmem>> -> memref<40xi32, #tpu.memory_space<vmem>>
      %dma_wait3A_121 = arith.constant 0 : i32
      %dma_wait3A_122 = arith.constant 0 : i32
      %dma_wait3A_123 = tpu.memref_slice %arg3[%dma_wait3A_121, %dma_wait3A_122] : memref<10000x128xf32, #tpu.memory_space<hbm>> -> memref<10000x128xf32, #tpu.memory_space<hbm>>
      tpu.wait_indirect_dma semaphore(%arg21 : memref<!tpu.dma_semaphore, #tpu.memory_space<semaphore_mem>>) src(%dma_wait3A_123 : memref<10000x128xf32, #tpu.memory_space<hbm>>) dst(%arg16 : memref<40x128xf32, #tpu.memory_space<vmem>>)
      %dma_wait3A_124 = arith.constant 0 : i32
      %dma_wait3A_125 = tpu.memref_slice %arg4[%mul3A_67, %dma_wait3A_124] : memref<320000x16xf32, #tpu.memory_space<hbm>> -> memref<40x16xf32, #tpu.memory_space<hbm>>
      %dma_wait3A_126 = arith.constant 0 : i32
      %dma_wait3A_127 = tpu.memref_slice %arg4[%mul3A_67, %dma_wait3A_126] : memref<320000x16xf32, #tpu.memory_space<hbm>> -> memref<40x16xf32, #tpu.memory_space<hbm>>
      tpu.wait_dma2 semaphore(%arg25 : memref<!tpu.dma_semaphore, #tpu.memory_space<semaphore_mem>>) src(%dma_wait3A_127 : memref<40x16xf32, #tpu.memory_space<hbm>>) dst(%arg18 : memref<40x16xf32, #tpu.memory_space<vmem>>)
      %scan3A_128 = arith.constant 0 : i32
      %scan3A_129 = arith.constant 5 : i32
      %scan3A_130 = arith.addi %scan3A_128, %scan3A_129 : i32
      %scan3A_131 = arith.constant 1 : i32
      scf.for %scan3A_153 = %scan3A_128 to %scan3A_130 step %scan3A_131  : i32 {
        %mul3A_154 = arith.constant 8 : i32
        %mul3A_155 = arith.muli %scan3A_153, %mul3A_154 : i32
        %add3A_156 = arith.constant 0 : i32
        %add3A_157 = arith.addi %add3A_156, %mul3A_155 : i32
        %add3A_158 = arith.constant 0 : i32
        %add3A_159 = arith.addi %add3A_157, %add3A_158 : i32
        %get3A = arith.index_cast %add3A_159 : i32 to index
        %get3A_160 = arith.constant 16 : index
        %get3A_161 = tpu.vector_load %arg12[%get3A, %get3A_160] {strides = array<i32>} : memref<40x32xf32, #tpu.memory_space<vmem>>, vector<1x16xf32>,
        %get3A_162 = vector.shape_cast %get3A_161 : vector<1x16xf32> to vector<16xf32>
        %get3A_163 = arith.index_cast %add3A_159 : i32 to index
        %get3A_164 = arith.constant 16 : index
        %get3A_165 = tpu.vector_load %arg14[%get3A_163, %get3A_164] {strides = array<i32>} : memref<40x32xf32, #tpu.memory_space<vmem>>, vector<1x16xf32>,
        %get3A_166 = vector.shape_cast %get3A_165 : vector<1x16xf32> to vector<16xf32>
        %sub3A = arith.subf %get3A_162, %get3A_166 : vector<16xf32>
        %add3A_167 = arith.constant 1 : i32
        %add3A_168 = arith.addi %add3A_157, %add3A_167 : i32
        %get3A_169 = arith.index_cast %add3A_168 : i32 to index
        %get3A_170 = arith.constant 16 : index
        %get3A_171 = tpu.vector_load %arg12[%get3A_169, %get3A_170] {strides = array<i32>} : memref<40x32xf32, #tpu.memory_space<vmem>>, vector<1x16xf32>,
        %get3A_172 = vector.shape_cast %get3A_171 : vector<1x16xf32> to vector<16xf32>
        %get3A_173 = arith.index_cast %add3A_168 : i32 to index
        %get3A_174 = arith.constant 16 : index
        %get3A_175 = tpu.vector_load %arg14[%get3A_173, %get3A_174] {strides = array<i32>} : memref<40x32xf32, #tpu.memory_space<vmem>>, vector<1x16xf32>,
        %get3A_176 = vector.shape_cast %get3A_175 : vector<1x16xf32> to vector<16xf32>
        %sub3A_177 = arith.subf %get3A_172, %get3A_176 : vector<16xf32>
        %add3A_178 = arith.constant 2 : i32
        %add3A_179 = arith.addi %add3A_157, %add3A_178 : i32
        %get3A_180 = arith.index_cast %add3A_179 : i32 to index
        %get3A_181 = arith.constant 16 : index
        %get3A_182 = tpu.vector_load %arg12[%get3A_180, %get3A_181] {strides = array<i32>} : memref<40x32xf32, #tpu.memory_space<vmem>>, vector<1x16xf32>,
        %get3A_183 = vector.shape_cast %get3A_182 : vector<1x16xf32> to vector<16xf32>
        %get3A_184 = arith.index_cast %add3A_179 : i32 to index
        %get3A_185 = arith.constant 16 : index
        %get3A_186 = tpu.vector_load %arg14[%get3A_184, %get3A_185] {strides = array<i32>} : memref<40x32xf32, #tpu.memory_space<vmem>>, vector<1x16xf32>,
        %get3A_187 = vector.shape_cast %get3A_186 : vector<1x16xf32> to vector<16xf32>
        %sub3A_188 = arith.subf %get3A_183, %get3A_187 : vector<16xf32>
        %add3A_189 = arith.constant 3 : i32
        %add3A_190 = arith.addi %add3A_157, %add3A_189 : i32
        %get3A_191 = arith.index_cast %add3A_190 : i32 to index
        %get3A_192 = arith.constant 16 : index
        %get3A_193 = tpu.vector_load %arg12[%get3A_191, %get3A_192] {strides = array<i32>} : memref<40x32xf32, #tpu.memory_space<vmem>>, vector<1x16xf32>,
        %get3A_194 = vector.shape_cast %get3A_193 : vector<1x16xf32> to vector<16xf32>
        %get3A_195 = arith.index_cast %add3A_190 : i32 to index
        %get3A_196 = arith.constant 16 : index
        %get3A_197 = tpu.vector_load %arg14[%get3A_195, %get3A_196] {strides = array<i32>} : memref<40x32xf32, #tpu.memory_space<vmem>>, vector<1x16xf32>,
        %get3A_198 = vector.shape_cast %get3A_197 : vector<1x16xf32> to vector<16xf32>
        %sub3A_199 = arith.subf %get3A_194, %get3A_198 : vector<16xf32>
        %add3A_200 = arith.constant 4 : i32
        %add3A_201 = arith.addi %add3A_157, %add3A_200 : i32
        %get3A_202 = arith.index_cast %add3A_201 : i32 to index
        %get3A_203 = arith.constant 16 : index
        %get3A_204 = tpu.vector_load %arg12[%get3A_202, %get3A_203] {strides = array<i32>} : memref<40x32xf32, #tpu.memory_space<vmem>>, vector<1x16xf32>,
        %get3A_205 = vector.shape_cast %get3A_204 : vector<1x16xf32> to vector<16xf32>
        %get3A_206 = arith.index_cast %add3A_201 : i32 to index
        %get3A_207 = arith.constant 16 : index
        %get3A_208 = tpu.vector_load %arg14[%get3A_206, %get3A_207] {strides = array<i32>} : memref<40x32xf32, #tpu.memory_space<vmem>>, vector<1x16xf32>,
        %get3A_209 = vector.shape_cast %get3A_208 : vector<1x16xf32> to vector<16xf32>
        %sub3A_210 = arith.subf %get3A_205, %get3A_209 : vector<16xf32>
        %add3A_211 = arith.constant 5 : i32
        %add3A_212 = arith.addi %add3A_157, %add3A_211 : i32
        %get3A_213 = arith.index_cast %add3A_212 : i32 to index
        %get3A_214 = arith.constant 16 : index
        %get3A_215 = tpu.vector_load %arg12[%get3A_213, %get3A_214] {strides = array<i32>} : memref<40x32xf32, #tpu.memory_space<vmem>>, vector<1x16xf32>,
        %get3A_216 = vector.shape_cast %get3A_215 : vector<1x16xf32> to vector<16xf32>
        %get3A_217 = arith.index_cast %add3A_212 : i32 to index
        %get3A_218 = arith.constant 16 : index
        %get3A_219 = tpu.vector_load %arg14[%get3A_217, %get3A_218] {strides = array<i32>} : memref<40x32xf32, #tpu.memory_space<vmem>>, vector<1x16xf32>,
        %get3A_220 = vector.shape_cast %get3A_219 : vector<1x16xf32> to vector<16xf32>
        %sub3A_221 = arith.subf %get3A_216, %get3A_220 : vector<16xf32>
        %add3A_222 = arith.constant 6 : i32
        %add3A_223 = arith.addi %add3A_157, %add3A_222 : i32
        %get3A_224 = arith.index_cast %add3A_223 : i32 to index
        %get3A_225 = arith.constant 16 : index
        %get3A_226 = tpu.vector_load %arg12[%get3A_224, %get3A_225] {strides = array<i32>} : memref<40x32xf32, #tpu.memory_space<vmem>>, vector<1x16xf32>,
        %get3A_227 = vector.shape_cast %get3A_226 : vector<1x16xf32> to vector<16xf32>
        %get3A_228 = arith.index_cast %add3A_223 : i32 to index
        %get3A_229 = arith.constant 16 : index
        %get3A_230 = tpu.vector_load %arg14[%get3A_228, %get3A_229] {strides = array<i32>} : memref<40x32xf32, #tpu.memory_space<vmem>>, vector<1x16xf32>,
        %get3A_231 = vector.shape_cast %get3A_230 : vector<1x16xf32> to vector<16xf32>
        %sub3A_232 = arith.subf %get3A_227, %get3A_231 : vector<16xf32>
        %add3A_233 = arith.constant 7 : i32
        %add3A_234 = arith.addi %add3A_157, %add3A_233 : i32
        %get3A_235 = arith.index_cast %add3A_234 : i32 to index
        %get3A_236 = arith.constant 16 : index
        %get3A_237 = tpu.vector_load %arg12[%get3A_235, %get3A_236] {strides = array<i32>} : memref<40x32xf32, #tpu.memory_space<vmem>>, vector<1x16xf32>,
        %get3A_238 = vector.shape_cast %get3A_237 : vector<1x16xf32> to vector<16xf32>
        %get3A_239 = arith.index_cast %add3A_234 : i32 to index
        %get3A_240 = arith.constant 16 : index
        %get3A_241 = tpu.vector_load %arg14[%get3A_239, %get3A_240] {strides = array<i32>} : memref<40x32xf32, #tpu.memory_space<vmem>>, vector<1x16xf32>,
        %get3A_242 = vector.shape_cast %get3A_241 : vector<1x16xf32> to vector<16xf32>
        %sub3A_243 = arith.subf %get3A_238, %get3A_242 : vector<16xf32>
        %add3A_244 = arith.constant 0 : i32
        %add3A_245 = arith.addi %add3A_157, %add3A_244 : i32
        %neg3A = arith.constant 0.000000e+00 : f32
        %neg3A_246 = vector.broadcast %neg3A : f32 to vector<16xf32>
        %neg3A_247 = arith.subf %neg3A_246, %sub3A : vector<16xf32>
        %exp3A = math.exp %neg3A_247 : vector<16xf32>
        %add3A_248 = arith.constant 1.000000e+00 : f32
        %add3A_249 = vector.broadcast %add3A_248 : f32 to vector<16xf32>
        %add3A_250 = arith.addf %add3A_249, %exp3A : vector<16xf32>
        %div3A = arith.constant 1.000000e+00 : f32
        %div3A_251 = vector.broadcast %div3A : f32 to vector<16xf32>
        %div3A_252 = arith.divf %div3A_251, %add3A_250 : vector<16xf32>
        %get3A_253 = arith.index_cast %add3A_245 : i32 to index
        %get3A_254 = arith.constant 0 : index
        %get3A_255 = tpu.vector_load %arg18[%get3A_253, %get3A_254] {strides = array<i32>} : memref<40x16xf32, #tpu.memory_space<vmem>>, vector<1x16xf32>,
        %get3A_256 = vector.shape_cast %get3A_255 : vector<1x16xf32> to vector<16xf32>
        %get3A_257 = arith.index_cast %add3A_245 : i32 to index
        %get3A_258 = arith.constant 0 : index
        %get3A_259 = tpu.vector_load %arg12[%get3A_257, %get3A_258] {strides = array<i32>} : memref<40x32xf32, #tpu.memory_space<vmem>>, vector<1x16xf32>,
        %get3A_260 = vector.shape_cast %get3A_259 : vector<1x16xf32> to vector<16xf32>
        %mul3A_261 = arith.mulf %get3A_256, %get3A_260 : vector<16xf32>
        %mul3A_262 = arith.mulf %mul3A_261, %div3A_252 : vector<16xf32>
        %add3A_263 = arith.constant 1 : i32
        %add3A_264 = arith.addi %add3A_157, %add3A_263 : i32
        %neg3A_265 = arith.constant 0.000000e+00 : f32
        %neg3A_266 = vector.broadcast %neg3A_265 : f32 to vector<16xf32>
        %neg3A_267 = arith.subf %neg3A_266, %sub3A_177 : vector<16xf32>
        %exp3A_268 = math.exp %neg3A_267 : vector<16xf32>
        %add3A_269 = arith.constant 1.000000e+00 : f32
        %add3A_270 = vector.broadcast %add3A_269 : f32 to vector<16xf32>
        %add3A_271 = arith.addf %add3A_270, %exp3A_268 : vector<16xf32>
        %div3A_272 = arith.constant 1.000000e+00 : f32
        %div3A_273 = vector.broadcast %div3A_272 : f32 to vector<16xf32>
        %div3A_274 = arith.divf %div3A_273, %add3A_271 : vector<16xf32>
        %get3A_275 = arith.index_cast %add3A_264 : i32 to index
        %get3A_276 = arith.constant 0 : index
        %get3A_277 = tpu.vector_load %arg18[%get3A_275, %get3A_276] {strides = array<i32>} : memref<40x16xf32, #tpu.memory_space<vmem>>, vector<1x16xf32>,
        %get3A_278 = vector.shape_cast %get3A_277 : vector<1x16xf32> to vector<16xf32>
        %get3A_279 = arith.index_cast %add3A_264 : i32 to index
        %get3A_280 = arith.constant 0 : index
        %get3A_281 = tpu.vector_load %arg12[%get3A_279, %get3A_280] {strides = array<i32>} : memref<40x32xf32, #tpu.memory_space<vmem>>, vector<1x16xf32>,
        %get3A_282 = vector.shape_cast %get3A_281 : vector<1x16xf32> to vector<16xf32>
        %mul3A_283 = arith.mulf %get3A_278, %get3A_282 : vector<16xf32>
        %mul3A_284 = arith.mulf %mul3A_283, %div3A_274 : vector<16xf32>
        %add3A_285 = arith.constant 2 : i32
        %add3A_286 = arith.addi %add3A_157, %add3A_285 : i32
        %neg3A_287 = arith.constant 0.000000e+00 : f32
        %neg3A_288 = vector.broadcast %neg3A_287 : f32 to vector<16xf32>
        %neg3A_289 = arith.subf %neg3A_288, %sub3A_188 : vector<16xf32>
        %exp3A_290 = math.exp %neg3A_289 : vector<16xf32>
        %add3A_291 = arith.constant 1.000000e+00 : f32
        %add3A_292 = vector.broadcast %add3A_291 : f32 to vector<16xf32>
        %add3A_293 = arith.addf %add3A_292, %exp3A_290 : vector<16xf32>
        %div3A_294 = arith.constant 1.000000e+00 : f32
        %div3A_295 = vector.broadcast %div3A_294 : f32 to vector<16xf32>
        %div3A_296 = arith.divf %div3A_295, %add3A_293 : vector<16xf32>
        %get3A_297 = arith.index_cast %add3A_286 : i32 to index
        %get3A_298 = arith.constant 0 : index
        %get3A_299 = tpu.vector_load %arg18[%get3A_297, %get3A_298] {strides = array<i32>} : memref<40x16xf32, #tpu.memory_space<vmem>>, vector<1x16xf32>,
        %get3A_300 = vector.shape_cast %get3A_299 : vector<1x16xf32> to vector<16xf32>
        %get3A_301 = arith.index_cast %add3A_286 : i32 to index
        %get3A_302 = arith.constant 0 : index
        %get3A_303 = tpu.vector_load %arg12[%get3A_301, %get3A_302] {strides = array<i32>} : memref<40x32xf32, #tpu.memory_space<vmem>>, vector<1x16xf32>,
        %get3A_304 = vector.shape_cast %get3A_303 : vector<1x16xf32> to vector<16xf32>
        %mul3A_305 = arith.mulf %get3A_300, %get3A_304 : vector<16xf32>
        %mul3A_306 = arith.mulf %mul3A_305, %div3A_296 : vector<16xf32>
        %add3A_307 = arith.constant 3 : i32
        %add3A_308 = arith.addi %add3A_157, %add3A_307 : i32
        %neg3A_309 = arith.constant 0.000000e+00 : f32
        %neg3A_310 = vector.broadcast %neg3A_309 : f32 to vector<16xf32>
        %neg3A_311 = arith.subf %neg3A_310, %sub3A_199 : vector<16xf32>
        %exp3A_312 = math.exp %neg3A_311 : vector<16xf32>
        %add3A_313 = arith.constant 1.000000e+00 : f32
        %add3A_314 = vector.broadcast %add3A_313 : f32 to vector<16xf32>
        %add3A_315 = arith.addf %add3A_314, %exp3A_312 : vector<16xf32>
        %div3A_316 = arith.constant 1.000000e+00 : f32
        %div3A_317 = vector.broadcast %div3A_316 : f32 to vector<16xf32>
        %div3A_318 = arith.divf %div3A_317, %add3A_315 : vector<16xf32>
        %get3A_319 = arith.index_cast %add3A_308 : i32 to index
        %get3A_320 = arith.constant 0 : index
        %get3A_321 = tpu.vector_load %arg18[%get3A_319, %get3A_320] {strides = array<i32>} : memref<40x16xf32, #tpu.memory_space<vmem>>, vector<1x16xf32>,
        %get3A_322 = vector.shape_cast %get3A_321 : vector<1x16xf32> to vector<16xf32>
        %get3A_323 = arith.index_cast %add3A_308 : i32 to index
        %get3A_324 = arith.constant 0 : index
        %get3A_325 = tpu.vector_load %arg12[%get3A_323, %get3A_324] {strides = array<i32>} : memref<40x32xf32, #tpu.memory_space<vmem>>, vector<1x16xf32>,
        %get3A_326 = vector.shape_cast %get3A_325 : vector<1x16xf32> to vector<16xf32>
        %mul3A_327 = arith.mulf %get3A_322, %get3A_326 : vector<16xf32>
        %mul3A_328 = arith.mulf %mul3A_327, %div3A_318 : vector<16xf32>
        %add3A_329 = arith.constant 4 : i32
        %add3A_330 = arith.addi %add3A_157, %add3A_329 : i32
        %neg3A_331 = arith.constant 0.000000e+00 : f32
        %neg3A_332 = vector.broadcast %neg3A_331 : f32 to vector<16xf32>
        %neg3A_333 = arith.subf %neg3A_332, %sub3A_210 : vector<16xf32>
        %exp3A_334 = math.exp %neg3A_333 : vector<16xf32>
        %add3A_335 = arith.constant 1.000000e+00 : f32
        %add3A_336 = vector.broadcast %add3A_335 : f32 to vector<16xf32>
        %add3A_337 = arith.addf %add3A_336, %exp3A_334 : vector<16xf32>
        %div3A_338 = arith.constant 1.000000e+00 : f32
        %div3A_339 = vector.broadcast %div3A_338 : f32 to vector<16xf32>
        %div3A_340 = arith.divf %div3A_339, %add3A_337 : vector<16xf32>
        %get3A_341 = arith.index_cast %add3A_330 : i32 to index
        %get3A_342 = arith.constant 0 : index
        %get3A_343 = tpu.vector_load %arg18[%get3A_341, %get3A_342] {strides = array<i32>} : memref<40x16xf32, #tpu.memory_space<vmem>>, vector<1x16xf32>,
        %get3A_344 = vector.shape_cast %get3A_343 : vector<1x16xf32> to vector<16xf32>
        %get3A_345 = arith.index_cast %add3A_330 : i32 to index
        %get3A_346 = arith.constant 0 : index
        %get3A_347 = tpu.vector_load %arg12[%get3A_345, %get3A_346] {strides = array<i32>} : memref<40x32xf32, #tpu.memory_space<vmem>>, vector<1x16xf32>,
        %get3A_348 = vector.shape_cast %get3A_347 : vector<1x16xf32> to vector<16xf32>
        %mul3A_349 = arith.mulf %get3A_344, %get3A_348 : vector<16xf32>
        %mul3A_350 = arith.mulf %mul3A_349, %div3A_340 : vector<16xf32>
        %add3A_351 = arith.constant 5 : i32
        %add3A_352 = arith.addi %add3A_157, %add3A_351 : i32
        %neg3A_353 = arith.constant 0.000000e+00 : f32
        %neg3A_354 = vector.broadcast %neg3A_353 : f32 to vector<16xf32>
        %neg3A_355 = arith.subf %neg3A_354, %sub3A_221 : vector<16xf32>
        %exp3A_356 = math.exp %neg3A_355 : vector<16xf32>
        %add3A_357 = arith.constant 1.000000e+00 : f32
        %add3A_358 = vector.broadcast %add3A_357 : f32 to vector<16xf32>
        %add3A_359 = arith.addf %add3A_358, %exp3A_356 : vector<16xf32>
        %div3A_360 = arith.constant 1.000000e+00 : f32
        %div3A_361 = vector.broadcast %div3A_360 : f32 to vector<16xf32>
        %div3A_362 = arith.divf %div3A_361, %add3A_359 : vector<16xf32>
        %get3A_363 = arith.index_cast %add3A_352 : i32 to index
        %get3A_364 = arith.constant 0 : index
        %get3A_365 = tpu.vector_load %arg18[%get3A_363, %get3A_364] {strides = array<i32>} : memref<40x16xf32, #tpu.memory_space<vmem>>, vector<1x16xf32>,
        %get3A_366 = vector.shape_cast %get3A_365 : vector<1x16xf32> to vector<16xf32>
        %get3A_367 = arith.index_cast %add3A_352 : i32 to index
        %get3A_368 = arith.constant 0 : index
        %get3A_369 = tpu.vector_load %arg12[%get3A_367, %get3A_368] {strides = array<i32>} : memref<40x32xf32, #tpu.memory_space<vmem>>, vector<1x16xf32>,
        %get3A_370 = vector.shape_cast %get3A_369 : vector<1x16xf32> to vector<16xf32>
        %mul3A_371 = arith.mulf %get3A_366, %get3A_370 : vector<16xf32>
        %mul3A_372 = arith.mulf %mul3A_371, %div3A_362 : vector<16xf32>
        %add3A_373 = arith.constant 6 : i32
        %add3A_374 = arith.addi %add3A_157, %add3A_373 : i32
        %neg3A_375 = arith.constant 0.000000e+00 : f32
        %neg3A_376 = vector.broadcast %neg3A_375 : f32 to vector<16xf32>
        %neg3A_377 = arith.subf %neg3A_376, %sub3A_232 : vector<16xf32>
        %exp3A_378 = math.exp %neg3A_377 : vector<16xf32>
        %add3A_379 = arith.constant 1.000000e+00 : f32
        %add3A_380 = vector.broadcast %add3A_379 : f32 to vector<16xf32>
        %add3A_381 = arith.addf %add3A_380, %exp3A_378 : vector<16xf32>
        %div3A_382 = arith.constant 1.000000e+00 : f32
        %div3A_383 = vector.broadcast %div3A_382 : f32 to vector<16xf32>
        %div3A_384 = arith.divf %div3A_383, %add3A_381 : vector<16xf32>
        %get3A_385 = arith.index_cast %add3A_374 : i32 to index
        %get3A_386 = arith.constant 0 : index
        %get3A_387 = tpu.vector_load %arg18[%get3A_385, %get3A_386] {strides = array<i32>} : memref<40x16xf32, #tpu.memory_space<vmem>>, vector<1x16xf32>,
        %get3A_388 = vector.shape_cast %get3A_387 : vector<1x16xf32> to vector<16xf32>
        %get3A_389 = arith.index_cast %add3A_374 : i32 to index
        %get3A_390 = arith.constant 0 : index
        %get3A_391 = tpu.vector_load %arg12[%get3A_389, %get3A_390] {strides = array<i32>} : memref<40x32xf32, #tpu.memory_space<vmem>>, vector<1x16xf32>,
        %get3A_392 = vector.shape_cast %get3A_391 : vector<1x16xf32> to vector<16xf32>
        %mul3A_393 = arith.mulf %get3A_388, %get3A_392 : vector<16xf32>
        %mul3A_394 = arith.mulf %mul3A_393, %div3A_384 : vector<16xf32>
        %add3A_395 = arith.constant 7 : i32
        %add3A_396 = arith.addi %add3A_157, %add3A_395 : i32
        %neg3A_397 = arith.constant 0.000000e+00 : f32
        %neg3A_398 = vector.broadcast %neg3A_397 : f32 to vector<16xf32>
        %neg3A_399 = arith.subf %neg3A_398, %sub3A_243 : vector<16xf32>
        %exp3A_400 = math.exp %neg3A_399 : vector<16xf32>
        %add3A_401 = arith.constant 1.000000e+00 : f32
        %add3A_402 = vector.broadcast %add3A_401 : f32 to vector<16xf32>
        %add3A_403 = arith.addf %add3A_402, %exp3A_400 : vector<16xf32>
        %div3A_404 = arith.constant 1.000000e+00 : f32
        %div3A_405 = vector.broadcast %div3A_404 : f32 to vector<16xf32>
        %div3A_406 = arith.divf %div3A_405, %add3A_403 : vector<16xf32>
        %get3A_407 = arith.index_cast %add3A_396 : i32 to index
        %get3A_408 = arith.constant 0 : index
        %get3A_409 = tpu.vector_load %arg18[%get3A_407, %get3A_408] {strides = array<i32>} : memref<40x16xf32, #tpu.memory_space<vmem>>, vector<1x16xf32>,
        %get3A_410 = vector.shape_cast %get3A_409 : vector<1x16xf32> to vector<16xf32>
        %get3A_411 = arith.index_cast %add3A_396 : i32 to index
        %get3A_412 = arith.constant 0 : index
        %get3A_413 = tpu.vector_load %arg12[%get3A_411, %get3A_412] {strides = array<i32>} : memref<40x32xf32, #tpu.memory_space<vmem>>, vector<1x16xf32>,
        %get3A_414 = vector.shape_cast %get3A_413 : vector<1x16xf32> to vector<16xf32>
        %mul3A_415 = arith.mulf %get3A_410, %get3A_414 : vector<16xf32>
        %mul3A_416 = arith.mulf %mul3A_415, %div3A_406 : vector<16xf32>
        %add3A_417 = arith.constant 0 : i32
        %add3A_418 = arith.addi %add3A_157, %add3A_417 : i32
        %get3A_419 = arith.index_cast %add3A_418 : i32 to index
        %get3A_420 = arith.constant 0 : index
        %get3A_421 = tpu.vector_load %arg16[%get3A_419, %get3A_420] {strides = array<i32>} : memref<40x128xf32, #tpu.memory_space<vmem>>, vector<1x16xf32>,
        %get3A_422 = vector.shape_cast %get3A_421 : vector<1x16xf32> to vector<16xf32>
        %mul3A_423 = arith.mulf %get3A_422, %mul3A_262 : vector<16xf32>
        %add3A_424 = arith.constant 0 : i32
        %add3A_425 = arith.addi %add3A_157, %add3A_424 : i32
        %swap3A = arith.index_cast %add3A_425 : i32 to index
        %swap3A_426 = arith.constant 0 : index
        %swap3A_427 = tpu.vector_load %arg16[%swap3A, %swap3A_426] {strides = array<i32>} : memref<40x128xf32, #tpu.memory_space<vmem>>, vector<1x16xf32>,
        %swap3A_428 = vector.shape_cast %swap3A_427 : vector<1x16xf32> to vector<16xf32>
        %swap3A_429 = vector.shape_cast %mul3A_423 : vector<16xf32> to vector<1x16xf32>
        tpu.vector_store %arg16[%swap3A, %swap3A_426], %swap3A_429 {strides = array<i32>} : memref<40x128xf32, #tpu.memory_space<vmem>>, vector<1x16xf32>,
        %add3A_430 = arith.constant 1 : i32
        %add3A_431 = arith.addi %add3A_157, %add3A_430 : i32
        %get3A_432 = arith.index_cast %add3A_431 : i32 to index
        %get3A_433 = arith.constant 0 : index
        %get3A_434 = tpu.vector_load %arg16[%get3A_432, %get3A_433] {strides = array<i32>} : memref<40x128xf32, #tpu.memory_space<vmem>>, vector<1x16xf32>,
        %get3A_435 = vector.shape_cast %get3A_434 : vector<1x16xf32> to vector<16xf32>
        %mul3A_436 = arith.mulf %get3A_435, %mul3A_284 : vector<16xf32>
        %add3A_437 = arith.constant 1 : i32
        %add3A_438 = arith.addi %add3A_157, %add3A_437 : i32
        %swap3A_439 = arith.index_cast %add3A_438 : i32 to index
        %swap3A_440 = arith.constant 0 : index
        %swap3A_441 = tpu.vector_load %arg16[%swap3A_439, %swap3A_440] {strides = array<i32>} : memref<40x128xf32, #tpu.memory_space<vmem>>, vector<1x16xf32>,
        %swap3A_442 = vector.shape_cast %swap3A_441 : vector<1x16xf32> to vector<16xf32>
        %swap3A_443 = vector.shape_cast %mul3A_436 : vector<16xf32> to vector<1x16xf32>
        tpu.vector_store %arg16[%swap3A_439, %swap3A_440], %swap3A_443 {strides = array<i32>} : memref<40x128xf32, #tpu.memory_space<vmem>>, vector<1x16xf32>,
        %add3A_444 = arith.constant 2 : i32
        %add3A_445 = arith.addi %add3A_157, %add3A_444 : i32
        %get3A_446 = arith.index_cast %add3A_445 : i32 to index
        %get3A_447 = arith.constant 0 : index
        %get3A_448 = tpu.vector_load %arg16[%get3A_446, %get3A_447] {strides = array<i32>} : memref<40x128xf32, #tpu.memory_space<vmem>>, vector<1x16xf32>,
        %get3A_449 = vector.shape_cast %get3A_448 : vector<1x16xf32> to vector<16xf32>
        %mul3A_450 = arith.mulf %get3A_449, %mul3A_306 : vector<16xf32>
        %add3A_451 = arith.constant 2 : i32
        %add3A_452 = arith.addi %add3A_157, %add3A_451 : i32
        %swap3A_453 = arith.index_cast %add3A_452 : i32 to index
        %swap3A_454 = arith.constant 0 : index
        %swap3A_455 = tpu.vector_load %arg16[%swap3A_453, %swap3A_454] {strides = array<i32>} : memref<40x128xf32, #tpu.memory_space<vmem>>, vector<1x16xf32>,
        %swap3A_456 = vector.shape_cast %swap3A_455 : vector<1x16xf32> to vector<16xf32>
        %swap3A_457 = vector.shape_cast %mul3A_450 : vector<16xf32> to vector<1x16xf32>
        tpu.vector_store %arg16[%swap3A_453, %swap3A_454], %swap3A_457 {strides = array<i32>} : memref<40x128xf32, #tpu.memory_space<vmem>>, vector<1x16xf32>,
        %add3A_458 = arith.constant 3 : i32
        %add3A_459 = arith.addi %add3A_157, %add3A_458 : i32
        %get3A_460 = arith.index_cast %add3A_459 : i32 to index
        %get3A_461 = arith.constant 0 : index
        %get3A_462 = tpu.vector_load %arg16[%get3A_460, %get3A_461] {strides = array<i32>} : memref<40x128xf32, #tpu.memory_space<vmem>>, vector<1x16xf32>,
        %get3A_463 = vector.shape_cast %get3A_462 : vector<1x16xf32> to vector<16xf32>
        %mul3A_464 = arith.mulf %get3A_463, %mul3A_328 : vector<16xf32>
        %add3A_465 = arith.constant 3 : i32
        %add3A_466 = arith.addi %add3A_157, %add3A_465 : i32
        %swap3A_467 = arith.index_cast %add3A_466 : i32 to index
        %swap3A_468 = arith.constant 0 : index
        %swap3A_469 = tpu.vector_load %arg16[%swap3A_467, %swap3A_468] {strides = array<i32>} : memref<40x128xf32, #tpu.memory_space<vmem>>, vector<1x16xf32>,
        %swap3A_470 = vector.shape_cast %swap3A_469 : vector<1x16xf32> to vector<16xf32>
        %swap3A_471 = vector.shape_cast %mul3A_464 : vector<16xf32> to vector<1x16xf32>
        tpu.vector_store %arg16[%swap3A_467, %swap3A_468], %swap3A_471 {strides = array<i32>} : memref<40x128xf32, #tpu.memory_space<vmem>>, vector<1x16xf32>,
        %add3A_472 = arith.constant 4 : i32
        %add3A_473 = arith.addi %add3A_157, %add3A_472 : i32
        %get3A_474 = arith.index_cast %add3A_473 : i32 to index
        %get3A_475 = arith.constant 0 : index
        %get3A_476 = tpu.vector_load %arg16[%get3A_474, %get3A_475] {strides = array<i32>} : memref<40x128xf32, #tpu.memory_space<vmem>>, vector<1x16xf32>,
        %get3A_477 = vector.shape_cast %get3A_476 : vector<1x16xf32> to vector<16xf32>
        %mul3A_478 = arith.mulf %get3A_477, %mul3A_350 : vector<16xf32>
        %add3A_479 = arith.constant 4 : i32
        %add3A_480 = arith.addi %add3A_157, %add3A_479 : i32
        %swap3A_481 = arith.index_cast %add3A_480 : i32 to index
        %swap3A_482 = arith.constant 0 : index
        %swap3A_483 = tpu.vector_load %arg16[%swap3A_481, %swap3A_482] {strides = array<i32>} : memref<40x128xf32, #tpu.memory_space<vmem>>, vector<1x16xf32>,
        %swap3A_484 = vector.shape_cast %swap3A_483 : vector<1x16xf32> to vector<16xf32>
        %swap3A_485 = vector.shape_cast %mul3A_478 : vector<16xf32> to vector<1x16xf32>
        tpu.vector_store %arg16[%swap3A_481, %swap3A_482], %swap3A_485 {strides = array<i32>} : memref<40x128xf32, #tpu.memory_space<vmem>>, vector<1x16xf32>,
        %add3A_486 = arith.constant 5 : i32
        %add3A_487 = arith.addi %add3A_157, %add3A_486 : i32
        %get3A_488 = arith.index_cast %add3A_487 : i32 to index
        %get3A_489 = arith.constant 0 : index
        %get3A_490 = tpu.vector_load %arg16[%get3A_488, %get3A_489] {strides = array<i32>} : memref<40x128xf32, #tpu.memory_space<vmem>>, vector<1x16xf32>,
        %get3A_491 = vector.shape_cast %get3A_490 : vector<1x16xf32> to vector<16xf32>
        %mul3A_492 = arith.mulf %get3A_491, %mul3A_372 : vector<16xf32>
        %add3A_493 = arith.constant 5 : i32
        %add3A_494 = arith.addi %add3A_157, %add3A_493 : i32
        %swap3A_495 = arith.index_cast %add3A_494 : i32 to index
        %swap3A_496 = arith.constant 0 : index
        %swap3A_497 = tpu.vector_load %arg16[%swap3A_495, %swap3A_496] {strides = array<i32>} : memref<40x128xf32, #tpu.memory_space<vmem>>, vector<1x16xf32>,
        %swap3A_498 = vector.shape_cast %swap3A_497 : vector<1x16xf32> to vector<16xf32>
        %swap3A_499 = vector.shape_cast %mul3A_492 : vector<16xf32> to vector<1x16xf32>
        tpu.vector_store %arg16[%swap3A_495, %swap3A_496], %swap3A_499 {strides = array<i32>} : memref<40x128xf32, #tpu.memory_space<vmem>>, vector<1x16xf32>,
        %add3A_500 = arith.constant 6 : i32
        %add3A_501 = arith.addi %add3A_157, %add3A_500 : i32
        %get3A_502 = arith.index_cast %add3A_501 : i32 to index
        %get3A_503 = arith.constant 0 : index
        %get3A_504 = tpu.vector_load %arg16[%get3A_502, %get3A_503] {strides = array<i32>} : memref<40x128xf32, #tpu.memory_space<vmem>>, vector<1x16xf32>,
        %get3A_505 = vector.shape_cast %get3A_504 : vector<1x16xf32> to vector<16xf32>
        %mul3A_506 = arith.mulf %get3A_505, %mul3A_394 : vector<16xf32>
        %add3A_507 = arith.constant 6 : i32
        %add3A_508 = arith.addi %add3A_157, %add3A_507 : i32
        %swap3A_509 = arith.index_cast %add3A_508 : i32 to index
        %swap3A_510 = arith.constant 0 : index
        %swap3A_511 = tpu.vector_load %arg16[%swap3A_509, %swap3A_510] {strides = array<i32>} : memref<40x128xf32, #tpu.memory_space<vmem>>, vector<1x16xf32>,
        %swap3A_512 = vector.shape_cast %swap3A_511 : vector<1x16xf32> to vector<16xf32>
        %swap3A_513 = vector.shape_cast %mul3A_506 : vector<16xf32> to vector<1x16xf32>
        tpu.vector_store %arg16[%swap3A_509, %swap3A_510], %swap3A_513 {strides = array<i32>} : memref<40x128xf32, #tpu.memory_space<vmem>>, vector<1x16xf32>,
        %add3A_514 = arith.constant 7 : i32
        %add3A_515 = arith.addi %add3A_157, %add3A_514 : i32
        %get3A_516 = arith.index_cast %add3A_515 : i32 to index
        %get3A_517 = arith.constant 0 : index
        %get3A_518 = tpu.vector_load %arg16[%get3A_516, %get3A_517] {strides = array<i32>} : memref<40x128xf32, #tpu.memory_space<vmem>>, vector<1x16xf32>,
        %get3A_519 = vector.shape_cast %get3A_518 : vector<1x16xf32> to vector<16xf32>
        %mul3A_520 = arith.mulf %get3A_519, %mul3A_416 : vector<16xf32>
        %add3A_521 = arith.constant 7 : i32
        %add3A_522 = arith.addi %add3A_157, %add3A_521 : i32
        %swap3A_523 = arith.index_cast %add3A_522 : i32 to index
        %swap3A_524 = arith.constant 0 : index
        %swap3A_525 = tpu.vector_load %arg16[%swap3A_523, %swap3A_524] {strides = array<i32>} : memref<40x128xf32, #tpu.memory_space<vmem>>, vector<1x16xf32>,
        %swap3A_526 = vector.shape_cast %swap3A_525 : vector<1x16xf32> to vector<16xf32>
        %swap3A_527 = vector.shape_cast %mul3A_520 : vector<16xf32> to vector<1x16xf32>
        tpu.vector_store %arg16[%swap3A_523, %swap3A_524], %swap3A_527 {strides = array<i32>} : memref<40x128xf32, #tpu.memory_space<vmem>>, vector<1x16xf32>,
        %add3A_528 = arith.constant 0 : i32
        %add3A_529 = arith.addi %add3A_157, %add3A_528 : i32
        %get3A_530 = arith.index_cast %add3A_529 : i32 to index
        %get3A_531 = arith.constant 16 : index
        %get3A_532 = tpu.vector_load %arg16[%get3A_530, %get3A_531] {strides = array<i32>} : memref<40x128xf32, #tpu.memory_space<vmem>>, vector<1x16xf32>,
        %get3A_533 = vector.shape_cast %get3A_532 : vector<1x16xf32> to vector<16xf32>
        %mul3A_534 = arith.mulf %get3A_533, %mul3A_262 : vector<16xf32>
        %add3A_535 = arith.constant 0 : i32
        %add3A_536 = arith.addi %add3A_157, %add3A_535 : i32
        %swap3A_537 = arith.index_cast %add3A_536 : i32 to index
        %swap3A_538 = arith.constant 16 : index
        %swap3A_539 = tpu.vector_load %arg16[%swap3A_537, %swap3A_538] {strides = array<i32>} : memref<40x128xf32, #tpu.memory_space<vmem>>, vector<1x16xf32>,
        %swap3A_540 = vector.shape_cast %swap3A_539 : vector<1x16xf32> to vector<16xf32>
        %swap3A_541 = vector.shape_cast %mul3A_534 : vector<16xf32> to vector<1x16xf32>
        tpu.vector_store %arg16[%swap3A_537, %swap3A_538], %swap3A_541 {strides = array<i32>} : memref<40x128xf32, #tpu.memory_space<vmem>>, vector<1x16xf32>,
        %add3A_542 = arith.constant 1 : i32
        %add3A_543 = arith.addi %add3A_157, %add3A_542 : i32
        %get3A_544 = arith.index_cast %add3A_543 : i32 to index
        %get3A_545 = arith.constant 16 : index
        %get3A_546 = tpu.vector_load %arg16[%get3A_544, %get3A_545] {strides = array<i32>} : memref<40x128xf32, #tpu.memory_space<vmem>>, vector<1x16xf32>,
        %get3A_547 = vector.shape_cast %get3A_546 : vector<1x16xf32> to vector<16xf32>
        %mul3A_548 = arith.mulf %get3A_547, %mul3A_284 : vector<16xf32>
        %add3A_549 = arith.constant 1 : i32
        %add3A_550 = arith.addi %add3A_157, %add3A_549 : i32
        %swap3A_551 = arith.index_cast %add3A_550 : i32 to index
        %swap3A_552 = arith.constant 16 : index
        %swap3A_553 = tpu.vector_load %arg16[%swap3A_551, %swap3A_552] {strides = array<i32>} : memref<40x128xf32, #tpu.memory_space<vmem>>, vector<1x16xf32>,
        %swap3A_554 = vector.shape_cast %swap3A_553 : vector<1x16xf32> to vector<16xf32>
        %swap3A_555 = vector.shape_cast %mul3A_548 : vector<16xf32> to vector<1x16xf32>
        tpu.vector_store %arg16[%swap3A_551, %swap3A_552], %swap3A_555 {strides = array<i32>} : memref<40x128xf32, #tpu.memory_space<vmem>>, vector<1x16xf32>,
        %add3A_556 = arith.constant 2 : i32
        %add3A_557 = arith.addi %add3A_157, %add3A_556 : i32
        %get3A_558 = arith.index_cast %add3A_557 : i32 to index
        %get3A_559 = arith.constant 16 : index
        %get3A_560 = tpu.vector_load %arg16[%get3A_558, %get3A_559] {strides = array<i32>} : memref<40x128xf32, #tpu.memory_space<vmem>>, vector<1x16xf32>,
        %get3A_561 = vector.shape_cast %get3A_560 : vector<1x16xf32> to vector<16xf32>
        %mul3A_562 = arith.mulf %get3A_561, %mul3A_306 : vector<16xf32>
        %add3A_563 = arith.constant 2 : i32
        %add3A_564 = arith.addi %add3A_157, %add3A_563 : i32
        %swap3A_565 = arith.index_cast %add3A_564 : i32 to index
        %swap3A_566 = arith.constant 16 : index
        %swap3A_567 = tpu.vector_load %arg16[%swap3A_565, %swap3A_566] {strides = array<i32>} : memref<40x128xf32, #tpu.memory_space<vmem>>, vector<1x16xf32>,
        %swap3A_568 = vector.shape_cast %swap3A_567 : vector<1x16xf32> to vector<16xf32>
        %swap3A_569 = vector.shape_cast %mul3A_562 : vector<16xf32> to vector<1x16xf32>
        tpu.vector_store %arg16[%swap3A_565, %swap3A_566], %swap3A_569 {strides = array<i32>} : memref<40x128xf32, #tpu.memory_space<vmem>>, vector<1x16xf32>,
        %add3A_570 = arith.constant 3 : i32
        %add3A_571 = arith.addi %add3A_157, %add3A_570 : i32
        %get3A_572 = arith.index_cast %add3A_571 : i32 to index
        %get3A_573 = arith.constant 16 : index
        %get3A_574 = tpu.vector_load %arg16[%get3A_572, %get3A_573] {strides = array<i32>} : memref<40x128xf32, #tpu.memory_space<vmem>>, vector<1x16xf32>,
        %get3A_575 = vector.shape_cast %get3A_574 : vector<1x16xf32> to vector<16xf32>
        %mul3A_576 = arith.mulf %get3A_575, %mul3A_328 : vector<16xf32>
        %add3A_577 = arith.constant 3 : i32
        %add3A_578 = arith.addi %add3A_157, %add3A_577 : i32
        %swap3A_579 = arith.index_cast %add3A_578 : i32 to index
        %swap3A_580 = arith.constant 16 : index
        %swap3A_581 = tpu.vector_load %arg16[%swap3A_579, %swap3A_580] {strides = array<i32>} : memref<40x128xf32, #tpu.memory_space<vmem>>, vector<1x16xf32>,
        %swap3A_582 = vector.shape_cast %swap3A_581 : vector<1x16xf32> to vector<16xf32>
        %swap3A_583 = vector.shape_cast %mul3A_576 : vector<16xf32> to vector<1x16xf32>
        tpu.vector_store %arg16[%swap3A_579, %swap3A_580], %swap3A_583 {strides = array<i32>} : memref<40x128xf32, #tpu.memory_space<vmem>>, vector<1x16xf32>,
        %add3A_584 = arith.constant 4 : i32
        %add3A_585 = arith.addi %add3A_157, %add3A_584 : i32
        %get3A_586 = arith.index_cast %add3A_585 : i32 to index
        %get3A_587 = arith.constant 16 : index
        %get3A_588 = tpu.vector_load %arg16[%get3A_586, %get3A_587] {strides = array<i32>} : memref<40x128xf32, #tpu.memory_space<vmem>>, vector<1x16xf32>,
        %get3A_589 = vector.shape_cast %get3A_588 : vector<1x16xf32> to vector<16xf32>
        %mul3A_590 = arith.mulf %get3A_589, %mul3A_350 : vector<16xf32>
        %add3A_591 = arith.constant 4 : i32
        %add3A_592 = arith.addi %add3A_157, %add3A_591 : i32
        %swap3A_593 = arith.index_cast %add3A_592 : i32 to index
        %swap3A_594 = arith.constant 16 : index
        %swap3A_595 = tpu.vector_load %arg16[%swap3A_593, %swap3A_594] {strides = array<i32>} : memref<40x128xf32, #tpu.memory_space<vmem>>, vector<1x16xf32>,
        %swap3A_596 = vector.shape_cast %swap3A_595 : vector<1x16xf32> to vector<16xf32>
        %swap3A_597 = vector.shape_cast %mul3A_590 : vector<16xf32> to vector<1x16xf32>
        tpu.vector_store %arg16[%swap3A_593, %swap3A_594], %swap3A_597 {strides = array<i32>} : memref<40x128xf32, #tpu.memory_space<vmem>>, vector<1x16xf32>,
        %add3A_598 = arith.constant 5 : i32
        %add3A_599 = arith.addi %add3A_157, %add3A_598 : i32
        %get3A_600 = arith.index_cast %add3A_599 : i32 to index
        %get3A_601 = arith.constant 16 : index
        %get3A_602 = tpu.vector_load %arg16[%get3A_600, %get3A_601] {strides = array<i32>} : memref<40x128xf32, #tpu.memory_space<vmem>>, vector<1x16xf32>,
        %get3A_603 = vector.shape_cast %get3A_602 : vector<1x16xf32> to vector<16xf32>
        %mul3A_604 = arith.mulf %get3A_603, %mul3A_372 : vector<16xf32>
        %add3A_605 = arith.constant 5 : i32
        %add3A_606 = arith.addi %add3A_157, %add3A_605 : i32
        %swap3A_607 = arith.index_cast %add3A_606 : i32 to index
        %swap3A_608 = arith.constant 16 : index
        %swap3A_609 = tpu.vector_load %arg16[%swap3A_607, %swap3A_608] {strides = array<i32>} : memref<40x128xf32, #tpu.memory_space<vmem>>, vector<1x16xf32>,
        %swap3A_610 = vector.shape_cast %swap3A_609 : vector<1x16xf32> to vector<16xf32>
        %swap3A_611 = vector.shape_cast %mul3A_604 : vector<16xf32> to vector<1x16xf32>
        tpu.vector_store %arg16[%swap3A_607, %swap3A_608], %swap3A_611 {strides = array<i32>} : memref<40x128xf32, #tpu.memory_space<vmem>>, vector<1x16xf32>,
        %add3A_612 = arith.constant 6 : i32
        %add3A_613 = arith.addi %add3A_157, %add3A_612 : i32
        %get3A_614 = arith.index_cast %add3A_613 : i32 to index
        %get3A_615 = arith.constant 16 : index
        %get3A_616 = tpu.vector_load %arg16[%get3A_614, %get3A_615] {strides = array<i32>} : memref<40x128xf32, #tpu.memory_space<vmem>>, vector<1x16xf32>,
        %get3A_617 = vector.shape_cast %get3A_616 : vector<1x16xf32> to vector<16xf32>
        %mul3A_618 = arith.mulf %get3A_617, %mul3A_394 : vector<16xf32>
        %add3A_619 = arith.constant 6 : i32
        %add3A_620 = arith.addi %add3A_157, %add3A_619 : i32
        %swap3A_621 = arith.index_cast %add3A_620 : i32 to index
        %swap3A_622 = arith.constant 16 : index
        %swap3A_623 = tpu.vector_load %arg16[%swap3A_621, %swap3A_622] {strides = array<i32>} : memref<40x128xf32, #tpu.memory_space<vmem>>, vector<1x16xf32>,
        %swap3A_624 = vector.shape_cast %swap3A_623 : vector<1x16xf32> to vector<16xf32>
        %swap3A_625 = vector.shape_cast %mul3A_618 : vector<16xf32> to vector<1x16xf32>
        tpu.vector_store %arg16[%swap3A_621, %swap3A_622], %swap3A_625 {strides = array<i32>} : memref<40x128xf32, #tpu.memory_space<vmem>>, vector<1x16xf32>,
        %add3A_626 = arith.constant 7 : i32
        %add3A_627 = arith.addi %add3A_157, %add3A_626 : i32
        %get3A_628 = arith.index_cast %add3A_627 : i32 to index
        %get3A_629 = arith.constant 16 : index
        %get3A_630 = tpu.vector_load %arg16[%get3A_628, %get3A_629] {strides = array<i32>} : memref<40x128xf32, #tpu.memory_space<vmem>>, vector<1x16xf32>,
        %get3A_631 = vector.shape_cast %get3A_630 : vector<1x16xf32> to vector<16xf32>
        %mul3A_632 = arith.mulf %get3A_631, %mul3A_416 : vector<16xf32>
        %add3A_633 = arith.constant 7 : i32
        %add3A_634 = arith.addi %add3A_157, %add3A_633 : i32
        %swap3A_635 = arith.index_cast %add3A_634 : i32 to index
        %swap3A_636 = arith.constant 16 : index
        %swap3A_637 = tpu.vector_load %arg16[%swap3A_635, %swap3A_636] {strides = array<i32>} : memref<40x128xf32, #tpu.memory_space<vmem>>, vector<1x16xf32>,
        %swap3A_638 = vector.shape_cast %swap3A_637 : vector<1x16xf32> to vector<16xf32>
        %swap3A_639 = vector.shape_cast %mul3A_632 : vector<16xf32> to vector<1x16xf32>
        tpu.vector_store %arg16[%swap3A_635, %swap3A_636], %swap3A_639 {strides = array<i32>} : memref<40x128xf32, #tpu.memory_space<vmem>>, vector<1x16xf32>,
        %add3A_640 = arith.constant 0 : i32
        %add3A_641 = arith.addi %add3A_157, %add3A_640 : i32
        %get3A_642 = arith.index_cast %add3A_641 : i32 to index
        %get3A_643 = arith.constant 32 : index
        %get3A_644 = tpu.vector_load %arg16[%get3A_642, %get3A_643] {strides = array<i32>} : memref<40x128xf32, #tpu.memory_space<vmem>>, vector<1x16xf32>,
        %get3A_645 = vector.shape_cast %get3A_644 : vector<1x16xf32> to vector<16xf32>
        %mul3A_646 = arith.mulf %get3A_645, %mul3A_262 : vector<16xf32>
        %add3A_647 = arith.constant 0 : i32
        %add3A_648 = arith.addi %add3A_157, %add3A_647 : i32
        %swap3A_649 = arith.index_cast %add3A_648 : i32 to index
        %swap3A_650 = arith.constant 32 : index
        %swap3A_651 = tpu.vector_load %arg16[%swap3A_649, %swap3A_650] {strides = array<i32>} : memref<40x128xf32, #tpu.memory_space<vmem>>, vector<1x16xf32>,
        %swap3A_652 = vector.shape_cast %swap3A_651 : vector<1x16xf32> to vector<16xf32>
        %swap3A_653 = vector.shape_cast %mul3A_646 : vector<16xf32> to vector<1x16xf32>
        tpu.vector_store %arg16[%swap3A_649, %swap3A_650], %swap3A_653 {strides = array<i32>} : memref<40x128xf32, #tpu.memory_space<vmem>>, vector<1x16xf32>,
        %add3A_654 = arith.constant 1 : i32
        %add3A_655 = arith.addi %add3A_157, %add3A_654 : i32
        %get3A_656 = arith.index_cast %add3A_655 : i32 to index
        %get3A_657 = arith.constant 32 : index
        %get3A_658 = tpu.vector_load %arg16[%get3A_656, %get3A_657] {strides = array<i32>} : memref<40x128xf32, #tpu.memory_space<vmem>>, vector<1x16xf32>,
        %get3A_659 = vector.shape_cast %get3A_658 : vector<1x16xf32> to vector<16xf32>
        %mul3A_660 = arith.mulf %get3A_659, %mul3A_284 : vector<16xf32>
        %add3A_661 = arith.constant 1 : i32
        %add3A_662 = arith.addi %add3A_157, %add3A_661 : i32
        %swap3A_663 = arith.index_cast %add3A_662 : i32 to index
        %swap3A_664 = arith.constant 32 : index
        %swap3A_665 = tpu.vector_load %arg16[%swap3A_663, %swap3A_664] {strides = array<i32>} : memref<40x128xf32, #tpu.memory_space<vmem>>, vector<1x16xf32>,
        %swap3A_666 = vector.shape_cast %swap3A_665 : vector<1x16xf32> to vector<16xf32>
        %swap3A_667 = vector.shape_cast %mul3A_660 : vector<16xf32> to vector<1x16xf32>
        tpu.vector_store %arg16[%swap3A_663, %swap3A_664], %swap3A_667 {strides = array<i32>} : memref<40x128xf32, #tpu.memory_space<vmem>>, vector<1x16xf32>,
        %add3A_668 = arith.constant 2 : i32
        %add3A_669 = arith.addi %add3A_157, %add3A_668 : i32
        %get3A_670 = arith.index_cast %add3A_669 : i32 to index
        %get3A_671 = arith.constant 32 : index
        %get3A_672 = tpu.vector_load %arg16[%get3A_670, %get3A_671] {strides = array<i32>} : memref<40x128xf32, #tpu.memory_space<vmem>>, vector<1x16xf32>,
        %get3A_673 = vector.shape_cast %get3A_672 : vector<1x16xf32> to vector<16xf32>
        %mul3A_674 = arith.mulf %get3A_673, %mul3A_306 : vector<16xf32>
        %add3A_675 = arith.constant 2 : i32
        %add3A_676 = arith.addi %add3A_157, %add3A_675 : i32
        %swap3A_677 = arith.index_cast %add3A_676 : i32 to index
        %swap3A_678 = arith.constant 32 : index
        %swap3A_679 = tpu.vector_load %arg16[%swap3A_677, %swap3A_678] {strides = array<i32>} : memref<40x128xf32, #tpu.memory_space<vmem>>, vector<1x16xf32>,
        %swap3A_680 = vector.shape_cast %swap3A_679 : vector<1x16xf32> to vector<16xf32>
        %swap3A_681 = vector.shape_cast %mul3A_674 : vector<16xf32> to vector<1x16xf32>
        tpu.vector_store %arg16[%swap3A_677, %swap3A_678], %swap3A_681 {strides = array<i32>} : memref<40x128xf32, #tpu.memory_space<vmem>>, vector<1x16xf32>,
        %add3A_682 = arith.constant 3 : i32
        %add3A_683 = arith.addi %add3A_157, %add3A_682 : i32
        %get3A_684 = arith.index_cast %add3A_683 : i32 to index
        %get3A_685 = arith.constant 32 : index
        %get3A_686 = tpu.vector_load %arg16[%get3A_684, %get3A_685] {strides = array<i32>} : memref<40x128xf32, #tpu.memory_space<vmem>>, vector<1x16xf32>,
        %get3A_687 = vector.shape_cast %get3A_686 : vector<1x16xf32> to vector<16xf32>
        %mul3A_688 = arith.mulf %get3A_687, %mul3A_328 : vector<16xf32>
        %add3A_689 = arith.constant 3 : i32
        %add3A_690 = arith.addi %add3A_157, %add3A_689 : i32
        %swap3A_691 = arith.index_cast %add3A_690 : i32 to index
        %swap3A_692 = arith.constant 32 : index
        %swap3A_693 = tpu.vector_load %arg16[%swap3A_691, %swap3A_692] {strides = array<i32>} : memref<40x128xf32, #tpu.memory_space<vmem>>, vector<1x16xf32>,
        %swap3A_694 = vector.shape_cast %swap3A_693 : vector<1x16xf32> to vector<16xf32>
        %swap3A_695 = vector.shape_cast %mul3A_688 : vector<16xf32> to vector<1x16xf32>
        tpu.vector_store %arg16[%swap3A_691, %swap3A_692], %swap3A_695 {strides = array<i32>} : memref<40x128xf32, #tpu.memory_space<vmem>>, vector<1x16xf32>,
        %add3A_696 = arith.constant 4 : i32
        %add3A_697 = arith.addi %add3A_157, %add3A_696 : i32
        %get3A_698 = arith.index_cast %add3A_697 : i32 to index
        %get3A_699 = arith.constant 32 : index
        %get3A_700 = tpu.vector_load %arg16[%get3A_698, %get3A_699] {strides = array<i32>} : memref<40x128xf32, #tpu.memory_space<vmem>>, vector<1x16xf32>,
        %get3A_701 = vector.shape_cast %get3A_700 : vector<1x16xf32> to vector<16xf32>
        %mul3A_702 = arith.mulf %get3A_701, %mul3A_350 : vector<16xf32>
        %add3A_703 = arith.constant 4 : i32
        %add3A_704 = arith.addi %add3A_157, %add3A_703 : i32
        %swap3A_705 = arith.index_cast %add3A_704 : i32 to index
        %swap3A_706 = arith.constant 32 : index
        %swap3A_707 = tpu.vector_load %arg16[%swap3A_705, %swap3A_706] {strides = array<i32>} : memref<40x128xf32, #tpu.memory_space<vmem>>, vector<1x16xf32>,
        %swap3A_708 = vector.shape_cast %swap3A_707 : vector<1x16xf32> to vector<16xf32>
        %swap3A_709 = vector.shape_cast %mul3A_702 : vector<16xf32> to vector<1x16xf32>
        tpu.vector_store %arg16[%swap3A_705, %swap3A_706], %swap3A_709 {strides = array<i32>} : memref<40x128xf32, #tpu.memory_space<vmem>>, vector<1x16xf32>,
        %add3A_710 = arith.constant 5 : i32
        %add3A_711 = arith.addi %add3A_157, %add3A_710 : i32
        %get3A_712 = arith.index_cast %add3A_711 : i32 to index
        %get3A_713 = arith.constant 32 : index
        %get3A_714 = tpu.vector_load %arg16[%get3A_712, %get3A_713] {strides = array<i32>} : memref<40x128xf32, #tpu.memory_space<vmem>>, vector<1x16xf32>,
        %get3A_715 = vector.shape_cast %get3A_714 : vector<1x16xf32> to vector<16xf32>
        %mul3A_716 = arith.mulf %get3A_715, %mul3A_372 : vector<16xf32>
        %add3A_717 = arith.constant 5 : i32
        %add3A_718 = arith.addi %add3A_157, %add3A_717 : i32
        %swap3A_719 = arith.index_cast %add3A_718 : i32 to index
        %swap3A_720 = arith.constant 32 : index
        %swap3A_721 = tpu.vector_load %arg16[%swap3A_719, %swap3A_720] {strides = array<i32>} : memref<40x128xf32, #tpu.memory_space<vmem>>, vector<1x16xf32>,
        %swap3A_722 = vector.shape_cast %swap3A_721 : vector<1x16xf32> to vector<16xf32>
        %swap3A_723 = vector.shape_cast %mul3A_716 : vector<16xf32> to vector<1x16xf32>
        tpu.vector_store %arg16[%swap3A_719, %swap3A_720], %swap3A_723 {strides = array<i32>} : memref<40x128xf32, #tpu.memory_space<vmem>>, vector<1x16xf32>,
        %add3A_724 = arith.constant 6 : i32
        %add3A_725 = arith.addi %add3A_157, %add3A_724 : i32
        %get3A_726 = arith.index_cast %add3A_725 : i32 to index
        %get3A_727 = arith.constant 32 : index
        %get3A_728 = tpu.vector_load %arg16[%get3A_726, %get3A_727] {strides = array<i32>} : memref<40x128xf32, #tpu.memory_space<vmem>>, vector<1x16xf32>,
        %get3A_729 = vector.shape_cast %get3A_728 : vector<1x16xf32> to vector<16xf32>
        %mul3A_730 = arith.mulf %get3A_729, %mul3A_394 : vector<16xf32>
        %add3A_731 = arith.constant 6 : i32
        %add3A_732 = arith.addi %add3A_157, %add3A_731 : i32
        %swap3A_733 = arith.index_cast %add3A_732 : i32 to index
        %swap3A_734 = arith.constant 32 : index
        %swap3A_735 = tpu.vector_load %arg16[%swap3A_733, %swap3A_734] {strides = array<i32>} : memref<40x128xf32, #tpu.memory_space<vmem>>, vector<1x16xf32>,
        %swap3A_736 = vector.shape_cast %swap3A_735 : vector<1x16xf32> to vector<16xf32>
        %swap3A_737 = vector.shape_cast %mul3A_730 : vector<16xf32> to vector<1x16xf32>
        tpu.vector_store %arg16[%swap3A_733, %swap3A_734], %swap3A_737 {strides = array<i32>} : memref<40x128xf32, #tpu.memory_space<vmem>>, vector<1x16xf32>,
        %add3A_738 = arith.constant 7 : i32
        %add3A_739 = arith.addi %add3A_157, %add3A_738 : i32
        %get3A_740 = arith.index_cast %add3A_739 : i32 to index
        %get3A_741 = arith.constant 32 : index
        %get3A_742 = tpu.vector_load %arg16[%get3A_740, %get3A_741] {strides = array<i32>} : memref<40x128xf32, #tpu.memory_space<vmem>>, vector<1x16xf32>,
        %get3A_743 = vector.shape_cast %get3A_742 : vector<1x16xf32> to vector<16xf32>
        %mul3A_744 = arith.mulf %get3A_743, %mul3A_416 : vector<16xf32>
        %add3A_745 = arith.constant 7 : i32
        %add3A_746 = arith.addi %add3A_157, %add3A_745 : i32
        %swap3A_747 = arith.index_cast %add3A_746 : i32 to index
        %swap3A_748 = arith.constant 32 : index
        %swap3A_749 = tpu.vector_load %arg16[%swap3A_747, %swap3A_748] {strides = array<i32>} : memref<40x128xf32, #tpu.memory_space<vmem>>, vector<1x16xf32>,
        %swap3A_750 = vector.shape_cast %swap3A_749 : vector<1x16xf32> to vector<16xf32>
        %swap3A_751 = vector.shape_cast %mul3A_744 : vector<16xf32> to vector<1x16xf32>
        tpu.vector_store %arg16[%swap3A_747, %swap3A_748], %swap3A_751 {strides = array<i32>} : memref<40x128xf32, #tpu.memory_space<vmem>>, vector<1x16xf32>,
        %add3A_752 = arith.constant 0 : i32
        %add3A_753 = arith.addi %add3A_157, %add3A_752 : i32
        %get3A_754 = arith.index_cast %add3A_753 : i32 to index
        %get3A_755 = arith.constant 48 : index
        %get3A_756 = tpu.vector_load %arg16[%get3A_754, %get3A_755] {strides = array<i32>} : memref<40x128xf32, #tpu.memory_space<vmem>>, vector<1x16xf32>,
        %get3A_757 = vector.shape_cast %get3A_756 : vector<1x16xf32> to vector<16xf32>
        %mul3A_758 = arith.mulf %get3A_757, %mul3A_262 : vector<16xf32>
        %add3A_759 = arith.constant 0 : i32
        %add3A_760 = arith.addi %add3A_157, %add3A_759 : i32
        %swap3A_761 = arith.index_cast %add3A_760 : i32 to index
        %swap3A_762 = arith.constant 48 : index
        %swap3A_763 = tpu.vector_load %arg16[%swap3A_761, %swap3A_762] {strides = array<i32>} : memref<40x128xf32, #tpu.memory_space<vmem>>, vector<1x16xf32>,
        %swap3A_764 = vector.shape_cast %swap3A_763 : vector<1x16xf32> to vector<16xf32>
        %swap3A_765 = vector.shape_cast %mul3A_758 : vector<16xf32> to vector<1x16xf32>
        tpu.vector_store %arg16[%swap3A_761, %swap3A_762], %swap3A_765 {strides = array<i32>} : memref<40x128xf32, #tpu.memory_space<vmem>>, vector<1x16xf32>,
        %add3A_766 = arith.constant 1 : i32
        %add3A_767 = arith.addi %add3A_157, %add3A_766 : i32
        %get3A_768 = arith.index_cast %add3A_767 : i32 to index
        %get3A_769 = arith.constant 48 : index
        %get3A_770 = tpu.vector_load %arg16[%get3A_768, %get3A_769] {strides = array<i32>} : memref<40x128xf32, #tpu.memory_space<vmem>>, vector<1x16xf32>,
        %get3A_771 = vector.shape_cast %get3A_770 : vector<1x16xf32> to vector<16xf32>
        %mul3A_772 = arith.mulf %get3A_771, %mul3A_284 : vector<16xf32>
        %add3A_773 = arith.constant 1 : i32
        %add3A_774 = arith.addi %add3A_157, %add3A_773 : i32
        %swap3A_775 = arith.index_cast %add3A_774 : i32 to index
        %swap3A_776 = arith.constant 48 : index
        %swap3A_777 = tpu.vector_load %arg16[%swap3A_775, %swap3A_776] {strides = array<i32>} : memref<40x128xf32, #tpu.memory_space<vmem>>, vector<1x16xf32>,
        %swap3A_778 = vector.shape_cast %swap3A_777 : vector<1x16xf32> to vector<16xf32>
        %swap3A_779 = vector.shape_cast %mul3A_772 : vector<16xf32> to vector<1x16xf32>
        tpu.vector_store %arg16[%swap3A_775, %swap3A_776], %swap3A_779 {strides = array<i32>} : memref<40x128xf32, #tpu.memory_space<vmem>>, vector<1x16xf32>,
        %add3A_780 = arith.constant 2 : i32
        %add3A_781 = arith.addi %add3A_157, %add3A_780 : i32
        %get3A_782 = arith.index_cast %add3A_781 : i32 to index
        %get3A_783 = arith.constant 48 : index
        %get3A_784 = tpu.vector_load %arg16[%get3A_782, %get3A_783] {strides = array<i32>} : memref<40x128xf32, #tpu.memory_space<vmem>>, vector<1x16xf32>,
        %get3A_785 = vector.shape_cast %get3A_784 : vector<1x16xf32> to vector<16xf32>
        %mul3A_786 = arith.mulf %get3A_785, %mul3A_306 : vector<16xf32>
        %add3A_787 = arith.constant 2 : i32
        %add3A_788 = arith.addi %add3A_157, %add3A_787 : i32
        %swap3A_789 = arith.index_cast %add3A_788 : i32 to index
        %swap3A_790 = arith.constant 48 : index
        %swap3A_791 = tpu.vector_load %arg16[%swap3A_789, %swap3A_790] {strides = array<i32>} : memref<40x128xf32, #tpu.memory_space<vmem>>, vector<1x16xf32>,
        %swap3A_792 = vector.shape_cast %swap3A_791 : vector<1x16xf32> to vector<16xf32>
        %swap3A_793 = vector.shape_cast %mul3A_786 : vector<16xf32> to vector<1x16xf32>
        tpu.vector_store %arg16[%swap3A_789, %swap3A_790], %swap3A_793 {strides = array<i32>} : memref<40x128xf32, #tpu.memory_space<vmem>>, vector<1x16xf32>,
        %add3A_794 = arith.constant 3 : i32
        %add3A_795 = arith.addi %add3A_157, %add3A_794 : i32
        %get3A_796 = arith.index_cast %add3A_795 : i32 to index
        %get3A_797 = arith.constant 48 : index
        %get3A_798 = tpu.vector_load %arg16[%get3A_796, %get3A_797] {strides = array<i32>} : memref<40x128xf32, #tpu.memory_space<vmem>>, vector<1x16xf32>,
        %get3A_799 = vector.shape_cast %get3A_798 : vector<1x16xf32> to vector<16xf32>
        %mul3A_800 = arith.mulf %get3A_799, %mul3A_328 : vector<16xf32>
        %add3A_801 = arith.constant 3 : i32
        %add3A_802 = arith.addi %add3A_157, %add3A_801 : i32
        %swap3A_803 = arith.index_cast %add3A_802 : i32 to index
        %swap3A_804 = arith.constant 48 : index
        %swap3A_805 = tpu.vector_load %arg16[%swap3A_803, %swap3A_804] {strides = array<i32>} : memref<40x128xf32, #tpu.memory_space<vmem>>, vector<1x16xf32>,
        %swap3A_806 = vector.shape_cast %swap3A_805 : vector<1x16xf32> to vector<16xf32>
        %swap3A_807 = vector.shape_cast %mul3A_800 : vector<16xf32> to vector<1x16xf32>
        tpu.vector_store %arg16[%swap3A_803, %swap3A_804], %swap3A_807 {strides = array<i32>} : memref<40x128xf32, #tpu.memory_space<vmem>>, vector<1x16xf32>,
        %add3A_808 = arith.constant 4 : i32
        %add3A_809 = arith.addi %add3A_157, %add3A_808 : i32
        %get3A_810 = arith.index_cast %add3A_809 : i32 to index
        %get3A_811 = arith.constant 48 : index
        %get3A_812 = tpu.vector_load %arg16[%get3A_810, %get3A_811] {strides = array<i32>} : memref<40x128xf32, #tpu.memory_space<vmem>>, vector<1x16xf32>,
        %get3A_813 = vector.shape_cast %get3A_812 : vector<1x16xf32> to vector<16xf32>
        %mul3A_814 = arith.mulf %get3A_813, %mul3A_350 : vector<16xf32>
        %add3A_815 = arith.constant 4 : i32
        %add3A_816 = arith.addi %add3A_157, %add3A_815 : i32
        %swap3A_817 = arith.index_cast %add3A_816 : i32 to index
        %swap3A_818 = arith.constant 48 : index
        %swap3A_819 = tpu.vector_load %arg16[%swap3A_817, %swap3A_818] {strides = array<i32>} : memref<40x128xf32, #tpu.memory_space<vmem>>, vector<1x16xf32>,
        %swap3A_820 = vector.shape_cast %swap3A_819 : vector<1x16xf32> to vector<16xf32>
        %swap3A_821 = vector.shape_cast %mul3A_814 : vector<16xf32> to vector<1x16xf32>
        tpu.vector_store %arg16[%swap3A_817, %swap3A_818], %swap3A_821 {strides = array<i32>} : memref<40x128xf32, #tpu.memory_space<vmem>>, vector<1x16xf32>,
        %add3A_822 = arith.constant 5 : i32
        %add3A_823 = arith.addi %add3A_157, %add3A_822 : i32
        %get3A_824 = arith.index_cast %add3A_823 : i32 to index
        %get3A_825 = arith.constant 48 : index
        %get3A_826 = tpu.vector_load %arg16[%get3A_824, %get3A_825] {strides = array<i32>} : memref<40x128xf32, #tpu.memory_space<vmem>>, vector<1x16xf32>,
        %get3A_827 = vector.shape_cast %get3A_826 : vector<1x16xf32> to vector<16xf32>
        %mul3A_828 = arith.mulf %get3A_827, %mul3A_372 : vector<16xf32>
        %add3A_829 = arith.constant 5 : i32
        %add3A_830 = arith.addi %add3A_157, %add3A_829 : i32
        %swap3A_831 = arith.index_cast %add3A_830 : i32 to index
        %swap3A_832 = arith.constant 48 : index
        %swap3A_833 = tpu.vector_load %arg16[%swap3A_831, %swap3A_832] {strides = array<i32>} : memref<40x128xf32, #tpu.memory_space<vmem>>, vector<1x16xf32>,
        %swap3A_834 = vector.shape_cast %swap3A_833 : vector<1x16xf32> to vector<16xf32>
        %swap3A_835 = vector.shape_cast %mul3A_828 : vector<16xf32> to vector<1x16xf32>
        tpu.vector_store %arg16[%swap3A_831, %swap3A_832], %swap3A_835 {strides = array<i32>} : memref<40x128xf32, #tpu.memory_space<vmem>>, vector<1x16xf32>,
        %add3A_836 = arith.constant 6 : i32
        %add3A_837 = arith.addi %add3A_157, %add3A_836 : i32
        %get3A_838 = arith.index_cast %add3A_837 : i32 to index
        %get3A_839 = arith.constant 48 : index
        %get3A_840 = tpu.vector_load %arg16[%get3A_838, %get3A_839] {strides = array<i32>} : memref<40x128xf32, #tpu.memory_space<vmem>>, vector<1x16xf32>,
        %get3A_841 = vector.shape_cast %get3A_840 : vector<1x16xf32> to vector<16xf32>
        %mul3A_842 = arith.mulf %get3A_841, %mul3A_394 : vector<16xf32>
        %add3A_843 = arith.constant 6 : i32
        %add3A_844 = arith.addi %add3A_157, %add3A_843 : i32
        %swap3A_845 = arith.index_cast %add3A_844 : i32 to index
        %swap3A_846 = arith.constant 48 : index
        %swap3A_847 = tpu.vector_load %arg16[%swap3A_845, %swap3A_846] {strides = array<i32>} : memref<40x128xf32, #tpu.memory_space<vmem>>, vector<1x16xf32>,
        %swap3A_848 = vector.shape_cast %swap3A_847 : vector<1x16xf32> to vector<16xf32>
        %swap3A_849 = vector.shape_cast %mul3A_842 : vector<16xf32> to vector<1x16xf32>
        tpu.vector_store %arg16[%swap3A_845, %swap3A_846], %swap3A_849 {strides = array<i32>} : memref<40x128xf32, #tpu.memory_space<vmem>>, vector<1x16xf32>,
        %add3A_850 = arith.constant 7 : i32
        %add3A_851 = arith.addi %add3A_157, %add3A_850 : i32
        %get3A_852 = arith.index_cast %add3A_851 : i32 to index
        %get3A_853 = arith.constant 48 : index
        %get3A_854 = tpu.vector_load %arg16[%get3A_852, %get3A_853] {strides = array<i32>} : memref<40x128xf32, #tpu.memory_space<vmem>>, vector<1x16xf32>,
        %get3A_855 = vector.shape_cast %get3A_854 : vector<1x16xf32> to vector<16xf32>
        %mul3A_856 = arith.mulf %get3A_855, %mul3A_416 : vector<16xf32>
        %add3A_857 = arith.constant 7 : i32
        %add3A_858 = arith.addi %add3A_157, %add3A_857 : i32
        %swap3A_859 = arith.index_cast %add3A_858 : i32 to index
        %swap3A_860 = arith.constant 48 : index
        %swap3A_861 = tpu.vector_load %arg16[%swap3A_859, %swap3A_860] {strides = array<i32>} : memref<40x128xf32, #tpu.memory_space<vmem>>, vector<1x16xf32>,
        %swap3A_862 = vector.shape_cast %swap3A_861 : vector<1x16xf32> to vector<16xf32>
        %swap3A_863 = vector.shape_cast %mul3A_856 : vector<16xf32> to vector<1x16xf32>
        tpu.vector_store %arg16[%swap3A_859, %swap3A_860], %swap3A_863 {strides = array<i32>} : memref<40x128xf32, #tpu.memory_space<vmem>>, vector<1x16xf32>,
        %add3A_864 = arith.constant 0 : i32
        %add3A_865 = arith.addi %add3A_157, %add3A_864 : i32
        %get3A_866 = arith.index_cast %add3A_865 : i32 to index
        %get3A_867 = arith.constant 64 : index
        %get3A_868 = tpu.vector_load %arg16[%get3A_866, %get3A_867] {strides = array<i32>} : memref<40x128xf32, #tpu.memory_space<vmem>>, vector<1x16xf32>,
        %get3A_869 = vector.shape_cast %get3A_868 : vector<1x16xf32> to vector<16xf32>
        %mul3A_870 = arith.mulf %get3A_869, %mul3A_262 : vector<16xf32>
        %add3A_871 = arith.constant 0 : i32
        %add3A_872 = arith.addi %add3A_157, %add3A_871 : i32
        %swap3A_873 = arith.index_cast %add3A_872 : i32 to index
        %swap3A_874 = arith.constant 64 : index
        %swap3A_875 = tpu.vector_load %arg16[%swap3A_873, %swap3A_874] {strides = array<i32>} : memref<40x128xf32, #tpu.memory_space<vmem>>, vector<1x16xf32>,
        %swap3A_876 = vector.shape_cast %swap3A_875 : vector<1x16xf32> to vector<16xf32>
        %swap3A_877 = vector.shape_cast %mul3A_870 : vector<16xf32> to vector<1x16xf32>
        tpu.vector_store %arg16[%swap3A_873, %swap3A_874], %swap3A_877 {strides = array<i32>} : memref<40x128xf32, #tpu.memory_space<vmem>>, vector<1x16xf32>,
        %add3A_878 = arith.constant 1 : i32
        %add3A_879 = arith.addi %add3A_157, %add3A_878 : i32
        %get3A_880 = arith.index_cast %add3A_879 : i32 to index
        %get3A_881 = arith.constant 64 : index
        %get3A_882 = tpu.vector_load %arg16[%get3A_880, %get3A_881] {strides = array<i32>} : memref<40x128xf32, #tpu.memory_space<vmem>>, vector<1x16xf32>,
        %get3A_883 = vector.shape_cast %get3A_882 : vector<1x16xf32> to vector<16xf32>
        %mul3A_884 = arith.mulf %get3A_883, %mul3A_284 : vector<16xf32>
        %add3A_885 = arith.constant 1 : i32
        %add3A_886 = arith.addi %add3A_157, %add3A_885 : i32
        %swap3A_887 = arith.index_cast %add3A_886 : i32 to index
        %swap3A_888 = arith.constant 64 : index
        %swap3A_889 = tpu.vector_load %arg16[%swap3A_887, %swap3A_888] {strides = array<i32>} : memref<40x128xf32, #tpu.memory_space<vmem>>, vector<1x16xf32>,
        %swap3A_890 = vector.shape_cast %swap3A_889 : vector<1x16xf32> to vector<16xf32>
        %swap3A_891 = vector.shape_cast %mul3A_884 : vector<16xf32> to vector<1x16xf32>
        tpu.vector_store %arg16[%swap3A_887, %swap3A_888], %swap3A_891 {strides = array<i32>} : memref<40x128xf32, #tpu.memory_space<vmem>>, vector<1x16xf32>,
        %add3A_892 = arith.constant 2 : i32
        %add3A_893 = arith.addi %add3A_157, %add3A_892 : i32
        %get3A_894 = arith.index_cast %add3A_893 : i32 to index
        %get3A_895 = arith.constant 64 : index
        %get3A_896 = tpu.vector_load %arg16[%get3A_894, %get3A_895] {strides = array<i32>} : memref<40x128xf32, #tpu.memory_space<vmem>>, vector<1x16xf32>,
        %get3A_897 = vector.shape_cast %get3A_896 : vector<1x16xf32> to vector<16xf32>
        %mul3A_898 = arith.mulf %get3A_897, %mul3A_306 : vector<16xf32>
        %add3A_899 = arith.constant 2 : i32
        %add3A_900 = arith.addi %add3A_157, %add3A_899 : i32
        %swap3A_901 = arith.index_cast %add3A_900 : i32 to index
        %swap3A_902 = arith.constant 64 : index
        %swap3A_903 = tpu.vector_load %arg16[%swap3A_901, %swap3A_902] {strides = array<i32>} : memref<40x128xf32, #tpu.memory_space<vmem>>, vector<1x16xf32>,
        %swap3A_904 = vector.shape_cast %swap3A_903 : vector<1x16xf32> to vector<16xf32>
        %swap3A_905 = vector.shape_cast %mul3A_898 : vector<16xf32> to vector<1x16xf32>
        tpu.vector_store %arg16[%swap3A_901, %swap3A_902], %swap3A_905 {strides = array<i32>} : memref<40x128xf32, #tpu.memory_space<vmem>>, vector<1x16xf32>,
        %add3A_906 = arith.constant 3 : i32
        %add3A_907 = arith.addi %add3A_157, %add3A_906 : i32
        %get3A_908 = arith.index_cast %add3A_907 : i32 to index
        %get3A_909 = arith.constant 64 : index
        %get3A_910 = tpu.vector_load %arg16[%get3A_908, %get3A_909] {strides = array<i32>} : memref<40x128xf32, #tpu.memory_space<vmem>>, vector<1x16xf32>,
        %get3A_911 = vector.shape_cast %get3A_910 : vector<1x16xf32> to vector<16xf32>
        %mul3A_912 = arith.mulf %get3A_911, %mul3A_328 : vector<16xf32>
        %add3A_913 = arith.constant 3 : i32
        %add3A_914 = arith.addi %add3A_157, %add3A_913 : i32
        %swap3A_915 = arith.index_cast %add3A_914 : i32 to index
        %swap3A_916 = arith.constant 64 : index
        %swap3A_917 = tpu.vector_load %arg16[%swap3A_915, %swap3A_916] {strides = array<i32>} : memref<40x128xf32, #tpu.memory_space<vmem>>, vector<1x16xf32>,
        %swap3A_918 = vector.shape_cast %swap3A_917 : vector<1x16xf32> to vector<16xf32>
        %swap3A_919 = vector.shape_cast %mul3A_912 : vector<16xf32> to vector<1x16xf32>
        tpu.vector_store %arg16[%swap3A_915, %swap3A_916], %swap3A_919 {strides = array<i32>} : memref<40x128xf32, #tpu.memory_space<vmem>>, vector<1x16xf32>,
        %add3A_920 = arith.constant 4 : i32
        %add3A_921 = arith.addi %add3A_157, %add3A_920 : i32
        %get3A_922 = arith.index_cast %add3A_921 : i32 to index
        %get3A_923 = arith.constant 64 : index
        %get3A_924 = tpu.vector_load %arg16[%get3A_922, %get3A_923] {strides = array<i32>} : memref<40x128xf32, #tpu.memory_space<vmem>>, vector<1x16xf32>,
        %get3A_925 = vector.shape_cast %get3A_924 : vector<1x16xf32> to vector<16xf32>
        %mul3A_926 = arith.mulf %get3A_925, %mul3A_350 : vector<16xf32>
        %add3A_927 = arith.constant 4 : i32
        %add3A_928 = arith.addi %add3A_157, %add3A_927 : i32
        %swap3A_929 = arith.index_cast %add3A_928 : i32 to index
        %swap3A_930 = arith.constant 64 : index
        %swap3A_931 = tpu.vector_load %arg16[%swap3A_929, %swap3A_930] {strides = array<i32>} : memref<40x128xf32, #tpu.memory_space<vmem>>, vector<1x16xf32>,
        %swap3A_932 = vector.shape_cast %swap3A_931 : vector<1x16xf32> to vector<16xf32>
        %swap3A_933 = vector.shape_cast %mul3A_926 : vector<16xf32> to vector<1x16xf32>
        tpu.vector_store %arg16[%swap3A_929, %swap3A_930], %swap3A_933 {strides = array<i32>} : memref<40x128xf32, #tpu.memory_space<vmem>>, vector<1x16xf32>,
        %add3A_934 = arith.constant 5 : i32
        %add3A_935 = arith.addi %add3A_157, %add3A_934 : i32
        %get3A_936 = arith.index_cast %add3A_935 : i32 to index
        %get3A_937 = arith.constant 64 : index
        %get3A_938 = tpu.vector_load %arg16[%get3A_936, %get3A_937] {strides = array<i32>} : memref<40x128xf32, #tpu.memory_space<vmem>>, vector<1x16xf32>,
        %get3A_939 = vector.shape_cast %get3A_938 : vector<1x16xf32> to vector<16xf32>
        %mul3A_940 = arith.mulf %get3A_939, %mul3A_372 : vector<16xf32>
        %add3A_941 = arith.constant 5 : i32
        %add3A_942 = arith.addi %add3A_157, %add3A_941 : i32
        %swap3A_943 = arith.index_cast %add3A_942 : i32 to index
        %swap3A_944 = arith.constant 64 : index
        %swap3A_945 = tpu.vector_load %arg16[%swap3A_943, %swap3A_944] {strides = array<i32>} : memref<40x128xf32, #tpu.memory_space<vmem>>, vector<1x16xf32>,
        %swap3A_946 = vector.shape_cast %swap3A_945 : vector<1x16xf32> to vector<16xf32>
        %swap3A_947 = vector.shape_cast %mul3A_940 : vector<16xf32> to vector<1x16xf32>
        tpu.vector_store %arg16[%swap3A_943, %swap3A_944], %swap3A_947 {strides = array<i32>} : memref<40x128xf32, #tpu.memory_space<vmem>>, vector<1x16xf32>,
        %add3A_948 = arith.constant 6 : i32
        %add3A_949 = arith.addi %add3A_157, %add3A_948 : i32
        %get3A_950 = arith.index_cast %add3A_949 : i32 to index
        %get3A_951 = arith.constant 64 : index
        %get3A_952 = tpu.vector_load %arg16[%get3A_950, %get3A_951] {strides = array<i32>} : memref<40x128xf32, #tpu.memory_space<vmem>>, vector<1x16xf32>,
        %get3A_953 = vector.shape_cast %get3A_952 : vector<1x16xf32> to vector<16xf32>
        %mul3A_954 = arith.mulf %get3A_953, %mul3A_394 : vector<16xf32>
        %add3A_955 = arith.constant 6 : i32
        %add3A_956 = arith.addi %add3A_157, %add3A_955 : i32
        %swap3A_957 = arith.index_cast %add3A_956 : i32 to index
        %swap3A_958 = arith.constant 64 : index
        %swap3A_959 = tpu.vector_load %arg16[%swap3A_957, %swap3A_958] {strides = array<i32>} : memref<40x128xf32, #tpu.memory_space<vmem>>, vector<1x16xf32>,
        %swap3A_960 = vector.shape_cast %swap3A_959 : vector<1x16xf32> to vector<16xf32>
        %swap3A_961 = vector.shape_cast %mul3A_954 : vector<16xf32> to vector<1x16xf32>
        tpu.vector_store %arg16[%swap3A_957, %swap3A_958], %swap3A_961 {strides = array<i32>} : memref<40x128xf32, #tpu.memory_space<vmem>>, vector<1x16xf32>,
        %add3A_962 = arith.constant 7 : i32
        %add3A_963 = arith.addi %add3A_157, %add3A_962 : i32
        %get3A_964 = arith.index_cast %add3A_963 : i32 to index
        %get3A_965 = arith.constant 64 : index
        %get3A_966 = tpu.vector_load %arg16[%get3A_964, %get3A_965] {strides = array<i32>} : memref<40x128xf32, #tpu.memory_space<vmem>>, vector<1x16xf32>,
        %get3A_967 = vector.shape_cast %get3A_966 : vector<1x16xf32> to vector<16xf32>
        %mul3A_968 = arith.mulf %get3A_967, %mul3A_416 : vector<16xf32>
        %add3A_969 = arith.constant 7 : i32
        %add3A_970 = arith.addi %add3A_157, %add3A_969 : i32
        %swap3A_971 = arith.index_cast %add3A_970 : i32 to index
        %swap3A_972 = arith.constant 64 : index
        %swap3A_973 = tpu.vector_load %arg16[%swap3A_971, %swap3A_972] {strides = array<i32>} : memref<40x128xf32, #tpu.memory_space<vmem>>, vector<1x16xf32>,
        %swap3A_974 = vector.shape_cast %swap3A_973 : vector<1x16xf32> to vector<16xf32>
        %swap3A_975 = vector.shape_cast %mul3A_968 : vector<16xf32> to vector<1x16xf32>
        tpu.vector_store %arg16[%swap3A_971, %swap3A_972], %swap3A_975 {strides = array<i32>} : memref<40x128xf32, #tpu.memory_space<vmem>>, vector<1x16xf32>,
        %add3A_976 = arith.constant 0 : i32
        %add3A_977 = arith.addi %add3A_157, %add3A_976 : i32
        %get3A_978 = arith.index_cast %add3A_977 : i32 to index
        %get3A_979 = arith.constant 80 : index
        %get3A_980 = tpu.vector_load %arg16[%get3A_978, %get3A_979] {strides = array<i32>} : memref<40x128xf32, #tpu.memory_space<vmem>>, vector<1x16xf32>,
        %get3A_981 = vector.shape_cast %get3A_980 : vector<1x16xf32> to vector<16xf32>
        %mul3A_982 = arith.mulf %get3A_981, %mul3A_262 : vector<16xf32>
        %add3A_983 = arith.constant 0 : i32
        %add3A_984 = arith.addi %add3A_157, %add3A_983 : i32
        %swap3A_985 = arith.index_cast %add3A_984 : i32 to index
        %swap3A_986 = arith.constant 80 : index
        %swap3A_987 = tpu.vector_load %arg16[%swap3A_985, %swap3A_986] {strides = array<i32>} : memref<40x128xf32, #tpu.memory_space<vmem>>, vector<1x16xf32>,
        %swap3A_988 = vector.shape_cast %swap3A_987 : vector<1x16xf32> to vector<16xf32>
        %swap3A_989 = vector.shape_cast %mul3A_982 : vector<16xf32> to vector<1x16xf32>
        tpu.vector_store %arg16[%swap3A_985, %swap3A_986], %swap3A_989 {strides = array<i32>} : memref<40x128xf32, #tpu.memory_space<vmem>>, vector<1x16xf32>,
        %add3A_990 = arith.constant 1 : i32
        %add3A_991 = arith.addi %add3A_157, %add3A_990 : i32
        %get3A_992 = arith.index_cast %add3A_991 : i32 to index
        %get3A_993 = arith.constant 80 : index
        %get3A_994 = tpu.vector_load %arg16[%get3A_992, %get3A_993] {strides = array<i32>} : memref<40x128xf32, #tpu.memory_space<vmem>>, vector<1x16xf32>,
        %get3A_995 = vector.shape_cast %get3A_994 : vector<1x16xf32> to vector<16xf32>
        %mul3A_996 = arith.mulf %get3A_995, %mul3A_284 : vector<16xf32>
        %add3A_997 = arith.constant 1 : i32
        %add3A_998 = arith.addi %add3A_157, %add3A_997 : i32
        %swap3A_999 = arith.index_cast %add3A_998 : i32 to index
        %swap3A_1000 = arith.constant 80 : index
        %swap3A_1001 = tpu.vector_load %arg16[%swap3A_999, %swap3A_1000] {strides = array<i32>} : memref<40x128xf32, #tpu.memory_space<vmem>>, vector<1x16xf32>,
        %swap3A_1002 = vector.shape_cast %swap3A_1001 : vector<1x16xf32> to vector<16xf32>
        %swap3A_1003 = vector.shape_cast %mul3A_996 : vector<16xf32> to vector<1x16xf32>
        tpu.vector_store %arg16[%swap3A_999, %swap3A_1000], %swap3A_1003 {strides = array<i32>} : memref<40x128xf32, #tpu.memory_space<vmem>>, vector<1x16xf32>,
        %add3A_1004 = arith.constant 2 : i32
        %add3A_1005 = arith.addi %add3A_157, %add3A_1004 : i32
        %get3A_1006 = arith.index_cast %add3A_1005 : i32 to index
        %get3A_1007 = arith.constant 80 : index
        %get3A_1008 = tpu.vector_load %arg16[%get3A_1006, %get3A_1007] {strides = array<i32>} : memref<40x128xf32, #tpu.memory_space<vmem>>, vector<1x16xf32>,
        %get3A_1009 = vector.shape_cast %get3A_1008 : vector<1x16xf32> to vector<16xf32>
        %mul3A_1010 = arith.mulf %get3A_1009, %mul3A_306 : vector<16xf32>
        %add3A_1011 = arith.constant 2 : i32
        %add3A_1012 = arith.addi %add3A_157, %add3A_1011 : i32
        %swap3A_1013 = arith.index_cast %add3A_1012 : i32 to index
        %swap3A_1014 = arith.constant 80 : index
        %swap3A_1015 = tpu.vector_load %arg16[%swap3A_1013, %swap3A_1014] {strides = array<i32>} : memref<40x128xf32, #tpu.memory_space<vmem>>, vector<1x16xf32>,
        %swap3A_1016 = vector.shape_cast %swap3A_1015 : vector<1x16xf32> to vector<16xf32>
        %swap3A_1017 = vector.shape_cast %mul3A_1010 : vector<16xf32> to vector<1x16xf32>
        tpu.vector_store %arg16[%swap3A_1013, %swap3A_1014], %swap3A_1017 {strides = array<i32>} : memref<40x128xf32, #tpu.memory_space<vmem>>, vector<1x16xf32>,
        %add3A_1018 = arith.constant 3 : i32
        %add3A_1019 = arith.addi %add3A_157, %add3A_1018 : i32
        %get3A_1020 = arith.index_cast %add3A_1019 : i32 to index
        %get3A_1021 = arith.constant 80 : index
        %get3A_1022 = tpu.vector_load %arg16[%get3A_1020, %get3A_1021] {strides = array<i32>} : memref<40x128xf32, #tpu.memory_space<vmem>>, vector<1x16xf32>,
        %get3A_1023 = vector.shape_cast %get3A_1022 : vector<1x16xf32> to vector<16xf32>
        %mul3A_1024 = arith.mulf %get3A_1023, %mul3A_328 : vector<16xf32>
        %add3A_1025 = arith.constant 3 : i32
        %add3A_1026 = arith.addi %add3A_157, %add3A_1025 : i32
        %swap3A_1027 = arith.index_cast %add3A_1026 : i32 to index
        %swap3A_1028 = arith.constant 80 : index
        %swap3A_1029 = tpu.vector_load %arg16[%swap3A_1027, %swap3A_1028] {strides = array<i32>} : memref<40x128xf32, #tpu.memory_space<vmem>>, vector<1x16xf32>,
        %swap3A_1030 = vector.shape_cast %swap3A_1029 : vector<1x16xf32> to vector<16xf32>
        %swap3A_1031 = vector.shape_cast %mul3A_1024 : vector<16xf32> to vector<1x16xf32>
        tpu.vector_store %arg16[%swap3A_1027, %swap3A_1028], %swap3A_1031 {strides = array<i32>} : memref<40x128xf32, #tpu.memory_space<vmem>>, vector<1x16xf32>,
        %add3A_1032 = arith.constant 4 : i32
        %add3A_1033 = arith.addi %add3A_157, %add3A_1032 : i32
        %get3A_1034 = arith.index_cast %add3A_1033 : i32 to index
        %get3A_1035 = arith.constant 80 : index
        %get3A_1036 = tpu.vector_load %arg16[%get3A_1034, %get3A_1035] {strides = array<i32>} : memref<40x128xf32, #tpu.memory_space<vmem>>, vector<1x16xf32>,
        %get3A_1037 = vector.shape_cast %get3A_1036 : vector<1x16xf32> to vector<16xf32>
        %mul3A_1038 = arith.mulf %get3A_1037, %mul3A_350 : vector<16xf32>
        %add3A_1039 = arith.constant 4 : i32
        %add3A_1040 = arith.addi %add3A_157, %add3A_1039 : i32
        %swap3A_1041 = arith.index_cast %add3A_1040 : i32 to index
        %swap3A_1042 = arith.constant 80 : index
        %swap3A_1043 = tpu.vector_load %arg16[%swap3A_1041, %swap3A_1042] {strides = array<i32>} : memref<40x128xf32, #tpu.memory_space<vmem>>, vector<1x16xf32>,
        %swap3A_1044 = vector.shape_cast %swap3A_1043 : vector<1x16xf32> to vector<16xf32>
        %swap3A_1045 = vector.shape_cast %mul3A_1038 : vector<16xf32> to vector<1x16xf32>
        tpu.vector_store %arg16[%swap3A_1041, %swap3A_1042], %swap3A_1045 {strides = array<i32>} : memref<40x128xf32, #tpu.memory_space<vmem>>, vector<1x16xf32>,
        %add3A_1046 = arith.constant 5 : i32
        %add3A_1047 = arith.addi %add3A_157, %add3A_1046 : i32
        %get3A_1048 = arith.index_cast %add3A_1047 : i32 to index
        %get3A_1049 = arith.constant 80 : index
        %get3A_1050 = tpu.vector_load %arg16[%get3A_1048, %get3A_1049] {strides = array<i32>} : memref<40x128xf32, #tpu.memory_space<vmem>>, vector<1x16xf32>,
        %get3A_1051 = vector.shape_cast %get3A_1050 : vector<1x16xf32> to vector<16xf32>
        %mul3A_1052 = arith.mulf %get3A_1051, %mul3A_372 : vector<16xf32>
        %add3A_1053 = arith.constant 5 : i32
        %add3A_1054 = arith.addi %add3A_157, %add3A_1053 : i32
        %swap3A_1055 = arith.index_cast %add3A_1054 : i32 to index
        %swap3A_1056 = arith.constant 80 : index
        %swap3A_1057 = tpu.vector_load %arg16[%swap3A_1055, %swap3A_1056] {strides = array<i32>} : memref<40x128xf32, #tpu.memory_space<vmem>>, vector<1x16xf32>,
        %swap3A_1058 = vector.shape_cast %swap3A_1057 : vector<1x16xf32> to vector<16xf32>
        %swap3A_1059 = vector.shape_cast %mul3A_1052 : vector<16xf32> to vector<1x16xf32>
        tpu.vector_store %arg16[%swap3A_1055, %swap3A_1056], %swap3A_1059 {strides = array<i32>} : memref<40x128xf32, #tpu.memory_space<vmem>>, vector<1x16xf32>,
        %add3A_1060 = arith.constant 6 : i32
        %add3A_1061 = arith.addi %add3A_157, %add3A_1060 : i32
        %get3A_1062 = arith.index_cast %add3A_1061 : i32 to index
        %get3A_1063 = arith.constant 80 : index
        %get3A_1064 = tpu.vector_load %arg16[%get3A_1062, %get3A_1063] {strides = array<i32>} : memref<40x128xf32, #tpu.memory_space<vmem>>, vector<1x16xf32>,
        %get3A_1065 = vector.shape_cast %get3A_1064 : vector<1x16xf32> to vector<16xf32>
        %mul3A_1066 = arith.mulf %get3A_1065, %mul3A_394 : vector<16xf32>
        %add3A_1067 = arith.constant 6 : i32
        %add3A_1068 = arith.addi %add3A_157, %add3A_1067 : i32
        %swap3A_1069 = arith.index_cast %add3A_1068 : i32 to index
        %swap3A_1070 = arith.constant 80 : index
        %swap3A_1071 = tpu.vector_load %arg16[%swap3A_1069, %swap3A_1070] {strides = array<i32>} : memref<40x128xf32, #tpu.memory_space<vmem>>, vector<1x16xf32>,
        %swap3A_1072 = vector.shape_cast %swap3A_1071 : vector<1x16xf32> to vector<16xf32>
        %swap3A_1073 = vector.shape_cast %mul3A_1066 : vector<16xf32> to vector<1x16xf32>
        tpu.vector_store %arg16[%swap3A_1069, %swap3A_1070], %swap3A_1073 {strides = array<i32>} : memref<40x128xf32, #tpu.memory_space<vmem>>, vector<1x16xf32>,
        %add3A_1074 = arith.constant 7 : i32
        %add3A_1075 = arith.addi %add3A_157, %add3A_1074 : i32
        %get3A_1076 = arith.index_cast %add3A_1075 : i32 to index
        %get3A_1077 = arith.constant 80 : index
        %get3A_1078 = tpu.vector_load %arg16[%get3A_1076, %get3A_1077] {strides = array<i32>} : memref<40x128xf32, #tpu.memory_space<vmem>>, vector<1x16xf32>,
        %get3A_1079 = vector.shape_cast %get3A_1078 : vector<1x16xf32> to vector<16xf32>
        %mul3A_1080 = arith.mulf %get3A_1079, %mul3A_416 : vector<16xf32>
        %add3A_1081 = arith.constant 7 : i32
        %add3A_1082 = arith.addi %add3A_157, %add3A_1081 : i32
        %swap3A_1083 = arith.index_cast %add3A_1082 : i32 to index
        %swap3A_1084 = arith.constant 80 : index
        %swap3A_1085 = tpu.vector_load %arg16[%swap3A_1083, %swap3A_1084] {strides = array<i32>} : memref<40x128xf32, #tpu.memory_space<vmem>>, vector<1x16xf32>,
        %swap3A_1086 = vector.shape_cast %swap3A_1085 : vector<1x16xf32> to vector<16xf32>
        %swap3A_1087 = vector.shape_cast %mul3A_1080 : vector<16xf32> to vector<1x16xf32>
        tpu.vector_store %arg16[%swap3A_1083, %swap3A_1084], %swap3A_1087 {strides = array<i32>} : memref<40x128xf32, #tpu.memory_space<vmem>>, vector<1x16xf32>,
        %add3A_1088 = arith.constant 0 : i32
        %add3A_1089 = arith.addi %add3A_157, %add3A_1088 : i32
        %get3A_1090 = arith.index_cast %add3A_1089 : i32 to index
        %get3A_1091 = arith.constant 96 : index
        %get3A_1092 = tpu.vector_load %arg16[%get3A_1090, %get3A_1091] {strides = array<i32>} : memref<40x128xf32, #tpu.memory_space<vmem>>, vector<1x16xf32>,
        %get3A_1093 = vector.shape_cast %get3A_1092 : vector<1x16xf32> to vector<16xf32>
        %mul3A_1094 = arith.mulf %get3A_1093, %mul3A_262 : vector<16xf32>
        %add3A_1095 = arith.constant 0 : i32
        %add3A_1096 = arith.addi %add3A_157, %add3A_1095 : i32
        %swap3A_1097 = arith.index_cast %add3A_1096 : i32 to index
        %swap3A_1098 = arith.constant 96 : index
        %swap3A_1099 = tpu.vector_load %arg16[%swap3A_1097, %swap3A_1098] {strides = array<i32>} : memref<40x128xf32, #tpu.memory_space<vmem>>, vector<1x16xf32>,
        %swap3A_1100 = vector.shape_cast %swap3A_1099 : vector<1x16xf32> to vector<16xf32>
        %swap3A_1101 = vector.shape_cast %mul3A_1094 : vector<16xf32> to vector<1x16xf32>
        tpu.vector_store %arg16[%swap3A_1097, %swap3A_1098], %swap3A_1101 {strides = array<i32>} : memref<40x128xf32, #tpu.memory_space<vmem>>, vector<1x16xf32>,
        %add3A_1102 = arith.constant 1 : i32
        %add3A_1103 = arith.addi %add3A_157, %add3A_1102 : i32
        %get3A_1104 = arith.index_cast %add3A_1103 : i32 to index
        %get3A_1105 = arith.constant 96 : index
        %get3A_1106 = tpu.vector_load %arg16[%get3A_1104, %get3A_1105] {strides = array<i32>} : memref<40x128xf32, #tpu.memory_space<vmem>>, vector<1x16xf32>,
        %get3A_1107 = vector.shape_cast %get3A_1106 : vector<1x16xf32> to vector<16xf32>
        %mul3A_1108 = arith.mulf %get3A_1107, %mul3A_284 : vector<16xf32>
        %add3A_1109 = arith.constant 1 : i32
        %add3A_1110 = arith.addi %add3A_157, %add3A_1109 : i32
        %swap3A_1111 = arith.index_cast %add3A_1110 : i32 to index
        %swap3A_1112 = arith.constant 96 : index
        %swap3A_1113 = tpu.vector_load %arg16[%swap3A_1111, %swap3A_1112] {strides = array<i32>} : memref<40x128xf32, #tpu.memory_space<vmem>>, vector<1x16xf32>,
        %swap3A_1114 = vector.shape_cast %swap3A_1113 : vector<1x16xf32> to vector<16xf32>
        %swap3A_1115 = vector.shape_cast %mul3A_1108 : vector<16xf32> to vector<1x16xf32>
        tpu.vector_store %arg16[%swap3A_1111, %swap3A_1112], %swap3A_1115 {strides = array<i32>} : memref<40x128xf32, #tpu.memory_space<vmem>>, vector<1x16xf32>,
        %add3A_1116 = arith.constant 2 : i32
        %add3A_1117 = arith.addi %add3A_157, %add3A_1116 : i32
        %get3A_1118 = arith.index_cast %add3A_1117 : i32 to index
        %get3A_1119 = arith.constant 96 : index
        %get3A_1120 = tpu.vector_load %arg16[%get3A_1118, %get3A_1119] {strides = array<i32>} : memref<40x128xf32, #tpu.memory_space<vmem>>, vector<1x16xf32>,
        %get3A_1121 = vector.shape_cast %get3A_1120 : vector<1x16xf32> to vector<16xf32>
        %mul3A_1122 = arith.mulf %get3A_1121, %mul3A_306 : vector<16xf32>
        %add3A_1123 = arith.constant 2 : i32
        %add3A_1124 = arith.addi %add3A_157, %add3A_1123 : i32
        %swap3A_1125 = arith.index_cast %add3A_1124 : i32 to index
        %swap3A_1126 = arith.constant 96 : index
        %swap3A_1127 = tpu.vector_load %arg16[%swap3A_1125, %swap3A_1126] {strides = array<i32>} : memref<40x128xf32, #tpu.memory_space<vmem>>, vector<1x16xf32>,
        %swap3A_1128 = vector.shape_cast %swap3A_1127 : vector<1x16xf32> to vector<16xf32>
        %swap3A_1129 = vector.shape_cast %mul3A_1122 : vector<16xf32> to vector<1x16xf32>
        tpu.vector_store %arg16[%swap3A_1125, %swap3A_1126], %swap3A_1129 {strides = array<i32>} : memref<40x128xf32, #tpu.memory_space<vmem>>, vector<1x16xf32>,
        %add3A_1130 = arith.constant 3 : i32
        %add3A_1131 = arith.addi %add3A_157, %add3A_1130 : i32
        %get3A_1132 = arith.index_cast %add3A_1131 : i32 to index
        %get3A_1133 = arith.constant 96 : index
        %get3A_1134 = tpu.vector_load %arg16[%get3A_1132, %get3A_1133] {strides = array<i32>} : memref<40x128xf32, #tpu.memory_space<vmem>>, vector<1x16xf32>,
        %get3A_1135 = vector.shape_cast %get3A_1134 : vector<1x16xf32> to vector<16xf32>
        %mul3A_1136 = arith.mulf %get3A_1135, %mul3A_328 : vector<16xf32>
        %add3A_1137 = arith.constant 3 : i32
        %add3A_1138 = arith.addi %add3A_157, %add3A_1137 : i32
        %swap3A_1139 = arith.index_cast %add3A_1138 : i32 to index
        %swap3A_1140 = arith.constant 96 : index
        %swap3A_1141 = tpu.vector_load %arg16[%swap3A_1139, %swap3A_1140] {strides = array<i32>} : memref<40x128xf32, #tpu.memory_space<vmem>>, vector<1x16xf32>,
        %swap3A_1142 = vector.shape_cast %swap3A_1141 : vector<1x16xf32> to vector<16xf32>
        %swap3A_1143 = vector.shape_cast %mul3A_1136 : vector<16xf32> to vector<1x16xf32>
        tpu.vector_store %arg16[%swap3A_1139, %swap3A_1140], %swap3A_1143 {strides = array<i32>} : memref<40x128xf32, #tpu.memory_space<vmem>>, vector<1x16xf32>,
        %add3A_1144 = arith.constant 4 : i32
        %add3A_1145 = arith.addi %add3A_157, %add3A_1144 : i32
        %get3A_1146 = arith.index_cast %add3A_1145 : i32 to index
        %get3A_1147 = arith.constant 96 : index
        %get3A_1148 = tpu.vector_load %arg16[%get3A_1146, %get3A_1147] {strides = array<i32>} : memref<40x128xf32, #tpu.memory_space<vmem>>, vector<1x16xf32>,
        %get3A_1149 = vector.shape_cast %get3A_1148 : vector<1x16xf32> to vector<16xf32>
        %mul3A_1150 = arith.mulf %get3A_1149, %mul3A_350 : vector<16xf32>
        %add3A_1151 = arith.constant 4 : i32
        %add3A_1152 = arith.addi %add3A_157, %add3A_1151 : i32
        %swap3A_1153 = arith.index_cast %add3A_1152 : i32 to index
        %swap3A_1154 = arith.constant 96 : index
        %swap3A_1155 = tpu.vector_load %arg16[%swap3A_1153, %swap3A_1154] {strides = array<i32>} : memref<40x128xf32, #tpu.memory_space<vmem>>, vector<1x16xf32>,
        %swap3A_1156 = vector.shape_cast %swap3A_1155 : vector<1x16xf32> to vector<16xf32>
        %swap3A_1157 = vector.shape_cast %mul3A_1150 : vector<16xf32> to vector<1x16xf32>
        tpu.vector_store %arg16[%swap3A_1153, %swap3A_1154], %swap3A_1157 {strides = array<i32>} : memref<40x128xf32, #tpu.memory_space<vmem>>, vector<1x16xf32>,
        %add3A_1158 = arith.constant 5 : i32
        %add3A_1159 = arith.addi %add3A_157, %add3A_1158 : i32
        %get3A_1160 = arith.index_cast %add3A_1159 : i32 to index
        %get3A_1161 = arith.constant 96 : index
        %get3A_1162 = tpu.vector_load %arg16[%get3A_1160, %get3A_1161] {strides = array<i32>} : memref<40x128xf32, #tpu.memory_space<vmem>>, vector<1x16xf32>,
        %get3A_1163 = vector.shape_cast %get3A_1162 : vector<1x16xf32> to vector<16xf32>
        %mul3A_1164 = arith.mulf %get3A_1163, %mul3A_372 : vector<16xf32>
        %add3A_1165 = arith.constant 5 : i32
        %add3A_1166 = arith.addi %add3A_157, %add3A_1165 : i32
        %swap3A_1167 = arith.index_cast %add3A_1166 : i32 to index
        %swap3A_1168 = arith.constant 96 : index
        %swap3A_1169 = tpu.vector_load %arg16[%swap3A_1167, %swap3A_1168] {strides = array<i32>} : memref<40x128xf32, #tpu.memory_space<vmem>>, vector<1x16xf32>,
        %swap3A_1170 = vector.shape_cast %swap3A_1169 : vector<1x16xf32> to vector<16xf32>
        %swap3A_1171 = vector.shape_cast %mul3A_1164 : vector<16xf32> to vector<1x16xf32>
        tpu.vector_store %arg16[%swap3A_1167, %swap3A_1168], %swap3A_1171 {strides = array<i32>} : memref<40x128xf32, #tpu.memory_space<vmem>>, vector<1x16xf32>,
        %add3A_1172 = arith.constant 6 : i32
        %add3A_1173 = arith.addi %add3A_157, %add3A_1172 : i32
        %get3A_1174 = arith.index_cast %add3A_1173 : i32 to index
        %get3A_1175 = arith.constant 96 : index
        %get3A_1176 = tpu.vector_load %arg16[%get3A_1174, %get3A_1175] {strides = array<i32>} : memref<40x128xf32, #tpu.memory_space<vmem>>, vector<1x16xf32>,
        %get3A_1177 = vector.shape_cast %get3A_1176 : vector<1x16xf32> to vector<16xf32>
        %mul3A_1178 = arith.mulf %get3A_1177, %mul3A_394 : vector<16xf32>
        %add3A_1179 = arith.constant 6 : i32
        %add3A_1180 = arith.addi %add3A_157, %add3A_1179 : i32
        %swap3A_1181 = arith.index_cast %add3A_1180 : i32 to index
        %swap3A_1182 = arith.constant 96 : index
        %swap3A_1183 = tpu.vector_load %arg16[%swap3A_1181, %swap3A_1182] {strides = array<i32>} : memref<40x128xf32, #tpu.memory_space<vmem>>, vector<1x16xf32>,
        %swap3A_1184 = vector.shape_cast %swap3A_1183 : vector<1x16xf32> to vector<16xf32>
        %swap3A_1185 = vector.shape_cast %mul3A_1178 : vector<16xf32> to vector<1x16xf32>
        tpu.vector_store %arg16[%swap3A_1181, %swap3A_1182], %swap3A_1185 {strides = array<i32>} : memref<40x128xf32, #tpu.memory_space<vmem>>, vector<1x16xf32>,
        %add3A_1186 = arith.constant 7 : i32
        %add3A_1187 = arith.addi %add3A_157, %add3A_1186 : i32
        %get3A_1188 = arith.index_cast %add3A_1187 : i32 to index
        %get3A_1189 = arith.constant 96 : index
        %get3A_1190 = tpu.vector_load %arg16[%get3A_1188, %get3A_1189] {strides = array<i32>} : memref<40x128xf32, #tpu.memory_space<vmem>>, vector<1x16xf32>,
        %get3A_1191 = vector.shape_cast %get3A_1190 : vector<1x16xf32> to vector<16xf32>
        %mul3A_1192 = arith.mulf %get3A_1191, %mul3A_416 : vector<16xf32>
        %add3A_1193 = arith.constant 7 : i32
        %add3A_1194 = arith.addi %add3A_157, %add3A_1193 : i32
        %swap3A_1195 = arith.index_cast %add3A_1194 : i32 to index
        %swap3A_1196 = arith.constant 96 : index
        %swap3A_1197 = tpu.vector_load %arg16[%swap3A_1195, %swap3A_1196] {strides = array<i32>} : memref<40x128xf32, #tpu.memory_space<vmem>>, vector<1x16xf32>,
        %swap3A_1198 = vector.shape_cast %swap3A_1197 : vector<1x16xf32> to vector<16xf32>
        %swap3A_1199 = vector.shape_cast %mul3A_1192 : vector<16xf32> to vector<1x16xf32>
        tpu.vector_store %arg16[%swap3A_1195, %swap3A_1196], %swap3A_1199 {strides = array<i32>} : memref<40x128xf32, #tpu.memory_space<vmem>>, vector<1x16xf32>,
        %add3A_1200 = arith.constant 0 : i32
        %add3A_1201 = arith.addi %add3A_157, %add3A_1200 : i32
        %get3A_1202 = arith.index_cast %add3A_1201 : i32 to index
        %get3A_1203 = arith.constant 112 : index
        %get3A_1204 = tpu.vector_load %arg16[%get3A_1202, %get3A_1203] {strides = array<i32>} : memref<40x128xf32, #tpu.memory_space<vmem>>, vector<1x16xf32>,
        %get3A_1205 = vector.shape_cast %get3A_1204 : vector<1x16xf32> to vector<16xf32>
        %mul3A_1206 = arith.mulf %get3A_1205, %mul3A_262 : vector<16xf32>
        %add3A_1207 = arith.constant 0 : i32
        %add3A_1208 = arith.addi %add3A_157, %add3A_1207 : i32
        %swap3A_1209 = arith.index_cast %add3A_1208 : i32 to index
        %swap3A_1210 = arith.constant 112 : index
        %swap3A_1211 = tpu.vector_load %arg16[%swap3A_1209, %swap3A_1210] {strides = array<i32>} : memref<40x128xf32, #tpu.memory_space<vmem>>, vector<1x16xf32>,
        %swap3A_1212 = vector.shape_cast %swap3A_1211 : vector<1x16xf32> to vector<16xf32>
        %swap3A_1213 = vector.shape_cast %mul3A_1206 : vector<16xf32> to vector<1x16xf32>
        tpu.vector_store %arg16[%swap3A_1209, %swap3A_1210], %swap3A_1213 {strides = array<i32>} : memref<40x128xf32, #tpu.memory_space<vmem>>, vector<1x16xf32>,
        %add3A_1214 = arith.constant 1 : i32
        %add3A_1215 = arith.addi %add3A_157, %add3A_1214 : i32
        %get3A_1216 = arith.index_cast %add3A_1215 : i32 to index
        %get3A_1217 = arith.constant 112 : index
        %get3A_1218 = tpu.vector_load %arg16[%get3A_1216, %get3A_1217] {strides = array<i32>} : memref<40x128xf32, #tpu.memory_space<vmem>>, vector<1x16xf32>,
        %get3A_1219 = vector.shape_cast %get3A_1218 : vector<1x16xf32> to vector<16xf32>
        %mul3A_1220 = arith.mulf %get3A_1219, %mul3A_284 : vector<16xf32>
        %add3A_1221 = arith.constant 1 : i32
        %add3A_1222 = arith.addi %add3A_157, %add3A_1221 : i32
        %swap3A_1223 = arith.index_cast %add3A_1222 : i32 to index
        %swap3A_1224 = arith.constant 112 : index
        %swap3A_1225 = tpu.vector_load %arg16[%swap3A_1223, %swap3A_1224] {strides = array<i32>} : memref<40x128xf32, #tpu.memory_space<vmem>>, vector<1x16xf32>,
        %swap3A_1226 = vector.shape_cast %swap3A_1225 : vector<1x16xf32> to vector<16xf32>
        %swap3A_1227 = vector.shape_cast %mul3A_1220 : vector<16xf32> to vector<1x16xf32>
        tpu.vector_store %arg16[%swap3A_1223, %swap3A_1224], %swap3A_1227 {strides = array<i32>} : memref<40x128xf32, #tpu.memory_space<vmem>>, vector<1x16xf32>,
        %add3A_1228 = arith.constant 2 : i32
        %add3A_1229 = arith.addi %add3A_157, %add3A_1228 : i32
        %get3A_1230 = arith.index_cast %add3A_1229 : i32 to index
        %get3A_1231 = arith.constant 112 : index
        %get3A_1232 = tpu.vector_load %arg16[%get3A_1230, %get3A_1231] {strides = array<i32>} : memref<40x128xf32, #tpu.memory_space<vmem>>, vector<1x16xf32>,
        %get3A_1233 = vector.shape_cast %get3A_1232 : vector<1x16xf32> to vector<16xf32>
        %mul3A_1234 = arith.mulf %get3A_1233, %mul3A_306 : vector<16xf32>
        %add3A_1235 = arith.constant 2 : i32
        %add3A_1236 = arith.addi %add3A_157, %add3A_1235 : i32
        %swap3A_1237 = arith.index_cast %add3A_1236 : i32 to index
        %swap3A_1238 = arith.constant 112 : index
        %swap3A_1239 = tpu.vector_load %arg16[%swap3A_1237, %swap3A_1238] {strides = array<i32>} : memref<40x128xf32, #tpu.memory_space<vmem>>, vector<1x16xf32>,
        %swap3A_1240 = vector.shape_cast %swap3A_1239 : vector<1x16xf32> to vector<16xf32>
        %swap3A_1241 = vector.shape_cast %mul3A_1234 : vector<16xf32> to vector<1x16xf32>
        tpu.vector_store %arg16[%swap3A_1237, %swap3A_1238], %swap3A_1241 {strides = array<i32>} : memref<40x128xf32, #tpu.memory_space<vmem>>, vector<1x16xf32>,
        %add3A_1242 = arith.constant 3 : i32
        %add3A_1243 = arith.addi %add3A_157, %add3A_1242 : i32
        %get3A_1244 = arith.index_cast %add3A_1243 : i32 to index
        %get3A_1245 = arith.constant 112 : index
        %get3A_1246 = tpu.vector_load %arg16[%get3A_1244, %get3A_1245] {strides = array<i32>} : memref<40x128xf32, #tpu.memory_space<vmem>>, vector<1x16xf32>,
        %get3A_1247 = vector.shape_cast %get3A_1246 : vector<1x16xf32> to vector<16xf32>
        %mul3A_1248 = arith.mulf %get3A_1247, %mul3A_328 : vector<16xf32>
        %add3A_1249 = arith.constant 3 : i32
        %add3A_1250 = arith.addi %add3A_157, %add3A_1249 : i32
        %swap3A_1251 = arith.index_cast %add3A_1250 : i32 to index
        %swap3A_1252 = arith.constant 112 : index
        %swap3A_1253 = tpu.vector_load %arg16[%swap3A_1251, %swap3A_1252] {strides = array<i32>} : memref<40x128xf32, #tpu.memory_space<vmem>>, vector<1x16xf32>,
        %swap3A_1254 = vector.shape_cast %swap3A_1253 : vector<1x16xf32> to vector<16xf32>
        %swap3A_1255 = vector.shape_cast %mul3A_1248 : vector<16xf32> to vector<1x16xf32>
        tpu.vector_store %arg16[%swap3A_1251, %swap3A_1252], %swap3A_1255 {strides = array<i32>} : memref<40x128xf32, #tpu.memory_space<vmem>>, vector<1x16xf32>,
        %add3A_1256 = arith.constant 4 : i32
        %add3A_1257 = arith.addi %add3A_157, %add3A_1256 : i32
        %get3A_1258 = arith.index_cast %add3A_1257 : i32 to index
        %get3A_1259 = arith.constant 112 : index
        %get3A_1260 = tpu.vector_load %arg16[%get3A_1258, %get3A_1259] {strides = array<i32>} : memref<40x128xf32, #tpu.memory_space<vmem>>, vector<1x16xf32>,
        %get3A_1261 = vector.shape_cast %get3A_1260 : vector<1x16xf32> to vector<16xf32>
        %mul3A_1262 = arith.mulf %get3A_1261, %mul3A_350 : vector<16xf32>
        %add3A_1263 = arith.constant 4 : i32
        %add3A_1264 = arith.addi %add3A_157, %add3A_1263 : i32
        %swap3A_1265 = arith.index_cast %add3A_1264 : i32 to index
        %swap3A_1266 = arith.constant 112 : index
        %swap3A_1267 = tpu.vector_load %arg16[%swap3A_1265, %swap3A_1266] {strides = array<i32>} : memref<40x128xf32, #tpu.memory_space<vmem>>, vector<1x16xf32>,
        %swap3A_1268 = vector.shape_cast %swap3A_1267 : vector<1x16xf32> to vector<16xf32>
        %swap3A_1269 = vector.shape_cast %mul3A_1262 : vector<16xf32> to vector<1x16xf32>
        tpu.vector_store %arg16[%swap3A_1265, %swap3A_1266], %swap3A_1269 {strides = array<i32>} : memref<40x128xf32, #tpu.memory_space<vmem>>, vector<1x16xf32>,
        %add3A_1270 = arith.constant 5 : i32
        %add3A_1271 = arith.addi %add3A_157, %add3A_1270 : i32
        %get3A_1272 = arith.index_cast %add3A_1271 : i32 to index
        %get3A_1273 = arith.constant 112 : index
        %get3A_1274 = tpu.vector_load %arg16[%get3A_1272, %get3A_1273] {strides = array<i32>} : memref<40x128xf32, #tpu.memory_space<vmem>>, vector<1x16xf32>,
        %get3A_1275 = vector.shape_cast %get3A_1274 : vector<1x16xf32> to vector<16xf32>
        %mul3A_1276 = arith.mulf %get3A_1275, %mul3A_372 : vector<16xf32>
        %add3A_1277 = arith.constant 5 : i32
        %add3A_1278 = arith.addi %add3A_157, %add3A_1277 : i32
        %swap3A_1279 = arith.index_cast %add3A_1278 : i32 to index
        %swap3A_1280 = arith.constant 112 : index
        %swap3A_1281 = tpu.vector_load %arg16[%swap3A_1279, %swap3A_1280] {strides = array<i32>} : memref<40x128xf32, #tpu.memory_space<vmem>>, vector<1x16xf32>,
        %swap3A_1282 = vector.shape_cast %swap3A_1281 : vector<1x16xf32> to vector<16xf32>
        %swap3A_1283 = vector.shape_cast %mul3A_1276 : vector<16xf32> to vector<1x16xf32>
        tpu.vector_store %arg16[%swap3A_1279, %swap3A_1280], %swap3A_1283 {strides = array<i32>} : memref<40x128xf32, #tpu.memory_space<vmem>>, vector<1x16xf32>,
        %add3A_1284 = arith.constant 6 : i32
        %add3A_1285 = arith.addi %add3A_157, %add3A_1284 : i32
        %get3A_1286 = arith.index_cast %add3A_1285 : i32 to index
        %get3A_1287 = arith.constant 112 : index
        %get3A_1288 = tpu.vector_load %arg16[%get3A_1286, %get3A_1287] {strides = array<i32>} : memref<40x128xf32, #tpu.memory_space<vmem>>, vector<1x16xf32>,
        %get3A_1289 = vector.shape_cast %get3A_1288 : vector<1x16xf32> to vector<16xf32>
        %mul3A_1290 = arith.mulf %get3A_1289, %mul3A_394 : vector<16xf32>
        %add3A_1291 = arith.constant 6 : i32
        %add3A_1292 = arith.addi %add3A_157, %add3A_1291 : i32
        %swap3A_1293 = arith.index_cast %add3A_1292 : i32 to index
        %swap3A_1294 = arith.constant 112 : index
        %swap3A_1295 = tpu.vector_load %arg16[%swap3A_1293, %swap3A_1294] {strides = array<i32>} : memref<40x128xf32, #tpu.memory_space<vmem>>, vector<1x16xf32>,
        %swap3A_1296 = vector.shape_cast %swap3A_1295 : vector<1x16xf32> to vector<16xf32>
        %swap3A_1297 = vector.shape_cast %mul3A_1290 : vector<16xf32> to vector<1x16xf32>
        tpu.vector_store %arg16[%swap3A_1293, %swap3A_1294], %swap3A_1297 {strides = array<i32>} : memref<40x128xf32, #tpu.memory_space<vmem>>, vector<1x16xf32>,
        %add3A_1298 = arith.constant 7 : i32
        %add3A_1299 = arith.addi %add3A_157, %add3A_1298 : i32
        %get3A_1300 = arith.index_cast %add3A_1299 : i32 to index
        %get3A_1301 = arith.constant 112 : index
        %get3A_1302 = tpu.vector_load %arg16[%get3A_1300, %get3A_1301] {strides = array<i32>} : memref<40x128xf32, #tpu.memory_space<vmem>>, vector<1x16xf32>,
        %get3A_1303 = vector.shape_cast %get3A_1302 : vector<1x16xf32> to vector<16xf32>
        %mul3A_1304 = arith.mulf %get3A_1303, %mul3A_416 : vector<16xf32>
        %add3A_1305 = arith.constant 7 : i32
        %add3A_1306 = arith.addi %add3A_157, %add3A_1305 : i32
        %swap3A_1307 = arith.index_cast %add3A_1306 : i32 to index
        %swap3A_1308 = arith.constant 112 : index
        %swap3A_1309 = tpu.vector_load %arg16[%swap3A_1307, %swap3A_1308] {strides = array<i32>} : memref<40x128xf32, #tpu.memory_space<vmem>>, vector<1x16xf32>,
        %swap3A_1310 = vector.shape_cast %swap3A_1309 : vector<1x16xf32> to vector<16xf32>
        %swap3A_1311 = vector.shape_cast %mul3A_1304 : vector<16xf32> to vector<1x16xf32>
        tpu.vector_store %arg16[%swap3A_1307, %swap3A_1308], %swap3A_1311 {strides = array<i32>} : memref<40x128xf32, #tpu.memory_space<vmem>>, vector<1x16xf32>,
      }
      %scan3A_132 = arith.constant 5 : i32
      %add3A_133 = arith.constant 1 : i32
      %add3A_134 = arith.addi %add3A_16, %add3A_133 : i32
      %dma_start3A_135 = arith.constant 0 : i32
      %dma_start3A_136 = tpu.memref_slice %arg9[%add3A_134, %dma_start3A_135] : memref<250x40xi32, #tpu.memory_space<vmem>> -> memref<1x40xi32, #tpu.memory_space<vmem>>
      %dma_start3A_137 = tpu.memref_squeeze %dma_start3A_136 : memref<1x40xi32, #tpu.memory_space<vmem>> -> memref<40xi32, #tpu.memory_space<vmem>>
      %dma_start3A_138 = arith.constant 0 : i32
      %dma_start3A_139 = arith.constant 0 : i32
      %dma_start3A_140 = tpu.memref_slice %arg19[%dma_start3A_138, %dma_start3A_139] : memref<10240x128xf32, #tpu.memory_space<vmem_shared>> -> memref<10240x128xf32, #tpu.memory_space<vmem_shared>>
      tpu.enqueue_indirect_dma source(%arg16 : memref<40x128xf32, #tpu.memory_space<vmem>>) target(%dma_start3A_140 : memref<10240x128xf32, #tpu.memory_space<vmem_shared>>) offsets(%dma_start3A_137 : memref<40xi32, #tpu.memory_space<vmem>>) semaphore(%arg23 : memref<!tpu.dma_semaphore, #tpu.memory_space<semaphore_mem>>) {add = true}
      %dma_wait3A_141 = arith.constant 0 : i32
      %dma_wait3A_142 = tpu.memref_slice %arg9[%add3A_99, %dma_wait3A_141] : memref<250x40xi32, #tpu.memory_space<vmem>> -> memref<1x40xi32, #tpu.memory_space<vmem>>
      %dma_wait3A_143 = tpu.memref_squeeze %dma_wait3A_142 : memref<1x40xi32, #tpu.memory_space<vmem>> -> memref<40xi32, #tpu.memory_space<vmem>>
      %dma_wait3A_144 = arith.constant 0 : i32
      %dma_wait3A_145 = arith.constant 0 : i32
      %dma_wait3A_146 = tpu.memref_slice %arg19[%dma_wait3A_144, %dma_wait3A_145] : memref<10240x128xf32, #tpu.memory_space<vmem_shared>> -> memref<10240x128xf32, #tpu.memory_space<vmem_shared>>
      tpu.wait_indirect_dma semaphore(%arg22 : memref<!tpu.dma_semaphore, #tpu.memory_space<semaphore_mem>>) src(%arg15 : memref<40x128xf32, #tpu.memory_space<vmem>>) dst(%dma_wait3A_146 : memref<10240x128xf32, #tpu.memory_space<vmem_shared>>)
      %dma_wait3A_147 = arith.constant 0 : i32
      %dma_wait3A_148 = tpu.memref_slice %arg9[%add3A_134, %dma_wait3A_147] : memref<250x40xi32, #tpu.memory_space<vmem>> -> memref<1x40xi32, #tpu.memory_space<vmem>>
      %dma_wait3A_149 = tpu.memref_squeeze %dma_wait3A_148 : memref<1x40xi32, #tpu.memory_space<vmem>> -> memref<40xi32, #tpu.memory_space<vmem>>
      %dma_wait3A_150 = arith.constant 0 : i32
      %dma_wait3A_151 = arith.constant 0 : i32
      %dma_wait3A_152 = tpu.memref_slice %arg19[%dma_wait3A_150, %dma_wait3A_151] : memref<10240x128xf32, #tpu.memory_space<vmem_shared>> -> memref<10240x128xf32, #tpu.memory_space<vmem_shared>>
      tpu.wait_indirect_dma semaphore(%arg23 : memref<!tpu.dma_semaphore, #tpu.memory_space<semaphore_mem>>) src(%arg16 : memref<40x128xf32, #tpu.memory_space<vmem>>) dst(%dma_wait3A_152 : memref<10240x128xf32, #tpu.memory_space<vmem_shared>>)
    }
    %scan3A_6 = arith.constant 125 : i32
    %barrier3A_7 = arith.constant 0 : index
    tpu.barrier barrier_id(%barrier3A_7)
    %mul3A_8 = arith.constant 640 : i32
    %mul3A_9 = arith.muli %arg1, %mul3A_8 : i32
    %mul3A_10 = arith.constant 640 : i32
    %mul3A_11 = arith.muli %arg1, %mul3A_10 : i32
    "tpu.region"() ({
      %run_scoped3A = tpu.sem_alloc : memref<!tpu.dma_semaphore, #tpu.memory_space<semaphore_mem>>
      %dma_start3A = arith.constant 0 : i32
      %dma_start3A_12 = arith.constant 0 : i32
      %dma_start3A_13 = tpu.memref_slice %arg8[%arg0, %dma_start3A, %dma_start3A_12] : memref<2x10240x128xf32, #tpu.memory_space<hbm>> -> memref<1x10240x128xf32, #tpu.memory_space<hbm>>
      %dma_start3A_14 = tpu.memref_squeeze %dma_start3A_13 : memref<1x10240x128xf32, #tpu.memory_space<hbm>> -> memref<10240x128xf32, #tpu.memory_space<hbm>>
      %dma_start3A_15 = arith.constant 0 : i32
      %dma_start3A_16 = tpu.memref_slice %dma_start3A_14[%mul3A_11, %dma_start3A_15] : memref<10240x128xf32, #tpu.memory_space<hbm>> -> memref<640x128xf32, #tpu.memory_space<hbm>>
      %dma_start3A_17 = arith.constant 0 : i32
      %dma_start3A_18 = tpu.memref_slice %arg19[%mul3A_9, %dma_start3A_17] : memref<10240x128xf32, #tpu.memory_space<vmem_shared>> -> memref<640x128xf32, #tpu.memory_space<vmem_shared>>
      tpu.enqueue_dma source(%dma_start3A_18 : memref<640x128xf32, #tpu.memory_space<vmem_shared>>) target(%dma_start3A_16 : memref<640x128xf32, #tpu.memory_space<hbm>>) target_semaphore(%run_scoped3A : memref<!tpu.dma_semaphore, #tpu.memory_space<semaphore_mem>>)
      %dma_wait3A = arith.constant 0 : i32
      %dma_wait3A_19 = arith.constant 0 : i32
      %dma_wait3A_20 = tpu.memref_slice %arg8[%arg0, %dma_wait3A, %dma_wait3A_19] : memref<2x10240x128xf32, #tpu.memory_space<hbm>> -> memref<1x10240x128xf32, #tpu.memory_space<hbm>>
      %dma_wait3A_21 = tpu.memref_squeeze %dma_wait3A_20 : memref<1x10240x128xf32, #tpu.memory_space<hbm>> -> memref<10240x128xf32, #tpu.memory_space<hbm>>
      %dma_wait3A_22 = arith.constant 0 : i32
      %dma_wait3A_23 = tpu.memref_slice %dma_wait3A_21[%mul3A_11, %dma_wait3A_22] : memref<10240x128xf32, #tpu.memory_space<hbm>> -> memref<640x128xf32, #tpu.memory_space<hbm>>
      %dma_wait3A_24 = arith.constant 0 : i32
      %dma_wait3A_25 = tpu.memref_slice %arg19[%mul3A_9, %dma_wait3A_24] : memref<10240x128xf32, #tpu.memory_space<vmem_shared>> -> memref<640x128xf32, #tpu.memory_space<vmem_shared>>
      tpu.wait_dma2 semaphore(%run_scoped3A : memref<!tpu.dma_semaphore, #tpu.memory_space<semaphore_mem>>) src(%dma_wait3A_25 : memref<640x128xf32, #tpu.memory_space<vmem_shared>>) dst(%dma_wait3A_23 : memref<640x128xf32, #tpu.memory_space<hbm>>)
      tpu.yield
    }) : () -> ()
    return
  }
}

#map = affine_map<(d0, d1) -> (0, 0)>
#map1 = affine_map<(d0, d1) -> (0, 0, 0)>
module attributes {stable_mosaic.version = 14 : i64} {
  func.func @kern(%arg0: i32, %arg1: i32, %arg2: memref<10000x32xf32, #tpu.memory_space<hbm>>, %arg3: memref<10000x16xf32, #tpu.memory_space<hbm>>, %arg4: memref<32x250x40xi32, #tpu.memory_space<hbm>>, %arg5: memref<32x250x40xi32, #tpu.memory_space<hbm>>, %arg6: memref<640x32xf32, #tpu.memory_space<hbm>>, %arg7: memref<2x10240x32xf32, #tpu.memory_space<hbm>>, %arg8: memref<320000x16xf32, #tpu.memory_space<hbm>>, %arg9: memref<250x40xi32, #tpu.memory_space<vmem>>, %arg10: memref<250x40xi32, #tpu.memory_space<vmem>>, %arg11: memref<40x32xf32, #tpu.memory_space<vmem>>, %arg12: memref<40x32xf32, #tpu.memory_space<vmem>>, %arg13: memref<40x16xf32, #tpu.memory_space<vmem>>, %arg14: memref<40x16xf32, #tpu.memory_space<vmem>>, %arg15: memref<40x32xf32, #tpu.memory_space<vmem>>, %arg16: memref<40x32xf32, #tpu.memory_space<vmem>>, %arg17: memref<40x16xf32, #tpu.memory_space<vmem>>, %arg18: memref<40x16xf32, #tpu.memory_space<vmem>>, %arg19: memref<10240x32xf32, #tpu.memory_space<vmem_shared>>, %arg20: memref<!tpu.dma_semaphore, #tpu.memory_space<semaphore_mem>>, %arg21: memref<!tpu.dma_semaphore, #tpu.memory_space<semaphore_mem>>, %arg22: memref<!tpu.dma_semaphore, #tpu.memory_space<semaphore_mem>>, %arg23: memref<!tpu.dma_semaphore, #tpu.memory_space<semaphore_mem>>, %arg24: memref<!tpu.dma_semaphore, #tpu.memory_space<semaphore_mem>>, %arg25: memref<!tpu.dma_semaphore, #tpu.memory_space<semaphore_mem>>) attributes {dimension_semantics = [#tpu.dimension_semantics<core_parallel>, #tpu.dimension_semantics<subcore_parallel>], iteration_bounds = array<i64: 2, 16>, scalar_prefetch = 0 : i64, scratch_operands = 17 : i64, tpu.core_type = #tpu.core_type<sc_vector_subcore>, window_params = [{transform_indices = #map}, {transform_indices = #map}, {transform_indices = #map1}, {transform_indices = #map1}, {transform_indices = #map}, {transform_indices = #map1}, {transform_indices = #map}]} {
    %mul3A = arith.constant 16 : i32
    %mul3A_0 = arith.muli %arg0, %mul3A : i32
    %add3A = arith.addi %mul3A_0, %arg1 : i32
    "tpu.region"() ({
      %run_scoped3A = tpu.sem_alloc : memref<!tpu.dma_semaphore, #tpu.memory_space<semaphore_mem>>
      %dma_start3A = arith.constant 0 : i32
      %dma_start3A_24 = arith.constant 0 : i32
      %dma_start3A_25 = tpu.memref_slice %arg4[%add3A, %dma_start3A, %dma_start3A_24] : memref<32x250x40xi32, #tpu.memory_space<hbm>> -> memref<1x250x40xi32, #tpu.memory_space<hbm>>
      %dma_start3A_26 = tpu.memref_squeeze %dma_start3A_25 : memref<1x250x40xi32, #tpu.memory_space<hbm>> -> memref<250x40xi32, #tpu.memory_space<hbm>>
      %dma_start3A_27 = arith.constant 0 : i32
      %dma_start3A_28 = arith.constant 0 : i32
      %dma_start3A_29 = tpu.memref_slice %arg4[%add3A, %dma_start3A_27, %dma_start3A_28] : memref<32x250x40xi32, #tpu.memory_space<hbm>> -> memref<1x250x40xi32, #tpu.memory_space<hbm>>
      %dma_start3A_30 = tpu.memref_squeeze %dma_start3A_29 : memref<1x250x40xi32, #tpu.memory_space<hbm>> -> memref<250x40xi32, #tpu.memory_space<hbm>>
      tpu.enqueue_dma source(%dma_start3A_30 : memref<250x40xi32, #tpu.memory_space<hbm>>) target(%arg9 : memref<250x40xi32, #tpu.memory_space<vmem>>) target_semaphore(%run_scoped3A : memref<!tpu.dma_semaphore, #tpu.memory_space<semaphore_mem>>)
      %dma_wait3A = arith.constant 0 : i32
      %dma_wait3A_31 = arith.constant 0 : i32
      %dma_wait3A_32 = tpu.memref_slice %arg4[%add3A, %dma_wait3A, %dma_wait3A_31] : memref<32x250x40xi32, #tpu.memory_space<hbm>> -> memref<1x250x40xi32, #tpu.memory_space<hbm>>
      %dma_wait3A_33 = tpu.memref_squeeze %dma_wait3A_32 : memref<1x250x40xi32, #tpu.memory_space<hbm>> -> memref<250x40xi32, #tpu.memory_space<hbm>>
      %dma_wait3A_34 = arith.constant 0 : i32
      %dma_wait3A_35 = arith.constant 0 : i32
      %dma_wait3A_36 = tpu.memref_slice %arg4[%add3A, %dma_wait3A_34, %dma_wait3A_35] : memref<32x250x40xi32, #tpu.memory_space<hbm>> -> memref<1x250x40xi32, #tpu.memory_space<hbm>>
      %dma_wait3A_37 = tpu.memref_squeeze %dma_wait3A_36 : memref<1x250x40xi32, #tpu.memory_space<hbm>> -> memref<250x40xi32, #tpu.memory_space<hbm>>
      tpu.wait_dma2 semaphore(%run_scoped3A : memref<!tpu.dma_semaphore, #tpu.memory_space<semaphore_mem>>) src(%dma_wait3A_37 : memref<250x40xi32, #tpu.memory_space<hbm>>) dst(%arg9 : memref<250x40xi32, #tpu.memory_space<vmem>>)
      tpu.yield
    }) : () -> ()
    "tpu.region"() ({
      %run_scoped3A = tpu.sem_alloc : memref<!tpu.dma_semaphore, #tpu.memory_space<semaphore_mem>>
      %dma_start3A = arith.constant 0 : i32
      %dma_start3A_24 = arith.constant 0 : i32
      %dma_start3A_25 = tpu.memref_slice %arg5[%add3A, %dma_start3A, %dma_start3A_24] : memref<32x250x40xi32, #tpu.memory_space<hbm>> -> memref<1x250x40xi32, #tpu.memory_space<hbm>>
      %dma_start3A_26 = tpu.memref_squeeze %dma_start3A_25 : memref<1x250x40xi32, #tpu.memory_space<hbm>> -> memref<250x40xi32, #tpu.memory_space<hbm>>
      %dma_start3A_27 = arith.constant 0 : i32
      %dma_start3A_28 = arith.constant 0 : i32
      %dma_start3A_29 = tpu.memref_slice %arg5[%add3A, %dma_start3A_27, %dma_start3A_28] : memref<32x250x40xi32, #tpu.memory_space<hbm>> -> memref<1x250x40xi32, #tpu.memory_space<hbm>>
      %dma_start3A_30 = tpu.memref_squeeze %dma_start3A_29 : memref<1x250x40xi32, #tpu.memory_space<hbm>> -> memref<250x40xi32, #tpu.memory_space<hbm>>
      tpu.enqueue_dma source(%dma_start3A_30 : memref<250x40xi32, #tpu.memory_space<hbm>>) target(%arg10 : memref<250x40xi32, #tpu.memory_space<vmem>>) target_semaphore(%run_scoped3A : memref<!tpu.dma_semaphore, #tpu.memory_space<semaphore_mem>>)
      %dma_wait3A = arith.constant 0 : i32
      %dma_wait3A_31 = arith.constant 0 : i32
      %dma_wait3A_32 = tpu.memref_slice %arg5[%add3A, %dma_wait3A, %dma_wait3A_31] : memref<32x250x40xi32, #tpu.memory_space<hbm>> -> memref<1x250x40xi32, #tpu.memory_space<hbm>>
      %dma_wait3A_33 = tpu.memref_squeeze %dma_wait3A_32 : memref<1x250x40xi32, #tpu.memory_space<hbm>> -> memref<250x40xi32, #tpu.memory_space<hbm>>
      %dma_wait3A_34 = arith.constant 0 : i32
      %dma_wait3A_35 = arith.constant 0 : i32
      %dma_wait3A_36 = tpu.memref_slice %arg5[%add3A, %dma_wait3A_34, %dma_wait3A_35] : memref<32x250x40xi32, #tpu.memory_space<hbm>> -> memref<1x250x40xi32, #tpu.memory_space<hbm>>
      %dma_wait3A_37 = tpu.memref_squeeze %dma_wait3A_36 : memref<1x250x40xi32, #tpu.memory_space<hbm>> -> memref<250x40xi32, #tpu.memory_space<hbm>>
      tpu.wait_dma2 semaphore(%run_scoped3A : memref<!tpu.dma_semaphore, #tpu.memory_space<semaphore_mem>>) src(%dma_wait3A_37 : memref<250x40xi32, #tpu.memory_space<hbm>>) dst(%arg10 : memref<250x40xi32, #tpu.memory_space<vmem>>)
      tpu.yield
    }) : () -> ()
    %mul3A_1 = arith.constant 640 : i32
    %mul3A_2 = arith.muli %arg1, %mul3A_1 : i32
    "tpu.region"() ({
      %run_scoped3A = tpu.sem_alloc : memref<!tpu.dma_semaphore, #tpu.memory_space<semaphore_mem>>
      %dma_start3A = arith.constant 0 : i32
      %dma_start3A_24 = tpu.memref_slice %arg19[%mul3A_2, %dma_start3A] : memref<10240x32xf32, #tpu.memory_space<vmem_shared>> -> memref<640x32xf32, #tpu.memory_space<vmem_shared>>
      tpu.enqueue_dma source(%arg6 : memref<640x32xf32, #tpu.memory_space<hbm>>) target(%dma_start3A_24 : memref<640x32xf32, #tpu.memory_space<vmem_shared>>) target_semaphore(%run_scoped3A : memref<!tpu.dma_semaphore, #tpu.memory_space<semaphore_mem>>)
      %dma_wait3A = arith.constant 0 : i32
      %dma_wait3A_25 = tpu.memref_slice %arg19[%mul3A_2, %dma_wait3A] : memref<10240x32xf32, #tpu.memory_space<vmem_shared>> -> memref<640x32xf32, #tpu.memory_space<vmem_shared>>
      tpu.wait_dma2 semaphore(%run_scoped3A : memref<!tpu.dma_semaphore, #tpu.memory_space<semaphore_mem>>) src(%arg6 : memref<640x32xf32, #tpu.memory_space<hbm>>) dst(%dma_wait3A_25 : memref<640x32xf32, #tpu.memory_space<vmem_shared>>)
      tpu.yield
    }) : () -> ()
    %iota3A = tpu.iota {dimensions = array<i32: 0>} : vector<16xi32>
    %lt3A = arith.constant 1 : i32
    %lt3A_3 = vector.broadcast %lt3A : i32 to vector<16xi32>
    %lt3A_4 = arith.cmpi slt, %iota3A, %lt3A_3 : vector<16xi32>
    %jit3A = arith.constant 1.000000e+00 : f32
    %jit3A_5 = arith.constant 0.000000e+00 : f32
    %broadcast_in_dim3A = vector.broadcast %jit3A : f32 to vector<16xf32>
    %broadcast_in_dim3A_6 = vector.broadcast %jit3A_5 : f32 to vector<16xf32>
    %select_n3A = arith.select %lt3A_4, %broadcast_in_dim3A, %broadcast_in_dim3A_6 : vector<16xi1>, vector<16xf32>
    %lt3A_7 = arith.constant 8 : i32
    %lt3A_8 = vector.broadcast %lt3A_7 : i32 to vector<16xi32>
    %lt3A_9 = arith.cmpi slt, %iota3A, %lt3A_8 : vector<16xi32>
    %scan3A = arith.constant 0 : i32
    %scan3A_10 = arith.constant 40 : i32
    %scan3A_11 = arith.addi %scan3A, %scan3A_10 : i32
    %scan3A_12 = arith.constant 1 : i32
    scf.for %scan3A_24 = %scan3A to %scan3A_11 step %scan3A_12  : i32 {
      %mul3A_25 = arith.constant 1 : i32
      %mul3A_26 = arith.muli %scan3A_24, %mul3A_25 : i32
      %add3A_27 = arith.constant 0 : i32
      %add3A_28 = arith.addi %add3A_27, %mul3A_26 : i32
      %swap3A = arith.index_cast %add3A_28 : i32 to index
      %swap3A_29 = arith.constant 16 : index
      %swap3A_30 = tpu.vector_load %arg15[%swap3A, %swap3A_29] {strides = array<i32>} : memref<40x32xf32, #tpu.memory_space<vmem>>, vector<1x16xf32>,
      %swap3A_31 = vector.shape_cast %swap3A_30 : vector<1x16xf32> to vector<16xf32>
      %swap3A_32 = vector.shape_cast %select_n3A : vector<16xf32> to vector<1x16xf32>
      tpu.vector_store %arg15[%swap3A, %swap3A_29], %swap3A_32 {strides = array<i32>} : memref<40x32xf32, #tpu.memory_space<vmem>>, vector<1x16xf32>,
      %swap3A_33 = arith.index_cast %add3A_28 : i32 to index
      %swap3A_34 = arith.constant 16 : index
      %swap3A_35 = tpu.vector_load %arg16[%swap3A_33, %swap3A_34] {strides = array<i32>} : memref<40x32xf32, #tpu.memory_space<vmem>>, vector<1x16xf32>,
      %swap3A_36 = vector.shape_cast %swap3A_35 : vector<1x16xf32> to vector<16xf32>
      %swap3A_37 = vector.shape_cast %select_n3A : vector<16xf32> to vector<1x16xf32>
      tpu.vector_store %arg16[%swap3A_33, %swap3A_34], %swap3A_37 {strides = array<i32>} : memref<40x32xf32, #tpu.memory_space<vmem>>, vector<1x16xf32>,
    }
    %scan3A_13 = arith.constant 40 : i32
    %barrier3A = arith.constant 0 : index
    tpu.barrier barrier_id(%barrier3A)
    %scan3A_14 = arith.constant 0 : i32
    %scan3A_15 = arith.constant 125 : i32
    %scan3A_16 = arith.addi %scan3A_14, %scan3A_15 : i32
    %scan3A_17 = arith.constant 1 : i32
    scf.for %scan3A_24 = %scan3A_14 to %scan3A_16 step %scan3A_17  : i32 {
      %mul3A_25 = arith.constant 2 : i32
      %mul3A_26 = arith.muli %scan3A_24, %mul3A_25 : i32
      %add3A_27 = arith.constant 0 : i32
      %add3A_28 = arith.addi %add3A_27, %mul3A_26 : i32
      %dma_start3A = arith.constant 0 : i32
      %dma_start3A_29 = tpu.memref_slice %arg9[%add3A_28, %dma_start3A] : memref<250x40xi32, #tpu.memory_space<vmem>> -> memref<1x40xi32, #tpu.memory_space<vmem>>
      %dma_start3A_30 = tpu.memref_squeeze %dma_start3A_29 : memref<1x40xi32, #tpu.memory_space<vmem>> -> memref<40xi32, #tpu.memory_space<vmem>>
      %dma_start3A_31 = arith.constant 0 : i32
      %dma_start3A_32 = arith.constant 0 : i32
      %dma_start3A_33 = tpu.memref_slice %arg2[%dma_start3A_31, %dma_start3A_32] : memref<10000x32xf32, #tpu.memory_space<hbm>> -> memref<10000x32xf32, #tpu.memory_space<hbm>>
      tpu.enqueue_indirect_dma source(%dma_start3A_33 : memref<10000x32xf32, #tpu.memory_space<hbm>>) target(%arg11 : memref<40x32xf32, #tpu.memory_space<vmem>>) offsets(%dma_start3A_30 : memref<40xi32, #tpu.memory_space<vmem>>) semaphore(%arg20 : memref<!tpu.dma_semaphore, #tpu.memory_space<semaphore_mem>>)
      %dma_start3A_34 = arith.constant 0 : i32
      %dma_start3A_35 = tpu.memref_slice %arg10[%add3A_28, %dma_start3A_34] : memref<250x40xi32, #tpu.memory_space<vmem>> -> memref<1x40xi32, #tpu.memory_space<vmem>>
      %dma_start3A_36 = tpu.memref_squeeze %dma_start3A_35 : memref<1x40xi32, #tpu.memory_space<vmem>> -> memref<40xi32, #tpu.memory_space<vmem>>
      %dma_start3A_37 = arith.constant 0 : i32
      %dma_start3A_38 = arith.constant 0 : i32
      %dma_start3A_39 = tpu.memref_slice %arg3[%dma_start3A_37, %dma_start3A_38] : memref<10000x16xf32, #tpu.memory_space<hbm>> -> memref<10000x16xf32, #tpu.memory_space<hbm>>
      tpu.enqueue_indirect_dma source(%dma_start3A_39 : memref<10000x16xf32, #tpu.memory_space<hbm>>) target(%arg13 : memref<40x16xf32, #tpu.memory_space<vmem>>) offsets(%dma_start3A_36 : memref<40xi32, #tpu.memory_space<vmem>>) semaphore(%arg20 : memref<!tpu.dma_semaphore, #tpu.memory_space<semaphore_mem>>)
      %add3A_40 = arith.constant 1 : i32
      %add3A_41 = arith.addi %add3A_28, %add3A_40 : i32
      %dma_start3A_42 = arith.constant 0 : i32
      %dma_start3A_43 = tpu.memref_slice %arg9[%add3A_41, %dma_start3A_42] : memref<250x40xi32, #tpu.memory_space<vmem>> -> memref<1x40xi32, #tpu.memory_space<vmem>>
      %dma_start3A_44 = tpu.memref_squeeze %dma_start3A_43 : memref<1x40xi32, #tpu.memory_space<vmem>> -> memref<40xi32, #tpu.memory_space<vmem>>
      %dma_start3A_45 = arith.constant 0 : i32
      %dma_start3A_46 = arith.constant 0 : i32
      %dma_start3A_47 = tpu.memref_slice %arg2[%dma_start3A_45, %dma_start3A_46] : memref<10000x32xf32, #tpu.memory_space<hbm>> -> memref<10000x32xf32, #tpu.memory_space<hbm>>
      tpu.enqueue_indirect_dma source(%dma_start3A_47 : memref<10000x32xf32, #tpu.memory_space<hbm>>) target(%arg12 : memref<40x32xf32, #tpu.memory_space<vmem>>) offsets(%dma_start3A_44 : memref<40xi32, #tpu.memory_space<vmem>>) semaphore(%arg21 : memref<!tpu.dma_semaphore, #tpu.memory_space<semaphore_mem>>)
      %dma_start3A_48 = arith.constant 0 : i32
      %dma_start3A_49 = tpu.memref_slice %arg10[%add3A_41, %dma_start3A_48] : memref<250x40xi32, #tpu.memory_space<vmem>> -> memref<1x40xi32, #tpu.memory_space<vmem>>
      %dma_start3A_50 = tpu.memref_squeeze %dma_start3A_49 : memref<1x40xi32, #tpu.memory_space<vmem>> -> memref<40xi32, #tpu.memory_space<vmem>>
      %dma_start3A_51 = arith.constant 0 : i32
      %dma_start3A_52 = arith.constant 0 : i32
      %dma_start3A_53 = tpu.memref_slice %arg3[%dma_start3A_51, %dma_start3A_52] : memref<10000x16xf32, #tpu.memory_space<hbm>> -> memref<10000x16xf32, #tpu.memory_space<hbm>>
      tpu.enqueue_indirect_dma source(%dma_start3A_53 : memref<10000x16xf32, #tpu.memory_space<hbm>>) target(%arg14 : memref<40x16xf32, #tpu.memory_space<vmem>>) offsets(%dma_start3A_50 : memref<40xi32, #tpu.memory_space<vmem>>) semaphore(%arg21 : memref<!tpu.dma_semaphore, #tpu.memory_space<semaphore_mem>>)
      %dma_wait3A = arith.constant 0 : i32
      %dma_wait3A_54 = tpu.memref_slice %arg9[%add3A_28, %dma_wait3A] : memref<250x40xi32, #tpu.memory_space<vmem>> -> memref<1x40xi32, #tpu.memory_space<vmem>>
      %dma_wait3A_55 = tpu.memref_squeeze %dma_wait3A_54 : memref<1x40xi32, #tpu.memory_space<vmem>> -> memref<40xi32, #tpu.memory_space<vmem>>
      %dma_wait3A_56 = arith.constant 0 : i32
      %dma_wait3A_57 = arith.constant 0 : i32
      %dma_wait3A_58 = tpu.memref_slice %arg2[%dma_wait3A_56, %dma_wait3A_57] : memref<10000x32xf32, #tpu.memory_space<hbm>> -> memref<10000x32xf32, #tpu.memory_space<hbm>>
      tpu.wait_indirect_dma semaphore(%arg20 : memref<!tpu.dma_semaphore, #tpu.memory_space<semaphore_mem>>) src(%dma_wait3A_58 : memref<10000x32xf32, #tpu.memory_space<hbm>>) dst(%arg11 : memref<40x32xf32, #tpu.memory_space<vmem>>)
      %dma_wait3A_59 = arith.constant 0 : i32
      %dma_wait3A_60 = tpu.memref_slice %arg10[%add3A_28, %dma_wait3A_59] : memref<250x40xi32, #tpu.memory_space<vmem>> -> memref<1x40xi32, #tpu.memory_space<vmem>>
      %dma_wait3A_61 = tpu.memref_squeeze %dma_wait3A_60 : memref<1x40xi32, #tpu.memory_space<vmem>> -> memref<40xi32, #tpu.memory_space<vmem>>
      %dma_wait3A_62 = arith.constant 0 : i32
      %dma_wait3A_63 = arith.constant 0 : i32
      %dma_wait3A_64 = tpu.memref_slice %arg3[%dma_wait3A_62, %dma_wait3A_63] : memref<10000x16xf32, #tpu.memory_space<hbm>> -> memref<10000x16xf32, #tpu.memory_space<hbm>>
      tpu.wait_indirect_dma semaphore(%arg20 : memref<!tpu.dma_semaphore, #tpu.memory_space<semaphore_mem>>) src(%dma_wait3A_64 : memref<10000x16xf32, #tpu.memory_space<hbm>>) dst(%arg13 : memref<40x16xf32, #tpu.memory_space<vmem>>)
      %scan3A_65 = arith.constant 0 : i32
      %scan3A_66 = arith.constant 5 : i32
      %scan3A_67 = arith.addi %scan3A_65, %scan3A_66 : i32
      %scan3A_68 = arith.constant 1 : i32
      scf.for %scan3A_141 = %scan3A_65 to %scan3A_67 step %scan3A_68  : i32 {
        %mul3A_142 = arith.constant 8 : i32
        %mul3A_143 = arith.muli %scan3A_141, %mul3A_142 : i32
        %add3A_144 = arith.constant 0 : i32
        %add3A_145 = arith.addi %add3A_144, %mul3A_143 : i32
        %add3A_146 = arith.constant 0 : i32
        %add3A_147 = arith.addi %add3A_145, %add3A_146 : i32
        %get3A = arith.index_cast %add3A_147 : i32 to index
        %get3A_148 = arith.constant 0 : index
        %get3A_149 = tpu.vector_load %arg11[%get3A, %get3A_148] {strides = array<i32>} : memref<40x32xf32, #tpu.memory_space<vmem>>, vector<1x16xf32>,
        %get3A_150 = vector.shape_cast %get3A_149 : vector<1x16xf32> to vector<16xf32>
        %get3A_151 = arith.index_cast %add3A_147 : i32 to index
        %get3A_152 = arith.constant 16 : index
        %get3A_153 = tpu.vector_load %arg11[%get3A_151, %get3A_152] {strides = array<i32>} : memref<40x32xf32, #tpu.memory_space<vmem>>, vector<1x16xf32>,
        %get3A_154 = vector.shape_cast %get3A_153 : vector<1x16xf32> to vector<16xf32>
        %get3A_155 = arith.index_cast %add3A_147 : i32 to index
        %get3A_156 = arith.constant 0 : index
        %get3A_157 = tpu.vector_load %arg13[%get3A_155, %get3A_156] {strides = array<i32>} : memref<40x16xf32, #tpu.memory_space<vmem>>, vector<1x16xf32>,
        %get3A_158 = vector.shape_cast %get3A_157 : vector<1x16xf32> to vector<16xf32>
        %add3A_159 = arith.addf %get3A_150, %get3A_158 : vector<16xf32>
        %add3A_160 = arith.constant 1 : i32
        %add3A_161 = arith.addi %add3A_145, %add3A_160 : i32
        %get3A_162 = arith.index_cast %add3A_161 : i32 to index
        %get3A_163 = arith.constant 0 : index
        %get3A_164 = tpu.vector_load %arg11[%get3A_162, %get3A_163] {strides = array<i32>} : memref<40x32xf32, #tpu.memory_space<vmem>>, vector<1x16xf32>,
        %get3A_165 = vector.shape_cast %get3A_164 : vector<1x16xf32> to vector<16xf32>
        %get3A_166 = arith.index_cast %add3A_161 : i32 to index
        %get3A_167 = arith.constant 16 : index
        %get3A_168 = tpu.vector_load %arg11[%get3A_166, %get3A_167] {strides = array<i32>} : memref<40x32xf32, #tpu.memory_space<vmem>>, vector<1x16xf32>,
        %get3A_169 = vector.shape_cast %get3A_168 : vector<1x16xf32> to vector<16xf32>
        %get3A_170 = arith.index_cast %add3A_161 : i32 to index
        %get3A_171 = arith.constant 0 : index
        %get3A_172 = tpu.vector_load %arg13[%get3A_170, %get3A_171] {strides = array<i32>} : memref<40x16xf32, #tpu.memory_space<vmem>>, vector<1x16xf32>,
        %get3A_173 = vector.shape_cast %get3A_172 : vector<1x16xf32> to vector<16xf32>
        %add3A_174 = arith.addf %get3A_165, %get3A_173 : vector<16xf32>
        %add3A_175 = arith.constant 2 : i32
        %add3A_176 = arith.addi %add3A_145, %add3A_175 : i32
        %get3A_177 = arith.index_cast %add3A_176 : i32 to index
        %get3A_178 = arith.constant 0 : index
        %get3A_179 = tpu.vector_load %arg11[%get3A_177, %get3A_178] {strides = array<i32>} : memref<40x32xf32, #tpu.memory_space<vmem>>, vector<1x16xf32>,
        %get3A_180 = vector.shape_cast %get3A_179 : vector<1x16xf32> to vector<16xf32>
        %get3A_181 = arith.index_cast %add3A_176 : i32 to index
        %get3A_182 = arith.constant 16 : index
        %get3A_183 = tpu.vector_load %arg11[%get3A_181, %get3A_182] {strides = array<i32>} : memref<40x32xf32, #tpu.memory_space<vmem>>, vector<1x16xf32>,
        %get3A_184 = vector.shape_cast %get3A_183 : vector<1x16xf32> to vector<16xf32>
        %get3A_185 = arith.index_cast %add3A_176 : i32 to index
        %get3A_186 = arith.constant 0 : index
        %get3A_187 = tpu.vector_load %arg13[%get3A_185, %get3A_186] {strides = array<i32>} : memref<40x16xf32, #tpu.memory_space<vmem>>, vector<1x16xf32>,
        %get3A_188 = vector.shape_cast %get3A_187 : vector<1x16xf32> to vector<16xf32>
        %add3A_189 = arith.addf %get3A_180, %get3A_188 : vector<16xf32>
        %add3A_190 = arith.constant 3 : i32
        %add3A_191 = arith.addi %add3A_145, %add3A_190 : i32
        %get3A_192 = arith.index_cast %add3A_191 : i32 to index
        %get3A_193 = arith.constant 0 : index
        %get3A_194 = tpu.vector_load %arg11[%get3A_192, %get3A_193] {strides = array<i32>} : memref<40x32xf32, #tpu.memory_space<vmem>>, vector<1x16xf32>,
        %get3A_195 = vector.shape_cast %get3A_194 : vector<1x16xf32> to vector<16xf32>
        %get3A_196 = arith.index_cast %add3A_191 : i32 to index
        %get3A_197 = arith.constant 16 : index
        %get3A_198 = tpu.vector_load %arg11[%get3A_196, %get3A_197] {strides = array<i32>} : memref<40x32xf32, #tpu.memory_space<vmem>>, vector<1x16xf32>,
        %get3A_199 = vector.shape_cast %get3A_198 : vector<1x16xf32> to vector<16xf32>
        %get3A_200 = arith.index_cast %add3A_191 : i32 to index
        %get3A_201 = arith.constant 0 : index
        %get3A_202 = tpu.vector_load %arg13[%get3A_200, %get3A_201] {strides = array<i32>} : memref<40x16xf32, #tpu.memory_space<vmem>>, vector<1x16xf32>,
        %get3A_203 = vector.shape_cast %get3A_202 : vector<1x16xf32> to vector<16xf32>
        %add3A_204 = arith.addf %get3A_195, %get3A_203 : vector<16xf32>
        %add3A_205 = arith.constant 4 : i32
        %add3A_206 = arith.addi %add3A_145, %add3A_205 : i32
        %get3A_207 = arith.index_cast %add3A_206 : i32 to index
        %get3A_208 = arith.constant 0 : index
        %get3A_209 = tpu.vector_load %arg11[%get3A_207, %get3A_208] {strides = array<i32>} : memref<40x32xf32, #tpu.memory_space<vmem>>, vector<1x16xf32>,
        %get3A_210 = vector.shape_cast %get3A_209 : vector<1x16xf32> to vector<16xf32>
        %get3A_211 = arith.index_cast %add3A_206 : i32 to index
        %get3A_212 = arith.constant 16 : index
        %get3A_213 = tpu.vector_load %arg11[%get3A_211, %get3A_212] {strides = array<i32>} : memref<40x32xf32, #tpu.memory_space<vmem>>, vector<1x16xf32>,
        %get3A_214 = vector.shape_cast %get3A_213 : vector<1x16xf32> to vector<16xf32>
        %get3A_215 = arith.index_cast %add3A_206 : i32 to index
        %get3A_216 = arith.constant 0 : index
        %get3A_217 = tpu.vector_load %arg13[%get3A_215, %get3A_216] {strides = array<i32>} : memref<40x16xf32, #tpu.memory_space<vmem>>, vector<1x16xf32>,
        %get3A_218 = vector.shape_cast %get3A_217 : vector<1x16xf32> to vector<16xf32>
        %add3A_219 = arith.addf %get3A_210, %get3A_218 : vector<16xf32>
        %add3A_220 = arith.constant 5 : i32
        %add3A_221 = arith.addi %add3A_145, %add3A_220 : i32
        %get3A_222 = arith.index_cast %add3A_221 : i32 to index
        %get3A_223 = arith.constant 0 : index
        %get3A_224 = tpu.vector_load %arg11[%get3A_222, %get3A_223] {strides = array<i32>} : memref<40x32xf32, #tpu.memory_space<vmem>>, vector<1x16xf32>,
        %get3A_225 = vector.shape_cast %get3A_224 : vector<1x16xf32> to vector<16xf32>
        %get3A_226 = arith.index_cast %add3A_221 : i32 to index
        %get3A_227 = arith.constant 16 : index
        %get3A_228 = tpu.vector_load %arg11[%get3A_226, %get3A_227] {strides = array<i32>} : memref<40x32xf32, #tpu.memory_space<vmem>>, vector<1x16xf32>,
        %get3A_229 = vector.shape_cast %get3A_228 : vector<1x16xf32> to vector<16xf32>
        %get3A_230 = arith.index_cast %add3A_221 : i32 to index
        %get3A_231 = arith.constant 0 : index
        %get3A_232 = tpu.vector_load %arg13[%get3A_230, %get3A_231] {strides = array<i32>} : memref<40x16xf32, #tpu.memory_space<vmem>>, vector<1x16xf32>,
        %get3A_233 = vector.shape_cast %get3A_232 : vector<1x16xf32> to vector<16xf32>
        %add3A_234 = arith.addf %get3A_225, %get3A_233 : vector<16xf32>
        %add3A_235 = arith.constant 6 : i32
        %add3A_236 = arith.addi %add3A_145, %add3A_235 : i32
        %get3A_237 = arith.index_cast %add3A_236 : i32 to index
        %get3A_238 = arith.constant 0 : index
        %get3A_239 = tpu.vector_load %arg11[%get3A_237, %get3A_238] {strides = array<i32>} : memref<40x32xf32, #tpu.memory_space<vmem>>, vector<1x16xf32>,
        %get3A_240 = vector.shape_cast %get3A_239 : vector<1x16xf32> to vector<16xf32>
        %get3A_241 = arith.index_cast %add3A_236 : i32 to index
        %get3A_242 = arith.constant 16 : index
        %get3A_243 = tpu.vector_load %arg11[%get3A_241, %get3A_242] {strides = array<i32>} : memref<40x32xf32, #tpu.memory_space<vmem>>, vector<1x16xf32>,
        %get3A_244 = vector.shape_cast %get3A_243 : vector<1x16xf32> to vector<16xf32>
        %get3A_245 = arith.index_cast %add3A_236 : i32 to index
        %get3A_246 = arith.constant 0 : index
        %get3A_247 = tpu.vector_load %arg13[%get3A_245, %get3A_246] {strides = array<i32>} : memref<40x16xf32, #tpu.memory_space<vmem>>, vector<1x16xf32>,
        %get3A_248 = vector.shape_cast %get3A_247 : vector<1x16xf32> to vector<16xf32>
        %add3A_249 = arith.addf %get3A_240, %get3A_248 : vector<16xf32>
        %add3A_250 = arith.constant 7 : i32
        %add3A_251 = arith.addi %add3A_145, %add3A_250 : i32
        %get3A_252 = arith.index_cast %add3A_251 : i32 to index
        %get3A_253 = arith.constant 0 : index
        %get3A_254 = tpu.vector_load %arg11[%get3A_252, %get3A_253] {strides = array<i32>} : memref<40x32xf32, #tpu.memory_space<vmem>>, vector<1x16xf32>,
        %get3A_255 = vector.shape_cast %get3A_254 : vector<1x16xf32> to vector<16xf32>
        %get3A_256 = arith.index_cast %add3A_251 : i32 to index
        %get3A_257 = arith.constant 16 : index
        %get3A_258 = tpu.vector_load %arg11[%get3A_256, %get3A_257] {strides = array<i32>} : memref<40x32xf32, #tpu.memory_space<vmem>>, vector<1x16xf32>,
        %get3A_259 = vector.shape_cast %get3A_258 : vector<1x16xf32> to vector<16xf32>
        %get3A_260 = arith.index_cast %add3A_251 : i32 to index
        %get3A_261 = arith.constant 0 : index
        %get3A_262 = tpu.vector_load %arg13[%get3A_260, %get3A_261] {strides = array<i32>} : memref<40x16xf32, #tpu.memory_space<vmem>>, vector<1x16xf32>,
        %get3A_263 = vector.shape_cast %get3A_262 : vector<1x16xf32> to vector<16xf32>
        %add3A_264 = arith.addf %get3A_255, %get3A_263 : vector<16xf32>
        %add3A_265 = arith.constant 0 : i32
        %add3A_266 = arith.addi %add3A_145, %add3A_265 : i32
        %mul3A_267 = arith.constant 2.000000e-01 : f32
        %mul3A_268 = vector.broadcast %mul3A_267 : f32 to vector<16xf32>
        %mul3A_269 = arith.mulf %mul3A_268, %add3A_159 : vector<16xf32>
        %max3A = arith.maximumf %add3A_159, %mul3A_269 : vector<16xf32>
        %exp3A = math.exp %max3A : vector<16xf32>
        %select_n3A_270 = arith.select %lt3A_9, %exp3A, %get3A_154 : vector<16xi1>, vector<16xf32>
        %swap3A = arith.index_cast %add3A_266 : i32 to index
        %swap3A_271 = arith.constant 0 : index
        %swap3A_272 = tpu.vector_load %arg15[%swap3A, %swap3A_271] {strides = array<i32>} : memref<40x32xf32, #tpu.memory_space<vmem>>, vector<1x16xf32>,
        %swap3A_273 = vector.shape_cast %swap3A_272 : vector<1x16xf32> to vector<16xf32>
        %swap3A_274 = vector.shape_cast %select_n3A_270 : vector<16xf32> to vector<1x16xf32>
        tpu.vector_store %arg15[%swap3A, %swap3A_271], %swap3A_274 {strides = array<i32>} : memref<40x32xf32, #tpu.memory_space<vmem>>, vector<1x16xf32>,
        %swap3A_275 = arith.index_cast %add3A_266 : i32 to index
        %swap3A_276 = arith.constant 0 : index
        %swap3A_277 = tpu.vector_load %arg17[%swap3A_275, %swap3A_276] {strides = array<i32>} : memref<40x16xf32, #tpu.memory_space<vmem>>, vector<1x16xf32>,
        %swap3A_278 = vector.shape_cast %swap3A_277 : vector<1x16xf32> to vector<16xf32>
        %swap3A_279 = vector.shape_cast %exp3A : vector<16xf32> to vector<1x16xf32>
        tpu.vector_store %arg17[%swap3A_275, %swap3A_276], %swap3A_279 {strides = array<i32>} : memref<40x16xf32, #tpu.memory_space<vmem>>, vector<1x16xf32>,
        %add3A_280 = arith.constant 1 : i32
        %add3A_281 = arith.addi %add3A_145, %add3A_280 : i32
        %mul3A_282 = arith.constant 2.000000e-01 : f32
        %mul3A_283 = vector.broadcast %mul3A_282 : f32 to vector<16xf32>
        %mul3A_284 = arith.mulf %mul3A_283, %add3A_174 : vector<16xf32>
        %max3A_285 = arith.maximumf %add3A_174, %mul3A_284 : vector<16xf32>
        %exp3A_286 = math.exp %max3A_285 : vector<16xf32>
        %select_n3A_287 = arith.select %lt3A_9, %exp3A_286, %get3A_169 : vector<16xi1>, vector<16xf32>
        %swap3A_288 = arith.index_cast %add3A_281 : i32 to index
        %swap3A_289 = arith.constant 0 : index
        %swap3A_290 = tpu.vector_load %arg15[%swap3A_288, %swap3A_289] {strides = array<i32>} : memref<40x32xf32, #tpu.memory_space<vmem>>, vector<1x16xf32>,
        %swap3A_291 = vector.shape_cast %swap3A_290 : vector<1x16xf32> to vector<16xf32>
        %swap3A_292 = vector.shape_cast %select_n3A_287 : vector<16xf32> to vector<1x16xf32>
        tpu.vector_store %arg15[%swap3A_288, %swap3A_289], %swap3A_292 {strides = array<i32>} : memref<40x32xf32, #tpu.memory_space<vmem>>, vector<1x16xf32>,
        %swap3A_293 = arith.index_cast %add3A_281 : i32 to index
        %swap3A_294 = arith.constant 0 : index
        %swap3A_295 = tpu.vector_load %arg17[%swap3A_293, %swap3A_294] {strides = array<i32>} : memref<40x16xf32, #tpu.memory_space<vmem>>, vector<1x16xf32>,
        %swap3A_296 = vector.shape_cast %swap3A_295 : vector<1x16xf32> to vector<16xf32>
        %swap3A_297 = vector.shape_cast %exp3A_286 : vector<16xf32> to vector<1x16xf32>
        tpu.vector_store %arg17[%swap3A_293, %swap3A_294], %swap3A_297 {strides = array<i32>} : memref<40x16xf32, #tpu.memory_space<vmem>>, vector<1x16xf32>,
        %add3A_298 = arith.constant 2 : i32
        %add3A_299 = arith.addi %add3A_145, %add3A_298 : i32
        %mul3A_300 = arith.constant 2.000000e-01 : f32
        %mul3A_301 = vector.broadcast %mul3A_300 : f32 to vector<16xf32>
        %mul3A_302 = arith.mulf %mul3A_301, %add3A_189 : vector<16xf32>
        %max3A_303 = arith.maximumf %add3A_189, %mul3A_302 : vector<16xf32>
        %exp3A_304 = math.exp %max3A_303 : vector<16xf32>
        %select_n3A_305 = arith.select %lt3A_9, %exp3A_304, %get3A_184 : vector<16xi1>, vector<16xf32>
        %swap3A_306 = arith.index_cast %add3A_299 : i32 to index
        %swap3A_307 = arith.constant 0 : index
        %swap3A_308 = tpu.vector_load %arg15[%swap3A_306, %swap3A_307] {strides = array<i32>} : memref<40x32xf32, #tpu.memory_space<vmem>>, vector<1x16xf32>,
        %swap3A_309 = vector.shape_cast %swap3A_308 : vector<1x16xf32> to vector<16xf32>
        %swap3A_310 = vector.shape_cast %select_n3A_305 : vector<16xf32> to vector<1x16xf32>
        tpu.vector_store %arg15[%swap3A_306, %swap3A_307], %swap3A_310 {strides = array<i32>} : memref<40x32xf32, #tpu.memory_space<vmem>>, vector<1x16xf32>,
        %swap3A_311 = arith.index_cast %add3A_299 : i32 to index
        %swap3A_312 = arith.constant 0 : index
        %swap3A_313 = tpu.vector_load %arg17[%swap3A_311, %swap3A_312] {strides = array<i32>} : memref<40x16xf32, #tpu.memory_space<vmem>>, vector<1x16xf32>,
        %swap3A_314 = vector.shape_cast %swap3A_313 : vector<1x16xf32> to vector<16xf32>
        %swap3A_315 = vector.shape_cast %exp3A_304 : vector<16xf32> to vector<1x16xf32>
        tpu.vector_store %arg17[%swap3A_311, %swap3A_312], %swap3A_315 {strides = array<i32>} : memref<40x16xf32, #tpu.memory_space<vmem>>, vector<1x16xf32>,
        %add3A_316 = arith.constant 3 : i32
        %add3A_317 = arith.addi %add3A_145, %add3A_316 : i32
        %mul3A_318 = arith.constant 2.000000e-01 : f32
        %mul3A_319 = vector.broadcast %mul3A_318 : f32 to vector<16xf32>
        %mul3A_320 = arith.mulf %mul3A_319, %add3A_204 : vector<16xf32>
        %max3A_321 = arith.maximumf %add3A_204, %mul3A_320 : vector<16xf32>
        %exp3A_322 = math.exp %max3A_321 : vector<16xf32>
        %select_n3A_323 = arith.select %lt3A_9, %exp3A_322, %get3A_199 : vector<16xi1>, vector<16xf32>
        %swap3A_324 = arith.index_cast %add3A_317 : i32 to index
        %swap3A_325 = arith.constant 0 : index
        %swap3A_326 = tpu.vector_load %arg15[%swap3A_324, %swap3A_325] {strides = array<i32>} : memref<40x32xf32, #tpu.memory_space<vmem>>, vector<1x16xf32>,
        %swap3A_327 = vector.shape_cast %swap3A_326 : vector<1x16xf32> to vector<16xf32>
        %swap3A_328 = vector.shape_cast %select_n3A_323 : vector<16xf32> to vector<1x16xf32>
        tpu.vector_store %arg15[%swap3A_324, %swap3A_325], %swap3A_328 {strides = array<i32>} : memref<40x32xf32, #tpu.memory_space<vmem>>, vector<1x16xf32>,
        %swap3A_329 = arith.index_cast %add3A_317 : i32 to index
        %swap3A_330 = arith.constant 0 : index
        %swap3A_331 = tpu.vector_load %arg17[%swap3A_329, %swap3A_330] {strides = array<i32>} : memref<40x16xf32, #tpu.memory_space<vmem>>, vector<1x16xf32>,
        %swap3A_332 = vector.shape_cast %swap3A_331 : vector<1x16xf32> to vector<16xf32>
        %swap3A_333 = vector.shape_cast %exp3A_322 : vector<16xf32> to vector<1x16xf32>
        tpu.vector_store %arg17[%swap3A_329, %swap3A_330], %swap3A_333 {strides = array<i32>} : memref<40x16xf32, #tpu.memory_space<vmem>>, vector<1x16xf32>,
        %add3A_334 = arith.constant 4 : i32
        %add3A_335 = arith.addi %add3A_145, %add3A_334 : i32
        %mul3A_336 = arith.constant 2.000000e-01 : f32
        %mul3A_337 = vector.broadcast %mul3A_336 : f32 to vector<16xf32>
        %mul3A_338 = arith.mulf %mul3A_337, %add3A_219 : vector<16xf32>
        %max3A_339 = arith.maximumf %add3A_219, %mul3A_338 : vector<16xf32>
        %exp3A_340 = math.exp %max3A_339 : vector<16xf32>
        %select_n3A_341 = arith.select %lt3A_9, %exp3A_340, %get3A_214 : vector<16xi1>, vector<16xf32>
        %swap3A_342 = arith.index_cast %add3A_335 : i32 to index
        %swap3A_343 = arith.constant 0 : index
        %swap3A_344 = tpu.vector_load %arg15[%swap3A_342, %swap3A_343] {strides = array<i32>} : memref<40x32xf32, #tpu.memory_space<vmem>>, vector<1x16xf32>,
        %swap3A_345 = vector.shape_cast %swap3A_344 : vector<1x16xf32> to vector<16xf32>
        %swap3A_346 = vector.shape_cast %select_n3A_341 : vector<16xf32> to vector<1x16xf32>
        tpu.vector_store %arg15[%swap3A_342, %swap3A_343], %swap3A_346 {strides = array<i32>} : memref<40x32xf32, #tpu.memory_space<vmem>>, vector<1x16xf32>,
        %swap3A_347 = arith.index_cast %add3A_335 : i32 to index
        %swap3A_348 = arith.constant 0 : index
        %swap3A_349 = tpu.vector_load %arg17[%swap3A_347, %swap3A_348] {strides = array<i32>} : memref<40x16xf32, #tpu.memory_space<vmem>>, vector<1x16xf32>,
        %swap3A_350 = vector.shape_cast %swap3A_349 : vector<1x16xf32> to vector<16xf32>
        %swap3A_351 = vector.shape_cast %exp3A_340 : vector<16xf32> to vector<1x16xf32>
        tpu.vector_store %arg17[%swap3A_347, %swap3A_348], %swap3A_351 {strides = array<i32>} : memref<40x16xf32, #tpu.memory_space<vmem>>, vector<1x16xf32>,
        %add3A_352 = arith.constant 5 : i32
        %add3A_353 = arith.addi %add3A_145, %add3A_352 : i32
        %mul3A_354 = arith.constant 2.000000e-01 : f32
        %mul3A_355 = vector.broadcast %mul3A_354 : f32 to vector<16xf32>
        %mul3A_356 = arith.mulf %mul3A_355, %add3A_234 : vector<16xf32>
        %max3A_357 = arith.maximumf %add3A_234, %mul3A_356 : vector<16xf32>
        %exp3A_358 = math.exp %max3A_357 : vector<16xf32>
        %select_n3A_359 = arith.select %lt3A_9, %exp3A_358, %get3A_229 : vector<16xi1>, vector<16xf32>
        %swap3A_360 = arith.index_cast %add3A_353 : i32 to index
        %swap3A_361 = arith.constant 0 : index
        %swap3A_362 = tpu.vector_load %arg15[%swap3A_360, %swap3A_361] {strides = array<i32>} : memref<40x32xf32, #tpu.memory_space<vmem>>, vector<1x16xf32>,
        %swap3A_363 = vector.shape_cast %swap3A_362 : vector<1x16xf32> to vector<16xf32>
        %swap3A_364 = vector.shape_cast %select_n3A_359 : vector<16xf32> to vector<1x16xf32>
        tpu.vector_store %arg15[%swap3A_360, %swap3A_361], %swap3A_364 {strides = array<i32>} : memref<40x32xf32, #tpu.memory_space<vmem>>, vector<1x16xf32>,
        %swap3A_365 = arith.index_cast %add3A_353 : i32 to index
        %swap3A_366 = arith.constant 0 : index
        %swap3A_367 = tpu.vector_load %arg17[%swap3A_365, %swap3A_366] {strides = array<i32>} : memref<40x16xf32, #tpu.memory_space<vmem>>, vector<1x16xf32>,
        %swap3A_368 = vector.shape_cast %swap3A_367 : vector<1x16xf32> to vector<16xf32>
        %swap3A_369 = vector.shape_cast %exp3A_358 : vector<16xf32> to vector<1x16xf32>
        tpu.vector_store %arg17[%swap3A_365, %swap3A_366], %swap3A_369 {strides = array<i32>} : memref<40x16xf32, #tpu.memory_space<vmem>>, vector<1x16xf32>,
        %add3A_370 = arith.constant 6 : i32
        %add3A_371 = arith.addi %add3A_145, %add3A_370 : i32
        %mul3A_372 = arith.constant 2.000000e-01 : f32
        %mul3A_373 = vector.broadcast %mul3A_372 : f32 to vector<16xf32>
        %mul3A_374 = arith.mulf %mul3A_373, %add3A_249 : vector<16xf32>
        %max3A_375 = arith.maximumf %add3A_249, %mul3A_374 : vector<16xf32>
        %exp3A_376 = math.exp %max3A_375 : vector<16xf32>
        %select_n3A_377 = arith.select %lt3A_9, %exp3A_376, %get3A_244 : vector<16xi1>, vector<16xf32>
        %swap3A_378 = arith.index_cast %add3A_371 : i32 to index
        %swap3A_379 = arith.constant 0 : index
        %swap3A_380 = tpu.vector_load %arg15[%swap3A_378, %swap3A_379] {strides = array<i32>} : memref<40x32xf32, #tpu.memory_space<vmem>>, vector<1x16xf32>,
        %swap3A_381 = vector.shape_cast %swap3A_380 : vector<1x16xf32> to vector<16xf32>
        %swap3A_382 = vector.shape_cast %select_n3A_377 : vector<16xf32> to vector<1x16xf32>
        tpu.vector_store %arg15[%swap3A_378, %swap3A_379], %swap3A_382 {strides = array<i32>} : memref<40x32xf32, #tpu.memory_space<vmem>>, vector<1x16xf32>,
        %swap3A_383 = arith.index_cast %add3A_371 : i32 to index
        %swap3A_384 = arith.constant 0 : index
        %swap3A_385 = tpu.vector_load %arg17[%swap3A_383, %swap3A_384] {strides = array<i32>} : memref<40x16xf32, #tpu.memory_space<vmem>>, vector<1x16xf32>,
        %swap3A_386 = vector.shape_cast %swap3A_385 : vector<1x16xf32> to vector<16xf32>
        %swap3A_387 = vector.shape_cast %exp3A_376 : vector<16xf32> to vector<1x16xf32>
        tpu.vector_store %arg17[%swap3A_383, %swap3A_384], %swap3A_387 {strides = array<i32>} : memref<40x16xf32, #tpu.memory_space<vmem>>, vector<1x16xf32>,
        %add3A_388 = arith.constant 7 : i32
        %add3A_389 = arith.addi %add3A_145, %add3A_388 : i32
        %mul3A_390 = arith.constant 2.000000e-01 : f32
        %mul3A_391 = vector.broadcast %mul3A_390 : f32 to vector<16xf32>
        %mul3A_392 = arith.mulf %mul3A_391, %add3A_264 : vector<16xf32>
        %max3A_393 = arith.maximumf %add3A_264, %mul3A_392 : vector<16xf32>
        %exp3A_394 = math.exp %max3A_393 : vector<16xf32>
        %select_n3A_395 = arith.select %lt3A_9, %exp3A_394, %get3A_259 : vector<16xi1>, vector<16xf32>
        %swap3A_396 = arith.index_cast %add3A_389 : i32 to index
        %swap3A_397 = arith.constant 0 : index
        %swap3A_398 = tpu.vector_load %arg15[%swap3A_396, %swap3A_397] {strides = array<i32>} : memref<40x32xf32, #tpu.memory_space<vmem>>, vector<1x16xf32>,
        %swap3A_399 = vector.shape_cast %swap3A_398 : vector<1x16xf32> to vector<16xf32>
        %swap3A_400 = vector.shape_cast %select_n3A_395 : vector<16xf32> to vector<1x16xf32>
        tpu.vector_store %arg15[%swap3A_396, %swap3A_397], %swap3A_400 {strides = array<i32>} : memref<40x32xf32, #tpu.memory_space<vmem>>, vector<1x16xf32>,
        %swap3A_401 = arith.index_cast %add3A_389 : i32 to index
        %swap3A_402 = arith.constant 0 : index
        %swap3A_403 = tpu.vector_load %arg17[%swap3A_401, %swap3A_402] {strides = array<i32>} : memref<40x16xf32, #tpu.memory_space<vmem>>, vector<1x16xf32>,
        %swap3A_404 = vector.shape_cast %swap3A_403 : vector<1x16xf32> to vector<16xf32>
        %swap3A_405 = vector.shape_cast %exp3A_394 : vector<16xf32> to vector<1x16xf32>
        tpu.vector_store %arg17[%swap3A_401, %swap3A_402], %swap3A_405 {strides = array<i32>} : memref<40x16xf32, #tpu.memory_space<vmem>>, vector<1x16xf32>,
      }
      %scan3A_69 = arith.constant 5 : i32
      %add3A_70 = arith.constant 0 : i32
      %add3A_71 = arith.addi %add3A_28, %add3A_70 : i32
      %mul3A_72 = arith.constant 250 : i32
      %mul3A_73 = arith.muli %add3A, %mul3A_72 : i32
      %add3A_74 = arith.addi %mul3A_73, %add3A_71 : i32
      %dma_start3A_75 = arith.constant 0 : i32
      %dma_start3A_76 = tpu.memref_slice %arg10[%add3A_71, %dma_start3A_75] : memref<250x40xi32, #tpu.memory_space<vmem>> -> memref<1x40xi32, #tpu.memory_space<vmem>>
      %dma_start3A_77 = tpu.memref_squeeze %dma_start3A_76 : memref<1x40xi32, #tpu.memory_space<vmem>> -> memref<40xi32, #tpu.memory_space<vmem>>
      %dma_start3A_78 = arith.constant 0 : i32
      %dma_start3A_79 = arith.constant 0 : i32
      %dma_start3A_80 = tpu.memref_slice %arg19[%dma_start3A_78, %dma_start3A_79] : memref<10240x32xf32, #tpu.memory_space<vmem_shared>> -> memref<10240x32xf32, #tpu.memory_space<vmem_shared>>
      tpu.enqueue_indirect_dma source(%arg15 : memref<40x32xf32, #tpu.memory_space<vmem>>) target(%dma_start3A_80 : memref<10240x32xf32, #tpu.memory_space<vmem_shared>>) offsets(%dma_start3A_77 : memref<40xi32, #tpu.memory_space<vmem>>) semaphore(%arg22 : memref<!tpu.dma_semaphore, #tpu.memory_space<semaphore_mem>>) {add = true}
      %mul3A_81 = arith.constant 40 : i32
      %mul3A_82 = arith.muli %add3A_74, %mul3A_81 : i32
      %dma_start3A_83 = arith.constant 0 : i32
      %dma_start3A_84 = tpu.memref_slice %arg8[%mul3A_82, %dma_start3A_83] : memref<320000x16xf32, #tpu.memory_space<hbm>> -> memref<40x16xf32, #tpu.memory_space<hbm>>
      %dma_start3A_85 = arith.constant 0 : i32
      %dma_start3A_86 = tpu.memref_slice %arg8[%mul3A_82, %dma_start3A_85] : memref<320000x16xf32, #tpu.memory_space<hbm>> -> memref<40x16xf32, #tpu.memory_space<hbm>>
      tpu.enqueue_dma source(%arg17 : memref<40x16xf32, #tpu.memory_space<vmem>>) target(%dma_start3A_86 : memref<40x16xf32, #tpu.memory_space<hbm>>) target_semaphore(%arg24 : memref<!tpu.dma_semaphore, #tpu.memory_space<semaphore_mem>>)
      %dma_wait3A_87 = arith.constant 0 : i32
      %dma_wait3A_88 = tpu.memref_slice %arg9[%add3A_41, %dma_wait3A_87] : memref<250x40xi32, #tpu.memory_space<vmem>> -> memref<1x40xi32, #tpu.memory_space<vmem>>
      %dma_wait3A_89 = tpu.memref_squeeze %dma_wait3A_88 : memref<1x40xi32, #tpu.memory_space<vmem>> -> memref<40xi32, #tpu.memory_space<vmem>>
      %dma_wait3A_90 = arith.constant 0 : i32
      %dma_wait3A_91 = arith.constant 0 : i32
      %dma_wait3A_92 = tpu.memref_slice %arg2[%dma_wait3A_90, %dma_wait3A_91] : memref<10000x32xf32, #tpu.memory_space<hbm>> -> memref<10000x32xf32, #tpu.memory_space<hbm>>
      tpu.wait_indirect_dma semaphore(%arg21 : memref<!tpu.dma_semaphore, #tpu.memory_space<semaphore_mem>>) src(%dma_wait3A_92 : memref<10000x32xf32, #tpu.memory_space<hbm>>) dst(%arg12 : memref<40x32xf32, #tpu.memory_space<vmem>>)
      %dma_wait3A_93 = arith.constant 0 : i32
      %dma_wait3A_94 = tpu.memref_slice %arg10[%add3A_41, %dma_wait3A_93] : memref<250x40xi32, #tpu.memory_space<vmem>> -> memref<1x40xi32, #tpu.memory_space<vmem>>
      %dma_wait3A_95 = tpu.memref_squeeze %dma_wait3A_94 : memref<1x40xi32, #tpu.memory_space<vmem>> -> memref<40xi32, #tpu.memory_space<vmem>>
      %dma_wait3A_96 = arith.constant 0 : i32
      %dma_wait3A_97 = arith.constant 0 : i32
      %dma_wait3A_98 = tpu.memref_slice %arg3[%dma_wait3A_96, %dma_wait3A_97] : memref<10000x16xf32, #tpu.memory_space<hbm>> -> memref<10000x16xf32, #tpu.memory_space<hbm>>
      tpu.wait_indirect_dma semaphore(%arg21 : memref<!tpu.dma_semaphore, #tpu.memory_space<semaphore_mem>>) src(%dma_wait3A_98 : memref<10000x16xf32, #tpu.memory_space<hbm>>) dst(%arg14 : memref<40x16xf32, #tpu.memory_space<vmem>>)
      %scan3A_99 = arith.constant 0 : i32
      %scan3A_100 = arith.constant 5 : i32
      %scan3A_101 = arith.addi %scan3A_99, %scan3A_100 : i32
      %scan3A_102 = arith.constant 1 : i32
      scf.for %scan3A_141 = %scan3A_99 to %scan3A_101 step %scan3A_102  : i32 {
        %mul3A_142 = arith.constant 8 : i32
        %mul3A_143 = arith.muli %scan3A_141, %mul3A_142 : i32
        %add3A_144 = arith.constant 0 : i32
        %add3A_145 = arith.addi %add3A_144, %mul3A_143 : i32
        %add3A_146 = arith.constant 0 : i32
        %add3A_147 = arith.addi %add3A_145, %add3A_146 : i32
        %get3A = arith.index_cast %add3A_147 : i32 to index
        %get3A_148 = arith.constant 0 : index
        %get3A_149 = tpu.vector_load %arg12[%get3A, %get3A_148] {strides = array<i32>} : memref<40x32xf32, #tpu.memory_space<vmem>>, vector<1x16xf32>,
        %get3A_150 = vector.shape_cast %get3A_149 : vector<1x16xf32> to vector<16xf32>
        %get3A_151 = arith.index_cast %add3A_147 : i32 to index
        %get3A_152 = arith.constant 16 : index
        %get3A_153 = tpu.vector_load %arg12[%get3A_151, %get3A_152] {strides = array<i32>} : memref<40x32xf32, #tpu.memory_space<vmem>>, vector<1x16xf32>,
        %get3A_154 = vector.shape_cast %get3A_153 : vector<1x16xf32> to vector<16xf32>
        %get3A_155 = arith.index_cast %add3A_147 : i32 to index
        %get3A_156 = arith.constant 0 : index
        %get3A_157 = tpu.vector_load %arg14[%get3A_155, %get3A_156] {strides = array<i32>} : memref<40x16xf32, #tpu.memory_space<vmem>>, vector<1x16xf32>,
        %get3A_158 = vector.shape_cast %get3A_157 : vector<1x16xf32> to vector<16xf32>
        %add3A_159 = arith.addf %get3A_150, %get3A_158 : vector<16xf32>
        %add3A_160 = arith.constant 1 : i32
        %add3A_161 = arith.addi %add3A_145, %add3A_160 : i32
        %get3A_162 = arith.index_cast %add3A_161 : i32 to index
        %get3A_163 = arith.constant 0 : index
        %get3A_164 = tpu.vector_load %arg12[%get3A_162, %get3A_163] {strides = array<i32>} : memref<40x32xf32, #tpu.memory_space<vmem>>, vector<1x16xf32>,
        %get3A_165 = vector.shape_cast %get3A_164 : vector<1x16xf32> to vector<16xf32>
        %get3A_166 = arith.index_cast %add3A_161 : i32 to index
        %get3A_167 = arith.constant 16 : index
        %get3A_168 = tpu.vector_load %arg12[%get3A_166, %get3A_167] {strides = array<i32>} : memref<40x32xf32, #tpu.memory_space<vmem>>, vector<1x16xf32>,
        %get3A_169 = vector.shape_cast %get3A_168 : vector<1x16xf32> to vector<16xf32>
        %get3A_170 = arith.index_cast %add3A_161 : i32 to index
        %get3A_171 = arith.constant 0 : index
        %get3A_172 = tpu.vector_load %arg14[%get3A_170, %get3A_171] {strides = array<i32>} : memref<40x16xf32, #tpu.memory_space<vmem>>, vector<1x16xf32>,
        %get3A_173 = vector.shape_cast %get3A_172 : vector<1x16xf32> to vector<16xf32>
        %add3A_174 = arith.addf %get3A_165, %get3A_173 : vector<16xf32>
        %add3A_175 = arith.constant 2 : i32
        %add3A_176 = arith.addi %add3A_145, %add3A_175 : i32
        %get3A_177 = arith.index_cast %add3A_176 : i32 to index
        %get3A_178 = arith.constant 0 : index
        %get3A_179 = tpu.vector_load %arg12[%get3A_177, %get3A_178] {strides = array<i32>} : memref<40x32xf32, #tpu.memory_space<vmem>>, vector<1x16xf32>,
        %get3A_180 = vector.shape_cast %get3A_179 : vector<1x16xf32> to vector<16xf32>
        %get3A_181 = arith.index_cast %add3A_176 : i32 to index
        %get3A_182 = arith.constant 16 : index
        %get3A_183 = tpu.vector_load %arg12[%get3A_181, %get3A_182] {strides = array<i32>} : memref<40x32xf32, #tpu.memory_space<vmem>>, vector<1x16xf32>,
        %get3A_184 = vector.shape_cast %get3A_183 : vector<1x16xf32> to vector<16xf32>
        %get3A_185 = arith.index_cast %add3A_176 : i32 to index
        %get3A_186 = arith.constant 0 : index
        %get3A_187 = tpu.vector_load %arg14[%get3A_185, %get3A_186] {strides = array<i32>} : memref<40x16xf32, #tpu.memory_space<vmem>>, vector<1x16xf32>,
        %get3A_188 = vector.shape_cast %get3A_187 : vector<1x16xf32> to vector<16xf32>
        %add3A_189 = arith.addf %get3A_180, %get3A_188 : vector<16xf32>
        %add3A_190 = arith.constant 3 : i32
        %add3A_191 = arith.addi %add3A_145, %add3A_190 : i32
        %get3A_192 = arith.index_cast %add3A_191 : i32 to index
        %get3A_193 = arith.constant 0 : index
        %get3A_194 = tpu.vector_load %arg12[%get3A_192, %get3A_193] {strides = array<i32>} : memref<40x32xf32, #tpu.memory_space<vmem>>, vector<1x16xf32>,
        %get3A_195 = vector.shape_cast %get3A_194 : vector<1x16xf32> to vector<16xf32>
        %get3A_196 = arith.index_cast %add3A_191 : i32 to index
        %get3A_197 = arith.constant 16 : index
        %get3A_198 = tpu.vector_load %arg12[%get3A_196, %get3A_197] {strides = array<i32>} : memref<40x32xf32, #tpu.memory_space<vmem>>, vector<1x16xf32>,
        %get3A_199 = vector.shape_cast %get3A_198 : vector<1x16xf32> to vector<16xf32>
        %get3A_200 = arith.index_cast %add3A_191 : i32 to index
        %get3A_201 = arith.constant 0 : index
        %get3A_202 = tpu.vector_load %arg14[%get3A_200, %get3A_201] {strides = array<i32>} : memref<40x16xf32, #tpu.memory_space<vmem>>, vector<1x16xf32>,
        %get3A_203 = vector.shape_cast %get3A_202 : vector<1x16xf32> to vector<16xf32>
        %add3A_204 = arith.addf %get3A_195, %get3A_203 : vector<16xf32>
        %add3A_205 = arith.constant 4 : i32
        %add3A_206 = arith.addi %add3A_145, %add3A_205 : i32
        %get3A_207 = arith.index_cast %add3A_206 : i32 to index
        %get3A_208 = arith.constant 0 : index
        %get3A_209 = tpu.vector_load %arg12[%get3A_207, %get3A_208] {strides = array<i32>} : memref<40x32xf32, #tpu.memory_space<vmem>>, vector<1x16xf32>,
        %get3A_210 = vector.shape_cast %get3A_209 : vector<1x16xf32> to vector<16xf32>
        %get3A_211 = arith.index_cast %add3A_206 : i32 to index
        %get3A_212 = arith.constant 16 : index
        %get3A_213 = tpu.vector_load %arg12[%get3A_211, %get3A_212] {strides = array<i32>} : memref<40x32xf32, #tpu.memory_space<vmem>>, vector<1x16xf32>,
        %get3A_214 = vector.shape_cast %get3A_213 : vector<1x16xf32> to vector<16xf32>
        %get3A_215 = arith.index_cast %add3A_206 : i32 to index
        %get3A_216 = arith.constant 0 : index
        %get3A_217 = tpu.vector_load %arg14[%get3A_215, %get3A_216] {strides = array<i32>} : memref<40x16xf32, #tpu.memory_space<vmem>>, vector<1x16xf32>,
        %get3A_218 = vector.shape_cast %get3A_217 : vector<1x16xf32> to vector<16xf32>
        %add3A_219 = arith.addf %get3A_210, %get3A_218 : vector<16xf32>
        %add3A_220 = arith.constant 5 : i32
        %add3A_221 = arith.addi %add3A_145, %add3A_220 : i32
        %get3A_222 = arith.index_cast %add3A_221 : i32 to index
        %get3A_223 = arith.constant 0 : index
        %get3A_224 = tpu.vector_load %arg12[%get3A_222, %get3A_223] {strides = array<i32>} : memref<40x32xf32, #tpu.memory_space<vmem>>, vector<1x16xf32>,
        %get3A_225 = vector.shape_cast %get3A_224 : vector<1x16xf32> to vector<16xf32>
        %get3A_226 = arith.index_cast %add3A_221 : i32 to index
        %get3A_227 = arith.constant 16 : index
        %get3A_228 = tpu.vector_load %arg12[%get3A_226, %get3A_227] {strides = array<i32>} : memref<40x32xf32, #tpu.memory_space<vmem>>, vector<1x16xf32>,
        %get3A_229 = vector.shape_cast %get3A_228 : vector<1x16xf32> to vector<16xf32>
        %get3A_230 = arith.index_cast %add3A_221 : i32 to index
        %get3A_231 = arith.constant 0 : index
        %get3A_232 = tpu.vector_load %arg14[%get3A_230, %get3A_231] {strides = array<i32>} : memref<40x16xf32, #tpu.memory_space<vmem>>, vector<1x16xf32>,
        %get3A_233 = vector.shape_cast %get3A_232 : vector<1x16xf32> to vector<16xf32>
        %add3A_234 = arith.addf %get3A_225, %get3A_233 : vector<16xf32>
        %add3A_235 = arith.constant 6 : i32
        %add3A_236 = arith.addi %add3A_145, %add3A_235 : i32
        %get3A_237 = arith.index_cast %add3A_236 : i32 to index
        %get3A_238 = arith.constant 0 : index
        %get3A_239 = tpu.vector_load %arg12[%get3A_237, %get3A_238] {strides = array<i32>} : memref<40x32xf32, #tpu.memory_space<vmem>>, vector<1x16xf32>,
        %get3A_240 = vector.shape_cast %get3A_239 : vector<1x16xf32> to vector<16xf32>
        %get3A_241 = arith.index_cast %add3A_236 : i32 to index
        %get3A_242 = arith.constant 16 : index
        %get3A_243 = tpu.vector_load %arg12[%get3A_241, %get3A_242] {strides = array<i32>} : memref<40x32xf32, #tpu.memory_space<vmem>>, vector<1x16xf32>,
        %get3A_244 = vector.shape_cast %get3A_243 : vector<1x16xf32> to vector<16xf32>
        %get3A_245 = arith.index_cast %add3A_236 : i32 to index
        %get3A_246 = arith.constant 0 : index
        %get3A_247 = tpu.vector_load %arg14[%get3A_245, %get3A_246] {strides = array<i32>} : memref<40x16xf32, #tpu.memory_space<vmem>>, vector<1x16xf32>,
        %get3A_248 = vector.shape_cast %get3A_247 : vector<1x16xf32> to vector<16xf32>
        %add3A_249 = arith.addf %get3A_240, %get3A_248 : vector<16xf32>
        %add3A_250 = arith.constant 7 : i32
        %add3A_251 = arith.addi %add3A_145, %add3A_250 : i32
        %get3A_252 = arith.index_cast %add3A_251 : i32 to index
        %get3A_253 = arith.constant 0 : index
        %get3A_254 = tpu.vector_load %arg12[%get3A_252, %get3A_253] {strides = array<i32>} : memref<40x32xf32, #tpu.memory_space<vmem>>, vector<1x16xf32>,
        %get3A_255 = vector.shape_cast %get3A_254 : vector<1x16xf32> to vector<16xf32>
        %get3A_256 = arith.index_cast %add3A_251 : i32 to index
        %get3A_257 = arith.constant 16 : index
        %get3A_258 = tpu.vector_load %arg12[%get3A_256, %get3A_257] {strides = array<i32>} : memref<40x32xf32, #tpu.memory_space<vmem>>, vector<1x16xf32>,
        %get3A_259 = vector.shape_cast %get3A_258 : vector<1x16xf32> to vector<16xf32>
        %get3A_260 = arith.index_cast %add3A_251 : i32 to index
        %get3A_261 = arith.constant 0 : index
        %get3A_262 = tpu.vector_load %arg14[%get3A_260, %get3A_261] {strides = array<i32>} : memref<40x16xf32, #tpu.memory_space<vmem>>, vector<1x16xf32>,
        %get3A_263 = vector.shape_cast %get3A_262 : vector<1x16xf32> to vector<16xf32>
        %add3A_264 = arith.addf %get3A_255, %get3A_263 : vector<16xf32>
        %add3A_265 = arith.constant 0 : i32
        %add3A_266 = arith.addi %add3A_145, %add3A_265 : i32
        %mul3A_267 = arith.constant 2.000000e-01 : f32
        %mul3A_268 = vector.broadcast %mul3A_267 : f32 to vector<16xf32>
        %mul3A_269 = arith.mulf %mul3A_268, %add3A_159 : vector<16xf32>
        %max3A = arith.maximumf %add3A_159, %mul3A_269 : vector<16xf32>
        %exp3A = math.exp %max3A : vector<16xf32>
        %select_n3A_270 = arith.select %lt3A_9, %exp3A, %get3A_154 : vector<16xi1>, vector<16xf32>
        %swap3A = arith.index_cast %add3A_266 : i32 to index
        %swap3A_271 = arith.constant 0 : index
        %swap3A_272 = tpu.vector_load %arg16[%swap3A, %swap3A_271] {strides = array<i32>} : memref<40x32xf32, #tpu.memory_space<vmem>>, vector<1x16xf32>,
        %swap3A_273 = vector.shape_cast %swap3A_272 : vector<1x16xf32> to vector<16xf32>
        %swap3A_274 = vector.shape_cast %select_n3A_270 : vector<16xf32> to vector<1x16xf32>
        tpu.vector_store %arg16[%swap3A, %swap3A_271], %swap3A_274 {strides = array<i32>} : memref<40x32xf32, #tpu.memory_space<vmem>>, vector<1x16xf32>,
        %swap3A_275 = arith.index_cast %add3A_266 : i32 to index
        %swap3A_276 = arith.constant 0 : index
        %swap3A_277 = tpu.vector_load %arg18[%swap3A_275, %swap3A_276] {strides = array<i32>} : memref<40x16xf32, #tpu.memory_space<vmem>>, vector<1x16xf32>,
        %swap3A_278 = vector.shape_cast %swap3A_277 : vector<1x16xf32> to vector<16xf32>
        %swap3A_279 = vector.shape_cast %exp3A : vector<16xf32> to vector<1x16xf32>
        tpu.vector_store %arg18[%swap3A_275, %swap3A_276], %swap3A_279 {strides = array<i32>} : memref<40x16xf32, #tpu.memory_space<vmem>>, vector<1x16xf32>,
        %add3A_280 = arith.constant 1 : i32
        %add3A_281 = arith.addi %add3A_145, %add3A_280 : i32
        %mul3A_282 = arith.constant 2.000000e-01 : f32
        %mul3A_283 = vector.broadcast %mul3A_282 : f32 to vector<16xf32>
        %mul3A_284 = arith.mulf %mul3A_283, %add3A_174 : vector<16xf32>
        %max3A_285 = arith.maximumf %add3A_174, %mul3A_284 : vector<16xf32>
        %exp3A_286 = math.exp %max3A_285 : vector<16xf32>
        %select_n3A_287 = arith.select %lt3A_9, %exp3A_286, %get3A_169 : vector<16xi1>, vector<16xf32>
        %swap3A_288 = arith.index_cast %add3A_281 : i32 to index
        %swap3A_289 = arith.constant 0 : index
        %swap3A_290 = tpu.vector_load %arg16[%swap3A_288, %swap3A_289] {strides = array<i32>} : memref<40x32xf32, #tpu.memory_space<vmem>>, vector<1x16xf32>,
        %swap3A_291 = vector.shape_cast %swap3A_290 : vector<1x16xf32> to vector<16xf32>
        %swap3A_292 = vector.shape_cast %select_n3A_287 : vector<16xf32> to vector<1x16xf32>
        tpu.vector_store %arg16[%swap3A_288, %swap3A_289], %swap3A_292 {strides = array<i32>} : memref<40x32xf32, #tpu.memory_space<vmem>>, vector<1x16xf32>,
        %swap3A_293 = arith.index_cast %add3A_281 : i32 to index
        %swap3A_294 = arith.constant 0 : index
        %swap3A_295 = tpu.vector_load %arg18[%swap3A_293, %swap3A_294] {strides = array<i32>} : memref<40x16xf32, #tpu.memory_space<vmem>>, vector<1x16xf32>,
        %swap3A_296 = vector.shape_cast %swap3A_295 : vector<1x16xf32> to vector<16xf32>
        %swap3A_297 = vector.shape_cast %exp3A_286 : vector<16xf32> to vector<1x16xf32>
        tpu.vector_store %arg18[%swap3A_293, %swap3A_294], %swap3A_297 {strides = array<i32>} : memref<40x16xf32, #tpu.memory_space<vmem>>, vector<1x16xf32>,
        %add3A_298 = arith.constant 2 : i32
        %add3A_299 = arith.addi %add3A_145, %add3A_298 : i32
        %mul3A_300 = arith.constant 2.000000e-01 : f32
        %mul3A_301 = vector.broadcast %mul3A_300 : f32 to vector<16xf32>
        %mul3A_302 = arith.mulf %mul3A_301, %add3A_189 : vector<16xf32>
        %max3A_303 = arith.maximumf %add3A_189, %mul3A_302 : vector<16xf32>
        %exp3A_304 = math.exp %max3A_303 : vector<16xf32>
        %select_n3A_305 = arith.select %lt3A_9, %exp3A_304, %get3A_184 : vector<16xi1>, vector<16xf32>
        %swap3A_306 = arith.index_cast %add3A_299 : i32 to index
        %swap3A_307 = arith.constant 0 : index
        %swap3A_308 = tpu.vector_load %arg16[%swap3A_306, %swap3A_307] {strides = array<i32>} : memref<40x32xf32, #tpu.memory_space<vmem>>, vector<1x16xf32>,
        %swap3A_309 = vector.shape_cast %swap3A_308 : vector<1x16xf32> to vector<16xf32>
        %swap3A_310 = vector.shape_cast %select_n3A_305 : vector<16xf32> to vector<1x16xf32>
        tpu.vector_store %arg16[%swap3A_306, %swap3A_307], %swap3A_310 {strides = array<i32>} : memref<40x32xf32, #tpu.memory_space<vmem>>, vector<1x16xf32>,
        %swap3A_311 = arith.index_cast %add3A_299 : i32 to index
        %swap3A_312 = arith.constant 0 : index
        %swap3A_313 = tpu.vector_load %arg18[%swap3A_311, %swap3A_312] {strides = array<i32>} : memref<40x16xf32, #tpu.memory_space<vmem>>, vector<1x16xf32>,
        %swap3A_314 = vector.shape_cast %swap3A_313 : vector<1x16xf32> to vector<16xf32>
        %swap3A_315 = vector.shape_cast %exp3A_304 : vector<16xf32> to vector<1x16xf32>
        tpu.vector_store %arg18[%swap3A_311, %swap3A_312], %swap3A_315 {strides = array<i32>} : memref<40x16xf32, #tpu.memory_space<vmem>>, vector<1x16xf32>,
        %add3A_316 = arith.constant 3 : i32
        %add3A_317 = arith.addi %add3A_145, %add3A_316 : i32
        %mul3A_318 = arith.constant 2.000000e-01 : f32
        %mul3A_319 = vector.broadcast %mul3A_318 : f32 to vector<16xf32>
        %mul3A_320 = arith.mulf %mul3A_319, %add3A_204 : vector<16xf32>
        %max3A_321 = arith.maximumf %add3A_204, %mul3A_320 : vector<16xf32>
        %exp3A_322 = math.exp %max3A_321 : vector<16xf32>
        %select_n3A_323 = arith.select %lt3A_9, %exp3A_322, %get3A_199 : vector<16xi1>, vector<16xf32>
        %swap3A_324 = arith.index_cast %add3A_317 : i32 to index
        %swap3A_325 = arith.constant 0 : index
        %swap3A_326 = tpu.vector_load %arg16[%swap3A_324, %swap3A_325] {strides = array<i32>} : memref<40x32xf32, #tpu.memory_space<vmem>>, vector<1x16xf32>,
        %swap3A_327 = vector.shape_cast %swap3A_326 : vector<1x16xf32> to vector<16xf32>
        %swap3A_328 = vector.shape_cast %select_n3A_323 : vector<16xf32> to vector<1x16xf32>
        tpu.vector_store %arg16[%swap3A_324, %swap3A_325], %swap3A_328 {strides = array<i32>} : memref<40x32xf32, #tpu.memory_space<vmem>>, vector<1x16xf32>,
        %swap3A_329 = arith.index_cast %add3A_317 : i32 to index
        %swap3A_330 = arith.constant 0 : index
        %swap3A_331 = tpu.vector_load %arg18[%swap3A_329, %swap3A_330] {strides = array<i32>} : memref<40x16xf32, #tpu.memory_space<vmem>>, vector<1x16xf32>,
        %swap3A_332 = vector.shape_cast %swap3A_331 : vector<1x16xf32> to vector<16xf32>
        %swap3A_333 = vector.shape_cast %exp3A_322 : vector<16xf32> to vector<1x16xf32>
        tpu.vector_store %arg18[%swap3A_329, %swap3A_330], %swap3A_333 {strides = array<i32>} : memref<40x16xf32, #tpu.memory_space<vmem>>, vector<1x16xf32>,
        %add3A_334 = arith.constant 4 : i32
        %add3A_335 = arith.addi %add3A_145, %add3A_334 : i32
        %mul3A_336 = arith.constant 2.000000e-01 : f32
        %mul3A_337 = vector.broadcast %mul3A_336 : f32 to vector<16xf32>
        %mul3A_338 = arith.mulf %mul3A_337, %add3A_219 : vector<16xf32>
        %max3A_339 = arith.maximumf %add3A_219, %mul3A_338 : vector<16xf32>
        %exp3A_340 = math.exp %max3A_339 : vector<16xf32>
        %select_n3A_341 = arith.select %lt3A_9, %exp3A_340, %get3A_214 : vector<16xi1>, vector<16xf32>
        %swap3A_342 = arith.index_cast %add3A_335 : i32 to index
        %swap3A_343 = arith.constant 0 : index
        %swap3A_344 = tpu.vector_load %arg16[%swap3A_342, %swap3A_343] {strides = array<i32>} : memref<40x32xf32, #tpu.memory_space<vmem>>, vector<1x16xf32>,
        %swap3A_345 = vector.shape_cast %swap3A_344 : vector<1x16xf32> to vector<16xf32>
        %swap3A_346 = vector.shape_cast %select_n3A_341 : vector<16xf32> to vector<1x16xf32>
        tpu.vector_store %arg16[%swap3A_342, %swap3A_343], %swap3A_346 {strides = array<i32>} : memref<40x32xf32, #tpu.memory_space<vmem>>, vector<1x16xf32>,
        %swap3A_347 = arith.index_cast %add3A_335 : i32 to index
        %swap3A_348 = arith.constant 0 : index
        %swap3A_349 = tpu.vector_load %arg18[%swap3A_347, %swap3A_348] {strides = array<i32>} : memref<40x16xf32, #tpu.memory_space<vmem>>, vector<1x16xf32>,
        %swap3A_350 = vector.shape_cast %swap3A_349 : vector<1x16xf32> to vector<16xf32>
        %swap3A_351 = vector.shape_cast %exp3A_340 : vector<16xf32> to vector<1x16xf32>
        tpu.vector_store %arg18[%swap3A_347, %swap3A_348], %swap3A_351 {strides = array<i32>} : memref<40x16xf32, #tpu.memory_space<vmem>>, vector<1x16xf32>,
        %add3A_352 = arith.constant 5 : i32
        %add3A_353 = arith.addi %add3A_145, %add3A_352 : i32
        %mul3A_354 = arith.constant 2.000000e-01 : f32
        %mul3A_355 = vector.broadcast %mul3A_354 : f32 to vector<16xf32>
        %mul3A_356 = arith.mulf %mul3A_355, %add3A_234 : vector<16xf32>
        %max3A_357 = arith.maximumf %add3A_234, %mul3A_356 : vector<16xf32>
        %exp3A_358 = math.exp %max3A_357 : vector<16xf32>
        %select_n3A_359 = arith.select %lt3A_9, %exp3A_358, %get3A_229 : vector<16xi1>, vector<16xf32>
        %swap3A_360 = arith.index_cast %add3A_353 : i32 to index
        %swap3A_361 = arith.constant 0 : index
        %swap3A_362 = tpu.vector_load %arg16[%swap3A_360, %swap3A_361] {strides = array<i32>} : memref<40x32xf32, #tpu.memory_space<vmem>>, vector<1x16xf32>,
        %swap3A_363 = vector.shape_cast %swap3A_362 : vector<1x16xf32> to vector<16xf32>
        %swap3A_364 = vector.shape_cast %select_n3A_359 : vector<16xf32> to vector<1x16xf32>
        tpu.vector_store %arg16[%swap3A_360, %swap3A_361], %swap3A_364 {strides = array<i32>} : memref<40x32xf32, #tpu.memory_space<vmem>>, vector<1x16xf32>,
        %swap3A_365 = arith.index_cast %add3A_353 : i32 to index
        %swap3A_366 = arith.constant 0 : index
        %swap3A_367 = tpu.vector_load %arg18[%swap3A_365, %swap3A_366] {strides = array<i32>} : memref<40x16xf32, #tpu.memory_space<vmem>>, vector<1x16xf32>,
        %swap3A_368 = vector.shape_cast %swap3A_367 : vector<1x16xf32> to vector<16xf32>
        %swap3A_369 = vector.shape_cast %exp3A_358 : vector<16xf32> to vector<1x16xf32>
        tpu.vector_store %arg18[%swap3A_365, %swap3A_366], %swap3A_369 {strides = array<i32>} : memref<40x16xf32, #tpu.memory_space<vmem>>, vector<1x16xf32>,
        %add3A_370 = arith.constant 6 : i32
        %add3A_371 = arith.addi %add3A_145, %add3A_370 : i32
        %mul3A_372 = arith.constant 2.000000e-01 : f32
        %mul3A_373 = vector.broadcast %mul3A_372 : f32 to vector<16xf32>
        %mul3A_374 = arith.mulf %mul3A_373, %add3A_249 : vector<16xf32>
        %max3A_375 = arith.maximumf %add3A_249, %mul3A_374 : vector<16xf32>
        %exp3A_376 = math.exp %max3A_375 : vector<16xf32>
        %select_n3A_377 = arith.select %lt3A_9, %exp3A_376, %get3A_244 : vector<16xi1>, vector<16xf32>
        %swap3A_378 = arith.index_cast %add3A_371 : i32 to index
        %swap3A_379 = arith.constant 0 : index
        %swap3A_380 = tpu.vector_load %arg16[%swap3A_378, %swap3A_379] {strides = array<i32>} : memref<40x32xf32, #tpu.memory_space<vmem>>, vector<1x16xf32>,
        %swap3A_381 = vector.shape_cast %swap3A_380 : vector<1x16xf32> to vector<16xf32>
        %swap3A_382 = vector.shape_cast %select_n3A_377 : vector<16xf32> to vector<1x16xf32>
        tpu.vector_store %arg16[%swap3A_378, %swap3A_379], %swap3A_382 {strides = array<i32>} : memref<40x32xf32, #tpu.memory_space<vmem>>, vector<1x16xf32>,
        %swap3A_383 = arith.index_cast %add3A_371 : i32 to index
        %swap3A_384 = arith.constant 0 : index
        %swap3A_385 = tpu.vector_load %arg18[%swap3A_383, %swap3A_384] {strides = array<i32>} : memref<40x16xf32, #tpu.memory_space<vmem>>, vector<1x16xf32>,
        %swap3A_386 = vector.shape_cast %swap3A_385 : vector<1x16xf32> to vector<16xf32>
        %swap3A_387 = vector.shape_cast %exp3A_376 : vector<16xf32> to vector<1x16xf32>
        tpu.vector_store %arg18[%swap3A_383, %swap3A_384], %swap3A_387 {strides = array<i32>} : memref<40x16xf32, #tpu.memory_space<vmem>>, vector<1x16xf32>,
        %add3A_388 = arith.constant 7 : i32
        %add3A_389 = arith.addi %add3A_145, %add3A_388 : i32
        %mul3A_390 = arith.constant 2.000000e-01 : f32
        %mul3A_391 = vector.broadcast %mul3A_390 : f32 to vector<16xf32>
        %mul3A_392 = arith.mulf %mul3A_391, %add3A_264 : vector<16xf32>
        %max3A_393 = arith.maximumf %add3A_264, %mul3A_392 : vector<16xf32>
        %exp3A_394 = math.exp %max3A_393 : vector<16xf32>
        %select_n3A_395 = arith.select %lt3A_9, %exp3A_394, %get3A_259 : vector<16xi1>, vector<16xf32>
        %swap3A_396 = arith.index_cast %add3A_389 : i32 to index
        %swap3A_397 = arith.constant 0 : index
        %swap3A_398 = tpu.vector_load %arg16[%swap3A_396, %swap3A_397] {strides = array<i32>} : memref<40x32xf32, #tpu.memory_space<vmem>>, vector<1x16xf32>,
        %swap3A_399 = vector.shape_cast %swap3A_398 : vector<1x16xf32> to vector<16xf32>
        %swap3A_400 = vector.shape_cast %select_n3A_395 : vector<16xf32> to vector<1x16xf32>
        tpu.vector_store %arg16[%swap3A_396, %swap3A_397], %swap3A_400 {strides = array<i32>} : memref<40x32xf32, #tpu.memory_space<vmem>>, vector<1x16xf32>,
        %swap3A_401 = arith.index_cast %add3A_389 : i32 to index
        %swap3A_402 = arith.constant 0 : index
        %swap3A_403 = tpu.vector_load %arg18[%swap3A_401, %swap3A_402] {strides = array<i32>} : memref<40x16xf32, #tpu.memory_space<vmem>>, vector<1x16xf32>,
        %swap3A_404 = vector.shape_cast %swap3A_403 : vector<1x16xf32> to vector<16xf32>
        %swap3A_405 = vector.shape_cast %exp3A_394 : vector<16xf32> to vector<1x16xf32>
        tpu.vector_store %arg18[%swap3A_401, %swap3A_402], %swap3A_405 {strides = array<i32>} : memref<40x16xf32, #tpu.memory_space<vmem>>, vector<1x16xf32>,
      }
      %scan3A_103 = arith.constant 5 : i32
      %add3A_104 = arith.constant 1 : i32
      %add3A_105 = arith.addi %add3A_28, %add3A_104 : i32
      %mul3A_106 = arith.constant 250 : i32
      %mul3A_107 = arith.muli %add3A, %mul3A_106 : i32
      %add3A_108 = arith.addi %mul3A_107, %add3A_105 : i32
      %dma_start3A_109 = arith.constant 0 : i32
      %dma_start3A_110 = tpu.memref_slice %arg10[%add3A_105, %dma_start3A_109] : memref<250x40xi32, #tpu.memory_space<vmem>> -> memref<1x40xi32, #tpu.memory_space<vmem>>
      %dma_start3A_111 = tpu.memref_squeeze %dma_start3A_110 : memref<1x40xi32, #tpu.memory_space<vmem>> -> memref<40xi32, #tpu.memory_space<vmem>>
      %dma_start3A_112 = arith.constant 0 : i32
      %dma_start3A_113 = arith.constant 0 : i32
      %dma_start3A_114 = tpu.memref_slice %arg19[%dma_start3A_112, %dma_start3A_113] : memref<10240x32xf32, #tpu.memory_space<vmem_shared>> -> memref<10240x32xf32, #tpu.memory_space<vmem_shared>>
      tpu.enqueue_indirect_dma source(%arg16 : memref<40x32xf32, #tpu.memory_space<vmem>>) target(%dma_start3A_114 : memref<10240x32xf32, #tpu.memory_space<vmem_shared>>) offsets(%dma_start3A_111 : memref<40xi32, #tpu.memory_space<vmem>>) semaphore(%arg23 : memref<!tpu.dma_semaphore, #tpu.memory_space<semaphore_mem>>) {add = true}
      %mul3A_115 = arith.constant 40 : i32
      %mul3A_116 = arith.muli %add3A_108, %mul3A_115 : i32
      %dma_start3A_117 = arith.constant 0 : i32
      %dma_start3A_118 = tpu.memref_slice %arg8[%mul3A_116, %dma_start3A_117] : memref<320000x16xf32, #tpu.memory_space<hbm>> -> memref<40x16xf32, #tpu.memory_space<hbm>>
      %dma_start3A_119 = arith.constant 0 : i32
      %dma_start3A_120 = tpu.memref_slice %arg8[%mul3A_116, %dma_start3A_119] : memref<320000x16xf32, #tpu.memory_space<hbm>> -> memref<40x16xf32, #tpu.memory_space<hbm>>
      tpu.enqueue_dma source(%arg18 : memref<40x16xf32, #tpu.memory_space<vmem>>) target(%dma_start3A_120 : memref<40x16xf32, #tpu.memory_space<hbm>>) target_semaphore(%arg25 : memref<!tpu.dma_semaphore, #tpu.memory_space<semaphore_mem>>)
      %dma_wait3A_121 = arith.constant 0 : i32
      %dma_wait3A_122 = tpu.memref_slice %arg10[%add3A_71, %dma_wait3A_121] : memref<250x40xi32, #tpu.memory_space<vmem>> -> memref<1x40xi32, #tpu.memory_space<vmem>>
      %dma_wait3A_123 = tpu.memref_squeeze %dma_wait3A_122 : memref<1x40xi32, #tpu.memory_space<vmem>> -> memref<40xi32, #tpu.memory_space<vmem>>
      %dma_wait3A_124 = arith.constant 0 : i32
      %dma_wait3A_125 = arith.constant 0 : i32
      %dma_wait3A_126 = tpu.memref_slice %arg19[%dma_wait3A_124, %dma_wait3A_125] : memref<10240x32xf32, #tpu.memory_space<vmem_shared>> -> memref<10240x32xf32, #tpu.memory_space<vmem_shared>>
      tpu.wait_indirect_dma semaphore(%arg22 : memref<!tpu.dma_semaphore, #tpu.memory_space<semaphore_mem>>) src(%arg15 : memref<40x32xf32, #tpu.memory_space<vmem>>) dst(%dma_wait3A_126 : memref<10240x32xf32, #tpu.memory_space<vmem_shared>>)
      %dma_wait3A_127 = arith.constant 0 : i32
      %dma_wait3A_128 = tpu.memref_slice %arg8[%mul3A_82, %dma_wait3A_127] : memref<320000x16xf32, #tpu.memory_space<hbm>> -> memref<40x16xf32, #tpu.memory_space<hbm>>
      %dma_wait3A_129 = arith.constant 0 : i32
      %dma_wait3A_130 = tpu.memref_slice %arg8[%mul3A_82, %dma_wait3A_129] : memref<320000x16xf32, #tpu.memory_space<hbm>> -> memref<40x16xf32, #tpu.memory_space<hbm>>
      tpu.wait_dma2 semaphore(%arg24 : memref<!tpu.dma_semaphore, #tpu.memory_space<semaphore_mem>>) src(%arg17 : memref<40x16xf32, #tpu.memory_space<vmem>>) dst(%dma_wait3A_130 : memref<40x16xf32, #tpu.memory_space<hbm>>)
      %dma_wait3A_131 = arith.constant 0 : i32
      %dma_wait3A_132 = tpu.memref_slice %arg10[%add3A_105, %dma_wait3A_131] : memref<250x40xi32, #tpu.memory_space<vmem>> -> memref<1x40xi32, #tpu.memory_space<vmem>>
      %dma_wait3A_133 = tpu.memref_squeeze %dma_wait3A_132 : memref<1x40xi32, #tpu.memory_space<vmem>> -> memref<40xi32, #tpu.memory_space<vmem>>
      %dma_wait3A_134 = arith.constant 0 : i32
      %dma_wait3A_135 = arith.constant 0 : i32
      %dma_wait3A_136 = tpu.memref_slice %arg19[%dma_wait3A_134, %dma_wait3A_135] : memref<10240x32xf32, #tpu.memory_space<vmem_shared>> -> memref<10240x32xf32, #tpu.memory_space<vmem_shared>>
      tpu.wait_indirect_dma semaphore(%arg23 : memref<!tpu.dma_semaphore, #tpu.memory_space<semaphore_mem>>) src(%arg16 : memref<40x32xf32, #tpu.memory_space<vmem>>) dst(%dma_wait3A_136 : memref<10240x32xf32, #tpu.memory_space<vmem_shared>>)
      %dma_wait3A_137 = arith.constant 0 : i32
      %dma_wait3A_138 = tpu.memref_slice %arg8[%mul3A_116, %dma_wait3A_137] : memref<320000x16xf32, #tpu.memory_space<hbm>> -> memref<40x16xf32, #tpu.memory_space<hbm>>
      %dma_wait3A_139 = arith.constant 0 : i32
      %dma_wait3A_140 = tpu.memref_slice %arg8[%mul3A_116, %dma_wait3A_139] : memref<320000x16xf32, #tpu.memory_space<hbm>> -> memref<40x16xf32, #tpu.memory_space<hbm>>
      tpu.wait_dma2 semaphore(%arg25 : memref<!tpu.dma_semaphore, #tpu.memory_space<semaphore_mem>>) src(%arg18 : memref<40x16xf32, #tpu.memory_space<vmem>>) dst(%dma_wait3A_140 : memref<40x16xf32, #tpu.memory_space<hbm>>)
    }
    %scan3A_18 = arith.constant 125 : i32
    %barrier3A_19 = arith.constant 0 : index
    tpu.barrier barrier_id(%barrier3A_19)
    %mul3A_20 = arith.constant 640 : i32
    %mul3A_21 = arith.muli %arg1, %mul3A_20 : i32
    %mul3A_22 = arith.constant 640 : i32
    %mul3A_23 = arith.muli %arg1, %mul3A_22 : i32
    "tpu.region"() ({
      %run_scoped3A = tpu.sem_alloc : memref<!tpu.dma_semaphore, #tpu.memory_space<semaphore_mem>>
      %dma_start3A = arith.constant 0 : i32
      %dma_start3A_24 = arith.constant 0 : i32
      %dma_start3A_25 = tpu.memref_slice %arg7[%arg0, %dma_start3A, %dma_start3A_24] : memref<2x10240x32xf32, #tpu.memory_space<hbm>> -> memref<1x10240x32xf32, #tpu.memory_space<hbm>>
      %dma_start3A_26 = tpu.memref_squeeze %dma_start3A_25 : memref<1x10240x32xf32, #tpu.memory_space<hbm>> -> memref<10240x32xf32, #tpu.memory_space<hbm>>
      %dma_start3A_27 = arith.constant 0 : i32
      %dma_start3A_28 = tpu.memref_slice %dma_start3A_26[%mul3A_23, %dma_start3A_27] : memref<10240x32xf32, #tpu.memory_space<hbm>> -> memref<640x32xf32, #tpu.memory_space<hbm>>
      %dma_start3A_29 = arith.constant 0 : i32
      %dma_start3A_30 = tpu.memref_slice %arg19[%mul3A_21, %dma_start3A_29] : memref<10240x32xf32, #tpu.memory_space<vmem_shared>> -> memref<640x32xf32, #tpu.memory_space<vmem_shared>>
      tpu.enqueue_dma source(%dma_start3A_30 : memref<640x32xf32, #tpu.memory_space<vmem_shared>>) target(%dma_start3A_28 : memref<640x32xf32, #tpu.memory_space<hbm>>) target_semaphore(%run_scoped3A : memref<!tpu.dma_semaphore, #tpu.memory_space<semaphore_mem>>)
      %dma_wait3A = arith.constant 0 : i32
      %dma_wait3A_31 = arith.constant 0 : i32
      %dma_wait3A_32 = tpu.memref_slice %arg7[%arg0, %dma_wait3A, %dma_wait3A_31] : memref<2x10240x32xf32, #tpu.memory_space<hbm>> -> memref<1x10240x32xf32, #tpu.memory_space<hbm>>
      %dma_wait3A_33 = tpu.memref_squeeze %dma_wait3A_32 : memref<1x10240x32xf32, #tpu.memory_space<hbm>> -> memref<10240x32xf32, #tpu.memory_space<hbm>>
      %dma_wait3A_34 = arith.constant 0 : i32
      %dma_wait3A_35 = tpu.memref_slice %dma_wait3A_33[%mul3A_23, %dma_wait3A_34] : memref<10240x32xf32, #tpu.memory_space<hbm>> -> memref<640x32xf32, #tpu.memory_space<hbm>>
      %dma_wait3A_36 = arith.constant 0 : i32
      %dma_wait3A_37 = tpu.memref_slice %arg19[%mul3A_21, %dma_wait3A_36] : memref<10240x32xf32, #tpu.memory_space<vmem_shared>> -> memref<640x32xf32, #tpu.memory_space<vmem_shared>>
      tpu.wait_dma2 semaphore(%run_scoped3A : memref<!tpu.dma_semaphore, #tpu.memory_space<semaphore_mem>>) src(%dma_wait3A_37 : memref<640x32xf32, #tpu.memory_space<vmem_shared>>) dst(%dma_wait3A_35 : memref<640x32xf32, #tpu.memory_space<hbm>>)
      tpu.yield
    }) : () -> ()
    return
  }
}

module attributes {stable_mosaic.version = 14 : i64} {
  func.func @_proj_body(%arg0: i32, %arg1: memref<1000x128xf32, #tpu.memory_space<vmem>>, %arg2: memref<128x128xf32, #tpu.memory_space<vmem>>, %arg3: memref<128xf32, #tpu.memory_space<vmem>>, %arg4: memref<128x24xf32, #tpu.memory_space<vmem>>, %arg5: memref<24xf32, #tpu.memory_space<vmem>>, %arg6: memref<1000x8xf32, #tpu.memory_space<vmem>>, %arg7: memref<1000x128xf32, #tpu.memory_space<vmem>>, %arg8: memref<1000x32xf32, #tpu.memory_space<vmem>>, %arg9: memref<1000x16xf32, #tpu.memory_space<vmem>>) attributes {dimension_semantics = [#tpu.dimension_semantics<arbitrary>], iteration_bounds = array<i64: 10>, scalar_prefetch = 0 : i64, scratch_operands = 0 : i64, tpu.core_type = #tpu.core_type<tc>, window_params = [{transform_indices = @transform_0, window_bounds = array<i64: 1000, 128>}, {pipeline_mode = #tpu.pipeline_mode<synchronous>, transform_indices = @transform_1, window_bounds = array<i64: 128, 128>}, {pipeline_mode = #tpu.pipeline_mode<synchronous>, transform_indices = @transform_2, window_bounds = array<i64: 128>}, {pipeline_mode = #tpu.pipeline_mode<synchronous>, transform_indices = @transform_3, window_bounds = array<i64: 128, 24>}, {pipeline_mode = #tpu.pipeline_mode<synchronous>, transform_indices = @transform_4, window_bounds = array<i64: 24>}, {transform_indices = @transform_5, window_bounds = array<i64: 1000, 8>}, {transform_indices = @transform_6, window_bounds = array<i64: 1000, 128>}, {transform_indices = @transform_7, window_bounds = array<i64: 1000, 32>}, {transform_indices = @transform_8, window_bounds = array<i64: 1000, 16>}]} {
    %get3A = arith.constant 0 : index
    %get3A_0 = arith.constant 0 : index
    %get3A_1 = vector.load %arg1[%get3A, %get3A_0] : memref<1000x128xf32, #tpu.memory_space<vmem>>, vector<1000x128xf32>
    %get3A_2 = arith.constant 0 : index
    %get3A_3 = arith.constant 0 : index
    %get3A_4 = vector.load %arg2[%get3A_2, %get3A_3] : memref<128x128xf32, #tpu.memory_space<vmem>>, vector<128x128xf32>
    %dot_general3A = arith.constant dense<0.000000e+00> : vector<1000x128xf32>
    %dot_general3A_5 = tpu.matmul %get3A_1, %get3A_4, %dot_general3A {dimension_numbers = #tpu.dot_dimension_numbers<[1], [0], [0], [1], [0, 0, 1, 1], [], []>, transpose_lhs_hint = false} : vector<1000x128xf32>, vector<128x128xf32>, vector<1000x128xf32> -> vector<1000x128xf32>
    %get3A_6 = arith.constant 0 : index
    %get3A_7 = vector.load %arg3[%get3A_6] : memref<128xf32, #tpu.memory_space<vmem>>, vector<128xf32>
    %broadcast_in_dim3A = vector.shape_cast %get3A_7 : vector<128xf32> to vector<1x128xf32>
    %add3A = vector.broadcast %broadcast_in_dim3A : vector<1x128xf32> to vector<1000x128xf32>
    %add3A_8 = arith.addf %dot_general3A_5, %add3A : vector<1000x128xf32>
    %swap3A = arith.constant 0 : index
    %swap3A_9 = arith.constant 0 : index
    %swap3A_10 = vector.load %arg7[%swap3A, %swap3A_9] : memref<1000x128xf32, #tpu.memory_space<vmem>>, vector<1000x128xf32>
    tpu.vector_store %arg7[%swap3A, %swap3A_9], %add3A_8 {strides = array<i32>} : memref<1000x128xf32, #tpu.memory_space<vmem>>, vector<1000x128xf32>,
    %get3A_11 = arith.constant 0 : index
    %get3A_12 = arith.constant 0 : index
    %get3A_13 = vector.load %arg4[%get3A_11, %get3A_12] : memref<128x24xf32, #tpu.memory_space<vmem>>, vector<128x24xf32>
    %dot_general3A_14 = arith.constant dense<0.000000e+00> : vector<1000x24xf32>
    %dot_general3A_15 = tpu.matmul %add3A_8, %get3A_13, %dot_general3A_14 {dimension_numbers = #tpu.dot_dimension_numbers<[1], [0], [0], [1], [0, 0, 1, 1], [], []>, transpose_lhs_hint = false} : vector<1000x128xf32>, vector<128x24xf32>, vector<1000x24xf32> -> vector<1000x24xf32>
    %get3A_16 = arith.constant 0 : index
    %get3A_17 = vector.load %arg5[%get3A_16] : memref<24xf32, #tpu.memory_space<vmem>>, vector<24xf32>
    %broadcast_in_dim3A_18 = vector.shape_cast %get3A_17 : vector<24xf32> to vector<1x24xf32>
    %add3A_19 = vector.broadcast %broadcast_in_dim3A_18 : vector<1x24xf32> to vector<1000x24xf32>
    %add3A_20 = arith.addf %dot_general3A_15, %add3A_19 : vector<1000x24xf32>
    %slice3A = vector.extract_strided_slice %add3A_20 {offsets = [0, 0], sizes = [1000, 8], strides = [1, 1]} : vector<1000x24xf32> to vector<1000x8xf32>
    %slice3A_21 = vector.extract_strided_slice %add3A_20 {offsets = [0, 8], sizes = [1000, 8], strides = [1, 1]} : vector<1000x24xf32> to vector<1000x8xf32>
    %slice3A_22 = vector.extract_strided_slice %add3A_20 {offsets = [0, 16], sizes = [1000, 8], strides = [1, 1]} : vector<1000x24xf32> to vector<1000x8xf32>
    %get3A_23 = arith.constant 0 : index
    %get3A_24 = arith.constant 0 : index
    %get3A_25 = vector.load %arg6[%get3A_23, %get3A_24] : memref<1000x8xf32, #tpu.memory_space<vmem>>, vector<1000x8xf32>
    %add3A_26 = arith.addf %slice3A_22, %get3A_25 : vector<1000x8xf32>
    %broadcast_in_dim3A_27 = arith.constant 0.000000e+00 : f32
    %broadcast_in_dim3A_28 = vector.broadcast %broadcast_in_dim3A_27 : f32 to vector<1000x8xf32>
    %concatenate3A = tpu.concatenate %slice3A, %slice3A, %broadcast_in_dim3A_28, %add3A_26 in 1 : vector<1000x8xf32>, vector<1000x8xf32>, vector<1000x8xf32>, vector<1000x8xf32> -> vector<1000x32xf32>
    %swap3A_29 = arith.constant 0 : index
    %swap3A_30 = arith.constant 0 : index
    %swap3A_31 = vector.load %arg8[%swap3A_29, %swap3A_30] : memref<1000x32xf32, #tpu.memory_space<vmem>>, vector<1000x32xf32>
    tpu.vector_store %arg8[%swap3A_29, %swap3A_30], %concatenate3A {strides = array<i32>} : memref<1000x32xf32, #tpu.memory_space<vmem>>, vector<1000x32xf32>,
    %concatenate3A_32 = tpu.concatenate %slice3A_21, %slice3A_21 in 1 : vector<1000x8xf32>, vector<1000x8xf32> -> vector<1000x16xf32>
    %swap3A_33 = arith.constant 0 : index
    %swap3A_34 = arith.constant 0 : index
    %swap3A_35 = vector.load %arg9[%swap3A_33, %swap3A_34] : memref<1000x16xf32, #tpu.memory_space<vmem>>, vector<1000x16xf32>
    tpu.vector_store %arg9[%swap3A_33, %swap3A_34], %concatenate3A_32 {strides = array<i32>} : memref<1000x16xf32, #tpu.memory_space<vmem>>, vector<1000x16xf32>,
    return
  }
  func.func @transform_0(%arg0: i32) -> (i32, i32) {
    %c0_i32 = arith.constant 0 : i32
    %c0_i32_0 = arith.constant 0 : i32
    return %arg0, %c0_i32 : i32, i32
  }
  func.func @transform_1(%arg0: i32) -> (i32, i32) {
    %c0_i32 = arith.constant 0 : i32
    %c0_i32_0 = arith.constant 0 : i32
    %c0_i32_1 = arith.constant 0 : i32
    return %c0_i32, %c0_i32_0 : i32, i32
  }
  func.func @transform_2(%arg0: i32) -> i32 {
    %c0_i32 = arith.constant 0 : i32
    %c0_i32_0 = arith.constant 0 : i32
    return %c0_i32 : i32
  }
  func.func @transform_3(%arg0: i32) -> (i32, i32) {
    %c0_i32 = arith.constant 0 : i32
    %c0_i32_0 = arith.constant 0 : i32
    %c0_i32_1 = arith.constant 0 : i32
    return %c0_i32, %c0_i32_0 : i32, i32
  }
  func.func @transform_4(%arg0: i32) -> i32 {
    %c0_i32 = arith.constant 0 : i32
    %c0_i32_0 = arith.constant 0 : i32
    return %c0_i32 : i32
  }
  func.func @transform_5(%arg0: i32) -> (i32, i32) {
    %c0_i32 = arith.constant 0 : i32
    %c0_i32_0 = arith.constant 0 : i32
    return %arg0, %c0_i32 : i32, i32
  }
  func.func @transform_6(%arg0: i32) -> (i32, i32) {
    %c0_i32 = arith.constant 0 : i32
    %c0_i32_0 = arith.constant 0 : i32
    return %arg0, %c0_i32 : i32, i32
  }
  func.func @transform_7(%arg0: i32) -> (i32, i32) {
    %c0_i32 = arith.constant 0 : i32
    %c0_i32_0 = arith.constant 0 : i32
    return %arg0, %c0_i32 : i32, i32
  }
  func.func @transform_8(%arg0: i32) -> (i32, i32) {
    %c0_i32 = arith.constant 0 : i32
    %c0_i32_0 = arith.constant 0 : i32
    return %arg0, %c0_i32 : i32, i32
  }
}

module attributes {stable_mosaic.version = 14 : i64} {
  func.func @_energy_body(%arg0: i32, %arg1: memref<1000x32xf32, #tpu.memory_space<vmem>>, %arg2: memref<1000x32xf32, #tpu.memory_space<vmem>>, %arg3: memref<1000x32xf32, #tpu.memory_space<vmem>>, %arg4: memref<1000x32xf32, #tpu.memory_space<vmem>>) attributes {dimension_semantics = [#tpu.dimension_semantics<arbitrary>], iteration_bounds = array<i64: 10>, scalar_prefetch = 0 : i64, scratch_operands = 0 : i64, tpu.core_type = #tpu.core_type<tc>, window_params = [{transform_indices = @transform_0, window_bounds = array<i64: 1000, 32>}, {transform_indices = @transform_1, window_bounds = array<i64: 1000, 32>}, {transform_indices = @transform_2, window_bounds = array<i64: 1000, 32>}, {transform_indices = @transform_3, window_bounds = array<i64: 1000, 32>}]} {
    %get3A = arith.constant 0 : index
    %get3A_0 = arith.constant 0 : index
    %get3A_1 = vector.load %arg1[%get3A, %get3A_0] : memref<1000x32xf32, #tpu.memory_space<vmem>>, vector<1000x32xf32>
    %get3A_2 = arith.constant 0 : index
    %get3A_3 = arith.constant 0 : index
    %get3A_4 = vector.load %arg2[%get3A_2, %get3A_3] : memref<1000x32xf32, #tpu.memory_space<vmem>>, vector<1000x32xf32>
    %add3A = arith.addf %get3A_1, %get3A_4 : vector<1000x32xf32>
    %slice3A = vector.extract_strided_slice %add3A {offsets = [0, 0], sizes = [1000, 8], strides = [1, 1]} : vector<1000x32xf32> to vector<1000x8xf32>
    %slice3A_5 = vector.extract_strided_slice %add3A {offsets = [0, 8], sizes = [1000, 8], strides = [1, 1]} : vector<1000x32xf32> to vector<1000x8xf32>
    %slice3A_6 = vector.extract_strided_slice %add3A {offsets = [0, 16], sizes = [1000, 1], strides = [1, 1]} : vector<1000x32xf32> to vector<1000x1xf32>
    %get3A_7 = arith.constant 0 : index
    %get3A_8 = arith.constant 24 : index
    %get3A_9 = vector.load %arg3[%get3A_7, %get3A_8] : memref<1000x32xf32, #tpu.memory_space<vmem>>, vector<1000x8xf32>
    %max3A = arith.constant 1.000000e+00 : f32
    %max3A_10 = vector.broadcast %max3A : f32 to vector<1000x1xf32>
    %max3A_11 = arith.maximumf %slice3A_6, %max3A_10 : vector<1000x1xf32>
    %div3A = vector.broadcast %max3A_11 : vector<1000x1xf32> to vector<1000x8xf32>
    %div3A_12 = arith.divf %slice3A_5, %div3A : vector<1000x8xf32>
    %sub3A = arith.subf %get3A_9, %div3A_12 : vector<1000x8xf32>
    %div3A_13 = arith.constant 1.000000e+00 : f32
    %div3A_14 = vector.broadcast %div3A_13 : f32 to vector<1000x8xf32>
    %div3A_15 = arith.divf %div3A_14, %slice3A : vector<1000x8xf32>
    %concatenate3A = tpu.concatenate %div3A_15, %div3A_15, %sub3A, %sub3A in 1 : vector<1000x8xf32>, vector<1000x8xf32>, vector<1000x8xf32>, vector<1000x8xf32> -> vector<1000x32xf32>
    %swap3A = arith.constant 0 : index
    %swap3A_16 = arith.constant 0 : index
    %swap3A_17 = vector.load %arg4[%swap3A, %swap3A_16] : memref<1000x32xf32, #tpu.memory_space<vmem>>, vector<1000x32xf32>
    tpu.vector_store %arg4[%swap3A, %swap3A_16], %concatenate3A {strides = array<i32>} : memref<1000x32xf32, #tpu.memory_space<vmem>>, vector<1000x32xf32>,
    return
  }
  func.func @transform_0(%arg0: i32) -> (i32, i32) {
    %c0_i32 = arith.constant 0 : i32
    %c0_i32_0 = arith.constant 0 : i32
    return %arg0, %c0_i32 : i32, i32
  }
  func.func @transform_1(%arg0: i32) -> (i32, i32) {
    %c0_i32 = arith.constant 0 : i32
    %c0_i32_0 = arith.constant 0 : i32
    return %arg0, %c0_i32 : i32, i32
  }
  func.func @transform_2(%arg0: i32) -> (i32, i32) {
    %c0_i32 = arith.constant 0 : i32
    %c0_i32_0 = arith.constant 0 : i32
    return %arg0, %c0_i32 : i32, i32
  }
  func.func @transform_3(%arg0: i32) -> (i32, i32) {
    %c0_i32 = arith.constant 0 : i32
    %c0_i32_0 = arith.constant 0 : i32
    return %arg0, %c0_i32 : i32, i32
  }
}

module attributes {stable_mosaic.version = 14 : i64} {
  func.func @_ffn_body(%arg0: i32, %arg1: memref<1000x128xf32, #tpu.memory_space<vmem>>, %arg2: memref<1000x128xf32, #tpu.memory_space<vmem>>, %arg3: memref<1000x128xf32, #tpu.memory_space<vmem>>, %arg4: memref<128x256xf32, #tpu.memory_space<vmem>>, %arg5: memref<128x256xf32, #tpu.memory_space<vmem>>, %arg6: memref<256xf32, #tpu.memory_space<vmem>>, %arg7: memref<256x128xf32, #tpu.memory_space<vmem>>, %arg8: memref<128xf32, #tpu.memory_space<vmem>>, %arg9: memref<1000x128xf32, #tpu.memory_space<vmem>>) attributes {dimension_semantics = [#tpu.dimension_semantics<arbitrary>], iteration_bounds = array<i64: 10>, scalar_prefetch = 0 : i64, scratch_operands = 0 : i64, tpu.core_type = #tpu.core_type<tc>, window_params = [{transform_indices = @transform_0, window_bounds = array<i64: 1000, 128>}, {transform_indices = @transform_1, window_bounds = array<i64: 1000, 128>}, {transform_indices = @transform_2, window_bounds = array<i64: 1000, 128>}, {pipeline_mode = #tpu.pipeline_mode<synchronous>, transform_indices = @transform_3, window_bounds = array<i64: 128, 256>}, {pipeline_mode = #tpu.pipeline_mode<synchronous>, transform_indices = @transform_4, window_bounds = array<i64: 128, 256>}, {pipeline_mode = #tpu.pipeline_mode<synchronous>, transform_indices = @transform_5, window_bounds = array<i64: 256>}, {pipeline_mode = #tpu.pipeline_mode<synchronous>, transform_indices = @transform_6, window_bounds = array<i64: 256, 128>}, {pipeline_mode = #tpu.pipeline_mode<synchronous>, transform_indices = @transform_7, window_bounds = array<i64: 128>}, {transform_indices = @transform_8, window_bounds = array<i64: 1000, 128>}]} {
    %get3A = arith.constant 0 : index
    %get3A_0 = arith.constant 0 : index
    %get3A_1 = vector.load %arg2[%get3A, %get3A_0] : memref<1000x128xf32, #tpu.memory_space<vmem>>, vector<1000x128xf32>
    %get3A_2 = arith.constant 0 : index
    %get3A_3 = arith.constant 0 : index
    %get3A_4 = vector.load %arg3[%get3A_2, %get3A_3] : memref<1000x128xf32, #tpu.memory_space<vmem>>, vector<1000x128xf32>
    %add3A = arith.addf %get3A_1, %get3A_4 : vector<1000x128xf32>
    %get3A_5 = arith.constant 0 : index
    %get3A_6 = arith.constant 0 : index
    %get3A_7 = vector.load %arg1[%get3A_5, %get3A_6] : memref<1000x128xf32, #tpu.memory_space<vmem>>, vector<1000x128xf32>
    %get3A_8 = arith.constant 0 : index
    %get3A_9 = arith.constant 0 : index
    %get3A_10 = vector.load %arg4[%get3A_8, %get3A_9] : memref<128x256xf32, #tpu.memory_space<vmem>>, vector<128x256xf32>
    %dot_general3A = arith.constant dense<0.000000e+00> : vector<1000x256xf32>
    %dot_general3A_11 = tpu.matmul %get3A_7, %get3A_10, %dot_general3A {dimension_numbers = #tpu.dot_dimension_numbers<[1], [0], [0], [1], [0, 0, 1, 1], [], []>, transpose_lhs_hint = false} : vector<1000x128xf32>, vector<128x256xf32>, vector<1000x256xf32> -> vector<1000x256xf32>
    %get3A_12 = arith.constant 0 : index
    %get3A_13 = arith.constant 0 : index
    %get3A_14 = vector.load %arg5[%get3A_12, %get3A_13] : memref<128x256xf32, #tpu.memory_space<vmem>>, vector<128x256xf32>
    %dot_general3A_15 = arith.constant dense<0.000000e+00> : vector<1000x256xf32>
    %dot_general3A_16 = tpu.matmul %add3A, %get3A_14, %dot_general3A_15 {dimension_numbers = #tpu.dot_dimension_numbers<[1], [0], [0], [1], [0, 0, 1, 1], [], []>, transpose_lhs_hint = false} : vector<1000x128xf32>, vector<128x256xf32>, vector<1000x256xf32> -> vector<1000x256xf32>
    %add3A_17 = arith.addf %dot_general3A_11, %dot_general3A_16 : vector<1000x256xf32>
    %get3A_18 = arith.constant 0 : index
    %get3A_19 = vector.load %arg6[%get3A_18] : memref<256xf32, #tpu.memory_space<vmem>>, vector<256xf32>
    %broadcast_in_dim3A = vector.shape_cast %get3A_19 : vector<256xf32> to vector<1x256xf32>
    %add3A_20 = vector.broadcast %broadcast_in_dim3A : vector<1x256xf32> to vector<1000x256xf32>
    %add3A_21 = arith.addf %add3A_17, %add3A_20 : vector<1000x256xf32>
    %mul3A = arith.constant 5.000000e-01 : f32
    %mul3A_22 = vector.broadcast %mul3A : f32 to vector<1000x256xf32>
    %mul3A_23 = arith.mulf %mul3A_22, %add3A_21 : vector<1000x256xf32>
    %mul3A_24 = arith.constant 0.707106769 : f32
    %mul3A_25 = vector.broadcast %mul3A_24 : f32 to vector<1000x256xf32>
    %mul3A_26 = arith.mulf %add3A_21, %mul3A_25 : vector<1000x256xf32>
    %erf3A = math.erf %mul3A_26 : vector<1000x256xf32>
    %add3A_27 = arith.constant 1.000000e+00 : f32
    %add3A_28 = vector.broadcast %add3A_27 : f32 to vector<1000x256xf32>
    %add3A_29 = arith.addf %add3A_28, %erf3A : vector<1000x256xf32>
    %mul3A_30 = arith.mulf %mul3A_23, %add3A_29 : vector<1000x256xf32>
    %get3A_31 = arith.constant 0 : index
    %get3A_32 = arith.constant 0 : index
    %get3A_33 = vector.load %arg7[%get3A_31, %get3A_32] : memref<256x128xf32, #tpu.memory_space<vmem>>, vector<256x128xf32>
    %dot_general3A_34 = arith.constant dense<0.000000e+00> : vector<1000x128xf32>
    %dot_general3A_35 = tpu.matmul %mul3A_30, %get3A_33, %dot_general3A_34 {dimension_numbers = #tpu.dot_dimension_numbers<[1], [0], [0], [1], [0, 0, 1, 1], [], []>, transpose_lhs_hint = false} : vector<1000x256xf32>, vector<256x128xf32>, vector<1000x128xf32> -> vector<1000x128xf32>
    %get3A_36 = arith.constant 0 : index
    %get3A_37 = vector.load %arg8[%get3A_36] : memref<128xf32, #tpu.memory_space<vmem>>, vector<128xf32>
    %broadcast_in_dim3A_38 = vector.shape_cast %get3A_37 : vector<128xf32> to vector<1x128xf32>
    %add3A_39 = vector.broadcast %broadcast_in_dim3A_38 : vector<1x128xf32> to vector<1000x128xf32>
    %add3A_40 = arith.addf %dot_general3A_35, %add3A_39 : vector<1000x128xf32>
    %swap3A = arith.constant 0 : index
    %swap3A_41 = arith.constant 0 : index
    %swap3A_42 = vector.load %arg9[%swap3A, %swap3A_41] : memref<1000x128xf32, #tpu.memory_space<vmem>>, vector<1000x128xf32>
    tpu.vector_store %arg9[%swap3A, %swap3A_41], %add3A_40 {strides = array<i32>} : memref<1000x128xf32, #tpu.memory_space<vmem>>, vector<1000x128xf32>,
    return
  }
  func.func @transform_0(%arg0: i32) -> (i32, i32) {
    %c0_i32 = arith.constant 0 : i32
    %c0_i32_0 = arith.constant 0 : i32
    return %arg0, %c0_i32 : i32, i32
  }
  func.func @transform_1(%arg0: i32) -> (i32, i32) {
    %c0_i32 = arith.constant 0 : i32
    %c0_i32_0 = arith.constant 0 : i32
    return %arg0, %c0_i32 : i32, i32
  }
  func.func @transform_2(%arg0: i32) -> (i32, i32) {
    %c0_i32 = arith.constant 0 : i32
    %c0_i32_0 = arith.constant 0 : i32
    return %arg0, %c0_i32 : i32, i32
  }
  func.func @transform_3(%arg0: i32) -> (i32, i32) {
    %c0_i32 = arith.constant 0 : i32
    %c0_i32_0 = arith.constant 0 : i32
    %c0_i32_1 = arith.constant 0 : i32
    return %c0_i32, %c0_i32_0 : i32, i32
  }
  func.func @transform_4(%arg0: i32) -> (i32, i32) {
    %c0_i32 = arith.constant 0 : i32
    %c0_i32_0 = arith.constant 0 : i32
    %c0_i32_1 = arith.constant 0 : i32
    return %c0_i32, %c0_i32_0 : i32, i32
  }
  func.func @transform_5(%arg0: i32) -> i32 {
    %c0_i32 = arith.constant 0 : i32
    %c0_i32_0 = arith.constant 0 : i32
    return %c0_i32 : i32
  }
  func.func @transform_6(%arg0: i32) -> (i32, i32) {
    %c0_i32 = arith.constant 0 : i32
    %c0_i32_0 = arith.constant 0 : i32
    %c0_i32_1 = arith.constant 0 : i32
    return %c0_i32, %c0_i32_0 : i32, i32
  }
  func.func @transform_7(%arg0: i32) -> i32 {
    %c0_i32 = arith.constant 0 : i32
    %c0_i32_0 = arith.constant 0 : i32
    return %c0_i32 : i32
  }
  func.func @transform_8(%arg0: i32) -> (i32, i32) {
    %c0_i32 = arith.constant 0 : i32
    %c0_i32_0 = arith.constant 0 : i32
    return %arg0, %c0_i32 : i32, i32
  }
}

</mosaic_0001>

<sc_bundles>
// kernel: kernel.10.cloned.1.call-start
scs
__scs_entry_jumppad:
0x0: {  	(pc) =	sbr.rel $0x88, $3  }
0x1: {  	(tag) =	ssettag $0x0;
	lr =	simm.s32 $0x1  }
0x2: {  	[smem:$0x3F93] =	sst lr;
	_ =	strace $0xD0000000  }
0x3: {  	_ = 	snop  }
0x4: {  	_ = 	snop  }
0x5: {  	_ = 	snop  }
0x6: {  	_ = 	snop  }
0x7: {  	_ = 	snop  }
__scs_overlays_trampoline_lowered:
0x8: {  	[smem:$0x3FA2] =	sst s0  }
0x9: {  	[smem:$0x3FA3] =	sst s1  }
0xa: {  	[smem:$0x3FA4] =	sst s2  }
0xb: {  	[smem:$0x3FA5] =	sst s3  }
0xc: {  	[smem:$0x3FA6] =	sst s4  }
0xd: {  	[smem:$0x3FA7] =	sst s5  }
0xe: {  	[smem:$0x3FA8] =	sst s6  }
0xf: {  	[smem:$0x3FA9] =	sst s7  }
0x10: {  	[smem:$0x3FAA] =	sst s8  }
0x11: {  	[smem:$0x3FAB] =	sst s9;
	s0 =	simm.s32 @!p0 $0x0  }
0x12: {  	s1 =	sld [smem:$0x3F91];
	s0 =	simm.s32 @p0 $0x1  }
0x13: {  	[smem:$0x3FAC] =	sst s0;
	s0 =	simm.s32 @!p1 $0x0  }
0x14: {  	s2 =	sld [smem:$0x3F90];
	s0 =	simm.s32 @p1 $0x1  }
0x15: {  	[smem:$0x3FAD] =	sst s0;
	s0 =	simm.s32 @!p2 $0x0  }
0x16: {  	s3 =	sld [smem:$0x3FDB];
	s0 =	simm.s32 @p2 $0x1  }
0x17: {  	s4 =	simm.s32 $0x1BF5;
	[smem:$0x3FAF] =	sst s0  }
0x18: {  	s0 =	sld [smem:$0x3F92];
	_ =	swait.ge [sflag:s4], $0x0  }
0x19: {  	s7 =	sld [smem:$0x3F93]  }
0x1a: {  	s8 =	sadd.s32 $0xFFFFE003, lr  }
0x1b: {  	s9 =	sadd.s32 $0xFFFFFEF7, lr;
	s5 =	simm.s32 $0xFFFFFFFF;
	p2 =	slt.u32 s8, $0xFFFFF086  }
0x1c: {  	p1 =	slt.u32 s9, $0xF7A;
	s5 =	simm.s32 @!p2 $0x0  }
0x1d: {  	s5 =	simm.s32 @p1 $0x1;
	p0 =	seq.s32 s7, s2  }
0x1e: {  	s7 =	smul.u32 @!p0 $0xF7A, s2;
	p2 =	seq.s32 @!p0 s5, $0x0  }
0x1f: {  	s9 =	smul.u32 $0xF7A, s1;
	s8 =	simm.s32 @!p0 $0x1BF5;
	p2 =	por !p2, p0  }
0x20: {  	[sflag:s8] =	ssyncset.s32 @!p0 $0xFFFFF086;
	s6 =	sadd.s32 @!p0 s3, s7;
	s7 =	simm.s32 @!p0 $0x108  }
0x21: {  	s3 =	sadd.s32 s3, s9;
	s6 =	sadd.s32 @!p0 $0x88, s6;
	s7 =	simm.s32 @p2 $0x1082  }
0x22: {  	[simem:s7], [sflag:s8] =	dma.local @!p0 [hbm:s6], $0xF7A  }
0x23: {  	s9 =	sor.u32 $0xD0000000, s2;
	s6 =	simm.s32 $0x108;
	_ =	swait.ge @!p0 [sflag:s8], $0x0  }
0x24: {  	s3 =	sadd.s32 $0x88, s3;
	s6 =	simm.s32 @!p1 $0x1082;
	[sflag:s4] =	ssyncset.s32 $0xFFFFF086  }
0x25: {  	[simem:s6], [sflag:s4] =	dma.local [hbm:s3], $0xF7A  }
0x26: {  	[smem:$0x3F93] =	sst s1;
	(tag) =	ssettag s2;
	_ =	strace s9  }
0x27: {  	s1 =	sld [smem:$0x3FA3]  }
0x28: {  	s2 =	sld [smem:$0x3FA4]  }
0x29: {  	s4 =	sld [smem:$0x3FA6]  }
0x2a: {  	p0 =	seq.s32 s5, $0x0;
	s5 =	sld [smem:$0x3FA7]  }
0x2b: {  	s6 =	sld [smem:$0x3FA8]  }
0x2c: {  	s7 =	sld [smem:$0x3FA9]  }
0x2d: {  	s3 =	simm.s32 $0x108;
	s8 =	sld [smem:$0x3FAA]  }
0x2e: {  	s3 =	simm.s32 @!p0 $0x1082;
	s9 =	sld [smem:$0x3FAB]  }
0x2f: {  	lr =	sadd.s32 s0, s3;
	s0 =	sld [smem:$0x3FA2]  }
0x30: {  	s3 =	sld [smem:$0x3FA5]  }
0x31: {  	[smem:$0x3FAE] =	sst s10  }
0x32: {  	s10 =	sld [smem:$0x3FAC];
	_ =	sdelay $0x3  }
0x33: {  	p0 =	seq.s32 s10, $0x1;
	s10 =	sld [smem:$0x3FAE];
	_ =	sdelay $0x3  }
0x34: {  	[smem:$0x3FAE] =	sst s10  }
0x35: {  	s10 =	sld [smem:$0x3FAD];
	_ =	sdelay $0x3  }
0x36: {  	p1 =	seq.s32 s10, $0x1;
	s10 =	sld [smem:$0x3FAE];
	_ =	sdelay $0x3  }
0x37: {  	[smem:$0x3FAE] =	sst s10  }
0x38: {  	s10 =	sld [smem:$0x3FAF]  }
0x39: {  	_ = 	snop;
	(pc) =	sbr.ind lr, $3  }
0x3a: {  	_ = 	snop  }
0x3b: {  	_ = 	snop  }
0x3c: {  	p2 =	seq.s32 s10, $0x1;
	s10 =	sld [smem:$0x3FAE]  }
0x3d: {  	_ =	shalt  }
0x3e: {  	_ =	shalt  }
0x3f: {  	_ =	shalt  }
0x40: {  	_ =	shalt  }
0x41: {  	_ =	shalt  }
0x42: {  	_ =	shalt  }
0x43: {  	_ =	shalt  }
0x44: {  	_ =	shalt  }
0x45: {  	_ =	shalt  }
0x46: {  	_ =	shalt  }
0x47: {  	_ =	shalt  }
0x48: {  	_ =	shalt  }
0x49: {  	_ =	shalt  }
0x4a: {  	_ =	shalt  }
0x4b: {  	_ =	shalt  }
0x4c: {  	_ =	shalt  }
0x4d: {  	_ =	shalt  }
0x4e: {  	_ =	shalt  }
0x4f: {  	_ =	shalt  }
0x50: {  	_ =	shalt  }
0x51: {  	_ =	shalt  }
0x52: {  	_ =	shalt  }
0x53: {  	_ =	shalt  }
0x54: {  	_ =	shalt  }
0x55: {  	_ =	shalt  }
0x56: {  	_ =	shalt  }
0x57: {  	_ =	shalt  }
0x58: {  	_ =	shalt  }
0x59: {  	_ =	shalt  }
0x5a: {  	_ =	shalt  }
0x5b: {  	_ =	shalt  }
0x5c: {  	_ =	shalt  }
0x5d: {  	_ =	shalt  }
0x5e: {  	_ =	shalt  }
0x5f: {  	_ =	shalt  }
0x60: {  	_ =	shalt  }
0x61: {  	_ =	shalt  }
0x62: {  	_ =	shalt  }
0x63: {  	_ =	shalt  }
0x64: {  	_ =	shalt  }
0x65: {  	_ =	shalt  }
0x66: {  	_ =	shalt  }
0x67: {  	_ =	shalt  }
0x68: {  	_ =	shalt  }
0x69: {  	_ =	shalt  }
0x6a: {  	_ =	shalt  }
0x6b: {  	_ =	shalt  }
0x6c: {  	_ =	shalt  }
0x6d: {  	_ =	shalt  }
0x6e: {  	_ =	shalt  }
0x6f: {  	_ =	shalt  }
0x70: {  	_ =	shalt  }
0x71: {  	_ =	shalt  }
0x72: {  	_ =	shalt  }
0x73: {  	_ =	shalt  }
0x74: {  	_ =	shalt  }
0x75: {  	_ =	shalt  }
0x76: {  	_ =	shalt  }
0x77: {  	_ =	shalt  }
0x78: {  	_ =	shalt  }
0x79: {  	_ =	shalt  }
0x7a: {  	_ =	shalt  }
0x7b: {  	_ =	shalt  }
0x7c: {  	_ =	shalt  }
0x7d: {  	_ =	shalt  }
0x7e: {  	_ =	shalt  }
0x7f: {  	_ =	shalt  }
0x80: {  	_ =	shalt  }
0x81: {  	_ =	shalt  }
0x82: {  	_ =	shalt  }
0x83: {  	_ =	shalt  }
0x84: {  	_ =	shalt  }
0x85: {  	_ =	shalt  }
0x86: {  	_ =	shalt  }
0x87: {  	_ =	shalt  }
.Lfunc_end0:
.L_simem_size_0:
called_computation.1_lowered:
.L_overlay_start_0:
0x88: {  	s2 =	sld [smem:$0x3FD9]  }
0x89: {  	s3 =	sld [smem:$0x3FFE];
	_ =	sdelay $0x1  }
0x8a: {  	s1 =	srdreg.scid  }
0x8b: {  	s0 =	sand.u32 $0x1, s1  }
0x8c: {  	s17 =	sshll.u32 s0, $0xA;
	s2 =	sadd.s32 s3, s2  }
0x8d: {  	s2 =	sadd.s32 s2, s17  }
0x8e: {  	[smem:$0x3FBA] =	sst s2  }
0x8f: {  	_ = 	snop  }
0x90: {  	s2 =	sld [smem:$0x3FD0];
	(tm) =	ssettm $0x1  }
0x91: {  	s18 =	sld [smem:$0x3FFB];
	_ =	sdelay $0x3  }
0x92: {  	_ =	strace s18  }
0x93: {  	s3 =	sld [smem:$0x3FFC];
	_ =	sdelay $0x3  }
0x94: {  	_ =	strace s3  }
0x95: {  	s3 =	sld [smem:$0x3FFD];
	_ =	sdelay $0x3  }
0x96: {  	_ =	strace s3  }
0x97: {  	_ =	strace $0x8FFFFFFF  }
0x98: {  	s19 =	sld [smem:$0x3FDB];
	_ =	sdelay $0x1  }
0x99: {  	s4 =	simm.s32 $_scs_section_size  }
0x9a: {  	s5 =	simm.s32 $_size__tile_overlayer_lowered;
	s6 =	simm.s32 $_tile_overlayer_lowered  }
0x9b: {  	s22 =	simm.s32 $0x1BFF;
	s21 =	sshll.u32 s6, $0x1;
	s3 =	sadd.s32 s4, s19  }
0x9c: {  	s7 =	simm.s32 $0x0;
	s20 =	sshll.u32 s5, $0x1;
	s5 =	sadd.s32 s21, s3  }
0x9d: {  	[timem:s7], [sflag:s22] =	dma.local [hbm:s5], s20  }
0x9e: {  	_ =	swait.ge [sflag:s22], s20  }
0x9f: {  	s4 =	ssub.s32 $0x0, s20;
	[sflag:s22] =	ssyncset.done $0x0  }
0xa0: {  	[sflag:s22] =	ssyncadd.s32 s4;
	_ =	sdelay $0x1  }
0xa1: {  	s23 =	simm.s32 $0x1B8B  }
0xa2: {  	_ =	swait.ge [sflag:s23], $0x1  }
0xa3: {  	[sflag:s23] =	ssyncset.done $0x0  }
0xa4: {  	s25 =	simm.s32 $0x1B8E;
	s24 =	sld [smem:$0x3FFE];
	[sflag:s23] =	ssyncadd.s32 $0xFFFFFFFF  }
0xa5: {  	s26 =	simm.s32 $execute0_lowered;
	[smem:$0x3FD2] =	sst s25  }
0xa6: {  	s5 =	sshll.u32 s26, $0x1;
	_ =	strace $0x80000049;
	[dreg:$0x1] =	wrdreg $0xFFFFFFFF  }
0xa7: {  	s28 =	simm.s32 $_size_execute0_lowered;
	s3 =	sadd.s32 s3, s5;
	[dreg:$0x0] =	wrdreg $0x0  }
0xa8: {  	s5 =	sshll.u32 s28, $0x1;
	[dreg:$0x2] =	wrdreg s3  }
0xa9: {  	[dreg:$0x3] =	wrdreg s5  }
0xaa: {  	[dreg:$0x4] =	wrdreg $0xC0  }
0xab: {  	_ =	task [dreg:s7], $0x5FFFF  }
0xac: {  	[dreg:$0x1] =	wrdreg $0xFFFFFFFF  }
0xad: {  	[dreg:$0x0] =	wrdreg $0x60  }
0xae: {  	[dreg:$0x2] =	wrdreg s24  }
0xaf: {  	[dreg:$0x3] =	wrdreg s2  }
0xb0: {  	[dreg:$0x4] =	wrdreg $0x8F200  }
0xb1: {  	[dreg:$0x5] =	wrdreg $0x9  }
0xb2: {  	_ =	task.clear_ibuf [dreg:s7], $0x6FFFF;
	_ =	strace $0x90000049  }
0xb3: {  	s29 =	simm.s32 $0x9;
	_ =	strace $0x8000004B  }
0xb4: {  	_ =	swait.ge [sflag:s29], $0x1  }
0xb5: {  	[sflag:s29] =	ssyncadd.s32 $0xFFFFFFFF  }
0xb6: {  	_ =	strace $0x9000004B  }
0xb7: {  	_ =	sfence  }
0xb8: {  	s30 =	sld [smem:$0x0];
	_ =	sdelay $0x2  }
0xb9: {  	s31 =	sshll.u32 s1, $0xD;
	s1 =	sshrl.u32 s1, $0x2  }
0xba: {  	s3 =	sand.u32 $0x4000, s31;
	s1 =	sadd.s32 s1, s30  }
0xbb: {  	s0 =	sor.u32 s3, s0;
	s1 =	sshll.u32 s1, $0x11  }
0xbc: {  	s0 =	sor.u32 s1, s0  }
0xbd: {  	s0 =	sadd.s32 $0x8F2B, s0  }
0xbe: {  	[sflag:s0] =	ssyncadd.remote.s32 $0x1  }
0xbf: {  	_ =	sfence.sel $0xFFFF  }
0xc0: {  	[dreg:$0x0] =	wrdreg $0xFFFFFFFF;
	(pc) =	sbr.abs _section_cstart, $3  }
0xc1: {  	[dreg:$0x1] =	wrdreg $0xFFFFFFFF  }
0xc2: {  	_ =	task.clear_ibuf [dreg:s7], $0x2FFFF;
	_ =	strace $0x9FFFFFFF  }
0xc3: {  	(tm) =	ssettm $0x7FFFFFFF  }
tec
execute0_lowered:
.L_overlay_start_1:
0x0: {  	(tag) =	ssettag $0x1  }
0x1: {  	s0 =	rddreg [dreg:$0x0]  }
0x2: {  	s1 =	rddreg [dreg:$0x1]  }
0x3: {  	s2 =	rddreg [dreg:$0x2];
	s3 =	srdreg.scid  }
0x4: {  	s5 =	simm.s32 $0x0;
	s11 =	stileid.u32;
	s12 =	simm.s32 $0x7  }
0x5: {  	s16 =	simm.s32 $0x28;
	s17 =	simm.s32 $0x4E20;
	s18 =	simm.s32 $0x5820  }
0x6: {  	s19 =	simm.s32 $0x6220;
	s20 =	simm.s32 $0x8A20;
	s28 =	simm.s32 $0x5  }
0x7: {  	s29 =	simm.s32 $0x2;
	s30 =	simm.s32 $0x6;
	s31 =	simm.s32 $0x3  }
0x8: {  	s3 =	sand.u32 $0x1, s3;
	[smem:$0x7FF] =	sst s5;
	s5 =	sadd.s32 $0x2800, s0  }
0x9: {  	s6 =	sadd.s32 $0x39C00, s0;
	s9 =	sadd.s32 $0xC800, s0;
	s22 =	smul.u32 $0x14000, s11  }
0xa: {  	s26 =	sshll.u32 s11, $0x6;
	s4 =	sshll.u32 s3, $0x4;
	_ =	strace $0x8000004A  }
0xb: {  	s8 =	smul.u32 $0x28000, s3;
	[dreg:$0x4] =	wrdreg s9;
	s3 =	ssub.s32 $0x2, s3  }
0xc: {  	s14 =	sor.u32 $0x1C07, s26;
	s26 =	simm.s32 $0x1;
	s4 =	sor.u32 s11, s4  }
0xd: {  	s21 =	sshrl.u32 s3, $0x1;
	s24 =	sadd.s32 s22, s2;
	s25 =	sshrl.u32 s22, $0x3  }
0xe: {  	s22 =	simm.s32 $0x5D20;
	s7 =	smul.u32 $0x4E2, s4;
	s3 =	ssub.s32 s3, s21  }
0xf: {  	s10 =	smul.u32 $0xFA, s4;
	s15 =	sshrl.u32 s24, $0x3;
	s21 =	simm.s32 $0x5320  }
0x10: {  	s3 =	smax.u32 s3, $0x1;
	s7 =	sadd.s32 s7, s0;
	s0 =	sadd.s32 s8, s0  }
0x11: {  	[dreg:$0x7] =	wrdreg s3;
	s3 =	simm.s32 $0x0;
	s23 =	sadd.s32 $0x11600, s7  }
0x12: {  	s7 =	sadd.s32 $0x1B400, s7;
	s0 =	sadd.s32 $0xD6000, s0;
	[dreg:$0x5] =	wrdreg s23  }
0x13: {  	[dreg:$0x6] =	wrdreg s7;
	s23 =	simm.s32 $0x7620;
	s0 =	sadd.s32 s25, s0  }
0x14: {  	s25 =	simm.s32 $0x8CA0;
	[dreg:$0x8] =	wrdreg s0;
	s0 =	simm.s32 $0x4  }
.LBB2_1:
0x15: {  	s4 =	simm.s32 $0x0;
	s7 =	rddreg [dreg:$0x5]  }
0x16: {  	[tilespmem:s4], [sflag:$0x7] =	stream.linear.gather [hbm4b:s7+s4], $0x2710, $0x38;
	[tilespmem:$0x1CF20] =	vst v63  }
0x17: {  	_ =	swait.ge [sflag:s12], $0x2710  }
0x18: {  	[sflag:s12] =	ssyncset.done $0x0  }
0x19: {  	s8 =	simm.s32 $0x2710;
	s13 =	rddreg [dreg:$0x6];
	[sflag:s12] =	ssyncadd.s32 $0xFFFFD8F0  }
0x1a: {  	[tilespmem:s8], [sflag:$0x7] =	stream.linear.gather [hbm4b:s13+s4], $0x2710, $0x38;
	[tilespmem:$0x1CF20] =	vst v63  }
0x1b: {  	_ =	swait.ge [sflag:s12], $0x2710  }
0x1c: {  	[sflag:s12] =	ssyncset.done $0x0  }
0x1d: {  	s24 =	rddreg [dreg:$0x4];
	[sflag:s12] =	ssyncadd.s32 $0xFFFFD8F0  }
0x1e: {  	[spmem:s15], [sflag:s14] =	dma.local [hbm:s24], $0x2800  }
0x1f: {  	_ =	swait.ge [sflag:s12], $0x2800  }
0x20: {  	[sflag:s12] =	ssyncset.done $0x0  }
0x21: {  	[sflag:s12] =	ssyncadd.s32 $0xFFFFD800  }
0x22: {  	s13 =	simm.s32 $0x0;
	[bflag:$0x0] =	sbarrier.arrive $0xFFFF  }
.LBB2_2:
0x23: {  	s7 =	smul.u32 $0x50, s13  }
0x24: {  	s8 =	sshll.u32 s13, $0x1  }
0x25: {  	[tilespmem:s17], [sflag:$0x1] =	stream.indirect.gather [hbm4b:s5+s16], $0x20, s7, s16, $0xb8;
	[tilespmem:$0x1CF20] =	vst v63  }
0x26: {  	s8 =	sadd.s32 s10, s8;
	s4 =	sadd.s32 $0x2710, s7  }
0x27: {  	[tilespmem:s18], [sflag:$0x1] =	stream.indirect.gather [hbm4b:s5+s16], $0x20, s4, s16, $0xb8;
	[tilespmem:$0x1CF20] =	vst v63  }
0x28: {  	s9 =	sshllo.u32 s13, $0x1;
	s8 =	smul.u32 $0x50, s8  }
0x29: {  	[tilespmem:s19], [sflag:$0x1] =	stream.indirect.gather [hbm4b:s1+s16], $0x80, s4, s16, $0xb8;
	[tilespmem:$0x1CF20] =	vst v63  }
0x2a: {  	s24 =	sadd.s32 s6, s8;
	s8 =	simm.s32 $0x0;
	s4 =	smul.u32 $0x28, s9  }
0x2b: {  	[tilespmem:s20], [sflag:$0x5] =	stream.linear.gather [hbm4b:s24+s8], $0x280, $0x38;
	[tilespmem:$0x1CF20] =	vst v63  }
0x2c: {  	_ = 	snop  }
0x2d: {  	[tilespmem:s21], [sflag:$0x2] =	stream.indirect.gather [hbm4b:s5+s16], $0x20, s4, s16, $0xb8;
	[tilespmem:$0x1CF20] =	vst v63  }
0x2e: {  	s9 =	sadd.s32 s10, s9;
	s11 =	sadd.s32 $0x2710, s4  }
0x2f: {  	[tilespmem:s22], [sflag:$0x2] =	stream.indirect.gather [hbm4b:s5+s16], $0x20, s11, s16, $0xb8;
	[tilespmem:$0x1CF20] =	vst v63  }
0x30: {  	s9 =	smul.u32 $0x50, s9  }
0x31: {  	[tilespmem:s23], [sflag:$0x2] =	stream.indirect.gather [hbm4b:s1+s16], $0x80, s11, s16, $0xb8;
	[tilespmem:$0x1CF20] =	vst v63  }
0x32: {  	s9 =	sadd.s32 s6, s9  }
0x33: {  	[tilespmem:s25], [sflag:$0x6] =	stream.linear.gather [hbm4b:s9+s8], $0x280, $0x38;
	[tilespmem:$0x1CF20] =	vst v63  }
0x34: {  	_ =	swait.ge [sflag:s26], $0x500  }
0x35: {  	[sflag:s26] =	ssyncset.done $0x0  }
0x36: {  	[sflag:s26] =	ssyncadd.s32 $0xFFFFFB00  }
0x37: {  	_ =	swait.ge [sflag:s26], $0x500  }
0x38: {  	[sflag:s26] =	ssyncset.done $0x0  }
0x39: {  	[sflag:s26] =	ssyncadd.s32 $0xFFFFFB00  }
0x3a: {  	_ =	swait.ge [sflag:s26], $0x1400  }
0x3b: {  	[sflag:s26] =	ssyncset.done $0x0  }
0x3c: {  	[sflag:s26] =	ssyncadd.s32 $0xFFFFEC00  }
0x3d: {  	_ =	swait.ge [sflag:s28], $0x280  }
0x3e: {  	[sflag:s28] =	ssyncset.done $0x0  }
0x3f: {  	s11 =	simm.s32 $0x6420;
	s9 =	simm.s32 $0x8A60;
	[sflag:s28] =	ssyncadd.s32 $0xFFFFFD80  }
.LBB2_3:
0x40: {  	s24 =	sshra.s32 s8, $0x2  }
0x41: {  	v0 =	vld [tilespmem:s24+$0x4E30]  }
0x42: {  	v1 =	vld [tilespmem:s24+$0x5830];
	_ =	sdelay $0x4  }
0x43: {  	v0 =	vsub.f32 v1, v0;
	_ =	sdelay $0x1  }
0x44: {  	v0 =	vadd.f32 $0.0e+00, v0;
	_ =	sdelay $0x1  }
0x45: {  	v0 =	vmul.f32 $1.442695020e+00, v0;
	_ =	sdelay $0x1  }
0x46: {  	(erf) = vpow2.f32 v0  }
0x47: {  	v49 =	vld [tilespmem:s24+$0x4E50]  }
0x48: {  	v50 =	vld [tilespmem:s24+$0x5850];
	_ =	sdelay $0x4  }
0x49: {  	v0 =	vsub.f32 v50, v49;
	_ =	sdelay $0x1  }
0x4a: {  	v0 =	vadd.f32 $0.0e+00, v0;
	v51 =	vpop (erf)  }
0x4b: {  	v1 =	vadd.f32 $1.000000000e+00, v51  }
0x4c: {  	v0 =	vmul.f32 $1.442695020e+00, v0  }
0x4d: {  	(erf) = vrcp.f32 v1  }
0x4e: {  	(erf) = vpow2.f32 v0  }
0x4f: {  	v52 =	vld [tilespmem:s24+$0x4E70]  }
0x50: {  	v53 =	vld [tilespmem:s24+$0x5870];
	_ =	sdelay $0x4  }
0x51: {  	v0 =	vsub.f32 v53, v52  }
0x52: {  	v54 =	vpop (erf)  }
0x53: {  	v0 =	vadd.f32 $0.0e+00, v0;
	v2 =	vpop (erf)  }
0x54: {  	v2 =	vadd.f32 $1.000000000e+00, v2  }
0x55: {  	v0 =	vmul.f32 $1.442695020e+00, v0  }
0x56: {  	(erf) = vrcp.f32 v2  }
0x57: {  	(erf) = vpow2.f32 v0  }
0x58: {  	v55 =	vld [tilespmem:s24+$0x4E90]  }
0x59: {  	v56 =	vld [tilespmem:s24+$0x5890];
	_ =	sdelay $0x4  }
0x5a: {  	v0 =	vsub.f32 v56, v55  }
0x5b: {  	v57 =	vpop (erf)  }
0x5c: {  	v0 =	vadd.f32 $0.0e+00, v0;
	v3 =	vpop (erf)  }
0x5d: {  	v3 =	vadd.f32 $1.000000000e+00, v3  }
0x5e: {  	v0 =	vmul.f32 $1.442695020e+00, v0  }
0x5f: {  	(erf) = vrcp.f32 v3  }
0x60: {  	(erf) = vpow2.f32 v0  }
0x61: {  	v58 =	vld [tilespmem:s24+$0x4EB0]  }
0x62: {  	v59 =	vld [tilespmem:s24+$0x58B0];
	_ =	sdelay $0x4  }
0x63: {  	v0 =	vsub.f32 v59, v58  }
0x64: {  	v60 =	vpop (erf)  }
0x65: {  	v7 =	vld [tilespmem:s9+$0xFFFFFFC0];
	v0 =	vadd.f32 $0.0e+00, v0;
	v4 =	vpop (erf)  }
0x66: {  	v10 =	vld [tilespmem:s9+$0xFFFFFFD0];
	v4 =	vadd.f32 $1.000000000e+00, v4  }
0x67: {  	v29 =	vld [tilespmem:s9+$0xFFFFFFE0];
	v0 =	vmul.f32 $1.442695020e+00, v0  }
0x68: {  	v13 =	vld [tilespmem:s9+$0xFFFFFFF0];
	(erf) = vrcp.f32 v4  }
0x69: {  	v15 =	vld [tilespmem:s9+$0x0];
	(erf) = vpow2.f32 v0  }
0x6a: {  	v61 =	vld [tilespmem:s24+$0x4ED0]  }
0x6b: {  	v62 =	vld [tilespmem:s24+$0x58D0]  }
0x6c: {  	v17 =	vld [tilespmem:s9+$0x10]  }
0x6d: {  	v20 =	vld [tilespmem:s9+$0x20]  }
0x6e: {  	v22 =	vld [tilespmem:s9+$0x30]  }
0x6f: {  	v33 =	vld [tilespmem:s11+$0xFFFFFE80]  }
0x70: {  	v35 =	vld [tilespmem:s11+$0xFFFFFF00];
	v0 =	vsub.f32 v62, v61  }
0x71: {  	v37 =	vld [tilespmem:s11+$0xFFFFFF80];
	v63 =	vpop (erf)  }
0x72: {  	v23 =	vld [tilespmem:s24+$0x4EF0];
	v0 =	vadd.f32 $0.0e+00, v0;
	v5 =	vpop (erf)  }
0x73: {  	v24 =	vld [tilespmem:s24+$0x58F0];
	v5 =	vadd.f32 $1.000000000e+00, v5  }
0x74: {  	v26 =	vld [tilespmem:s24+$0x4F10];
	v0 =	vmul.f32 $1.442695020e+00, v0  }
0x75: {  	v27 =	vld [tilespmem:s24+$0x5910];
	(erf) = vrcp.f32 v5  }
0x76: {  	v11 =	vld [tilespmem:s24+$0x4E40];
	(erf) = vpow2.f32 v0  }
0x77: {  	v12 =	vld [tilespmem:s24+$0x4E60]  }
0x78: {  	v21 =	vld [tilespmem:s24+$0x4EE0]  }
0x79: {  	v14 =	vld [tilespmem:s24+$0x4E80]  }
0x7a: {  	v16 =	vld [tilespmem:s24+$0x4EA0]  }
0x7b: {  	v18 =	vld [tilespmem:s24+$0x4EC0]  }
0x7c: {  	v9 =	vld [tilespmem:s24+$0x4E20];
	v10 =	vmul.f32 v11, v10  }
0x7d: {  	v44 =	vmul.f32 v21, v20;
	v20 =	vld [tilespmem:s11+$0xFFFFFFA0];
	v0 =	vsub.f32 v24, v23  }
0x7e: {  	v32 =	vmul.f32 v12, v29;
	v49 =	vld [tilespmem:s11+$0xFFFFFE90];
	v1 =	vmul.f32 v10, v57;
	v25 =	vpop (erf)  }
0x7f: {  	v34 =	vmul.f32 v14, v13;
	v36 =	vmul.f32 v16, v15;
	v52 =	vld [tilespmem:s11+$0xFFFFFF90];
	v0 =	vadd.f32 $0.0e+00, v0;
	v6 =	vpop (erf)  }
0x80: {  	v38 =	vmul.f32 v18, v17;
	v51 =	vld [tilespmem:s11+$0xFFFFFF10];
	v42 =	vmul.f32 v33, v1;
	v6 =	vadd.f32 $1.000000000e+00, v6  }
0x81: {  	v30 =	vld [tilespmem:s24+$0x4F00];
	v2 =	vmul.f32 v32, v60;
	v0 =	vmul.f32 $1.442695020e+00, v0  }
0x82: {  	v16 =	vld [tilespmem:s11+$0xFFFFFEA0];
	v3 =	vmul.f32 v34, v63;
	(erf) = vrcp.f32 v6  }
0x83: {  	v18 =	vld [tilespmem:s11+$0xFFFFFF20];
	v57 =	vmul.f32 v49, v1;
	(erf) = vpow2.f32 v0  }
0x84: {  	[tilespmem:s11+$0xFFFFFE80] =	vst v42;
	v45 =	vmul.f32 v35, v2;
	v61 =	vmul.f32 v52, v3;
	v52 =	vld [tilespmem:s11+$0xFFFFFFC0]  }
0x85: {  	[tilespmem:s11+$0xFFFFFE90] =	vst v57;
	v59 =	vmul.f32 v51, v2;
	v29 =	vmul.f32 v20, v3;
	v20 =	vld [tilespmem:s11+$0xFFFFFFD0]  }
0x86: {  	[tilespmem:s11+$0xFFFFFF00] =	vst v45;
	v13 =	vmul.f32 v37, v3;
	v4 =	vmul.f32 v36, v25;
	v36 =	vld [tilespmem:s11+$0xFFFFFFB0]  }
0x87: {  	v39 =	vld [tilespmem:s11+$0x0];
	[tilespmem:s11+$0xFFFFFF10] =	vst v59  }
0x88: {  	v41 =	vld [tilespmem:s11+$0x80];
	[tilespmem:s11+$0xFFFFFF80] =	vst v13  }
0x89: {  	[tilespmem:s11+$0xFFFFFF90] =	vst v61;
	v61 =	vmul.f32 v52, v3;
	v25 =	vmul.f32 v16, v1;
	v16 =	vld [tilespmem:s11+$0xFFFFFED0]  }
0x8a: {  	[tilespmem:s11+$0xFFFFFFA0] =	vst v29;
	v29 =	vmul.f32 v20, v3;
	v0 =	vsub.f32 v27, v26;
	v27 =	vmul.f32 v18, v2;
	v18 =	vld [tilespmem:s11+$0xFFFFFF50]  }
0x8b: {  	[tilespmem:s11+$0xFFFFFFC0] =	vst v61;
	v45 =	vmul.f32 v36, v3;
	v36 =	vld [tilespmem:s11+$0xFFFFFFE0];
	v28 =	vpop (erf)  }
0x8c: {  	v56 =	vld [tilespmem:s11+$0x90];
	[tilespmem:s11+$0xFFFFFFD0] =	vst v29;
	v14 =	vmul.f32 v39, v4;
	v0 =	vadd.f32 $0.0e+00, v0;
	v8 =	vpop (erf)  }
0x8d: {  	v24 =	vld [tilespmem:s11+$0xA0];
	[tilespmem:s11+$0xFFFFFEA0] =	vst v25;
	v8 =	vadd.f32 $1.000000000e+00, v8  }
0x8e: {  	[tilespmem:s11+$0x0] =	vst v14;
	v25 =	vmul.f32 v16, v1;
	v0 =	vmul.f32 $1.442695020e+00, v0  }
0x8f: {  	v32 =	vld [tilespmem:s11+$0xFFFFFEB0];
	[tilespmem:s11+$0xFFFFFF20] =	vst v27;
	v5 =	vmul.f32 v38, v28;
	(erf) = vrcp.f32 v8  }
0x90: {  	v43 =	vld [tilespmem:s11+$0x100];
	[tilespmem:s11+$0xFFFFFFB0] =	vst v45;
	v27 =	vmul.f32 v18, v2;
	v45 =	vmul.f32 v36, v3  }
0x91: {  	[tilespmem:s11+$0xFFFFFED0] =	vst v25;
	v50 =	vmul.f32 v41, v5;
	v17 =	vmul.f32 v56, v5;
	v56 =	vld [tilespmem:s11+$0xC0]  }
0x92: {  	[tilespmem:s11+$0xFFFFFF50] =	vst v27;
	v33 =	vmul.f32 v24, v5;
	v24 =	vld [tilespmem:s11+$0xD0];
	(erf) = vpow2.f32 v0  }
0x93: {  	[tilespmem:s11+$0x80] =	vst v50;
	v50 =	vld [tilespmem:s11+$0xFFFFFF40]  }
0x94: {  	[tilespmem:s11+$0xFFFFFFE0] =	vst v45;
	v41 =	vmul.f32 v32, v1;
	v32 =	vld [tilespmem:s11+$0xFFFFFEE0]  }
0x95: {  	v52 =	vld [tilespmem:s11+$0xFFFFFFF0];
	[tilespmem:s11+$0x90] =	vst v17  }
0x96: {  	v58 =	vld [tilespmem:s11+$0x110];
	[tilespmem:s11+$0xA0] =	vst v33;
	v17 =	vmul.f32 v56, v5  }
0x97: {  	v34 =	vld [tilespmem:s11+$0xFFFFFF30];
	[tilespmem:s11+$0xFFFFFEB0] =	vst v41;
	v33 =	vmul.f32 v24, v5  }
0x98: {  	v26 =	vld [tilespmem:s11+$0x120];
	v59 =	vmul.f32 v50, v2;
	[tilespmem:s11+$0xC0] =	vst v17;
	v19 =	vpop (erf)  }
0x99: {  	v41 =	vmul.f32 v32, v1;
	[tilespmem:s11+$0xD0] =	vst v33;
	v6 =	vmul.f32 v44, v19  }
0x9a: {  	v42 =	vld [tilespmem:s11+$0x130];
	[tilespmem:s11+$0xFFFFFF40] =	vst v59;
	v59 =	vmul.f32 v52, v3  }
0x9b: {  	v31 =	vld [tilespmem:s11+$0xFFFFFE00];
	v7 =	vmul.f32 v9, v7;
	[tilespmem:s11+$0xFFFFFEE0] =	vst v41;
	v0 =	vpop (erf);
	v8 =	vmul.f32 v43, v6  }
0x9c: {  	v47 =	vld [tilespmem:s11+$0xFFFFFE10];
	v9 =	vmul.f32 v30, v22;
	[tilespmem:s11+$0xFFFFFFF0] =	vst v59;
	v0 =	vadd.f32 $1.000000000e+00, v0;
	v19 =	vmul.f32 v58, v6  }
0x9d: {  	v62 =	vld [tilespmem:s11+$0xFFFFFE20];
	v35 =	vmul.f32 v26, v6;
	v43 =	vmul.f32 v34, v2;
	[tilespmem:s11+$0x100] =	vst v8  }
0x9e: {  	v22 =	vld [tilespmem:s11+$0x20];
	(erf) = vrcp.f32 v0;
	v0 =	vmul.f32 v7, v54;
	[tilespmem:s11+$0x110] =	vst v19  }
0x9f: {  	v30 =	vld [tilespmem:s11+$0xFFFFFE30];
	v51 =	vmul.f32 v42, v6;
	[tilespmem:s11+$0x120] =	vst v35  }
0xa0: {  	v38 =	vld [tilespmem:s11+$0x30];
	[tilespmem:s11+$0xFFFFFF30] =	vst v43;
	v40 =	vmul.f32 v31, v0  }
0xa1: {  	v58 =	vld [tilespmem:s11+$0x140];
	[tilespmem:s11+$0x130] =	vst v51;
	v55 =	vmul.f32 v47, v0  }
0xa2: {  	v26 =	vld [tilespmem:s11+$0x150];
	v23 =	vmul.f32 v62, v0;
	[tilespmem:s11+$0xFFFFFE00] =	vst v40  }
0xa3: {  	v34 =	vld [tilespmem:s11+$0xFFFFFF60];
	v31 =	vmul.f32 v22, v4;
	[tilespmem:s11+$0xFFFFFE10] =	vst v55  }
0xa4: {  	v42 =	vld [tilespmem:s11+$0x160];
	v39 =	vmul.f32 v30, v0;
	[tilespmem:s11+$0xFFFFFE20] =	vst v23  }
0xa5: {  	v54 =	vld [tilespmem:s11+$0x10];
	v47 =	vmul.f32 v38, v4;
	[tilespmem:s11+$0x20] =	vst v31  }
0xa6: {  	v62 =	vld [tilespmem:s11+$0xFFFFFE50];
	[tilespmem:s11+$0xFFFFFE30] =	vst v39;
	v19 =	vmul.f32 v58, v6  }
0xa7: {  	v22 =	vld [tilespmem:s11+$0x50];
	[tilespmem:s11+$0x30] =	vst v47;
	v35 =	vmul.f32 v26, v6  }
0xa8: {  	v30 =	vld [tilespmem:s11+$0xFFFFFE60];
	v43 =	vmul.f32 v34, v2;
	[tilespmem:s11+$0x140] =	vst v19  }
0xa9: {  	v38 =	vld [tilespmem:s11+$0x60];
	v51 =	vmul.f32 v42, v6;
	[tilespmem:s11+$0x150] =	vst v35  }
0xaa: {  	v56 =	vld [tilespmem:s11+$0x170];
	v63 =	vmul.f32 v54, v4;
	[tilespmem:s11+$0xFFFFFF60] =	vst v43  }
0xab: {  	v40 =	vld [tilespmem:s11+$0xB0];
	[tilespmem:s11+$0x160] =	vst v51;
	v23 =	vmul.f32 v62, v0  }
0xac: {  	v54 =	vld [tilespmem:s11+$0x40];
	[tilespmem:s11+$0x10] =	vst v63;
	v31 =	vmul.f32 v22, v4  }
0xad: {  	v46 =	vld [tilespmem:s11+$0x180];
	v39 =	vmul.f32 v30, v0;
	[tilespmem:s11+$0xFFFFFE50] =	vst v23  }
0xae: {  	v60 =	vld [tilespmem:s11+$0x190];
	v47 =	vmul.f32 v38, v4;
	[tilespmem:s11+$0x50] =	vst v31  }
0xaf: {  	v28 =	vld [tilespmem:s11+$0x1A0];
	v62 =	vmul.f32 v56, v6;
	v48 =	vpop (erf);
	[tilespmem:s11+$0xFFFFFE60] =	vst v39  }
0xb0: {  	v58 =	vld [tilespmem:s11+$0x1F0];
	v49 =	vmul.f32 v40, v5;
	[tilespmem:s11+$0x60] =	vst v47;
	v7 =	vmul.f32 v9, v48  }
0xb1: {  	v44 =	vld [tilespmem:s11+$0x1B0];
	[tilespmem:s11+$0x170] =	vst v62;
	v63 =	vmul.f32 v54, v4  }
0xb2: {  	v40 =	vld [tilespmem:s11+$0xE0];
	[tilespmem:s11+$0xB0] =	vst v49;
	v53 =	vmul.f32 v46, v7  }
0xb3: {  	v48 =	vld [tilespmem:s11+$0xFFFFFEC0];
	v21 =	vmul.f32 v60, v7;
	[tilespmem:s11+$0x40] =	vst v63  }
0xb4: {  	v37 =	vmul.f32 v28, v7;
	v46 =	vld [tilespmem:s11+$0xFFFFFE40];
	[tilespmem:s11+$0x180] =	vst v53  }
0xb5: {  	v60 =	vld [tilespmem:s11+$0x1C0];
	v63 =	vmul.f32 v58, v7;
	[tilespmem:s11+$0x190] =	vst v21  }
0xb6: {  	v28 =	vld [tilespmem:s11+$0x1D0];
	[tilespmem:s11+$0x1A0] =	vst v37;
	v53 =	vmul.f32 v44, v7  }
0xb7: {  	v50 =	vld [tilespmem:s11+$0xFFFFFF70];
	v49 =	vmul.f32 v40, v5;
	[tilespmem:s11+$0x1F0] =	vst v63  }
0xb8: {  	v54 =	vld [tilespmem:s11+$0x70];
	v57 =	vmul.f32 v48, v1;
	[tilespmem:s11+$0x1B0] =	vst v53  }
0xb9: {  	v44 =	vld [tilespmem:s11+$0x1E0];
	[tilespmem:s11+$0xE0] =	vst v49;
	v55 =	vmul.f32 v46, v0  }
0xba: {  	v48 =	vld [tilespmem:s11+$0xFFFFFEF0];
	[tilespmem:s11+$0xFFFFFEC0] =	vst v57;
	v21 =	vmul.f32 v60, v7  }
0xbb: {  	v37 =	vmul.f32 v28, v7;
	v46 =	vld [tilespmem:s11+$0xFFFFFE70];
	[tilespmem:s11+$0xFFFFFE40] =	vst v55  }
0xbc: {  	v57 =	vmul.f32 v50, v2;
	[tilespmem:s11+$0x1C0] =	vst v21;
	v55 =	vld [tilespmem:s11+$0xF0]  }
0xbd: {  	v60 =	vmul.f32 v54, v4;
	[tilespmem:s11+$0x1D0] =	vst v37  }
0xbe: {  	p0 =	sne.s32 s8, $0x1000;
	v53 =	vmul.f32 v44, v7;
	[tilespmem:s11+$0xFFFFFF70] =	vst v57  }
.Ltmp0:
0xbf: {  	[tilespmem:s11+$0x70] =	vst v60;
	v1 =	vmul.f32 v48, v1;
	(pc) =	sbr.rel @p0 .LBB2_3-.Ltmp0, $4  }
0xc0: {  	[tilespmem:s11+$0x1E0] =	vst v53;
	v0 =	vmul.f32 v46, v0  }
0xc1: {  	[tilespmem:s11+$0xFFFFFEF0] =	vst v1;
	v61 =	vmul.f32 v55, v5  }
0xc2: {  	[tilespmem:s11+$0xFFFFFE70] =	vst v0  }
0xc3: {  	s9 =	sadd.s32 $0x80, s9;
	s8 =	sadd.s32 $0x400, s8;
	[tilespmem:s11+$0xF0] =	vst v61;
	s11 =	sadd.s32 $0x400, s11  }
0xc4: {  	[spmem:s2] =	stream.indirect.scatter.add.f32 [tilespmem:s19], [sflag:$0x3], $0x80, s7, s16, $0xb8;
	[tilespmem:$0x1CF20] =	vst v63  }
0xc5: {  	_ =	swait.ge [sflag:s29], $0x500  }
0xc6: {  	[sflag:s29] =	ssyncset.done $0x0  }
0xc7: {  	[sflag:s29] =	ssyncadd.s32 $0xFFFFFB00  }
0xc8: {  	_ =	swait.ge [sflag:s29], $0x500  }
0xc9: {  	[sflag:s29] =	ssyncset.done $0x0  }
0xca: {  	[sflag:s29] =	ssyncadd.s32 $0xFFFFFB00  }
0xcb: {  	_ =	swait.ge [sflag:s29], $0x1400  }
0xcc: {  	[sflag:s29] =	ssyncset.done $0x0  }
0xcd: {  	[sflag:s29] =	ssyncadd.s32 $0xFFFFEC00  }
0xce: {  	_ =	swait.ge [sflag:s30], $0x280  }
0xcf: {  	s7 =	simm.s32 $0x0;
	[sflag:s30] =	ssyncset.done $0x0  }
0xd0: {  	s8 =	simm.s32 $0x8CE0;
	s9 =	simm.s32 $0x7820;
	[sflag:s30] =	ssyncadd.s32 $0xFFFFFD80  }
.LBB2_5:
0xd1: {  	s11 =	sshra.s32 s7, $0x2  }
0xd2: {  	v0 =	vld [tilespmem:s11+$0x5330]  }
0xd3: {  	v1 =	vld [tilespmem:s11+$0x5D30];
	_ =	sdelay $0x4  }
0xd4: {  	v0 =	vsub.f32 v1, v0;
	_ =	sdelay $0x1  }
0xd5: {  	v0 =	vadd.f32 $0.0e+00, v0;
	_ =	sdelay $0x1  }
0xd6: {  	v0 =	vmul.f32 $1.442695020e+00, v0;
	_ =	sdelay $0x1  }
0xd7: {  	(erf) = vpow2.f32 v0  }
0xd8: {  	v49 =	vld [tilespmem:s11+$0x5350]  }
0xd9: {  	v50 =	vld [tilespmem:s11+$0x5D50];
	_ =	sdelay $0x4  }
0xda: {  	v0 =	vsub.f32 v50, v49;
	_ =	sdelay $0x1  }
0xdb: {  	v0 =	vadd.f32 $0.0e+00, v0;
	v51 =	vpop (erf)  }
0xdc: {  	v1 =	vadd.f32 $1.000000000e+00, v51  }
0xdd: {  	v0 =	vmul.f32 $1.442695020e+00, v0  }
0xde: {  	(erf) = vrcp.f32 v1  }
0xdf: {  	(erf) = vpow2.f32 v0  }
0xe0: {  	v52 =	vld [tilespmem:s11+$0x5370]  }
0xe1: {  	v53 =	vld [tilespmem:s11+$0x5D70];
	_ =	sdelay $0x4  }
0xe2: {  	v0 =	vsub.f32 v53, v52  }
0xe3: {  	v54 =	vpop (erf)  }
0xe4: {  	v0 =	vadd.f32 $0.0e+00, v0;
	v2 =	vpop (erf)  }
0xe5: {  	v2 =	vadd.f32 $1.000000000e+00, v2  }
0xe6: {  	v0 =	vmul.f32 $1.442695020e+00, v0  }
0xe7: {  	(erf) = vrcp.f32 v2  }
0xe8: {  	(erf) = vpow2.f32 v0  }
0xe9: {  	v55 =	vld [tilespmem:s11+$0x5390]  }
0xea: {  	v56 =	vld [tilespmem:s11+$0x5D90];
	_ =	sdelay $0x4  }
0xeb: {  	v0 =	vsub.f32 v56, v55  }
0xec: {  	v57 =	vpop (erf)  }
0xed: {  	v0 =	vadd.f32 $0.0e+00, v0;
	v3 =	vpop (erf)  }
0xee: {  	v3 =	vadd.f32 $1.000000000e+00, v3  }
0xef: {  	v0 =	vmul.f32 $1.442695020e+00, v0  }
0xf0: {  	(erf) = vrcp.f32 v3  }
0xf1: {  	(erf) = vpow2.f32 v0  }
0xf2: {  	v58 =	vld [tilespmem:s11+$0x53B0]  }
0xf3: {  	v59 =	vld [tilespmem:s11+$0x5DB0];
	_ =	sdelay $0x4  }
0xf4: {  	v0 =	vsub.f32 v59, v58  }
0xf5: {  	v60 =	vpop (erf)  }
0xf6: {  	v7 =	vld [tilespmem:s8+$0xFFFFFFC0];
	v0 =	vadd.f32 $0.0e+00, v0;
	v4 =	vpop (erf)  }
0xf7: {  	v10 =	vld [tilespmem:s8+$0xFFFFFFD0];
	v4 =	vadd.f32 $1.000000000e+00, v4  }
0xf8: {  	v29 =	vld [tilespmem:s8+$0xFFFFFFE0];
	v0 =	vmul.f32 $1.442695020e+00, v0  }
0xf9: {  	v13 =	vld [tilespmem:s8+$0xFFFFFFF0];
	(erf) = vrcp.f32 v4  }
0xfa: {  	v15 =	vld [tilespmem:s8+$0x0];
	(erf) = vpow2.f32 v0  }
0xfb: {  	v61 =	vld [tilespmem:s11+$0x53D0]  }
0xfc: {  	v62 =	vld [tilespmem:s11+$0x5DD0]  }
0xfd: {  	v17 =	vld [tilespmem:s8+$0x10]  }
0xfe: {  	v20 =	vld [tilespmem:s8+$0x20]  }
0xff: {  	v22 =	vld [tilespmem:s8+$0x30]  }
0x100: {  	v33 =	vld [tilespmem:s9+$0xFFFFFE80]  }
0x101: {  	v35 =	vld [tilespmem:s9+$0xFFFFFF00];
	v0 =	vsub.f32 v62, v61  }
0x102: {  	v37 =	vld [tilespmem:s9+$0xFFFFFF80];
	v63 =	vpop (erf)  }
0x103: {  	v23 =	vld [tilespmem:s11+$0x53F0];
	v0 =	vadd.f32 $0.0e+00, v0;
	v5 =	vpop (erf)  }
0x104: {  	v24 =	vld [tilespmem:s11+$0x5DF0];
	v5 =	vadd.f32 $1.000000000e+00, v5  }
0x105: {  	v26 =	vld [tilespmem:s11+$0x5410];
	v0 =	vmul.f32 $1.442695020e+00, v0  }
0x106: {  	v27 =	vld [tilespmem:s11+$0x5E10];
	(erf) = vrcp.f32 v5  }
0x107: {  	v11 =	vld [tilespmem:s11+$0x5340];
	(erf) = vpow2.f32 v0  }
0x108: {  	v12 =	vld [tilespmem:s11+$0x5360]  }
0x109: {  	v21 =	vld [tilespmem:s11+$0x53E0]  }
0x10a: {  	v14 =	vld [tilespmem:s11+$0x5380]  }
0x10b: {  	v16 =	vld [tilespmem:s11+$0x53A0]  }
0x10c: {  	v18 =	vld [tilespmem:s11+$0x53C0]  }
0x10d: {  	v9 =	vld [tilespmem:s11+$0x5320];
	v10 =	vmul.f32 v11, v10  }
0x10e: {  	v44 =	vmul.f32 v21, v20;
	v20 =	vld [tilespmem:s9+$0xFFFFFFA0];
	v0 =	vsub.f32 v24, v23  }
0x10f: {  	v32 =	vmul.f32 v12, v29;
	v49 =	vld [tilespmem:s9+$0xFFFFFE90];
	v1 =	vmul.f32 v10, v57;
	v25 =	vpop (erf)  }
0x110: {  	v34 =	vmul.f32 v14, v13;
	v36 =	vmul.f32 v16, v15;
	v52 =	vld [tilespmem:s9+$0xFFFFFF90];
	v0 =	vadd.f32 $0.0e+00, v0;
	v6 =	vpop (erf)  }
0x111: {  	v38 =	vmul.f32 v18, v17;
	v51 =	vld [tilespmem:s9+$0xFFFFFF10];
	v42 =	vmul.f32 v33, v1;
	v6 =	vadd.f32 $1.000000000e+00, v6  }
0x112: {  	v30 =	vld [tilespmem:s11+$0x5400];
	v2 =	vmul.f32 v32, v60;
	v0 =	vmul.f32 $1.442695020e+00, v0  }
0x113: {  	v16 =	vld [tilespmem:s9+$0xFFFFFEA0];
	v3 =	vmul.f32 v34, v63;
	(erf) = vrcp.f32 v6  }
0x114: {  	v18 =	vld [tilespmem:s9+$0xFFFFFF20];
	v57 =	vmul.f32 v49, v1;
	(erf) = vpow2.f32 v0  }
0x115: {  	[tilespmem:s9+$0xFFFFFE80] =	vst v42;
	v45 =	vmul.f32 v35, v2;
	v61 =	vmul.f32 v52, v3;
	v52 =	vld [tilespmem:s9+$0xFFFFFFC0]  }
0x116: {  	[tilespmem:s9+$0xFFFFFE90] =	vst v57;
	v59 =	vmul.f32 v51, v2;
	v29 =	vmul.f32 v20, v3;
	v20 =	vld [tilespmem:s9+$0xFFFFFFD0]  }
0x117: {  	[tilespmem:s9+$0xFFFFFF00] =	vst v45;
	v13 =	vmul.f32 v37, v3;
	v4 =	vmul.f32 v36, v25;
	v36 =	vld [tilespmem:s9+$0xFFFFFFB0]  }
0x118: {  	v39 =	vld [tilespmem:s9+$0x0];
	[tilespmem:s9+$0xFFFFFF10] =	vst v59  }
0x119: {  	v41 =	vld [tilespmem:s9+$0x80];
	[tilespmem:s9+$0xFFFFFF80] =	vst v13  }
0x11a: {  	[tilespmem:s9+$0xFFFFFF90] =	vst v61;
	v61 =	vmul.f32 v52, v3;
	v25 =	vmul.f32 v16, v1;
	v16 =	vld [tilespmem:s9+$0xFFFFFED0]  }
0x11b: {  	[tilespmem:s9+$0xFFFFFFA0] =	vst v29;
	v29 =	vmul.f32 v20, v3;
	v0 =	vsub.f32 v27, v26;
	v27 =	vmul.f32 v18, v2;
	v18 =	vld [tilespmem:s9+$0xFFFFFF50]  }
0x11c: {  	[tilespmem:s9+$0xFFFFFFC0] =	vst v61;
	v45 =	vmul.f32 v36, v3;
	v36 =	vld [tilespmem:s9+$0xFFFFFFE0];
	v28 =	vpop (erf)  }
0x11d: {  	v56 =	vld [tilespmem:s9+$0x90];
	[tilespmem:s9+$0xFFFFFFD0] =	vst v29;
	v14 =	vmul.f32 v39, v4;
	v0 =	vadd.f32 $0.0e+00, v0;
	v8 =	vpop (erf)  }
0x11e: {  	v24 =	vld [tilespmem:s9+$0xA0];
	[tilespmem:s9+$0xFFFFFEA0] =	vst v25;
	v8 =	vadd.f32 $1.000000000e+00, v8  }
0x11f: {  	[tilespmem:s9+$0x0] =	vst v14;
	v25 =	vmul.f32 v16, v1;
	v0 =	vmul.f32 $1.442695020e+00, v0  }
0x120: {  	v32 =	vld [tilespmem:s9+$0xFFFFFEB0];
	[tilespmem:s9+$0xFFFFFF20] =	vst v27;
	v5 =	vmul.f32 v38, v28;
	(erf) = vrcp.f32 v8  }
0x121: {  	v43 =	vld [tilespmem:s9+$0x100];
	[tilespmem:s9+$0xFFFFFFB0] =	vst v45;
	v27 =	vmul.f32 v18, v2;
	v45 =	vmul.f32 v36, v3  }
0x122: {  	[tilespmem:s9+$0xFFFFFED0] =	vst v25;
	v50 =	vmul.f32 v41, v5;
	v17 =	vmul.f32 v56, v5;
	v56 =	vld [tilespmem:s9+$0xC0]  }
0x123: {  	[tilespmem:s9+$0xFFFFFF50] =	vst v27;
	v33 =	vmul.f32 v24, v5;
	v24 =	vld [tilespmem:s9+$0xD0];
	(erf) = vpow2.f32 v0  }
0x124: {  	[tilespmem:s9+$0x80] =	vst v50;
	v50 =	vld [tilespmem:s9+$0xFFFFFF40]  }
0x125: {  	[tilespmem:s9+$0xFFFFFFE0] =	vst v45;
	v41 =	vmul.f32 v32, v1;
	v32 =	vld [tilespmem:s9+$0xFFFFFEE0]  }
0x126: {  	v52 =	vld [tilespmem:s9+$0xFFFFFFF0];
	[tilespmem:s9+$0x90] =	vst v17  }
0x127: {  	v58 =	vld [tilespmem:s9+$0x110];
	[tilespmem:s9+$0xA0] =	vst v33;
	v17 =	vmul.f32 v56, v5  }
0x128: {  	v34 =	vld [tilespmem:s9+$0xFFFFFF30];
	[tilespmem:s9+$0xFFFFFEB0] =	vst v41;
	v33 =	vmul.f32 v24, v5  }
0x129: {  	v26 =	vld [tilespmem:s9+$0x120];
	v59 =	vmul.f32 v50, v2;
	[tilespmem:s9+$0xC0] =	vst v17;
	v19 =	vpop (erf)  }
0x12a: {  	v41 =	vmul.f32 v32, v1;
	[tilespmem:s9+$0xD0] =	vst v33;
	v6 =	vmul.f32 v44, v19  }
0x12b: {  	v42 =	vld [tilespmem:s9+$0x130];
	[tilespmem:s9+$0xFFFFFF40] =	vst v59;
	v59 =	vmul.f32 v52, v3  }
0x12c: {  	v31 =	vld [tilespmem:s9+$0xFFFFFE00];
	v7 =	vmul.f32 v9, v7;
	[tilespmem:s9+$0xFFFFFEE0] =	vst v41;
	v0 =	vpop (erf);
	v8 =	vmul.f32 v43, v6  }
0x12d: {  	v47 =	vld [tilespmem:s9+$0xFFFFFE10];
	v9 =	vmul.f32 v30, v22;
	[tilespmem:s9+$0xFFFFFFF0] =	vst v59;
	v0 =	vadd.f32 $1.000000000e+00, v0;
	v19 =	vmul.f32 v58, v6  }
0x12e: {  	v62 =	vld [tilespmem:s9+$0xFFFFFE20];
	v35 =	vmul.f32 v26, v6;
	v43 =	vmul.f32 v34, v2;
	[tilespmem:s9+$0x100] =	vst v8  }
0x12f: {  	v22 =	vld [tilespmem:s9+$0x20];
	(erf) = vrcp.f32 v0;
	v0 =	vmul.f32 v7, v54;
	[tilespmem:s9+$0x110] =	vst v19  }
0x130: {  	v30 =	vld [tilespmem:s9+$0xFFFFFE30];
	v51 =	vmul.f32 v42, v6;
	[tilespmem:s9+$0x120] =	vst v35  }
0x131: {  	v38 =	vld [tilespmem:s9+$0x30];
	[tilespmem:s9+$0xFFFFFF30] =	vst v43;
	v40 =	vmul.f32 v31, v0  }
0x132: {  	v58 =	vld [tilespmem:s9+$0x140];
	[tilespmem:s9+$0x130] =	vst v51;
	v55 =	vmul.f32 v47, v0  }
0x133: {  	v26 =	vld [tilespmem:s9+$0x150];
	v23 =	vmul.f32 v62, v0;
	[tilespmem:s9+$0xFFFFFE00] =	vst v40  }
0x134: {  	v34 =	vld [tilespmem:s9+$0xFFFFFF60];
	v31 =	vmul.f32 v22, v4;
	[tilespmem:s9+$0xFFFFFE10] =	vst v55  }
0x135: {  	v42 =	vld [tilespmem:s9+$0x160];
	v39 =	vmul.f32 v30, v0;
	[tilespmem:s9+$0xFFFFFE20] =	vst v23  }
0x136: {  	v54 =	vld [tilespmem:s9+$0x10];
	v47 =	vmul.f32 v38, v4;
	[tilespmem:s9+$0x20] =	vst v31  }
0x137: {  	v62 =	vld [tilespmem:s9+$0xFFFFFE50];
	[tilespmem:s9+$0xFFFFFE30] =	vst v39;
	v19 =	vmul.f32 v58, v6  }
0x138: {  	v22 =	vld [tilespmem:s9+$0x50];
	[tilespmem:s9+$0x30] =	vst v47;
	v35 =	vmul.f32 v26, v6  }
0x139: {  	v30 =	vld [tilespmem:s9+$0xFFFFFE60];
	v43 =	vmul.f32 v34, v2;
	[tilespmem:s9+$0x140] =	vst v19  }
0x13a: {  	v38 =	vld [tilespmem:s9+$0x60];
	v51 =	vmul.f32 v42, v6;
	[tilespmem:s9+$0x150] =	vst v35  }
0x13b: {  	v56 =	vld [tilespmem:s9+$0x170];
	v63 =	vmul.f32 v54, v4;
	[tilespmem:s9+$0xFFFFFF60] =	vst v43  }
0x13c: {  	v40 =	vld [tilespmem:s9+$0xB0];
	[tilespmem:s9+$0x160] =	vst v51;
	v23 =	vmul.f32 v62, v0  }
0x13d: {  	v54 =	vld [tilespmem:s9+$0x40];
	[tilespmem:s9+$0x10] =	vst v63;
	v31 =	vmul.f32 v22, v4  }
0x13e: {  	v46 =	vld [tilespmem:s9+$0x180];
	v39 =	vmul.f32 v30, v0;
	[tilespmem:s9+$0xFFFFFE50] =	vst v23  }
0x13f: {  	v60 =	vld [tilespmem:s9+$0x190];
	v47 =	vmul.f32 v38, v4;
	[tilespmem:s9+$0x50] =	vst v31  }
0x140: {  	v28 =	vld [tilespmem:s9+$0x1A0];
	v62 =	vmul.f32 v56, v6;
	v48 =	vpop (erf);
	[tilespmem:s9+$0xFFFFFE60] =	vst v39  }
0x141: {  	v58 =	vld [tilespmem:s9+$0x1F0];
	v49 =	vmul.f32 v40, v5;
	[tilespmem:s9+$0x60] =	vst v47;
	v7 =	vmul.f32 v9, v48  }
0x142: {  	v44 =	vld [tilespmem:s9+$0x1B0];
	[tilespmem:s9+$0x170] =	vst v62;
	v63 =	vmul.f32 v54, v4  }
0x143: {  	v40 =	vld [tilespmem:s9+$0xE0];
	[tilespmem:s9+$0xB0] =	vst v49;
	v53 =	vmul.f32 v46, v7  }
0x144: {  	v48 =	vld [tilespmem:s9+$0xFFFFFEC0];
	v21 =	vmul.f32 v60, v7;
	[tilespmem:s9+$0x40] =	vst v63  }
0x145: {  	v37 =	vmul.f32 v28, v7;
	v46 =	vld [tilespmem:s9+$0xFFFFFE40];
	[tilespmem:s9+$0x180] =	vst v53  }
0x146: {  	v60 =	vld [tilespmem:s9+$0x1C0];
	v63 =	vmul.f32 v58, v7;
	[tilespmem:s9+$0x190] =	vst v21  }
0x147: {  	v28 =	vld [tilespmem:s9+$0x1D0];
	[tilespmem:s9+$0x1A0] =	vst v37;
	v53 =	vmul.f32 v44, v7  }
0x148: {  	v50 =	vld [tilespmem:s9+$0xFFFFFF70];
	v49 =	vmul.f32 v40, v5;
	[tilespmem:s9+$0x1F0] =	vst v63  }
0x149: {  	v54 =	vld [tilespmem:s9+$0x70];
	v57 =	vmul.f32 v48, v1;
	[tilespmem:s9+$0x1B0] =	vst v53  }
0x14a: {  	v44 =	vld [tilespmem:s9+$0x1E0];
	[tilespmem:s9+$0xE0] =	vst v49;
	v55 =	vmul.f32 v46, v0  }
0x14b: {  	v48 =	vld [tilespmem:s9+$0xFFFFFEF0];
	[tilespmem:s9+$0xFFFFFEC0] =	vst v57;
	v21 =	vmul.f32 v60, v7  }
0x14c: {  	v37 =	vmul.f32 v28, v7;
	v46 =	vld [tilespmem:s9+$0xFFFFFE70];
	[tilespmem:s9+$0xFFFFFE40] =	vst v55  }
0x14d: {  	v57 =	vmul.f32 v50, v2;
	[tilespmem:s9+$0x1C0] =	vst v21;
	v55 =	vld [tilespmem:s9+$0xF0]  }
0x14e: {  	v60 =	vmul.f32 v54, v4;
	[tilespmem:s9+$0x1D0] =	vst v37  }
0x14f: {  	p0 =	sne.s32 s7, $0x1000;
	v53 =	vmul.f32 v44, v7;
	[tilespmem:s9+$0xFFFFFF70] =	vst v57  }
.Ltmp1:
0x150: {  	[tilespmem:s9+$0x70] =	vst v60;
	v1 =	vmul.f32 v48, v1;
	(pc) =	sbr.rel @p0 .LBB2_5-.Ltmp1, $4  }
0x151: {  	[tilespmem:s9+$0x1E0] =	vst v53;
	v0 =	vmul.f32 v46, v0  }
0x152: {  	[tilespmem:s9+$0xFFFFFEF0] =	vst v1;
	v61 =	vmul.f32 v55, v5  }
0x153: {  	[tilespmem:s9+$0xFFFFFE70] =	vst v0  }
0x154: {  	s8 =	sadd.s32 $0x80, s8;
	s7 =	sadd.s32 $0x400, s7;
	[tilespmem:s9+$0xF0] =	vst v61;
	s9 =	sadd.s32 $0x400, s9  }
0x155: {  	[spmem:s2] =	stream.indirect.scatter.add.f32 [tilespmem:s23], [sflag:$0x4], $0x80, s4, s16, $0xb8;
	[tilespmem:$0x1CF20] =	vst v63  }
0x156: {  	s13 =	sadd.s32 $0x1, s13  }
0x157: {  	_ =	swait.ge [sflag:s31], $0x1400;
	p0 =	sne.s32 s13, $0x7D  }
.Ltmp2:
0x158: {  	[sflag:s31] =	ssyncset.done $0x0;
	(pc) =	sbr.rel @p0 .LBB2_2-.Ltmp2, $4  }
0x159: {  	[sflag:s31] =	ssyncadd.s32 $0xFFFFEC00  }
0x15a: {  	_ =	swait.ge [sflag:s0], $0x1400  }
0x15b: {  	[sflag:s0] =	ssyncset.done $0x0  }
0x15c: {  	[sflag:s0] =	ssyncadd.s32 $0xFFFFEC00  }
0x15d: {  	[bflag:$0x0] =	sbarrier.arrive $0xFFFF  }
0x15e: {  	s4 =	rddreg [dreg:$0x8]  }
0x15f: {  	[hbm:s4], [sflag:s14] =	dma.local [spmem:s15], $0x2800  }
0x160: {  	_ =	swait.ge [sflag:s12], $0x2800  }
0x161: {  	s3 =	sadd.s32 $0x1, s3;
	s24 =	rddreg [dreg:$0x7]  }
0x162: {  	p0 =	sne.s32 s3, s24  }
.Ltmp3:
0x163: {  	_ = 	snop;
	(pc) =	sbr.rel @p0 .LBB2_1-.Ltmp3, $3  }
0x164: {  	_ =	sdelay $0x1  }
0x165: {  	[sflag:s12] =	ssyncset.done $0x0  }
0x166: {  	[sflag:s12] =	ssyncadd.s32 $0xFFFFD800  }
0x167: {  	_ =	sfence.sel $0x180000  }
0x168: {  	[bflag:$0x0] =	sbarrier.arrive $0xFFFF  }
0x169: {  	_ =	strace $0x9000004A  }
0x16a: {  	s0 =	stileid.u32;
	[bflag:$0x2] =	sbarrier.arrive $0xFFFF  }
0x16b: {  	p0 =	sne.s32 s0, $0x0;
	s0 =	rddreg [dreg:$0x3]  }
0x16c: {  	s0 =	sadd.s32 @!p0 $0x100000, s0  }
0x16d: {  	[sflag:s0] =	ssyncadd.tile.s32 @!p0 $0x1;
	_ =	shalt  }
.Lfunc_end2:
_tile_overlayer_lowered:
.L_overlay_start_2:
0x16e: {  	(tag) =	ssettag $0x2  }
0x16f: {  	s0 =	rddreg [dreg:$0x0];
	s2 =	stileid.u32  }
0x170: {  	s1 =	rddreg [dreg:$0x1];
	p0 =	sne.s32 s2, $0x0  }
0x171: {  	s3 =	rddreg [dreg:$0x2];
	[bflag:$0x3] =	sbarrier.arrive $0xFFFF;
	s2 =	simm.s32 @!p0 $0x1C07  }
0x172: {  	[timem:s3], [sflag:s2] =	dma.local @!p0 [hbm:s0], s1  }
0x173: {  	s0 =	simm.s32 @!p0 $0x7  }
0x174: {  	_ =	swait.ge @!p0 [sflag:s0], s1  }
0x175: {  	s1 =	ssub.s32 @!p0 $0x0, s1;
	[sflag:s0] =	ssyncset.done @!p0 $0x0  }
0x176: {  	[sflag:s0] =	ssyncadd.s32 @!p0 s1  }
0x177: {  	[bflag:$0x3] =	sbarrier.arrive $0xFFFF  }
0x178: {  	_ =	shalt  }

// kernel: kernel.7.cloned.1.call-start
scs
__scs_entry_jumppad:
0x0: {  	(pc) =	sbr.rel $0x88, $3  }
0x1: {  	(tag) =	ssettag $0x0;
	lr =	simm.s32 $0x1  }
0x2: {  	[smem:$0x3F93] =	sst lr;
	_ =	strace $0xD0000000  }
0x3: {  	_ = 	snop  }
0x4: {  	_ = 	snop  }
0x5: {  	_ = 	snop  }
0x6: {  	_ = 	snop  }
0x7: {  	_ = 	snop  }
__scs_overlays_trampoline_lowered:
0x8: {  	[smem:$0x3FA2] =	sst s0  }
0x9: {  	[smem:$0x3FA3] =	sst s1  }
0xa: {  	[smem:$0x3FA4] =	sst s2  }
0xb: {  	[smem:$0x3FA5] =	sst s3  }
0xc: {  	[smem:$0x3FA6] =	sst s4  }
0xd: {  	[smem:$0x3FA7] =	sst s5  }
0xe: {  	[smem:$0x3FA8] =	sst s6  }
0xf: {  	[smem:$0x3FA9] =	sst s7  }
0x10: {  	[smem:$0x3FAA] =	sst s8  }
0x11: {  	[smem:$0x3FAB] =	sst s9;
	s0 =	simm.s32 @!p0 $0x0  }
0x12: {  	s1 =	sld [smem:$0x3F91];
	s0 =	simm.s32 @p0 $0x1  }
0x13: {  	[smem:$0x3FAC] =	sst s0;
	s0 =	simm.s32 @!p1 $0x0  }
0x14: {  	s2 =	sld [smem:$0x3F90];
	s0 =	simm.s32 @p1 $0x1  }
0x15: {  	[smem:$0x3FAD] =	sst s0;
	s0 =	simm.s32 @!p2 $0x0  }
0x16: {  	s3 =	sld [smem:$0x3FDB];
	s0 =	simm.s32 @p2 $0x1  }
0x17: {  	s4 =	simm.s32 $0x1BF5;
	[smem:$0x3FAF] =	sst s0  }
0x18: {  	s0 =	sld [smem:$0x3F92];
	_ =	swait.ge [sflag:s4], $0x0  }
0x19: {  	s7 =	sld [smem:$0x3F93]  }
0x1a: {  	s8 =	sadd.s32 $0xFFFFE003, lr  }
0x1b: {  	s9 =	sadd.s32 $0xFFFFFEF7, lr;
	s5 =	simm.s32 $0xFFFFFFFF;
	p2 =	slt.u32 s8, $0xFFFFF086  }
0x1c: {  	p1 =	slt.u32 s9, $0xF7A;
	s5 =	simm.s32 @!p2 $0x0  }
0x1d: {  	s5 =	simm.s32 @p1 $0x1;
	p0 =	seq.s32 s7, s2  }
0x1e: {  	s7 =	smul.u32 @!p0 $0xF7A, s2;
	p2 =	seq.s32 @!p0 s5, $0x0  }
0x1f: {  	s9 =	smul.u32 $0xF7A, s1;
	s8 =	simm.s32 @!p0 $0x1BF5;
	p2 =	por !p2, p0  }
0x20: {  	[sflag:s8] =	ssyncset.s32 @!p0 $0xFFFFF086;
	s6 =	sadd.s32 @!p0 s3, s7;
	s7 =	simm.s32 @!p0 $0x108  }
0x21: {  	s3 =	sadd.s32 s3, s9;
	s6 =	sadd.s32 @!p0 $0x88, s6;
	s7 =	simm.s32 @p2 $0x1082  }
0x22: {  	[simem:s7], [sflag:s8] =	dma.local @!p0 [hbm:s6], $0xF7A  }
0x23: {  	s9 =	sor.u32 $0xD0000000, s2;
	s6 =	simm.s32 $0x108;
	_ =	swait.ge @!p0 [sflag:s8], $0x0  }
0x24: {  	s3 =	sadd.s32 $0x88, s3;
	s6 =	simm.s32 @!p1 $0x1082;
	[sflag:s4] =	ssyncset.s32 $0xFFFFF086  }
0x25: {  	[simem:s6], [sflag:s4] =	dma.local [hbm:s3], $0xF7A  }
0x26: {  	[smem:$0x3F93] =	sst s1;
	(tag) =	ssettag s2;
	_ =	strace s9  }
0x27: {  	s1 =	sld [smem:$0x3FA3]  }
0x28: {  	s2 =	sld [smem:$0x3FA4]  }
0x29: {  	s4 =	sld [smem:$0x3FA6]  }
0x2a: {  	p0 =	seq.s32 s5, $0x0;
	s5 =	sld [smem:$0x3FA7]  }
0x2b: {  	s6 =	sld [smem:$0x3FA8]  }
0x2c: {  	s7 =	sld [smem:$0x3FA9]  }
0x2d: {  	s3 =	simm.s32 $0x108;
	s8 =	sld [smem:$0x3FAA]  }
0x2e: {  	s3 =	simm.s32 @!p0 $0x1082;
	s9 =	sld [smem:$0x3FAB]  }
0x2f: {  	lr =	sadd.s32 s0, s3;
	s0 =	sld [smem:$0x3FA2]  }
0x30: {  	s3 =	sld [smem:$0x3FA5]  }
0x31: {  	[smem:$0x3FAE] =	sst s10  }
0x32: {  	s10 =	sld [smem:$0x3FAC];
	_ =	sdelay $0x3  }
0x33: {  	p0 =	seq.s32 s10, $0x1;
	s10 =	sld [smem:$0x3FAE];
	_ =	sdelay $0x3  }
0x34: {  	[smem:$0x3FAE] =	sst s10  }
0x35: {  	s10 =	sld [smem:$0x3FAD];
	_ =	sdelay $0x3  }
0x36: {  	p1 =	seq.s32 s10, $0x1;
	s10 =	sld [smem:$0x3FAE];
	_ =	sdelay $0x3  }
0x37: {  	[smem:$0x3FAE] =	sst s10  }
0x38: {  	s10 =	sld [smem:$0x3FAF]  }
0x39: {  	_ = 	snop;
	(pc) =	sbr.ind lr, $3  }
0x3a: {  	_ = 	snop  }
0x3b: {  	_ = 	snop  }
0x3c: {  	p2 =	seq.s32 s10, $0x1;
	s10 =	sld [smem:$0x3FAE]  }
0x3d: {  	_ =	shalt  }
0x3e: {  	_ =	shalt  }
0x3f: {  	_ =	shalt  }
0x40: {  	_ =	shalt  }
0x41: {  	_ =	shalt  }
0x42: {  	_ =	shalt  }
0x43: {  	_ =	shalt  }
0x44: {  	_ =	shalt  }
0x45: {  	_ =	shalt  }
0x46: {  	_ =	shalt  }
0x47: {  	_ =	shalt  }
0x48: {  	_ =	shalt  }
0x49: {  	_ =	shalt  }
0x4a: {  	_ =	shalt  }
0x4b: {  	_ =	shalt  }
0x4c: {  	_ =	shalt  }
0x4d: {  	_ =	shalt  }
0x4e: {  	_ =	shalt  }
0x4f: {  	_ =	shalt  }
0x50: {  	_ =	shalt  }
0x51: {  	_ =	shalt  }
0x52: {  	_ =	shalt  }
0x53: {  	_ =	shalt  }
0x54: {  	_ =	shalt  }
0x55: {  	_ =	shalt  }
0x56: {  	_ =	shalt  }
0x57: {  	_ =	shalt  }
0x58: {  	_ =	shalt  }
0x59: {  	_ =	shalt  }
0x5a: {  	_ =	shalt  }
0x5b: {  	_ =	shalt  }
0x5c: {  	_ =	shalt  }
0x5d: {  	_ =	shalt  }
0x5e: {  	_ =	shalt  }
0x5f: {  	_ =	shalt  }
0x60: {  	_ =	shalt  }
0x61: {  	_ =	shalt  }
0x62: {  	_ =	shalt  }
0x63: {  	_ =	shalt  }
0x64: {  	_ =	shalt  }
0x65: {  	_ =	shalt  }
0x66: {  	_ =	shalt  }
0x67: {  	_ =	shalt  }
0x68: {  	_ =	shalt  }
0x69: {  	_ =	shalt  }
0x6a: {  	_ =	shalt  }
0x6b: {  	_ =	shalt  }
0x6c: {  	_ =	shalt  }
0x6d: {  	_ =	shalt  }
0x6e: {  	_ =	shalt  }
0x6f: {  	_ =	shalt  }
0x70: {  	_ =	shalt  }
0x71: {  	_ =	shalt  }
0x72: {  	_ =	shalt  }
0x73: {  	_ =	shalt  }
0x74: {  	_ =	shalt  }
0x75: {  	_ =	shalt  }
0x76: {  	_ =	shalt  }
0x77: {  	_ =	shalt  }
0x78: {  	_ =	shalt  }
0x79: {  	_ =	shalt  }
0x7a: {  	_ =	shalt  }
0x7b: {  	_ =	shalt  }
0x7c: {  	_ =	shalt  }
0x7d: {  	_ =	shalt  }
0x7e: {  	_ =	shalt  }
0x7f: {  	_ =	shalt  }
0x80: {  	_ =	shalt  }
0x81: {  	_ =	shalt  }
0x82: {  	_ =	shalt  }
0x83: {  	_ =	shalt  }
0x84: {  	_ =	shalt  }
0x85: {  	_ =	shalt  }
0x86: {  	_ =	shalt  }
0x87: {  	_ =	shalt  }
.Lfunc_end0:
.L_simem_size_0:
called_computation_lowered:
.L_overlay_start_0:
0x88: {  	s2 =	sld [smem:$0x3FD9]  }
0x89: {  	s3 =	sld [smem:$0x3FFE];
	_ =	sdelay $0x1  }
0x8a: {  	s1 =	srdreg.scid  }
0x8b: {  	s0 =	sand.u32 $0x1, s1  }
0x8c: {  	s16 =	sshll.u32 s0, $0xA;
	s2 =	sadd.s32 s3, s2  }
0x8d: {  	s2 =	sadd.s32 s2, s16  }
0x8e: {  	[smem:$0x3FBA] =	sst s2  }
0x8f: {  	_ = 	snop  }
0x90: {  	(tm) =	ssettm $0x1  }
0x91: {  	s17 =	sld [smem:$0x3FFB];
	_ =	sdelay $0x3  }
0x92: {  	_ =	strace s17  }
0x93: {  	s2 =	sld [smem:$0x3FFC];
	_ =	sdelay $0x3  }
0x94: {  	_ =	strace s2  }
0x95: {  	s2 =	sld [smem:$0x3FFD];
	_ =	sdelay $0x3  }
0x96: {  	_ =	strace s2  }
0x97: {  	_ =	strace $0x8FFFFFFF  }
0x98: {  	s18 =	sld [smem:$0x3FDB];
	_ =	sdelay $0x1  }
0x99: {  	s19 =	simm.s32 $_scs_section_size  }
0x9a: {  	s4 =	simm.s32 $_size__tile_overlayer_lowered;
	s5 =	simm.s32 $_tile_overlayer_lowered  }
0x9b: {  	s22 =	simm.s32 $0x1BFF;
	s21 =	sshll.u32 s5, $0x1;
	s2 =	sadd.s32 s19, s18  }
0x9c: {  	s6 =	simm.s32 $0x0;
	s20 =	sshll.u32 s4, $0x1;
	s4 =	sadd.s32 s21, s2  }
0x9d: {  	[timem:s6], [sflag:s22] =	dma.local [hbm:s4], s20  }
0x9e: {  	_ =	swait.ge [sflag:s22], s20  }
0x9f: {  	s3 =	ssub.s32 $0x0, s20;
	[sflag:s22] =	ssyncset.done $0x0  }
0xa0: {  	[sflag:s22] =	ssyncadd.s32 s3;
	_ =	sdelay $0x1  }
0xa1: {  	s23 =	simm.s32 $0x1B8B  }
0xa2: {  	_ =	swait.ge [sflag:s23], $0x1  }
0xa3: {  	[sflag:s23] =	ssyncset.done $0x0  }
0xa4: {  	s25 =	simm.s32 $0x1B8E;
	s24 =	sld [smem:$0x3FFE];
	[sflag:s23] =	ssyncadd.s32 $0xFFFFFFFF  }
0xa5: {  	s26 =	simm.s32 $execute0_lowered;
	[smem:$0x3FD2] =	sst s25  }
0xa6: {  	s4 =	sshll.u32 s26, $0x1;
	_ =	strace $0x80000046;
	[dreg:$0x1] =	wrdreg $0xFFFFFFFF  }
0xa7: {  	s28 =	simm.s32 $_size_execute0_lowered;
	s2 =	sadd.s32 s2, s4;
	[dreg:$0x0] =	wrdreg $0x0  }
0xa8: {  	s4 =	sshll.u32 s28, $0x1;
	[dreg:$0x2] =	wrdreg s2  }
0xa9: {  	[dreg:$0x3] =	wrdreg s4  }
0xaa: {  	[dreg:$0x4] =	wrdreg $0xC0  }
0xab: {  	_ =	task [dreg:s6], $0x5FFFF  }
0xac: {  	[dreg:$0x1] =	wrdreg $0xFFFFFFFF  }
0xad: {  	[dreg:$0x0] =	wrdreg $0x60  }
0xae: {  	[dreg:$0x2] =	wrdreg s24  }
0xaf: {  	[dreg:$0x3] =	wrdreg $0x6C200  }
0xb0: {  	[dreg:$0x4] =	wrdreg $0x9  }
0xb1: {  	_ =	task.clear_ibuf [dreg:s6], $0x5FFFF;
	_ =	strace $0x90000046  }
0xb2: {  	s29 =	simm.s32 $0x9;
	_ =	strace $0x80000048  }
0xb3: {  	_ =	swait.ge [sflag:s29], $0x1  }
0xb4: {  	[sflag:s29] =	ssyncadd.s32 $0xFFFFFFFF  }
0xb5: {  	_ =	strace $0x90000048  }
0xb6: {  	_ =	sfence  }
0xb7: {  	s30 =	sld [smem:$0x0];
	_ =	sdelay $0x2  }
0xb8: {  	s31 =	sshll.u32 s1, $0xD;
	s1 =	sshrl.u32 s1, $0x2  }
0xb9: {  	s3 =	sand.u32 $0x4000, s31;
	s1 =	sadd.s32 s1, s30  }
0xba: {  	s0 =	sor.u32 s3, s0;
	s1 =	sshll.u32 s1, $0x11  }
0xbb: {  	s0 =	sor.u32 s1, s0  }
0xbc: {  	s0 =	sadd.s32 $0x8F2B, s0  }
0xbd: {  	[sflag:s0] =	ssyncadd.remote.s32 $0x1  }
0xbe: {  	_ =	sfence.sel $0xFFFF  }
0xbf: {  	[dreg:$0x0] =	wrdreg $0xFFFFFFFF;
	(pc) =	sbr.abs _section_cstart, $3  }
0xc0: {  	[dreg:$0x1] =	wrdreg $0xFFFFFFFF  }
0xc1: {  	_ =	task.clear_ibuf [dreg:s6], $0x2FFFF;
	_ =	strace $0x9FFFFFFF  }
0xc2: {  	(tm) =	ssettm $0x7FFFFFFF  }
0xc3: {  	_ =	shalt  }
tec
execute0_lowered:
.L_overlay_start_1:
0x0: {  	(tag) =	ssettag $0x1  }
0x1: {  	s1 =	rddreg [dreg:$0x0]  }
0x2: {  	s0 =	srdreg.scid;
	s2 =	rddreg [dreg:$0x1]  }
0x3: {  	s12 =	stileid.u32;
	s3 =	simm.s32 $0x0;
	s16 =	simm.s32 $0x28  }
0x4: {  	s17 =	simm.s32 $0x4E20;
	s18 =	simm.s32 $0x5820;
	s19 =	simm.s32 $0x5320  }
0x5: {  	s20 =	simm.s32 $0x5AA0;
	s21 =	simm.s32 $0x1;
	s22 =	simm.s32 $0x5D20  }
0x6: {  	s23 =	simm.s32 $0x6720;
	s28 =	simm.s32 $0x69A0;
	s29 =	simm.s32 $0x3  }
0x7: {  	s30 =	simm.s32 $0x5;
	s31 =	simm.s32 $0x4;
	s0 =	sand.u32 $0x1, s0  }
0x8: {  	[smem:$0x7FF] =	sst s3;
	s5 =	sadd.s32 $0xC600, s1;
	s25 =	sadd.s32 $0x25200, s1  }
0x9: {  	s11 =	smul.u32 $0x5000, s12;
	s4 =	sshll.u32 s0, $0x4;
	_ =	strace $0x80000047  }
0xa: {  	s8 =	smul.u32 $0xA000, s0;
	[dreg:$0x3] =	wrdreg s25;
	s0 =	ssub.s32 $0x2, s0  }
0xb: {  	s25 =	sshll.u32 s12, $0x6;
	s6 =	sor.u32 s12, s4;
	s4 =	sadd.s32 $0x2800, s1  }
0xc: {  	s26 =	sshrl.u32 s0, $0x1;
	s14 =	sadd.s32 s11, s2;
	s24 =	sshrl.u32 s11, $0x3  }
0xd: {  	s11 =	sor.u32 $0x1C07, s25;
	s25 =	simm.s32 $0x2;
	s7 =	smul.u32 $0x4E2, s6  }
0xe: {  	s8 =	sadd.s32 s8, s1;
	s0 =	ssub.s32 s0, s26;
	s12 =	sshrl.u32 s14, $0x3  }
0xf: {  	[dreg:$0x7] =	wrdreg s11;
	s15 =	sadd.s32 $0x25C00, s8;
	s0 =	smax.u32 s0, $0x1  }
0x10: {  	[dreg:$0x8] =	wrdreg s12;
	s9 =	sadd.s32 s7, s1;
	s7 =	sadd.s32 $0x39C00, s1  }
0x11: {  	[dreg:$0x6] =	wrdreg s0;
	s26 =	sadd.s32 s24, s15;
	s0 =	simm.s32 $0x6  }
0x12: {  	s1 =	simm.s32 $0x0;
	s10 =	sadd.s32 $0x1B400, s9;
	[dreg:$0x9] =	wrdreg s26  }
0x13: {  	v0 =	vimm.f32 $0.0e+00;
	vm0 =	vcmask $0x300;
	s13 =	sadd.s32 $0x11600, s9;
	s9 =	simm.s32 $0x7;
	[dreg:$0x4] =	wrdreg s10  }
0x14: {  	v0 =	vsel vm0, $0x3F800000, v0;
	vm0 =	vmmov $0xff;
	s26 =	simm.s32 $0x6220;
	[dreg:$0x5] =	wrdreg s13;
	s10 =	smul.u32 $0xFA, s6  }
.LBB2_1:
0x15: {  	s6 =	rddreg [dreg:$0x4]  }
0x16: {  	[tilespmem:s3], [sflag:$0x7] =	stream.linear.gather [hbm4b:s6+s3], $0x2710, $0x38;
	[tilespmem:$0xBC20] =	vst v63  }
0x17: {  	_ =	swait.ge [sflag:s9], $0x2710  }
0x18: {  	[sflag:s9] =	ssyncset.done $0x0  }
0x19: {  	s8 =	simm.s32 $0x2710;
	s15 =	rddreg [dreg:$0x5];
	[sflag:s9] =	ssyncadd.s32 $0xFFFFD8F0  }
0x1a: {  	[tilespmem:s8], [sflag:$0x7] =	stream.linear.gather [hbm4b:s15+s3], $0x2710, $0x38;
	[tilespmem:$0xBC20] =	vst v63  }
0x1b: {  	_ =	swait.ge [sflag:s9], $0x2710  }
0x1c: {  	[sflag:s9] =	ssyncset.done $0x0  }
0x1d: {  	s24 =	rddreg [dreg:$0x3];
	[sflag:s9] =	ssyncadd.s32 $0xFFFFD8F0  }
0x1e: {  	[spmem:s12], [sflag:s11] =	dma.local [hbm:s24], $0xA00  }
0x1f: {  	_ =	swait.ge [sflag:s9], $0xA00  }
0x20: {  	[sflag:s9] =	ssyncset.done $0x0  }
0x21: {  	s6 =	simm.s32 $0xC0;
	s8 =	simm.s32 $0x10;
	[sflag:s9] =	ssyncadd.s32 $0xFFFFF600  }
.LBB2_2:
0x22: {  	p0 =	sne.s32 s6, $0x13C0;
	[tilespmem:s8+$0x5D20] =	vst v0;
	s9 =	smov.u32 s6;
	s6 =	sadd.s32 $0x80, s6  }
.Ltmp0:
0x23: {  	[tilespmem:s8+$0x6220] =	vst v0;
	(pc) =	sbr.rel @p0 .LBB2_2-.Ltmp0, $2  }
0x24: {  	_ =	sdelay $0x2  }
0x25: {  	s8 =	sshra.s32 s9, $0x2  }
0x26: {  	[tilespmem:s8+$0x5D20] =	vst v0  }
0x27: {  	[tilespmem:s8+$0x6220] =	vst v0  }
0x28: {  	s13 =	simm.s32 $0x0;
	[bflag:$0x0] =	sbarrier.arrive $0xFFFF  }
.LBB2_4:
0x29: {  	s6 =	smul.u32 $0x50, s13;
	_ =	sdelay $0x1  }
0x2a: {  	[tilespmem:s17], [sflag:$0x1] =	stream.indirect.gather [hbm4b:s4+s16], $0x20, s6, s16, $0xb8;
	[tilespmem:$0xBC20] =	vst v63  }
0x2b: {  	s9 =	sadd.s32 $0x2710, s6;
	s6 =	sshllo.u32 s13, $0x1  }
0x2c: {  	s8 =	smul.u32 $0x28, s6  }
0x2d: {  	[tilespmem:s18], [sflag:$0x1] =	stream.indirect.gather [hbm4b:s5+s16], $0x10, s9, s16, $0xb8;
	[tilespmem:$0xBC20] =	vst v63  }
0x2e: {  	_ = 	snop  }
0x2f: {  	[tilespmem:s19], [sflag:$0x2] =	stream.indirect.gather [hbm4b:s4+s16], $0x20, s8, s16, $0xb8;
	[tilespmem:$0xBC20] =	vst v63  }
0x30: {  	s8 =	sadd.s32 $0x2710, s8  }
0x31: {  	[tilespmem:s20], [sflag:$0x2] =	stream.indirect.gather [hbm4b:s5+s16], $0x10, s8, s16, $0xb8;
	[tilespmem:$0xBC20] =	vst v63  }
0x32: {  	_ =	swait.ge [sflag:s21], $0x500  }
0x33: {  	[sflag:s21] =	ssyncset.done $0x0  }
0x34: {  	[sflag:s21] =	ssyncadd.s32 $0xFFFFFB00  }
0x35: {  	_ =	swait.ge [sflag:s21], $0x280  }
0x36: {  	[sflag:s21] =	ssyncset.done $0x0  }
0x37: {  	s11 =	simm.s32 $0x4EA0;
	[sflag:s21] =	ssyncadd.s32 $0xFFFFFD80  }
0x38: {  	s24 =	simm.s32 $0x70;
	v1 =	vld [tilespmem:s11+$0xFFFFFF80]  }
0x39: {  	v2 =	vld [tilespmem:s24+$0x57B0]  }
0x3a: {  	v3 =	vld [tilespmem:s11+$0xFFFFFFA0]  }
0x3b: {  	v4 =	vld [tilespmem:s24+$0x57C0];
	_ =	sdelay $0x1  }
0x3c: {  	v5 =	vld [tilespmem:s11+$0xFFFFFFC0]  }
0x3d: {  	v6 =	vld [tilespmem:s24+$0x57D0]  }
0x3e: {  	v7 =	vld [tilespmem:s24+$0x57E0];
	v1 =	vadd.f32 v2, v1  }
0x3f: {  	v2 =	vld [tilespmem:s11+$0xFFFFFFE0];
	v3 =	vadd.f32 v4, v3  }
0x40: {  	v8 =	vmul.f32 $2.000000030e-01, v1  }
0x41: {  	v48 =	vmul.f32 $2.000000030e-01, v3  }
0x42: {  	v46 =	vld [tilespmem:s11+$0x0];
	v1 =	vmax.f32 v1, v8  }
0x43: {  	v9 =	vld [tilespmem:s24+$0x57F0];
	v5 =	vadd.f32 v6, v5;
	v3 =	vmax.f32 v3, v48;
	v1 =	vmul.f32 $1.442695020e+00, v1  }
0x44: {  	v47 =	vld [tilespmem:s11+$0x20];
	v2 =	vadd.f32 v7, v2;
	v3 =	vmul.f32 $1.442695020e+00, v3  }
0x45: {  	v10 =	vld [tilespmem:s24+$0x5800];
	v50 =	vmul.f32 $2.000000030e-01, v5;
	(erf) = vpow2.f32 v1  }
0x46: {  	v49 =	vld [tilespmem:s11+$0x40];
	v52 =	vmul.f32 $2.000000030e-01, v2;
	(erf) = vpow2.f32 v3  }
0x47: {  	v11 =	vld [tilespmem:s24+$0x5810];
	v5 =	vmax.f32 v5, v50  }
0x48: {  	v51 =	vld [tilespmem:s11+$0x60];
	v5 =	vmul.f32 $1.442695020e+00, v5;
	v1 =	vadd.f32 v9, v46;
	v2 =	vmax.f32 v2, v52  }
0x49: {  	v53 =	vld [tilespmem:s24+$0x5820];
	v2 =	vmul.f32 $1.442695020e+00, v2  }
0x4a: {  	v57 =	vld [tilespmem:s11+$0xFFFFFF90];
	v55 =	vmul.f32 $2.000000030e-01, v1;
	(erf) = vpow2.f32 v5  }
0x4b: {  	(erf) = vpow2.f32 v2;
	v2 =	vld [tilespmem:s11+$0xFFFFFFB0]  }
0x4c: {  	v54 =	vld [tilespmem:s11+$0x70];
	v1 =	vmax.f32 v1, v55  }
0x4d: {  	v56 =	vld [tilespmem:s11+$0x50];
	v1 =	vmul.f32 $1.442695020e+00, v1  }
0x4e: {  	v59 =	vld [tilespmem:s11+$0x30];
	v12 =	vpop (erf)  }
0x4f: {  	v3 =	vadd.f32 v10, v47;
	(erf) = vpow2.f32 v1;
	v1 =	vld [tilespmem:s11+$0xFFFFFFD0];
	v63 =	vpop (erf)  }
0x50: {  	s14 =	simm.s32 $0x5DA0;
	v61 =	vld [tilespmem:s11+$0x10];
	v5 =	vsel vm0, v12, v57;
	v2 =	vsel vm0, v63, v2  }
0x51: {  	v13 =	vld [tilespmem:s11+$0xFFFFFFF0];
	v58 =	vmul.f32 $2.000000030e-01, v3;
	[tilespmem:s14+$0xFFFFFF80] =	vst v5  }
0x52: {  	[tilespmem:s24+$0x66B0] =	vst v12  }
0x53: {  	v7 =	vadd.f32 v11, v49;
	v3 =	vmax.f32 v3, v58;
	[tilespmem:s14+$0xFFFFFFA0] =	vst v2;
	v2 =	vpop (erf)  }
0x54: {  	v3 =	vmul.f32 $1.442695020e+00, v3;
	v1 =	vsel vm0, v2, v1  }
0x55: {  	v60 =	vmul.f32 $2.000000030e-01, v7  }
0x56: {  	(erf) = vpow2.f32 v3;
	[tilespmem:s24+$0x66C0] =	vst v63  }
0x57: {  	v4 =	vadd.f32 v53, v51;
	v7 =	vmax.f32 v7, v60;
	[tilespmem:s14+$0xFFFFFFC0] =	vst v1;
	v1 =	vpop (erf)  }
0x58: {  	v7 =	vmul.f32 $1.442695020e+00, v7;
	[tilespmem:s24+$0x66D0] =	vst v2;
	v2 =	vsel vm0, v1, v13  }
0x59: {  	v62 =	vmul.f32 $2.000000030e-01, v4  }
0x5a: {  	(erf) = vpow2.f32 v7  }
0x5b: {  	v3 =	vmax.f32 v4, v62;
	[tilespmem:s14+$0xFFFFFFE0] =	vst v2;
	v2 =	vpop (erf)  }
0x5c: {  	v3 =	vmul.f32 $1.442695020e+00, v3;
	[tilespmem:s24+$0x66E0] =	vst v1;
	v1 =	vsel vm0, v2, v61;
	_ =	sdelay $0x1  }
0x5d: {  	(erf) = vpow2.f32 v3  }
0x5e: {  	[tilespmem:s14+$0x0] =	vst v1;
	v1 =	vpop (erf)  }
0x5f: {  	[tilespmem:s24+$0x66F0] =	vst v2;
	v2 =	vsel vm0, v1, v59;
	_ =	sdelay $0x2  }
0x60: {  	[tilespmem:s14+$0x20] =	vst v2;
	v2 =	vpop (erf)  }
0x61: {  	[tilespmem:s24+$0x6700] =	vst v1;
	v1 =	vsel vm0, v2, v56;
	_ =	sdelay $0x2  }
0x62: {  	[tilespmem:s14+$0x40] =	vst v1;
	v1 =	vpop (erf)  }
0x63: {  	[tilespmem:s24+$0x6710] =	vst v2;
	v2 =	vsel vm0, v1, v54  }
0x64: {  	s15 =	sshll.u32 s13, $0x1;
	s12 =	simm.s32 $0x3C0;
	[tilespmem:s14+$0x60] =	vst v2  }
.LBB2_5:
0x65: {  	p0 =	sne.s32 s12, $0x9C0;
	[tilespmem:s24+$0x6720] =	vst v1;
	s14 =	sadd.s32 $0x100, s14;
	s11 =	sadd.s32 $0x100, s11  }
0x66: {  	s24 =	sshra.s32 s12, $0x2;
	s12 =	sadd.s32 $0x200, s12;
	v1 =	vld [tilespmem:s11+$0xFFFFFF80]  }
0x67: {  	v2 =	vld [tilespmem:s24+$0x57B0]  }
0x68: {  	v3 =	vld [tilespmem:s11+$0xFFFFFFA0]  }
0x69: {  	v4 =	vld [tilespmem:s24+$0x57C0]  }
0x6a: {  	v5 =	vld [tilespmem:s11+$0xFFFFFFC0]  }
0x6b: {  	v6 =	vld [tilespmem:s24+$0x57D0]  }
0x6c: {  	v1 =	vadd.f32 v2, v1;
	v2 =	vld [tilespmem:s11+$0xFFFFFFE0]  }
0x6d: {  	v7 =	vld [tilespmem:s24+$0x57E0]  }
0x6e: {  	v3 =	vadd.f32 v4, v3;
	v4 =	vld [tilespmem:s11+$0x0];
	v8 =	vmul.f32 $2.000000030e-01, v1  }
0x6f: {  	v9 =	vld [tilespmem:s24+$0x57F0]  }
0x70: {  	v5 =	vadd.f32 v6, v5;
	v6 =	vld [tilespmem:s11+$0x20];
	v1 =	vmax.f32 v1, v8;
	v8 =	vmul.f32 $2.000000030e-01, v3  }
0x71: {  	v10 =	vld [tilespmem:s24+$0x5800];
	v1 =	vmul.f32 $1.442695020e+00, v1  }
0x72: {  	v2 =	vadd.f32 v7, v2;
	v7 =	vld [tilespmem:s11+$0x40];
	v3 =	vmax.f32 v3, v8;
	v8 =	vmul.f32 $2.000000030e-01, v5  }
0x73: {  	v11 =	vld [tilespmem:s24+$0x5810];
	v3 =	vmul.f32 $1.442695020e+00, v3;
	(erf) = vpow2.f32 v1  }
0x74: {  	v1 =	vadd.f32 v9, v4;
	v4 =	vld [tilespmem:s11+$0x60];
	v5 =	vmax.f32 v5, v8;
	v8 =	vmul.f32 $2.000000030e-01, v2  }
0x75: {  	v9 =	vld [tilespmem:s24+$0x5820];
	v5 =	vmul.f32 $1.442695020e+00, v5;
	(erf) = vpow2.f32 v3  }
0x76: {  	v3 =	vadd.f32 v10, v6;
	v6 =	vld [tilespmem:s11+$0x70];
	v2 =	vmax.f32 v2, v8;
	v8 =	vmul.f32 $2.000000030e-01, v1  }
0x77: {  	v10 =	vld [tilespmem:s11+$0x50];
	v2 =	vmul.f32 $1.442695020e+00, v2;
	(erf) = vpow2.f32 v5  }
0x78: {  	v5 =	vld [tilespmem:s11+$0xFFFFFF90];
	v7 =	vadd.f32 v11, v7;
	v1 =	vmax.f32 v1, v8;
	v8 =	vmul.f32 $2.000000030e-01, v3  }
0x79: {  	v11 =	vld [tilespmem:s11+$0x30];
	v1 =	vmul.f32 $1.442695020e+00, v1;
	(erf) = vpow2.f32 v2  }
0x7a: {  	v2 =	vld [tilespmem:s11+$0xFFFFFFB0];
	v4 =	vadd.f32 v9, v4;
	v3 =	vmax.f32 v3, v8;
	v8 =	vmul.f32 $2.000000030e-01, v7  }
0x7b: {  	v9 =	vld [tilespmem:s11+$0x10];
	v3 =	vmul.f32 $1.442695020e+00, v3;
	(erf) = vpow2.f32 v1  }
0x7c: {  	v1 =	vld [tilespmem:s11+$0xFFFFFFD0];
	v7 =	vmax.f32 v7, v8;
	v8 =	vmul.f32 $2.000000030e-01, v4;
	v12 =	vpop (erf)  }
0x7d: {  	v13 =	vld [tilespmem:s11+$0xFFFFFFF0];
	v5 =	vsel vm0, v12, v5;
	v7 =	vmul.f32 $1.442695020e+00, v7;
	(erf) = vpow2.f32 v3  }
0x7e: {  	[tilespmem:s14+$0xFFFFFF80] =	vst v5;
	v3 =	vmax.f32 v4, v8;
	v4 =	vpop (erf)  }
0x7f: {  	[tilespmem:s24+$0x66B0] =	vst v12;
	v5 =	vsel vm0, v4, v2;
	v3 =	vmul.f32 $1.442695020e+00, v3;
	(erf) = vpow2.f32 v7  }
0x80: {  	[tilespmem:s14+$0xFFFFFFA0] =	vst v5;
	v2 =	vpop (erf)  }
0x81: {  	[tilespmem:s24+$0x66C0] =	vst v4;
	v4 =	vsel vm0, v2, v1;
	(erf) = vpow2.f32 v3  }
0x82: {  	[tilespmem:s14+$0xFFFFFFC0] =	vst v4;
	v1 =	vpop (erf)  }
0x83: {  	[tilespmem:s24+$0x66D0] =	vst v2;
	v3 =	vsel vm0, v1, v13  }
0x84: {  	[tilespmem:s14+$0xFFFFFFE0] =	vst v3;
	v2 =	vpop (erf)  }
0x85: {  	[tilespmem:s24+$0x66E0] =	vst v1;
	v3 =	vsel vm0, v2, v9  }
0x86: {  	[tilespmem:s14+$0x0] =	vst v3;
	v1 =	vpop (erf)  }
0x87: {  	[tilespmem:s24+$0x66F0] =	vst v2;
	v3 =	vsel vm0, v1, v11  }
.Ltmp1:
0x88: {  	[tilespmem:s14+$0x20] =	vst v3;
	v2 =	vpop (erf);
	(pc) =	sbr.rel @p0 .LBB2_5-.Ltmp1, $4  }
0x89: {  	[tilespmem:s24+$0x6700] =	vst v1;
	v3 =	vsel vm0, v2, v10  }
0x8a: {  	[tilespmem:s14+$0x40] =	vst v3;
	v1 =	vpop (erf)  }
0x8b: {  	[tilespmem:s24+$0x6710] =	vst v2;
	v2 =	vsel vm0, v1, v6  }
0x8c: {  	[tilespmem:s14+$0x60] =	vst v2  }
0x8d: {  	s11 =	sadd.s32 s10, s15  }
0x8e: {  	[tilespmem:s24+$0x6720] =	vst v1;
	s11 =	smul.u32 $0x50, s11  }
0x8f: {  	[spmem:s2] =	stream.indirect.scatter.add.f32 [tilespmem:s22], [sflag:$0x3], $0x20, s9, s16, $0xb8;
	[tilespmem:$0xBC20] =	vst v63  }
0x90: {  	s24 =	sadd.s32 s7, s11  }
0x91: {  	[hbm4b:s24+s3] =	stream.linear.scatter [tilespmem:s23], [sflag:$0x5], $0x280, $0x38;
	[tilespmem:$0xBC20] =	vst v63  }
0x92: {  	_ =	swait.ge [sflag:s25], $0x500  }
0x93: {  	[sflag:s25] =	ssyncset.done $0x0  }
0x94: {  	[sflag:s25] =	ssyncadd.s32 $0xFFFFFB00  }
0x95: {  	_ =	swait.ge [sflag:s25], $0x280  }
0x96: {  	[sflag:s25] =	ssyncset.done $0x0  }
0x97: {  	s9 =	simm.s32 $0x53A0;
	[sflag:s25] =	ssyncadd.s32 $0xFFFFFD80  }
0x98: {  	s11 =	simm.s32 $0x70;
	v1 =	vld [tilespmem:s9+$0xFFFFFF80]  }
0x99: {  	v2 =	vld [tilespmem:s11+$0x5A30]  }
0x9a: {  	v3 =	vld [tilespmem:s9+$0xFFFFFFA0]  }
0x9b: {  	v4 =	vld [tilespmem:s11+$0x5A40];
	_ =	sdelay $0x1  }
0x9c: {  	v5 =	vld [tilespmem:s9+$0xFFFFFFC0]  }
0x9d: {  	v6 =	vld [tilespmem:s11+$0x5A50]  }
0x9e: {  	v7 =	vld [tilespmem:s11+$0x5A60];
	v1 =	vadd.f32 v2, v1  }
0x9f: {  	v2 =	vld [tilespmem:s9+$0xFFFFFFE0];
	v3 =	vadd.f32 v4, v3  }
0xa0: {  	v8 =	vmul.f32 $2.000000030e-01, v1  }
0xa1: {  	v48 =	vmul.f32 $2.000000030e-01, v3  }
0xa2: {  	v46 =	vld [tilespmem:s9+$0x0];
	v1 =	vmax.f32 v1, v8  }
0xa3: {  	v9 =	vld [tilespmem:s11+$0x5A70];
	v5 =	vadd.f32 v6, v5;
	v3 =	vmax.f32 v3, v48;
	v1 =	vmul.f32 $1.442695020e+00, v1  }
0xa4: {  	v47 =	vld [tilespmem:s9+$0x20];
	v2 =	vadd.f32 v7, v2;
	v3 =	vmul.f32 $1.442695020e+00, v3  }
0xa5: {  	v10 =	vld [tilespmem:s11+$0x5A80];
	v50 =	vmul.f32 $2.000000030e-01, v5;
	(erf) = vpow2.f32 v1  }
0xa6: {  	v49 =	vld [tilespmem:s9+$0x40];
	v52 =	vmul.f32 $2.000000030e-01, v2;
	(erf) = vpow2.f32 v3  }
0xa7: {  	v11 =	vld [tilespmem:s11+$0x5A90];
	v5 =	vmax.f32 v5, v50  }
0xa8: {  	v51 =	vld [tilespmem:s9+$0x60];
	v5 =	vmul.f32 $1.442695020e+00, v5;
	v1 =	vadd.f32 v9, v46;
	v2 =	vmax.f32 v2, v52  }
0xa9: {  	v53 =	vld [tilespmem:s11+$0x5AA0];
	v2 =	vmul.f32 $1.442695020e+00, v2  }
0xaa: {  	v57 =	vld [tilespmem:s9+$0xFFFFFF90];
	v55 =	vmul.f32 $2.000000030e-01, v1;
	(erf) = vpow2.f32 v5  }
0xab: {  	(erf) = vpow2.f32 v2;
	v2 =	vld [tilespmem:s9+$0xFFFFFFB0]  }
0xac: {  	v54 =	vld [tilespmem:s9+$0x70];
	v1 =	vmax.f32 v1, v55  }
0xad: {  	v56 =	vld [tilespmem:s9+$0x50];
	v1 =	vmul.f32 $1.442695020e+00, v1  }
0xae: {  	v59 =	vld [tilespmem:s9+$0x30];
	v12 =	vpop (erf)  }
0xaf: {  	v3 =	vadd.f32 v10, v47;
	(erf) = vpow2.f32 v1;
	v1 =	vld [tilespmem:s9+$0xFFFFFFD0];
	v63 =	vpop (erf)  }
0xb0: {  	s14 =	simm.s32 $0x62A0;
	v61 =	vld [tilespmem:s9+$0x10];
	v5 =	vsel vm0, v12, v57;
	v2 =	vsel vm0, v63, v2  }
0xb1: {  	v13 =	vld [tilespmem:s9+$0xFFFFFFF0];
	v58 =	vmul.f32 $2.000000030e-01, v3;
	[tilespmem:s14+$0xFFFFFF80] =	vst v5  }
0xb2: {  	[tilespmem:s11+$0x6930] =	vst v12  }
0xb3: {  	v7 =	vadd.f32 v11, v49;
	v3 =	vmax.f32 v3, v58;
	[tilespmem:s14+$0xFFFFFFA0] =	vst v2;
	v2 =	vpop (erf)  }
0xb4: {  	v3 =	vmul.f32 $1.442695020e+00, v3;
	v1 =	vsel vm0, v2, v1  }
0xb5: {  	v60 =	vmul.f32 $2.000000030e-01, v7  }
0xb6: {  	(erf) = vpow2.f32 v3;
	[tilespmem:s11+$0x6940] =	vst v63  }
0xb7: {  	v4 =	vadd.f32 v53, v51;
	v7 =	vmax.f32 v7, v60;
	[tilespmem:s14+$0xFFFFFFC0] =	vst v1;
	v1 =	vpop (erf)  }
0xb8: {  	v7 =	vmul.f32 $1.442695020e+00, v7;
	[tilespmem:s11+$0x6950] =	vst v2;
	v2 =	vsel vm0, v1, v13  }
0xb9: {  	v62 =	vmul.f32 $2.000000030e-01, v4  }
0xba: {  	(erf) = vpow2.f32 v7  }
0xbb: {  	v3 =	vmax.f32 v4, v62;
	[tilespmem:s14+$0xFFFFFFE0] =	vst v2;
	v2 =	vpop (erf)  }
0xbc: {  	v3 =	vmul.f32 $1.442695020e+00, v3;
	[tilespmem:s11+$0x6960] =	vst v1;
	v1 =	vsel vm0, v2, v61;
	_ =	sdelay $0x1  }
0xbd: {  	(erf) = vpow2.f32 v3  }
0xbe: {  	[tilespmem:s14+$0x0] =	vst v1;
	v1 =	vpop (erf)  }
0xbf: {  	[tilespmem:s11+$0x6970] =	vst v2;
	v2 =	vsel vm0, v1, v59;
	_ =	sdelay $0x2  }
0xc0: {  	[tilespmem:s14+$0x20] =	vst v2;
	v2 =	vpop (erf)  }
0xc1: {  	[tilespmem:s11+$0x6980] =	vst v1;
	v1 =	vsel vm0, v2, v56;
	_ =	sdelay $0x2  }
0xc2: {  	[tilespmem:s14+$0x40] =	vst v1;
	v1 =	vpop (erf)  }
0xc3: {  	[tilespmem:s11+$0x6990] =	vst v2;
	v2 =	vsel vm0, v1, v54  }
0xc4: {  	s12 =	simm.s32 $0x3C0;
	[tilespmem:s14+$0x60] =	vst v2  }
.LBB2_7:
0xc5: {  	p0 =	sne.s32 s12, $0x9C0;
	[tilespmem:s11+$0x69A0] =	vst v1;
	s14 =	sadd.s32 $0x100, s14;
	s9 =	sadd.s32 $0x100, s9  }
0xc6: {  	s11 =	sshra.s32 s12, $0x2;
	s12 =	sadd.s32 $0x200, s12;
	v1 =	vld [tilespmem:s9+$0xFFFFFF80]  }
0xc7: {  	v2 =	vld [tilespmem:s11+$0x5A30]  }
0xc8: {  	v3 =	vld [tilespmem:s9+$0xFFFFFFA0]  }
0xc9: {  	v4 =	vld [tilespmem:s11+$0x5A40]  }
0xca: {  	v5 =	vld [tilespmem:s9+$0xFFFFFFC0]  }
0xcb: {  	v6 =	vld [tilespmem:s11+$0x5A50]  }
0xcc: {  	v1 =	vadd.f32 v2, v1;
	v2 =	vld [tilespmem:s9+$0xFFFFFFE0]  }
0xcd: {  	v7 =	vld [tilespmem:s11+$0x5A60]  }
0xce: {  	v3 =	vadd.f32 v4, v3;
	v4 =	vld [tilespmem:s9+$0x0];
	v8 =	vmul.f32 $2.000000030e-01, v1  }
0xcf: {  	v9 =	vld [tilespmem:s11+$0x5A70]  }
0xd0: {  	v5 =	vadd.f32 v6, v5;
	v6 =	vld [tilespmem:s9+$0x20];
	v1 =	vmax.f32 v1, v8;
	v8 =	vmul.f32 $2.000000030e-01, v3  }
0xd1: {  	v10 =	vld [tilespmem:s11+$0x5A80];
	v1 =	vmul.f32 $1.442695020e+00, v1  }
0xd2: {  	v2 =	vadd.f32 v7, v2;
	v7 =	vld [tilespmem:s9+$0x40];
	v3 =	vmax.f32 v3, v8;
	v8 =	vmul.f32 $2.000000030e-01, v5  }
0xd3: {  	v11 =	vld [tilespmem:s11+$0x5A90];
	v3 =	vmul.f32 $1.442695020e+00, v3;
	(erf) = vpow2.f32 v1  }
0xd4: {  	v1 =	vadd.f32 v9, v4;
	v4 =	vld [tilespmem:s9+$0x60];
	v5 =	vmax.f32 v5, v8;
	v8 =	vmul.f32 $2.000000030e-01, v2  }
0xd5: {  	v9 =	vld [tilespmem:s11+$0x5AA0];
	v5 =	vmul.f32 $1.442695020e+00, v5;
	(erf) = vpow2.f32 v3  }
0xd6: {  	v3 =	vadd.f32 v10, v6;
	v6 =	vld [tilespmem:s9+$0x70];
	v2 =	vmax.f32 v2, v8;
	v8 =	vmul.f32 $2.000000030e-01, v1  }
0xd7: {  	v10 =	vld [tilespmem:s9+$0x50];
	v2 =	vmul.f32 $1.442695020e+00, v2;
	(erf) = vpow2.f32 v5  }
0xd8: {  	v5 =	vld [tilespmem:s9+$0xFFFFFF90];
	v7 =	vadd.f32 v11, v7;
	v1 =	vmax.f32 v1, v8;
	v8 =	vmul.f32 $2.000000030e-01, v3  }
0xd9: {  	v11 =	vld [tilespmem:s9+$0x30];
	v1 =	vmul.f32 $1.442695020e+00, v1;
	(erf) = vpow2.f32 v2  }
0xda: {  	v2 =	vld [tilespmem:s9+$0xFFFFFFB0];
	v4 =	vadd.f32 v9, v4;
	v3 =	vmax.f32 v3, v8;
	v8 =	vmul.f32 $2.000000030e-01, v7  }
0xdb: {  	v9 =	vld [tilespmem:s9+$0x10];
	v3 =	vmul.f32 $1.442695020e+00, v3;
	(erf) = vpow2.f32 v1  }
0xdc: {  	v1 =	vld [tilespmem:s9+$0xFFFFFFD0];
	v7 =	vmax.f32 v7, v8;
	v8 =	vmul.f32 $2.000000030e-01, v4;
	v12 =	vpop (erf)  }
0xdd: {  	v13 =	vld [tilespmem:s9+$0xFFFFFFF0];
	v5 =	vsel vm0, v12, v5;
	v7 =	vmul.f32 $1.442695020e+00, v7;
	(erf) = vpow2.f32 v3  }
0xde: {  	[tilespmem:s14+$0xFFFFFF80] =	vst v5;
	v3 =	vmax.f32 v4, v8;
	v4 =	vpop (erf)  }
0xdf: {  	[tilespmem:s11+$0x6930] =	vst v12;
	v5 =	vsel vm0, v4, v2;
	v3 =	vmul.f32 $1.442695020e+00, v3;
	(erf) = vpow2.f32 v7  }
0xe0: {  	[tilespmem:s14+$0xFFFFFFA0] =	vst v5;
	v2 =	vpop (erf)  }
0xe1: {  	[tilespmem:s11+$0x6940] =	vst v4;
	v4 =	vsel vm0, v2, v1;
	(erf) = vpow2.f32 v3  }
0xe2: {  	[tilespmem:s14+$0xFFFFFFC0] =	vst v4;
	v1 =	vpop (erf)  }
0xe3: {  	[tilespmem:s11+$0x6950] =	vst v2;
	v3 =	vsel vm0, v1, v13  }
0xe4: {  	[tilespmem:s14+$0xFFFFFFE0] =	vst v3;
	v2 =	vpop (erf)  }
0xe5: {  	[tilespmem:s11+$0x6960] =	vst v1;
	v3 =	vsel vm0, v2, v9  }
0xe6: {  	[tilespmem:s14+$0x0] =	vst v3;
	v1 =	vpop (erf)  }
0xe7: {  	[tilespmem:s11+$0x6970] =	vst v2;
	v3 =	vsel vm0, v1, v11  }
.Ltmp2:
0xe8: {  	[tilespmem:s14+$0x20] =	vst v3;
	v2 =	vpop (erf);
	(pc) =	sbr.rel @p0 .LBB2_7-.Ltmp2, $4  }
0xe9: {  	[tilespmem:s11+$0x6980] =	vst v1;
	v3 =	vsel vm0, v2, v10  }
0xea: {  	[tilespmem:s14+$0x40] =	vst v3;
	v1 =	vpop (erf)  }
0xeb: {  	[tilespmem:s11+$0x6990] =	vst v2;
	v2 =	vsel vm0, v1, v6  }
0xec: {  	[tilespmem:s14+$0x60] =	vst v2  }
0xed: {  	s6 =	sadd.s32 s10, s6  }
0xee: {  	[tilespmem:s11+$0x69A0] =	vst v1;
	s6 =	smul.u32 $0x50, s6  }
0xef: {  	[spmem:s2] =	stream.indirect.scatter.add.f32 [tilespmem:s26], [sflag:$0x4], $0x20, s8, s16, $0xb8;
	[tilespmem:$0xBC20] =	vst v63  }
0xf0: {  	s6 =	sadd.s32 s7, s6  }
0xf1: {  	[hbm4b:s6+s3] =	stream.linear.scatter [tilespmem:s28], [sflag:$0x6], $0x280, $0x38;
	[tilespmem:$0xBC20] =	vst v63  }
0xf2: {  	_ =	swait.ge [sflag:s29], $0x500  }
0xf3: {  	[sflag:s29] =	ssyncset.done $0x0  }
0xf4: {  	[sflag:s29] =	ssyncadd.s32 $0xFFFFFB00  }
0xf5: {  	_ =	swait.ge [sflag:s30], $0x280  }
0xf6: {  	[sflag:s30] =	ssyncset.done $0x0  }
0xf7: {  	s13 =	sadd.s32 $0x1, s13;
	[sflag:s30] =	ssyncadd.s32 $0xFFFFFD80  }
0xf8: {  	p0 =	sne.s32 s13, $0x7D;
	_ =	swait.ge [sflag:s31], $0x500  }
.Ltmp3:
0xf9: {  	[sflag:s31] =	ssyncset.done $0x0;
	(pc) =	sbr.rel @p0 .LBB2_4-.Ltmp3, $4  }
0xfa: {  	[sflag:s31] =	ssyncadd.s32 $0xFFFFFB00  }
0xfb: {  	_ =	swait.ge [sflag:s0], $0x280  }
0xfc: {  	[sflag:s0] =	ssyncset.done $0x0  }
0xfd: {  	[sflag:s0] =	ssyncadd.s32 $0xFFFFFD80  }
0xfe: {  	[bflag:$0x0] =	sbarrier.arrive $0xFFFF  }
0xff: {  	s11 =	rddreg [dreg:$0x7]  }
0x100: {  	s12 =	rddreg [dreg:$0x8]  }
0x101: {  	s9 =	simm.s32 $0x7;
	s6 =	rddreg [dreg:$0x9]  }
0x102: {  	[hbm:s6], [sflag:s11] =	dma.local [spmem:s12], $0xA00  }
0x103: {  	_ =	swait.ge [sflag:s9], $0xA00  }
0x104: {  	s1 =	sadd.s32 $0x1, s1;
	s24 =	rddreg [dreg:$0x6]  }
0x105: {  	p0 =	sne.s32 s1, s24  }
.Ltmp4:
0x106: {  	_ = 	snop;
	(pc) =	sbr.rel @p0 .LBB2_1-.Ltmp4, $3  }
0x107: {  	_ =	sdelay $0x1  }
0x108: {  	[sflag:s9] =	ssyncset.done $0x0  }
0x109: {  	[sflag:s9] =	ssyncadd.s32 $0xFFFFF600  }
0x10a: {  	_ =	sfence.sel $0x180000  }
0x10b: {  	[bflag:$0x0] =	sbarrier.arrive $0xFFFF  }
0x10c: {  	_ =	strace $0x90000047  }
0x10d: {  	s0 =	stileid.u32;
	[bflag:$0x2] =	sbarrier.arrive $0xFFFF  }
0x10e: {  	p0 =	sne.s32 s0, $0x0;
	s0 =	rddreg [dreg:$0x2]  }
0x10f: {  	s0 =	sadd.s32 @!p0 $0x100000, s0  }
0x110: {  	[sflag:s0] =	ssyncadd.tile.s32 @!p0 $0x1;
	_ =	shalt  }
.Lfunc_end2:
_tile_overlayer_lowered:
.L_overlay_start_2:
0x111: {  	(tag) =	ssettag $0x2  }
0x112: {  	s0 =	rddreg [dreg:$0x0];
	s2 =	stileid.u32  }
0x113: {  	s1 =	rddreg [dreg:$0x1];
	p0 =	sne.s32 s2, $0x0  }
0x114: {  	s3 =	rddreg [dreg:$0x2];
	[bflag:$0x3] =	sbarrier.arrive $0xFFFF;
	s2 =	simm.s32 @!p0 $0x1C07  }
0x115: {  	[timem:s3], [sflag:s2] =	dma.local @!p0 [hbm:s0], s1  }
0x116: {  	s0 =	simm.s32 @!p0 $0x7  }
0x117: {  	_ =	swait.ge @!p0 [sflag:s0], s1  }
0x118: {  	s1 =	ssub.s32 @!p0 $0x0, s1;
	[sflag:s0] =	ssyncset.done @!p0 $0x0  }
0x119: {  	[sflag:s0] =	ssyncadd.s32 @!p0 s1  }
0x11a: {  	[bflag:$0x3] =	sbarrier.arrive $0xFFFF  }
0x11b: {  	_ =	shalt  }

</sc_bundles>
